<compile_context>
chip_gen: v7x
topology: tpu7x:2x2x1
jax: 0.10.2.dev20260603
libtpu: 0.0.44.dev20260713+nightly
codegen_flags: <defaults>
</compile_context>

<pallas_src>
import functools

import jax
import jax.numpy as jnp
from jax import lax
from jax.experimental import pallas as pl
from jax.experimental.pallas import tpu as pltpu
from jax.experimental.pallas import tpu_sc as plsc

_N_FEATURES = 26
_N_VALUES = 38462
_EMBED = 16
_BATCH = 16384
_N_ROWS = _N_VALUES * _N_FEATURES

_LANES = 16
_G = 128
_NW = 32
_B_PER_W = _BATCH // _NW
_G_PER_F = _B_PER_W // _G

_FULL_BLOCKS = _N_ROWS // 128
_TAIL_ROWS = _N_ROWS - _FULL_BLOCKS * 128
_BLK_PER_W = 244
_EXTRA_BLOCKS = _FULL_BLOCKS - _BLK_PER_W * _NW


@functools.cache
def _build_relayout():
    mesh = plsc.VectorSubcoreMesh(core_axis_name="c", subcore_axis_name="s")

    @functools.partial(
        pl.kernel,
        mesh=mesh,
        compiler_params=pltpu.CompilerParams(
            use_tc_tiling_on_sc=True, needs_layout_passes=False
        ),
        out_type=jax.ShapeDtypeStruct((_N_ROWS * _EMBED,), jnp.float32),
        scratch_types=[
            pltpu.VMEM((8, 128), jnp.float32),
            pltpu.VMEM((8, 128), jnp.float32),
            pltpu.VMEM((8, 128), jnp.float32),
            pltpu.VMEM((8, 128), jnp.float32),
            pltpu.VMEM((2048,), jnp.float32),
            pltpu.VMEM((2048,), jnp.float32),
            pltpu.VMEM((_TAIL_ROWS * _EMBED,), jnp.float32),
            pltpu.SemaphoreType.DMA,
            pltpu.SemaphoreType.DMA,
            pltpu.SemaphoreType.DMA,
            pltpu.SemaphoreType.DMA,
        ],
    )
    def run(
        tt_hbm, tail_hbm, out_hbm, a0, b0, a1, b1, o0, o1, tbuf, isem, osem, ws0, ws1
    ):
        wid = lax.axis_index("s") * 2 + lax.axis_index("c")
        gbase = wid * _BLK_PER_W
        lane = lax.iota(jnp.int32, _LANES)
        rowpat = lane * _EMBED

        @pl.when(wid == 0)
        def _tail():
            pltpu.sync_copy(tail_hbm, tbuf)
            pltpu.sync_copy(
                tbuf, out_hbm.at[pl.ds(_FULL_BLOCKS * 2048, _TAIL_ROWS * _EMBED)]
            )

        def fire_in(j, bufa, bufb, sem):
            g = gbase + j
            pltpu.async_copy(tt_hbm.at[pl.ds(0, 8), pl.ds(g * 128, 128)], bufa, sem)
            pltpu.async_copy(tt_hbm.at[pl.ds(8, 8), pl.ds(g * 128, 128)], bufb, sem)

        def drain_in(bufa, bufb, sem):
            pltpu.make_async_copy(tt_hbm.at[pl.ds(0, 8), pl.ds(0, 128)], bufa, sem).wait()
            pltpu.make_async_copy(tt_hbm.at[pl.ds(0, 8), pl.ds(0, 128)], bufb, sem).wait()

        def compute(bufa, bufb, obuf):
            @plsc.parallel_loop(0, 64, unroll=16)
            def _iter(i):
                e = i // 8
                c0 = (i % 8) * _LANES
                idx = rowpat + (c0 * _EMBED + e)
                plsc.store_scatter(obuf, [idx], bufa[e, pl.ds(c0, _LANES)])
                plsc.store_scatter(obuf, [idx + 8], bufb[e, pl.ds(c0, _LANES)])

        def fire_out(g, obuf, sem):
            pltpu.async_copy(obuf, out_hbm.at[pl.ds(g * 2048, 2048)], sem)

        def drain_out(sem):
            pltpu.make_async_copy(o0, out_hbm.at[pl.ds(0, 2048)], sem).wait()

        def compute_out(g, bufa, bufb, obuf):
            compute(bufa, bufb, obuf)
            pltpu.sync_copy(obuf, out_hbm.at[pl.ds(g * 2048, 2048)])

        fire_in(0, a0, b0, isem)
        fire_in(1, a1, b1, osem)

        drain_in(a0, b0, isem)
        compute(a0, b0, o0)
        fire_out(gbase, o0, ws0)
        fire_in(2, a0, b0, isem)
        drain_in(a1, b1, osem)
        compute(a1, b1, o1)
        fire_out(gbase + 1, o1, ws1)
        fire_in(3, a1, b1, osem)

        def pair(p, _):
            ja = 2 * p
            drain_in(a0, b0, isem)
            drain_out(ws0)
            compute(a0, b0, o0)
            fire_out(gbase + ja, o0, ws0)
            fire_in(ja + 2, a0, b0, isem)
            drain_in(a1, b1, osem)
            drain_out(ws1)
            compute(a1, b1, o1)
            fire_out(gbase + ja + 1, o1, ws1)
            fire_in(ja + 3, a1, b1, osem)
            return _

        lax.fori_loop(1, _BLK_PER_W // 2, pair, None)

        drain_in(a0, b0, isem)
        drain_in(a1, b1, osem)
        drain_out(ws0)
        drain_out(ws1)

        @pl.when(wid < _EXTRA_BLOCKS)
        def _extra():
            g = _BLK_PER_W * _NW + wid
            pltpu.sync_copy(tt_hbm.at[pl.ds(0, 8), pl.ds(g * 128, 128)], a0)
            pltpu.sync_copy(tt_hbm.at[pl.ds(8, 8), pl.ds(g * 128, 128)], b0)
            compute_out(g, a0, b0, o0)

    return run


@functools.cache
def _build_gather():
    mesh = plsc.VectorSubcoreMesh(core_axis_name="c", subcore_axis_name="s")

    @functools.partial(
        pl.kernel,
        mesh=mesh,
        compiler_params=pltpu.CompilerParams(
            use_tc_tiling_on_sc=False, needs_layout_passes=False
        ),
        out_type=jax.ShapeDtypeStruct((_N_FEATURES, _EMBED * _BATCH), jnp.float32),
        scratch_types=[
            pltpu.VMEM((_N_FEATURES, _B_PER_W), jnp.int32),
            pltpu.VMEM((_B_PER_W, _EMBED), jnp.float32),
            pltpu.VMEM((_B_PER_W, _EMBED), jnp.float32),
            pltpu.VMEM((_EMBED * _B_PER_W,), jnp.float32),
            pltpu.VMEM((_EMBED * _B_PER_W,), jnp.float32),
            pltpu.SemaphoreType.DMA,
            pltpu.SemaphoreType.DMA,
            pltpu.SemaphoreType.DMA,
        ],
    )
    def run(
        xt_hbm, table_hbm, out_hbm, idx_all, rows_a, rows_b, t0, t1, sem, os0, os1
    ):
        wid = lax.axis_index("s") * 2 + lax.axis_index("c")
        b0 = wid * _B_PER_W

        pltpu.sync_copy(xt_hbm.at[:, pl.ds(b0, _B_PER_W)], idx_all)

        lane = lax.iota(jnp.int32, _LANES)
        lanepat = (
            lax.shift_right_logical(lane, 3) * (_B_PER_W * 8)
            + (lane & 7) * 128
        )

        def fire(f, dst):
            seg = table_hbm.at[pl.ds(f * _N_VALUES, _N_VALUES)]
            idx_row = idx_all.at[f]
            for g in range(_G_PER_F):
                pltpu.async_copy(
                    seg.at[idx_row.at[pl.ds(g * _G, _G)]],
                    dst.at[pl.ds(g * _G, _G)],
                    sem,
                )

        def drain(dst):
            for g in range(_G_PER_F):
                pltpu.make_async_copy(
                    table_hbm.at[pl.ds(0, _G)], dst.at[pl.ds(g * _G, _G)], sem
                ).wait()

        def transpose(src, dst):
            @plsc.parallel_loop(0, _B_PER_W, unroll=32)
            def _row(r):
                cb = (r // 128) * 1024 + r % 128
                v = src[r, :]
                plsc.store_scatter(dst, [lanepat + cb], v)

        def fire_out(f, src, osem):
            for et in range(_EMBED // 8):
                pltpu.async_copy(
                    src.at[pl.ds(et * (_B_PER_W * 8), _B_PER_W * 8)],
                    out_hbm.at[
                        f,
                        pl.ds(et * (_BATCH * 8) + wid * (_B_PER_W * 8), _B_PER_W * 8),
                    ],
                    osem,
                )

        def drain_out(osem):
            for et in range(_EMBED // 8):
                pltpu.make_async_copy(
                    t0.at[pl.ds(0, _B_PER_W * 8)],
                    out_hbm.at[0, pl.ds(0, _B_PER_W * 8)],
                    osem,
                ).wait()

        fire(0, rows_a)

        drain(rows_a)
        fire(1, rows_b)
        transpose(rows_a, t0)
        fire_out(0, t0, os0)
        drain(rows_b)
        fire(2, rows_a)
        transpose(rows_b, t1)
        fire_out(1, t1, os1)

        def pair(p, _):
            fa = 2 * p
            drain(rows_a)
            fire(fa + 1, rows_b)
            drain_out(os0)
            transpose(rows_a, t0)
            fire_out(fa, t0, os0)
            drain(rows_b)

            @pl.when(p < _N_FEATURES // 2 - 1)
            def _fire_next():
                fire(fa + 2, rows_a)

            drain_out(os1)
            transpose(rows_b, t1)
            fire_out(fa + 1, t1, os1)
            return _

        lax.fori_loop(1, _N_FEATURES // 2, pair, None)
        drain_out(os0)
        drain_out(os1)

    return run


def kernel(x, table):
    tt = jnp.transpose(table)
    tail = table[_FULL_BLOCKS * 128 :, :].reshape(-1)
    tbl_lin = _build_relayout()(tt, tail).reshape(_N_ROWS, _EMBED)

    xt = jnp.transpose(x)
    out_k = _build_gather()(xt, tbl_lin)
    k5 = out_k.reshape(_N_FEATURES, 2, _BATCH // 128, 8, 128)
    t = jnp.transpose(k5, (2, 4, 0, 1, 3))
    return t.reshape(_BATCH, _N_FEATURES, _EMBED)

# --- scband reference (transcript-rebuilt; emitter-appended) ---
"""Pipeline reference for scband-multi-feature-embedding-54116587930020 (READ-ONLY COPY).

The authoritative reference and input builder live on the scoring server;
editing this copy changes nothing except your own understanding.
"""

import jax, jax.numpy as jnp
import numpy as np

FEATURES_N_VALUES = [38462] * 26
EMBED_DIM = 16
BATCH = 16384
NUM_EMB = int(np.sum(FEATURES_N_VALUES))
FEAT_EMB_OFFSET = np.concatenate((np.zeros(1), np.cumsum(FEATURES_N_VALUES)[:-1]), axis=0)


def setup_inputs(seed: int = 0) -> dict:
    key = jax.random.key(seed)
    k1, k2 = jax.random.split(key)
    # categorical indices per feature field, each in [0, n_values_f)
    x = jax.random.randint(k1, (BATCH, len(FEATURES_N_VALUES)), 0, FEATURES_N_VALUES[0], dtype=jnp.int32)
    # xavier_uniform_ initialized embedding table of shape [sum(features_n_values), embedding_size]
    bound = float(np.sqrt(6.0 / (NUM_EMB + EMBED_DIM)))
    table = jax.random.uniform(k2, (NUM_EMB, EMBED_DIM), dtype=jnp.float32, minval=-bound, maxval=bound)
    return {"x": x, "table": table}


def reference(x, table):
    # _sum_emb_offset: shift per-field indices into the shared table's row space
    offs = jnp.asarray(FEAT_EMB_OFFSET).astype(x.dtype)
    idx = x + offs[None, :]
    # Embedding lookup: gather rows from the shared table
    return jnp.take(table, idx, axis=0)

if __name__ == "__main__":
    import jax
    _d = setup_inputs()
    print(jax.jit(kernel)(*tuple(_d.values())))

</pallas_src>

<mosaic_0001>
#map = affine_map<(d0, d1) -> (0, 0)>
#map1 = affine_map<(d0, d1) -> (0)>
module attributes {stable_mosaic.version = 14 : i64} {
  func.func @run(%arg0: i32, %arg1: i32, %arg2: memref<16x1000012xf32, #tpu.memory_space<hbm>>, %arg3: memref<1216xf32, #tpu.memory_space<hbm>>, %arg4: memref<16000192xf32, #tpu.memory_space<hbm>>, %arg5: memref<8x128xf32, #tpu.memory_space<vmem>>, %arg6: memref<8x128xf32, #tpu.memory_space<vmem>>, %arg7: memref<8x128xf32, #tpu.memory_space<vmem>>, %arg8: memref<8x128xf32, #tpu.memory_space<vmem>>, %arg9: memref<2048xf32, #tpu.memory_space<vmem>>, %arg10: memref<2048xf32, #tpu.memory_space<vmem>>, %arg11: memref<1216xf32, #tpu.memory_space<vmem>>, %arg12: memref<!tpu.dma_semaphore, #tpu.memory_space<semaphore_mem>>, %arg13: memref<!tpu.dma_semaphore, #tpu.memory_space<semaphore_mem>>, %arg14: memref<!tpu.dma_semaphore, #tpu.memory_space<semaphore_mem>>, %arg15: memref<!tpu.dma_semaphore, #tpu.memory_space<semaphore_mem>>) attributes {dimension_semantics = [#tpu.dimension_semantics<core_parallel>, #tpu.dimension_semantics<subcore_parallel>], iteration_bounds = array<i64: 2, 16>, scalar_prefetch = 0 : i64, scratch_operands = 11 : i64, tpu.core_type = #tpu.core_type<sc_vector_subcore>, window_params = [{transform_indices = #map}, {transform_indices = #map1}, {transform_indices = #map1}]} {
    %mul3A = arith.constant 2 : i32
    %mul3A_0 = arith.muli %arg1, %mul3A : i32
    %add3A = arith.addi %mul3A_0, %arg0 : i32
    %mul3A_1 = arith.constant 244 : i32
    %mul3A_2 = arith.muli %add3A, %mul3A_1 : i32
    %iota3A = tpu.iota {dimensions = array<i32: 0>} : vector<16xi32>
    %mul3A_3 = arith.constant 16 : i32
    %mul3A_4 = vector.broadcast %mul3A_3 : i32 to vector<16xi32>
    %mul3A_5 = arith.muli %iota3A, %mul3A_4 : vector<16xi32>
    %eq3A = arith.constant 0 : i32
    %eq3A_6 = arith.cmpi eq, %add3A, %eq3A : i32
    %convert_element_type3A = arith.extui %eq3A_6 : i1 to i32
    %cond3A = arith.constant 0 : i32
    %cond3A_7 = arith.cmpi ne, %convert_element_type3A, %cond3A : i32
    scf.if %cond3A_7 {
      "tpu.region"() ({
        %run_scoped3A = tpu.sem_alloc : memref<!tpu.dma_semaphore, #tpu.memory_space<semaphore_mem>>
        tpu.enqueue_dma source(%arg3 : memref<1216xf32, #tpu.memory_space<hbm>>) target(%arg11 : memref<1216xf32, #tpu.memory_space<vmem>>) target_semaphore(%run_scoped3A : memref<!tpu.dma_semaphore, #tpu.memory_space<semaphore_mem>>)
        tpu.wait_dma2 semaphore(%run_scoped3A : memref<!tpu.dma_semaphore, #tpu.memory_space<semaphore_mem>>) src(%arg3 : memref<1216xf32, #tpu.memory_space<hbm>>) dst(%arg11 : memref<1216xf32, #tpu.memory_space<vmem>>)
        tpu.yield
      }) : () -> ()
      "tpu.region"() ({
        %run_scoped3A = tpu.sem_alloc : memref<!tpu.dma_semaphore, #tpu.memory_space<semaphore_mem>>
        %dma_start3A_141 = arith.constant 15998976 : i32
        %dma_start3A_142 = tpu.memref_slice %arg4[%dma_start3A_141] : memref<16000192xf32, #tpu.memory_space<hbm>> -> memref<1216xf32, #tpu.memory_space<hbm>>
        %dma_start3A_143 = arith.constant 15998976 : i32
        %dma_start3A_144 = tpu.memref_slice %arg4[%dma_start3A_143] : memref<16000192xf32, #tpu.memory_space<hbm>> -> memref<1216xf32, #tpu.memory_space<hbm>>
        tpu.enqueue_dma source(%arg11 : memref<1216xf32, #tpu.memory_space<vmem>>) target(%dma_start3A_144 : memref<1216xf32, #tpu.memory_space<hbm>>) target_semaphore(%run_scoped3A : memref<!tpu.dma_semaphore, #tpu.memory_space<semaphore_mem>>)
        %dma_wait3A_145 = arith.constant 15998976 : i32
        %dma_wait3A_146 = tpu.memref_slice %arg4[%dma_wait3A_145] : memref<16000192xf32, #tpu.memory_space<hbm>> -> memref<1216xf32, #tpu.memory_space<hbm>>
        %dma_wait3A_147 = arith.constant 15998976 : i32
        %dma_wait3A_148 = tpu.memref_slice %arg4[%dma_wait3A_147] : memref<16000192xf32, #tpu.memory_space<hbm>> -> memref<1216xf32, #tpu.memory_space<hbm>>
        tpu.wait_dma2 semaphore(%run_scoped3A : memref<!tpu.dma_semaphore, #tpu.memory_space<semaphore_mem>>) src(%arg11 : memref<1216xf32, #tpu.memory_space<vmem>>) dst(%dma_wait3A_148 : memref<1216xf32, #tpu.memory_space<hbm>>)
        tpu.yield
      }) : () -> ()
    } else {
    }
    %add3A_8 = arith.constant 0 : i32
    %add3A_9 = arith.addi %mul3A_2, %add3A_8 : i32
    %mul3A_10 = arith.constant 128 : i32
    %mul3A_11 = arith.muli %add3A_9, %mul3A_10 : i32
    %dma_start3A = arith.constant 0 : i32
    %dma_start3A_12 = tpu.memref_slice %arg2[%dma_start3A, %mul3A_11] : memref<16x1000012xf32, #tpu.memory_space<hbm>> -> memref<8x128xf32, #tpu.memory_space<hbm>>
    %dma_start3A_13 = arith.constant 0 : i32
    %dma_start3A_14 = tpu.memref_slice %arg2[%dma_start3A_13, %mul3A_11] : memref<16x1000012xf32, #tpu.memory_space<hbm>> -> memref<8x128xf32, #tpu.memory_space<hbm>>
    tpu.enqueue_dma source(%dma_start3A_14 : memref<8x128xf32, #tpu.memory_space<hbm>>) target(%arg5 : memref<8x128xf32, #tpu.memory_space<vmem>>) target_semaphore(%arg12 : memref<!tpu.dma_semaphore, #tpu.memory_space<semaphore_mem>>)
    %mul3A_15 = arith.constant 128 : i32
    %mul3A_16 = arith.muli %add3A_9, %mul3A_15 : i32
    %dma_start3A_17 = arith.constant 8 : i32
    %dma_start3A_18 = tpu.memref_slice %arg2[%dma_start3A_17, %mul3A_16] : memref<16x1000012xf32, #tpu.memory_space<hbm>> -> memref<8x128xf32, #tpu.memory_space<hbm>>
    %dma_start3A_19 = arith.constant 8 : i32
    %dma_start3A_20 = tpu.memref_slice %arg2[%dma_start3A_19, %mul3A_16] : memref<16x1000012xf32, #tpu.memory_space<hbm>> -> memref<8x128xf32, #tpu.memory_space<hbm>>
    tpu.enqueue_dma source(%dma_start3A_20 : memref<8x128xf32, #tpu.memory_space<hbm>>) target(%arg6 : memref<8x128xf32, #tpu.memory_space<vmem>>) target_semaphore(%arg12 : memref<!tpu.dma_semaphore, #tpu.memory_space<semaphore_mem>>)
    %add3A_21 = arith.constant 1 : i32
    %add3A_22 = arith.addi %mul3A_2, %add3A_21 : i32
    %mul3A_23 = arith.constant 128 : i32
    %mul3A_24 = arith.muli %add3A_22, %mul3A_23 : i32
    %dma_start3A_25 = arith.constant 0 : i32
    %dma_start3A_26 = tpu.memref_slice %arg2[%dma_start3A_25, %mul3A_24] : memref<16x1000012xf32, #tpu.memory_space<hbm>> -> memref<8x128xf32, #tpu.memory_space<hbm>>
    %dma_start3A_27 = arith.constant 0 : i32
    %dma_start3A_28 = tpu.memref_slice %arg2[%dma_start3A_27, %mul3A_24] : memref<16x1000012xf32, #tpu.memory_space<hbm>> -> memref<8x128xf32, #tpu.memory_space<hbm>>
    tpu.enqueue_dma source(%dma_start3A_28 : memref<8x128xf32, #tpu.memory_space<hbm>>) target(%arg7 : memref<8x128xf32, #tpu.memory_space<vmem>>) target_semaphore(%arg13 : memref<!tpu.dma_semaphore, #tpu.memory_space<semaphore_mem>>)
    %mul3A_29 = arith.constant 128 : i32
    %mul3A_30 = arith.muli %add3A_22, %mul3A_29 : i32
    %dma_start3A_31 = arith.constant 8 : i32
    %dma_start3A_32 = tpu.memref_slice %arg2[%dma_start3A_31, %mul3A_30] : memref<16x1000012xf32, #tpu.memory_space<hbm>> -> memref<8x128xf32, #tpu.memory_space<hbm>>
    %dma_start3A_33 = arith.constant 8 : i32
    %dma_start3A_34 = tpu.memref_slice %arg2[%dma_start3A_33, %mul3A_30] : memref<16x1000012xf32, #tpu.memory_space<hbm>> -> memref<8x128xf32, #tpu.memory_space<hbm>>
    tpu.enqueue_dma source(%dma_start3A_34 : memref<8x128xf32, #tpu.memory_space<hbm>>) target(%arg8 : memref<8x128xf32, #tpu.memory_space<vmem>>) target_semaphore(%arg13 : memref<!tpu.dma_semaphore, #tpu.memory_space<semaphore_mem>>)
    %dma_wait3A = arith.constant 0 : i32
    %dma_wait3A_35 = arith.constant 0 : i32
    %dma_wait3A_36 = tpu.memref_slice %arg2[%dma_wait3A, %dma_wait3A_35] : memref<16x1000012xf32, #tpu.memory_space<hbm>> -> memref<8x128xf32, #tpu.memory_space<hbm>>
    %dma_wait3A_37 = arith.constant 0 : i32
    %dma_wait3A_38 = arith.constant 0 : i32
    %dma_wait3A_39 = tpu.memref_slice %arg2[%dma_wait3A_37, %dma_wait3A_38] : memref<16x1000012xf32, #tpu.memory_space<hbm>> -> memref<8x128xf32, #tpu.memory_space<hbm>>
    tpu.wait_dma2 semaphore(%arg12 : memref<!tpu.dma_semaphore, #tpu.memory_space<semaphore_mem>>) src(%dma_wait3A_39 : memref<8x128xf32, #tpu.memory_space<hbm>>) dst(%arg5 : memref<8x128xf32, #tpu.memory_space<vmem>>)
    %dma_wait3A_40 = arith.constant 0 : i32
    %dma_wait3A_41 = arith.constant 0 : i32
    %dma_wait3A_42 = tpu.memref_slice %arg2[%dma_wait3A_40, %dma_wait3A_41] : memref<16x1000012xf32, #tpu.memory_space<hbm>> -> memref<8x128xf32, #tpu.memory_space<hbm>>
    %dma_wait3A_43 = arith.constant 0 : i32
    %dma_wait3A_44 = arith.constant 0 : i32
    %dma_wait3A_45 = tpu.memref_slice %arg2[%dma_wait3A_43, %dma_wait3A_44] : memref<16x1000012xf32, #tpu.memory_space<hbm>> -> memref<8x128xf32, #tpu.memory_space<hbm>>
    tpu.wait_dma2 semaphore(%arg12 : memref<!tpu.dma_semaphore, #tpu.memory_space<semaphore_mem>>) src(%dma_wait3A_45 : memref<8x128xf32, #tpu.memory_space<hbm>>) dst(%arg6 : memref<8x128xf32, #tpu.memory_space<vmem>>)
    %parallel_loop3A = arith.constant 0 : i32
    %parallel_loop3A_46 = arith.constant 64 : i32
    %parallel_loop3A_47 = arith.constant 1 : i32
    scf.for %parallel_loop3A_141 = %parallel_loop3A to %parallel_loop3A_46 step %parallel_loop3A_47  : i32 {
      %parallel_loop3A_142 = arith.constant 8 : i32
      %parallel_loop3A_143 = arith.divsi %parallel_loop3A_141, %parallel_loop3A_142 : i32
      %parallel_loop3A_144 = arith.constant 0 : i32
      %parallel_loop3A_145 = arith.cmpi sgt, %parallel_loop3A_141, %parallel_loop3A_144 : i32
      %parallel_loop3A_146 = arith.extui %parallel_loop3A_145 : i1 to i32
      %parallel_loop3A_147 = arith.constant 0 : i32
      %parallel_loop3A_148 = arith.cmpi slt, %parallel_loop3A_141, %parallel_loop3A_147 : i32
      %parallel_loop3A_149 = arith.extui %parallel_loop3A_148 : i1 to i32
      %parallel_loop3A_150 = arith.subi %parallel_loop3A_146, %parallel_loop3A_149 : i32
      %parallel_loop3A_151 = arith.constant 0 : i32
      %parallel_loop3A_152 = arith.cmpi sgt, %parallel_loop3A_142, %parallel_loop3A_151 : i32
      %parallel_loop3A_153 = arith.extui %parallel_loop3A_152 : i1 to i32
      %parallel_loop3A_154 = arith.constant 0 : i32
      %parallel_loop3A_155 = arith.cmpi slt, %parallel_loop3A_142, %parallel_loop3A_154 : i32
      %parallel_loop3A_156 = arith.extui %parallel_loop3A_155 : i1 to i32
      %parallel_loop3A_157 = arith.subi %parallel_loop3A_153, %parallel_loop3A_156 : i32
      %parallel_loop3A_158 = arith.cmpi ne, %parallel_loop3A_150, %parallel_loop3A_157 : i32
      %parallel_loop3A_159 = arith.remsi %parallel_loop3A_141, %parallel_loop3A_142 : i32
      %parallel_loop3A_160 = arith.constant 0 : i32
      %parallel_loop3A_161 = arith.cmpi ne, %parallel_loop3A_159, %parallel_loop3A_160 : i32
      %parallel_loop3A_162 = arith.andi %parallel_loop3A_158, %parallel_loop3A_161 : i1
      %parallel_loop3A_163 = arith.constant 1 : i32
      %parallel_loop3A_164 = arith.subi %parallel_loop3A_143, %parallel_loop3A_163 : i32
      %parallel_loop3A_165 = arith.select %parallel_loop3A_162, %parallel_loop3A_164, %parallel_loop3A_143 : i32
      %parallel_loop3A_166 = arith.constant 8 : i32
      %parallel_loop3A_167 = arith.constant 0 : i32
      %parallel_loop3A_168 = arith.cmpi eq, %parallel_loop3A_166, %parallel_loop3A_167 : i32
      %parallel_loop3A_169 = arith.constant 1 : i32
      %parallel_loop3A_170 = arith.select %parallel_loop3A_168, %parallel_loop3A_169, %parallel_loop3A_166 : i32
      %parallel_loop3A_171 = arith.remsi %parallel_loop3A_141, %parallel_loop3A_170 : i32
      %parallel_loop3A_172 = arith.constant 0 : i32
      %parallel_loop3A_173 = arith.cmpi ne, %parallel_loop3A_171, %parallel_loop3A_172 : i32
      %parallel_loop3A_174 = arith.constant 0 : i32
      %parallel_loop3A_175 = arith.cmpi slt, %parallel_loop3A_171, %parallel_loop3A_174 : i32
      %parallel_loop3A_176 = arith.constant 0 : i32
      %parallel_loop3A_177 = arith.cmpi slt, %parallel_loop3A_170, %parallel_loop3A_176 : i32
      %parallel_loop3A_178 = arith.xori %parallel_loop3A_175, %parallel_loop3A_177 : i1
      %parallel_loop3A_179 = arith.andi %parallel_loop3A_178, %parallel_loop3A_173 : i1
      %parallel_loop3A_180 = arith.addi %parallel_loop3A_171, %parallel_loop3A_170 : i32
      %parallel_loop3A_181 = arith.select %parallel_loop3A_179, %parallel_loop3A_180, %parallel_loop3A_171 : i32
      %parallel_loop3A_182 = arith.constant 16 : i32
      %parallel_loop3A_183 = arith.muli %parallel_loop3A_181, %parallel_loop3A_182 : i32
      %parallel_loop3A_184 = arith.constant 16 : i32
      %parallel_loop3A_185 = arith.muli %parallel_loop3A_183, %parallel_loop3A_184 : i32
      %parallel_loop3A_186 = arith.addi %parallel_loop3A_185, %parallel_loop3A_165 : i32
      %parallel_loop3A_187 = vector.broadcast %parallel_loop3A_186 : i32 to vector<16xi32>
      %parallel_loop3A_188 = arith.addi %mul3A_5, %parallel_loop3A_187 : vector<16xi32>
      %parallel_loop3A_189 = arith.index_cast %parallel_loop3A_165 : i32 to index
      %parallel_loop3A_190 = arith.index_cast %parallel_loop3A_183 : i32 to index
      %parallel_loop3A_191 = tpu.vector_load %arg5[%parallel_loop3A_189, %parallel_loop3A_190] {strides = array<i32>} : memref<8x128xf32, #tpu.memory_space<vmem>>, vector<16xf32>,
      tpu.vector_store_idx %arg9[%parallel_loop3A_188], %parallel_loop3A_191 : memref<2048xf32, #tpu.memory_space<vmem>>[vector<16xi32>], vector<16xf32>,
      %parallel_loop3A_192 = arith.constant 8 : i32
      %parallel_loop3A_193 = vector.broadcast %parallel_loop3A_192 : i32 to vector<16xi32>
      %parallel_loop3A_194 = arith.addi %parallel_loop3A_188, %parallel_loop3A_193 : vector<16xi32>
      %parallel_loop3A_195 = arith.index_cast %parallel_loop3A_165 : i32 to index
      %parallel_loop3A_196 = arith.index_cast %parallel_loop3A_183 : i32 to index
      %parallel_loop3A_197 = tpu.vector_load %arg6[%parallel_loop3A_195, %parallel_loop3A_196] {strides = array<i32>} : memref<8x128xf32, #tpu.memory_space<vmem>>, vector<16xf32>,
      tpu.vector_store_idx %arg9[%parallel_loop3A_194], %parallel_loop3A_197 : memref<2048xf32, #tpu.memory_space<vmem>>[vector<16xi32>], vector<16xf32>,
    } {sc.loop_unroll_factor = 16 : i64, sc.parallel_access}
    %mul3A_48 = arith.constant 2048 : i32
    %mul3A_49 = arith.muli %mul3A_2, %mul3A_48 : i32
    %dma_start3A_50 = tpu.memref_slice %arg4[%mul3A_49] : memref<16000192xf32, #tpu.memory_space<hbm>> -> memref<2048xf32, #tpu.memory_space<hbm>>
    %dma_start3A_51 = tpu.memref_slice %arg4[%mul3A_49] : memref<16000192xf32, #tpu.memory_space<hbm>> -> memref<2048xf32, #tpu.memory_space<hbm>>
    tpu.enqueue_dma source(%arg9 : memref<2048xf32, #tpu.memory_space<vmem>>) target(%dma_start3A_51 : memref<2048xf32, #tpu.memory_space<hbm>>) target_semaphore(%arg14 : memref<!tpu.dma_semaphore, #tpu.memory_space<semaphore_mem>>)
    %add3A_52 = arith.constant 2 : i32
    %add3A_53 = arith.addi %mul3A_2, %add3A_52 : i32
    %mul3A_54 = arith.constant 128 : i32
    %mul3A_55 = arith.muli %add3A_53, %mul3A_54 : i32
    %dma_start3A_56 = arith.constant 0 : i32
    %dma_start3A_57 = tpu.memref_slice %arg2[%dma_start3A_56, %mul3A_55] : memref<16x1000012xf32, #tpu.memory_space<hbm>> -> memref<8x128xf32, #tpu.memory_space<hbm>>
    %dma_start3A_58 = arith.constant 0 : i32
    %dma_start3A_59 = tpu.memref_slice %arg2[%dma_start3A_58, %mul3A_55] : memref<16x1000012xf32, #tpu.memory_space<hbm>> -> memref<8x128xf32, #tpu.memory_space<hbm>>
    tpu.enqueue_dma source(%dma_start3A_59 : memref<8x128xf32, #tpu.memory_space<hbm>>) target(%arg5 : memref<8x128xf32, #tpu.memory_space<vmem>>) target_semaphore(%arg12 : memref<!tpu.dma_semaphore, #tpu.memory_space<semaphore_mem>>)
    %mul3A_60 = arith.constant 128 : i32
    %mul3A_61 = arith.muli %add3A_53, %mul3A_60 : i32
    %dma_start3A_62 = arith.constant 8 : i32
    %dma_start3A_63 = tpu.memref_slice %arg2[%dma_start3A_62, %mul3A_61] : memref<16x1000012xf32, #tpu.memory_space<hbm>> -> memref<8x128xf32, #tpu.memory_space<hbm>>
    %dma_start3A_64 = arith.constant 8 : i32
    %dma_start3A_65 = tpu.memref_slice %arg2[%dma_start3A_64, %mul3A_61] : memref<16x1000012xf32, #tpu.memory_space<hbm>> -> memref<8x128xf32, #tpu.memory_space<hbm>>
    tpu.enqueue_dma source(%dma_start3A_65 : memref<8x128xf32, #tpu.memory_space<hbm>>) target(%arg6 : memref<8x128xf32, #tpu.memory_space<vmem>>) target_semaphore(%arg12 : memref<!tpu.dma_semaphore, #tpu.memory_space<semaphore_mem>>)
    %dma_wait3A_66 = arith.constant 0 : i32
    %dma_wait3A_67 = arith.constant 0 : i32
    %dma_wait3A_68 = tpu.memref_slice %arg2[%dma_wait3A_66, %dma_wait3A_67] : memref<16x1000012xf32, #tpu.memory_space<hbm>> -> memref<8x128xf32, #tpu.memory_space<hbm>>
    %dma_wait3A_69 = arith.constant 0 : i32
    %dma_wait3A_70 = arith.constant 0 : i32
    %dma_wait3A_71 = tpu.memref_slice %arg2[%dma_wait3A_69, %dma_wait3A_70] : memref<16x1000012xf32, #tpu.memory_space<hbm>> -> memref<8x128xf32, #tpu.memory_space<hbm>>
    tpu.wait_dma2 semaphore(%arg13 : memref<!tpu.dma_semaphore, #tpu.memory_space<semaphore_mem>>) src(%dma_wait3A_71 : memref<8x128xf32, #tpu.memory_space<hbm>>) dst(%arg7 : memref<8x128xf32, #tpu.memory_space<vmem>>)
    %dma_wait3A_72 = arith.constant 0 : i32
    %dma_wait3A_73 = arith.constant 0 : i32
    %dma_wait3A_74 = tpu.memref_slice %arg2[%dma_wait3A_72, %dma_wait3A_73] : memref<16x1000012xf32, #tpu.memory_space<hbm>> -> memref<8x128xf32, #tpu.memory_space<hbm>>
    %dma_wait3A_75 = arith.constant 0 : i32
    %dma_wait3A_76 = arith.constant 0 : i32
    %dma_wait3A_77 = tpu.memref_slice %arg2[%dma_wait3A_75, %dma_wait3A_76] : memref<16x1000012xf32, #tpu.memory_space<hbm>> -> memref<8x128xf32, #tpu.memory_space<hbm>>
    tpu.wait_dma2 semaphore(%arg13 : memref<!tpu.dma_semaphore, #tpu.memory_space<semaphore_mem>>) src(%dma_wait3A_77 : memref<8x128xf32, #tpu.memory_space<hbm>>) dst(%arg8 : memref<8x128xf32, #tpu.memory_space<vmem>>)
    %parallel_loop3A_78 = arith.constant 0 : i32
    %parallel_loop3A_79 = arith.constant 64 : i32
    %parallel_loop3A_80 = arith.constant 1 : i32
    scf.for %parallel_loop3A_141 = %parallel_loop3A_78 to %parallel_loop3A_79 step %parallel_loop3A_80  : i32 {
      %parallel_loop3A_142 = arith.constant 8 : i32
      %parallel_loop3A_143 = arith.divsi %parallel_loop3A_141, %parallel_loop3A_142 : i32
      %parallel_loop3A_144 = arith.constant 0 : i32
      %parallel_loop3A_145 = arith.cmpi sgt, %parallel_loop3A_141, %parallel_loop3A_144 : i32
      %parallel_loop3A_146 = arith.extui %parallel_loop3A_145 : i1 to i32
      %parallel_loop3A_147 = arith.constant 0 : i32
      %parallel_loop3A_148 = arith.cmpi slt, %parallel_loop3A_141, %parallel_loop3A_147 : i32
      %parallel_loop3A_149 = arith.extui %parallel_loop3A_148 : i1 to i32
      %parallel_loop3A_150 = arith.subi %parallel_loop3A_146, %parallel_loop3A_149 : i32
      %parallel_loop3A_151 = arith.constant 0 : i32
      %parallel_loop3A_152 = arith.cmpi sgt, %parallel_loop3A_142, %parallel_loop3A_151 : i32
      %parallel_loop3A_153 = arith.extui %parallel_loop3A_152 : i1 to i32
      %parallel_loop3A_154 = arith.constant 0 : i32
      %parallel_loop3A_155 = arith.cmpi slt, %parallel_loop3A_142, %parallel_loop3A_154 : i32
      %parallel_loop3A_156 = arith.extui %parallel_loop3A_155 : i1 to i32
      %parallel_loop3A_157 = arith.subi %parallel_loop3A_153, %parallel_loop3A_156 : i32
      %parallel_loop3A_158 = arith.cmpi ne, %parallel_loop3A_150, %parallel_loop3A_157 : i32
      %parallel_loop3A_159 = arith.remsi %parallel_loop3A_141, %parallel_loop3A_142 : i32
      %parallel_loop3A_160 = arith.constant 0 : i32
      %parallel_loop3A_161 = arith.cmpi ne, %parallel_loop3A_159, %parallel_loop3A_160 : i32
      %parallel_loop3A_162 = arith.andi %parallel_loop3A_158, %parallel_loop3A_161 : i1
      %parallel_loop3A_163 = arith.constant 1 : i32
      %parallel_loop3A_164 = arith.subi %parallel_loop3A_143, %parallel_loop3A_163 : i32
      %parallel_loop3A_165 = arith.select %parallel_loop3A_162, %parallel_loop3A_164, %parallel_loop3A_143 : i32
      %parallel_loop3A_166 = arith.constant 8 : i32
      %parallel_loop3A_167 = arith.constant 0 : i32
      %parallel_loop3A_168 = arith.cmpi eq, %parallel_loop3A_166, %parallel_loop3A_167 : i32
      %parallel_loop3A_169 = arith.constant 1 : i32
      %parallel_loop3A_170 = arith.select %parallel_loop3A_168, %parallel_loop3A_169, %parallel_loop3A_166 : i32
      %parallel_loop3A_171 = arith.remsi %parallel_loop3A_141, %parallel_loop3A_170 : i32
      %parallel_loop3A_172 = arith.constant 0 : i32
      %parallel_loop3A_173 = arith.cmpi ne, %parallel_loop3A_171, %parallel_loop3A_172 : i32
      %parallel_loop3A_174 = arith.constant 0 : i32
      %parallel_loop3A_175 = arith.cmpi slt, %parallel_loop3A_171, %parallel_loop3A_174 : i32
      %parallel_loop3A_176 = arith.constant 0 : i32
      %parallel_loop3A_177 = arith.cmpi slt, %parallel_loop3A_170, %parallel_loop3A_176 : i32
      %parallel_loop3A_178 = arith.xori %parallel_loop3A_175, %parallel_loop3A_177 : i1
      %parallel_loop3A_179 = arith.andi %parallel_loop3A_178, %parallel_loop3A_173 : i1
      %parallel_loop3A_180 = arith.addi %parallel_loop3A_171, %parallel_loop3A_170 : i32
      %parallel_loop3A_181 = arith.select %parallel_loop3A_179, %parallel_loop3A_180, %parallel_loop3A_171 : i32
      %parallel_loop3A_182 = arith.constant 16 : i32
      %parallel_loop3A_183 = arith.muli %parallel_loop3A_181, %parallel_loop3A_182 : i32
      %parallel_loop3A_184 = arith.constant 16 : i32
      %parallel_loop3A_185 = arith.muli %parallel_loop3A_183, %parallel_loop3A_184 : i32
      %parallel_loop3A_186 = arith.addi %parallel_loop3A_185, %parallel_loop3A_165 : i32
      %parallel_loop3A_187 = vector.broadcast %parallel_loop3A_186 : i32 to vector<16xi32>
      %parallel_loop3A_188 = arith.addi %mul3A_5, %parallel_loop3A_187 : vector<16xi32>
      %parallel_loop3A_189 = arith.index_cast %parallel_loop3A_165 : i32 to index
      %parallel_loop3A_190 = arith.index_cast %parallel_loop3A_183 : i32 to index
      %parallel_loop3A_191 = tpu.vector_load %arg7[%parallel_loop3A_189, %parallel_loop3A_190] {strides = array<i32>} : memref<8x128xf32, #tpu.memory_space<vmem>>, vector<16xf32>,
      tpu.vector_store_idx %arg10[%parallel_loop3A_188], %parallel_loop3A_191 : memref<2048xf32, #tpu.memory_space<vmem>>[vector<16xi32>], vector<16xf32>,
      %parallel_loop3A_192 = arith.constant 8 : i32
      %parallel_loop3A_193 = vector.broadcast %parallel_loop3A_192 : i32 to vector<16xi32>
      %parallel_loop3A_194 = arith.addi %parallel_loop3A_188, %parallel_loop3A_193 : vector<16xi32>
      %parallel_loop3A_195 = arith.index_cast %parallel_loop3A_165 : i32 to index
      %parallel_loop3A_196 = arith.index_cast %parallel_loop3A_183 : i32 to index
      %parallel_loop3A_197 = tpu.vector_load %arg8[%parallel_loop3A_195, %parallel_loop3A_196] {strides = array<i32>} : memref<8x128xf32, #tpu.memory_space<vmem>>, vector<16xf32>,
      tpu.vector_store_idx %arg10[%parallel_loop3A_194], %parallel_loop3A_197 : memref<2048xf32, #tpu.memory_space<vmem>>[vector<16xi32>], vector<16xf32>,
    } {sc.loop_unroll_factor = 16 : i64, sc.parallel_access}
    %add3A_81 = arith.constant 1 : i32
    %add3A_82 = arith.addi %mul3A_2, %add3A_81 : i32
    %mul3A_83 = arith.constant 2048 : i32
    %mul3A_84 = arith.muli %add3A_82, %mul3A_83 : i32
    %dma_start3A_85 = tpu.memref_slice %arg4[%mul3A_84] : memref<16000192xf32, #tpu.memory_space<hbm>> -> memref<2048xf32, #tpu.memory_space<hbm>>
    %dma_start3A_86 = tpu.memref_slice %arg4[%mul3A_84] : memref<16000192xf32, #tpu.memory_space<hbm>> -> memref<2048xf32, #tpu.memory_space<hbm>>
    tpu.enqueue_dma source(%arg10 : memref<2048xf32, #tpu.memory_space<vmem>>) target(%dma_start3A_86 : memref<2048xf32, #tpu.memory_space<hbm>>) target_semaphore(%arg15 : memref<!tpu.dma_semaphore, #tpu.memory_space<semaphore_mem>>)
    %add3A_87 = arith.constant 3 : i32
    %add3A_88 = arith.addi %mul3A_2, %add3A_87 : i32
    %mul3A_89 = arith.constant 128 : i32
    %mul3A_90 = arith.muli %add3A_88, %mul3A_89 : i32
    %dma_start3A_91 = arith.constant 0 : i32
    %dma_start3A_92 = tpu.memref_slice %arg2[%dma_start3A_91, %mul3A_90] : memref<16x1000012xf32, #tpu.memory_space<hbm>> -> memref<8x128xf32, #tpu.memory_space<hbm>>
    %dma_start3A_93 = arith.constant 0 : i32
    %dma_start3A_94 = tpu.memref_slice %arg2[%dma_start3A_93, %mul3A_90] : memref<16x1000012xf32, #tpu.memory_space<hbm>> -> memref<8x128xf32, #tpu.memory_space<hbm>>
    tpu.enqueue_dma source(%dma_start3A_94 : memref<8x128xf32, #tpu.memory_space<hbm>>) target(%arg7 : memref<8x128xf32, #tpu.memory_space<vmem>>) target_semaphore(%arg13 : memref<!tpu.dma_semaphore, #tpu.memory_space<semaphore_mem>>)
    %mul3A_95 = arith.constant 128 : i32
    %mul3A_96 = arith.muli %add3A_88, %mul3A_95 : i32
    %dma_start3A_97 = arith.constant 8 : i32
    %dma_start3A_98 = tpu.memref_slice %arg2[%dma_start3A_97, %mul3A_96] : memref<16x1000012xf32, #tpu.memory_space<hbm>> -> memref<8x128xf32, #tpu.memory_space<hbm>>
    %dma_start3A_99 = arith.constant 8 : i32
    %dma_start3A_100 = tpu.memref_slice %arg2[%dma_start3A_99, %mul3A_96] : memref<16x1000012xf32, #tpu.memory_space<hbm>> -> memref<8x128xf32, #tpu.memory_space<hbm>>
    tpu.enqueue_dma source(%dma_start3A_100 : memref<8x128xf32, #tpu.memory_space<hbm>>) target(%arg8 : memref<8x128xf32, #tpu.memory_space<vmem>>) target_semaphore(%arg13 : memref<!tpu.dma_semaphore, #tpu.memory_space<semaphore_mem>>)
    %scan3A = arith.constant 1 : i32
    %scan3A_101 = arith.constant 121 : i32
    %scan3A_102 = arith.addi %scan3A, %scan3A_101 : i32
    %scan3A_103 = arith.constant 1 : i32
    scf.for %scan3A_141 = %scan3A to %scan3A_102 step %scan3A_103  : i32 {
      %mul3A_142 = arith.constant 2 : i32
      %mul3A_143 = arith.muli %mul3A_142, %scan3A_141 : i32
      %dma_wait3A_144 = arith.constant 0 : i32
      %dma_wait3A_145 = arith.constant 0 : i32
      %dma_wait3A_146 = tpu.memref_slice %arg2[%dma_wait3A_144, %dma_wait3A_145] : memref<16x1000012xf32, #tpu.memory_space<hbm>> -> memref<8x128xf32, #tpu.memory_space<hbm>>
      %dma_wait3A_147 = arith.constant 0 : i32
      %dma_wait3A_148 = arith.constant 0 : i32
      %dma_wait3A_149 = tpu.memref_slice %arg2[%dma_wait3A_147, %dma_wait3A_148] : memref<16x1000012xf32, #tpu.memory_space<hbm>> -> memref<8x128xf32, #tpu.memory_space<hbm>>
      tpu.wait_dma2 semaphore(%arg12 : memref<!tpu.dma_semaphore, #tpu.memory_space<semaphore_mem>>) src(%dma_wait3A_149 : memref<8x128xf32, #tpu.memory_space<hbm>>) dst(%arg5 : memref<8x128xf32, #tpu.memory_space<vmem>>)
      %dma_wait3A_150 = arith.constant 0 : i32
      %dma_wait3A_151 = arith.constant 0 : i32
      %dma_wait3A_152 = tpu.memref_slice %arg2[%dma_wait3A_150, %dma_wait3A_151] : memref<16x1000012xf32, #tpu.memory_space<hbm>> -> memref<8x128xf32, #tpu.memory_space<hbm>>
      %dma_wait3A_153 = arith.constant 0 : i32
      %dma_wait3A_154 = arith.constant 0 : i32
      %dma_wait3A_155 = tpu.memref_slice %arg2[%dma_wait3A_153, %dma_wait3A_154] : memref<16x1000012xf32, #tpu.memory_space<hbm>> -> memref<8x128xf32, #tpu.memory_space<hbm>>
      tpu.wait_dma2 semaphore(%arg12 : memref<!tpu.dma_semaphore, #tpu.memory_space<semaphore_mem>>) src(%dma_wait3A_155 : memref<8x128xf32, #tpu.memory_space<hbm>>) dst(%arg6 : memref<8x128xf32, #tpu.memory_space<vmem>>)
      %dma_wait3A_156 = arith.constant 0 : i32
      %dma_wait3A_157 = tpu.memref_slice %arg4[%dma_wait3A_156] : memref<16000192xf32, #tpu.memory_space<hbm>> -> memref<2048xf32, #tpu.memory_space<hbm>>
      %dma_wait3A_158 = arith.constant 0 : i32
      %dma_wait3A_159 = tpu.memref_slice %arg4[%dma_wait3A_158] : memref<16000192xf32, #tpu.memory_space<hbm>> -> memref<2048xf32, #tpu.memory_space<hbm>>
      tpu.wait_dma2 semaphore(%arg14 : memref<!tpu.dma_semaphore, #tpu.memory_space<semaphore_mem>>) src(%arg9 : memref<2048xf32, #tpu.memory_space<vmem>>) dst(%dma_wait3A_159 : memref<2048xf32, #tpu.memory_space<hbm>>)
      %parallel_loop3A_160 = arith.constant 0 : i32
      %parallel_loop3A_161 = arith.constant 64 : i32
      %parallel_loop3A_162 = arith.constant 1 : i32
      scf.for %parallel_loop3A_224 = %parallel_loop3A_160 to %parallel_loop3A_161 step %parallel_loop3A_162  : i32 {
        %parallel_loop3A_225 = arith.constant 8 : i32
        %parallel_loop3A_226 = arith.divsi %parallel_loop3A_224, %parallel_loop3A_225 : i32
        %parallel_loop3A_227 = arith.constant 0 : i32
        %parallel_loop3A_228 = arith.cmpi sgt, %parallel_loop3A_224, %parallel_loop3A_227 : i32
        %parallel_loop3A_229 = arith.extui %parallel_loop3A_228 : i1 to i32
        %parallel_loop3A_230 = arith.constant 0 : i32
        %parallel_loop3A_231 = arith.cmpi slt, %parallel_loop3A_224, %parallel_loop3A_230 : i32
        %parallel_loop3A_232 = arith.extui %parallel_loop3A_231 : i1 to i32
        %parallel_loop3A_233 = arith.subi %parallel_loop3A_229, %parallel_loop3A_232 : i32
        %parallel_loop3A_234 = arith.constant 0 : i32
        %parallel_loop3A_235 = arith.cmpi sgt, %parallel_loop3A_225, %parallel_loop3A_234 : i32
        %parallel_loop3A_236 = arith.extui %parallel_loop3A_235 : i1 to i32
        %parallel_loop3A_237 = arith.constant 0 : i32
        %parallel_loop3A_238 = arith.cmpi slt, %parallel_loop3A_225, %parallel_loop3A_237 : i32
        %parallel_loop3A_239 = arith.extui %parallel_loop3A_238 : i1 to i32
        %parallel_loop3A_240 = arith.subi %parallel_loop3A_236, %parallel_loop3A_239 : i32
        %parallel_loop3A_241 = arith.cmpi ne, %parallel_loop3A_233, %parallel_loop3A_240 : i32
        %parallel_loop3A_242 = arith.remsi %parallel_loop3A_224, %parallel_loop3A_225 : i32
        %parallel_loop3A_243 = arith.constant 0 : i32
        %parallel_loop3A_244 = arith.cmpi ne, %parallel_loop3A_242, %parallel_loop3A_243 : i32
        %parallel_loop3A_245 = arith.andi %parallel_loop3A_241, %parallel_loop3A_244 : i1
        %parallel_loop3A_246 = arith.constant 1 : i32
        %parallel_loop3A_247 = arith.subi %parallel_loop3A_226, %parallel_loop3A_246 : i32
        %parallel_loop3A_248 = arith.select %parallel_loop3A_245, %parallel_loop3A_247, %parallel_loop3A_226 : i32
        %parallel_loop3A_249 = arith.constant 8 : i32
        %parallel_loop3A_250 = arith.constant 0 : i32
        %parallel_loop3A_251 = arith.cmpi eq, %parallel_loop3A_249, %parallel_loop3A_250 : i32
        %parallel_loop3A_252 = arith.constant 1 : i32
        %parallel_loop3A_253 = arith.select %parallel_loop3A_251, %parallel_loop3A_252, %parallel_loop3A_249 : i32
        %parallel_loop3A_254 = arith.remsi %parallel_loop3A_224, %parallel_loop3A_253 : i32
        %parallel_loop3A_255 = arith.constant 0 : i32
        %parallel_loop3A_256 = arith.cmpi ne, %parallel_loop3A_254, %parallel_loop3A_255 : i32
        %parallel_loop3A_257 = arith.constant 0 : i32
        %parallel_loop3A_258 = arith.cmpi slt, %parallel_loop3A_254, %parallel_loop3A_257 : i32
        %parallel_loop3A_259 = arith.constant 0 : i32
        %parallel_loop3A_260 = arith.cmpi slt, %parallel_loop3A_253, %parallel_loop3A_259 : i32
        %parallel_loop3A_261 = arith.xori %parallel_loop3A_258, %parallel_loop3A_260 : i1
        %parallel_loop3A_262 = arith.andi %parallel_loop3A_261, %parallel_loop3A_256 : i1
        %parallel_loop3A_263 = arith.addi %parallel_loop3A_254, %parallel_loop3A_253 : i32
        %parallel_loop3A_264 = arith.select %parallel_loop3A_262, %parallel_loop3A_263, %parallel_loop3A_254 : i32
        %parallel_loop3A_265 = arith.constant 16 : i32
        %parallel_loop3A_266 = arith.muli %parallel_loop3A_264, %parallel_loop3A_265 : i32
        %parallel_loop3A_267 = arith.constant 16 : i32
        %parallel_loop3A_268 = arith.muli %parallel_loop3A_266, %parallel_loop3A_267 : i32
        %parallel_loop3A_269 = arith.addi %parallel_loop3A_268, %parallel_loop3A_248 : i32
        %parallel_loop3A_270 = vector.broadcast %parallel_loop3A_269 : i32 to vector<16xi32>
        %parallel_loop3A_271 = arith.addi %mul3A_5, %parallel_loop3A_270 : vector<16xi32>
        %parallel_loop3A_272 = arith.index_cast %parallel_loop3A_248 : i32 to index
        %parallel_loop3A_273 = arith.index_cast %parallel_loop3A_266 : i32 to index
        %parallel_loop3A_274 = tpu.vector_load %arg5[%parallel_loop3A_272, %parallel_loop3A_273] {strides = array<i32>} : memref<8x128xf32, #tpu.memory_space<vmem>>, vector<16xf32>,
        tpu.vector_store_idx %arg9[%parallel_loop3A_271], %parallel_loop3A_274 : memref<2048xf32, #tpu.memory_space<vmem>>[vector<16xi32>], vector<16xf32>,
        %parallel_loop3A_275 = arith.constant 8 : i32
        %parallel_loop3A_276 = vector.broadcast %parallel_loop3A_275 : i32 to vector<16xi32>
        %parallel_loop3A_277 = arith.addi %parallel_loop3A_271, %parallel_loop3A_276 : vector<16xi32>
        %parallel_loop3A_278 = arith.index_cast %parallel_loop3A_248 : i32 to index
        %parallel_loop3A_279 = arith.index_cast %parallel_loop3A_266 : i32 to index
        %parallel_loop3A_280 = tpu.vector_load %arg6[%parallel_loop3A_278, %parallel_loop3A_279] {strides = array<i32>} : memref<8x128xf32, #tpu.memory_space<vmem>>, vector<16xf32>,
        tpu.vector_store_idx %arg9[%parallel_loop3A_277], %parallel_loop3A_280 : memref<2048xf32, #tpu.memory_space<vmem>>[vector<16xi32>], vector<16xf32>,
      } {sc.loop_unroll_factor = 16 : i64, sc.parallel_access}
      %add3A_163 = arith.addi %mul3A_2, %mul3A_143 : i32
      %mul3A_164 = arith.constant 2048 : i32
      %mul3A_165 = arith.muli %add3A_163, %mul3A_164 : i32
      %dma_start3A_166 = tpu.memref_slice %arg4[%mul3A_165] : memref<16000192xf32, #tpu.memory_space<hbm>> -> memref<2048xf32, #tpu.memory_space<hbm>>
      %dma_start3A_167 = tpu.memref_slice %arg4[%mul3A_165] : memref<16000192xf32, #tpu.memory_space<hbm>> -> memref<2048xf32, #tpu.memory_space<hbm>>
      tpu.enqueue_dma source(%arg9 : memref<2048xf32, #tpu.memory_space<vmem>>) target(%dma_start3A_167 : memref<2048xf32, #tpu.memory_space<hbm>>) target_semaphore(%arg14 : memref<!tpu.dma_semaphore, #tpu.memory_space<semaphore_mem>>)
      %add3A_168 = arith.constant 2 : i32
      %add3A_169 = arith.addi %mul3A_143, %add3A_168 : i32
      %add3A_170 = arith.addi %mul3A_2, %add3A_169 : i32
      %mul3A_171 = arith.constant 128 : i32
      %mul3A_172 = arith.muli %add3A_170, %mul3A_171 : i32
      %dma_start3A_173 = arith.constant 0 : i32
      %dma_start3A_174 = tpu.memref_slice %arg2[%dma_start3A_173, %mul3A_172] : memref<16x1000012xf32, #tpu.memory_space<hbm>> -> memref<8x128xf32, #tpu.memory_space<hbm>>
      %dma_start3A_175 = arith.constant 0 : i32
      %dma_start3A_176 = tpu.memref_slice %arg2[%dma_start3A_175, %mul3A_172] : memref<16x1000012xf32, #tpu.memory_space<hbm>> -> memref<8x128xf32, #tpu.memory_space<hbm>>
      tpu.enqueue_dma source(%dma_start3A_176 : memref<8x128xf32, #tpu.memory_space<hbm>>) target(%arg5 : memref<8x128xf32, #tpu.memory_space<vmem>>) target_semaphore(%arg12 : memref<!tpu.dma_semaphore, #tpu.memory_space<semaphore_mem>>)
      %mul3A_177 = arith.constant 128 : i32
      %mul3A_178 = arith.muli %add3A_170, %mul3A_177 : i32
      %dma_start3A_179 = arith.constant 8 : i32
      %dma_start3A_180 = tpu.memref_slice %arg2[%dma_start3A_179, %mul3A_178] : memref<16x1000012xf32, #tpu.memory_space<hbm>> -> memref<8x128xf32, #tpu.memory_space<hbm>>
      %dma_start3A_181 = arith.constant 8 : i32
      %dma_start3A_182 = tpu.memref_slice %arg2[%dma_start3A_181, %mul3A_178] : memref<16x1000012xf32, #tpu.memory_space<hbm>> -> memref<8x128xf32, #tpu.memory_space<hbm>>
      tpu.enqueue_dma source(%dma_start3A_182 : memref<8x128xf32, #tpu.memory_space<hbm>>) target(%arg6 : memref<8x128xf32, #tpu.memory_space<vmem>>) target_semaphore(%arg12 : memref<!tpu.dma_semaphore, #tpu.memory_space<semaphore_mem>>)
      %dma_wait3A_183 = arith.constant 0 : i32
      %dma_wait3A_184 = arith.constant 0 : i32
      %dma_wait3A_185 = tpu.memref_slice %arg2[%dma_wait3A_183, %dma_wait3A_184] : memref<16x1000012xf32, #tpu.memory_space<hbm>> -> memref<8x128xf32, #tpu.memory_space<hbm>>
      %dma_wait3A_186 = arith.constant 0 : i32
      %dma_wait3A_187 = arith.constant 0 : i32
      %dma_wait3A_188 = tpu.memref_slice %arg2[%dma_wait3A_186, %dma_wait3A_187] : memref<16x1000012xf32, #tpu.memory_space<hbm>> -> memref<8x128xf32, #tpu.memory_space<hbm>>
      tpu.wait_dma2 semaphore(%arg13 : memref<!tpu.dma_semaphore, #tpu.memory_space<semaphore_mem>>) src(%dma_wait3A_188 : memref<8x128xf32, #tpu.memory_space<hbm>>) dst(%arg7 : memref<8x128xf32, #tpu.memory_space<vmem>>)
      %dma_wait3A_189 = arith.constant 0 : i32
      %dma_wait3A_190 = arith.constant 0 : i32
      %dma_wait3A_191 = tpu.memref_slice %arg2[%dma_wait3A_189, %dma_wait3A_190] : memref<16x1000012xf32, #tpu.memory_space<hbm>> -> memref<8x128xf32, #tpu.memory_space<hbm>>
      %dma_wait3A_192 = arith.constant 0 : i32
      %dma_wait3A_193 = arith.constant 0 : i32
      %dma_wait3A_194 = tpu.memref_slice %arg2[%dma_wait3A_192, %dma_wait3A_193] : memref<16x1000012xf32, #tpu.memory_space<hbm>> -> memref<8x128xf32, #tpu.memory_space<hbm>>
      tpu.wait_dma2 semaphore(%arg13 : memref<!tpu.dma_semaphore, #tpu.memory_space<semaphore_mem>>) src(%dma_wait3A_194 : memref<8x128xf32, #tpu.memory_space<hbm>>) dst(%arg8 : memref<8x128xf32, #tpu.memory_space<vmem>>)
      %dma_wait3A_195 = arith.constant 0 : i32
      %dma_wait3A_196 = tpu.memref_slice %arg4[%dma_wait3A_195] : memref<16000192xf32, #tpu.memory_space<hbm>> -> memref<2048xf32, #tpu.memory_space<hbm>>
      %dma_wait3A_197 = arith.constant 0 : i32
      %dma_wait3A_198 = tpu.memref_slice %arg4[%dma_wait3A_197] : memref<16000192xf32, #tpu.memory_space<hbm>> -> memref<2048xf32, #tpu.memory_space<hbm>>
      tpu.wait_dma2 semaphore(%arg15 : memref<!tpu.dma_semaphore, #tpu.memory_space<semaphore_mem>>) src(%arg9 : memref<2048xf32, #tpu.memory_space<vmem>>) dst(%dma_wait3A_198 : memref<2048xf32, #tpu.memory_space<hbm>>)
      %parallel_loop3A_199 = arith.constant 0 : i32
      %parallel_loop3A_200 = arith.constant 64 : i32
      %parallel_loop3A_201 = arith.constant 1 : i32
      scf.for %parallel_loop3A_224 = %parallel_loop3A_199 to %parallel_loop3A_200 step %parallel_loop3A_201  : i32 {
        %parallel_loop3A_225 = arith.constant 8 : i32
        %parallel_loop3A_226 = arith.divsi %parallel_loop3A_224, %parallel_loop3A_225 : i32
        %parallel_loop3A_227 = arith.constant 0 : i32
        %parallel_loop3A_228 = arith.cmpi sgt, %parallel_loop3A_224, %parallel_loop3A_227 : i32
        %parallel_loop3A_229 = arith.extui %parallel_loop3A_228 : i1 to i32
        %parallel_loop3A_230 = arith.constant 0 : i32
        %parallel_loop3A_231 = arith.cmpi slt, %parallel_loop3A_224, %parallel_loop3A_230 : i32
        %parallel_loop3A_232 = arith.extui %parallel_loop3A_231 : i1 to i32
        %parallel_loop3A_233 = arith.subi %parallel_loop3A_229, %parallel_loop3A_232 : i32
        %parallel_loop3A_234 = arith.constant 0 : i32
        %parallel_loop3A_235 = arith.cmpi sgt, %parallel_loop3A_225, %parallel_loop3A_234 : i32
        %parallel_loop3A_236 = arith.extui %parallel_loop3A_235 : i1 to i32
        %parallel_loop3A_237 = arith.constant 0 : i32
        %parallel_loop3A_238 = arith.cmpi slt, %parallel_loop3A_225, %parallel_loop3A_237 : i32
        %parallel_loop3A_239 = arith.extui %parallel_loop3A_238 : i1 to i32
        %parallel_loop3A_240 = arith.subi %parallel_loop3A_236, %parallel_loop3A_239 : i32
        %parallel_loop3A_241 = arith.cmpi ne, %parallel_loop3A_233, %parallel_loop3A_240 : i32
        %parallel_loop3A_242 = arith.remsi %parallel_loop3A_224, %parallel_loop3A_225 : i32
        %parallel_loop3A_243 = arith.constant 0 : i32
        %parallel_loop3A_244 = arith.cmpi ne, %parallel_loop3A_242, %parallel_loop3A_243 : i32
        %parallel_loop3A_245 = arith.andi %parallel_loop3A_241, %parallel_loop3A_244 : i1
        %parallel_loop3A_246 = arith.constant 1 : i32
        %parallel_loop3A_247 = arith.subi %parallel_loop3A_226, %parallel_loop3A_246 : i32
        %parallel_loop3A_248 = arith.select %parallel_loop3A_245, %parallel_loop3A_247, %parallel_loop3A_226 : i32
        %parallel_loop3A_249 = arith.constant 8 : i32
        %parallel_loop3A_250 = arith.constant 0 : i32
        %parallel_loop3A_251 = arith.cmpi eq, %parallel_loop3A_249, %parallel_loop3A_250 : i32
        %parallel_loop3A_252 = arith.constant 1 : i32
        %parallel_loop3A_253 = arith.select %parallel_loop3A_251, %parallel_loop3A_252, %parallel_loop3A_249 : i32
        %parallel_loop3A_254 = arith.remsi %parallel_loop3A_224, %parallel_loop3A_253 : i32
        %parallel_loop3A_255 = arith.constant 0 : i32
        %parallel_loop3A_256 = arith.cmpi ne, %parallel_loop3A_254, %parallel_loop3A_255 : i32
        %parallel_loop3A_257 = arith.constant 0 : i32
        %parallel_loop3A_258 = arith.cmpi slt, %parallel_loop3A_254, %parallel_loop3A_257 : i32
        %parallel_loop3A_259 = arith.constant 0 : i32
        %parallel_loop3A_260 = arith.cmpi slt, %parallel_loop3A_253, %parallel_loop3A_259 : i32
        %parallel_loop3A_261 = arith.xori %parallel_loop3A_258, %parallel_loop3A_260 : i1
        %parallel_loop3A_262 = arith.andi %parallel_loop3A_261, %parallel_loop3A_256 : i1
        %parallel_loop3A_263 = arith.addi %parallel_loop3A_254, %parallel_loop3A_253 : i32
        %parallel_loop3A_264 = arith.select %parallel_loop3A_262, %parallel_loop3A_263, %parallel_loop3A_254 : i32
        %parallel_loop3A_265 = arith.constant 16 : i32
        %parallel_loop3A_266 = arith.muli %parallel_loop3A_264, %parallel_loop3A_265 : i32
        %parallel_loop3A_267 = arith.constant 16 : i32
        %parallel_loop3A_268 = arith.muli %parallel_loop3A_266, %parallel_loop3A_267 : i32
        %parallel_loop3A_269 = arith.addi %parallel_loop3A_268, %parallel_loop3A_248 : i32
        %parallel_loop3A_270 = vector.broadcast %parallel_loop3A_269 : i32 to vector<16xi32>
        %parallel_loop3A_271 = arith.addi %mul3A_5, %parallel_loop3A_270 : vector<16xi32>
        %parallel_loop3A_272 = arith.index_cast %parallel_loop3A_248 : i32 to index
        %parallel_loop3A_273 = arith.index_cast %parallel_loop3A_266 : i32 to index
        %parallel_loop3A_274 = tpu.vector_load %arg7[%parallel_loop3A_272, %parallel_loop3A_273] {strides = array<i32>} : memref<8x128xf32, #tpu.memory_space<vmem>>, vector<16xf32>,
        tpu.vector_store_idx %arg10[%parallel_loop3A_271], %parallel_loop3A_274 : memref<2048xf32, #tpu.memory_space<vmem>>[vector<16xi32>], vector<16xf32>,
        %parallel_loop3A_275 = arith.constant 8 : i32
        %parallel_loop3A_276 = vector.broadcast %parallel_loop3A_275 : i32 to vector<16xi32>
        %parallel_loop3A_277 = arith.addi %parallel_loop3A_271, %parallel_loop3A_276 : vector<16xi32>
        %parallel_loop3A_278 = arith.index_cast %parallel_loop3A_248 : i32 to index
        %parallel_loop3A_279 = arith.index_cast %parallel_loop3A_266 : i32 to index
        %parallel_loop3A_280 = tpu.vector_load %arg8[%parallel_loop3A_278, %parallel_loop3A_279] {strides = array<i32>} : memref<8x128xf32, #tpu.memory_space<vmem>>, vector<16xf32>,
        tpu.vector_store_idx %arg10[%parallel_loop3A_277], %parallel_loop3A_280 : memref<2048xf32, #tpu.memory_space<vmem>>[vector<16xi32>], vector<16xf32>,
      } {sc.loop_unroll_factor = 16 : i64, sc.parallel_access}
      %add3A_202 = arith.addi %mul3A_2, %mul3A_143 : i32
      %add3A_203 = arith.constant 1 : i32
      %add3A_204 = arith.addi %add3A_202, %add3A_203 : i32
      %mul3A_205 = arith.constant 2048 : i32
      %mul3A_206 = arith.muli %add3A_204, %mul3A_205 : i32
      %dma_start3A_207 = tpu.memref_slice %arg4[%mul3A_206] : memref<16000192xf32, #tpu.memory_space<hbm>> -> memref<2048xf32, #tpu.memory_space<hbm>>
      %dma_start3A_208 = tpu.memref_slice %arg4[%mul3A_206] : memref<16000192xf32, #tpu.memory_space<hbm>> -> memref<2048xf32, #tpu.memory_space<hbm>>
      tpu.enqueue_dma source(%arg10 : memref<2048xf32, #tpu.memory_space<vmem>>) target(%dma_start3A_208 : memref<2048xf32, #tpu.memory_space<hbm>>) target_semaphore(%arg15 : memref<!tpu.dma_semaphore, #tpu.memory_space<semaphore_mem>>)
      %add3A_209 = arith.constant 3 : i32
      %add3A_210 = arith.addi %mul3A_143, %add3A_209 : i32
      %add3A_211 = arith.addi %mul3A_2, %add3A_210 : i32
      %mul3A_212 = arith.constant 128 : i32
      %mul3A_213 = arith.muli %add3A_211, %mul3A_212 : i32
      %dma_start3A_214 = arith.constant 0 : i32
      %dma_start3A_215 = tpu.memref_slice %arg2[%dma_start3A_214, %mul3A_213] : memref<16x1000012xf32, #tpu.memory_space<hbm>> -> memref<8x128xf32, #tpu.memory_space<hbm>>
      %dma_start3A_216 = arith.constant 0 : i32
      %dma_start3A_217 = tpu.memref_slice %arg2[%dma_start3A_216, %mul3A_213] : memref<16x1000012xf32, #tpu.memory_space<hbm>> -> memref<8x128xf32, #tpu.memory_space<hbm>>
      tpu.enqueue_dma source(%dma_start3A_217 : memref<8x128xf32, #tpu.memory_space<hbm>>) target(%arg7 : memref<8x128xf32, #tpu.memory_space<vmem>>) target_semaphore(%arg13 : memref<!tpu.dma_semaphore, #tpu.memory_space<semaphore_mem>>)
      %mul3A_218 = arith.constant 128 : i32
      %mul3A_219 = arith.muli %add3A_211, %mul3A_218 : i32
      %dma_start3A_220 = arith.constant 8 : i32
      %dma_start3A_221 = tpu.memref_slice %arg2[%dma_start3A_220, %mul3A_219] : memref<16x1000012xf32, #tpu.memory_space<hbm>> -> memref<8x128xf32, #tpu.memory_space<hbm>>
      %dma_start3A_222 = arith.constant 8 : i32
      %dma_start3A_223 = tpu.memref_slice %arg2[%dma_start3A_222, %mul3A_219] : memref<16x1000012xf32, #tpu.memory_space<hbm>> -> memref<8x128xf32, #tpu.memory_space<hbm>>
      tpu.enqueue_dma source(%dma_start3A_223 : memref<8x128xf32, #tpu.memory_space<hbm>>) target(%arg8 : memref<8x128xf32, #tpu.memory_space<vmem>>) target_semaphore(%arg13 : memref<!tpu.dma_semaphore, #tpu.memory_space<semaphore_mem>>)
    }
    %scan3A_104 = arith.constant 121 : i32
    %dma_wait3A_105 = arith.constant 0 : i32
    %dma_wait3A_106 = arith.constant 0 : i32
    %dma_wait3A_107 = tpu.memref_slice %arg2[%dma_wait3A_105, %dma_wait3A_106] : memref<16x1000012xf32, #tpu.memory_space<hbm>> -> memref<8x128xf32, #tpu.memory_space<hbm>>
    %dma_wait3A_108 = arith.constant 0 : i32
    %dma_wait3A_109 = arith.constant 0 : i32
    %dma_wait3A_110 = tpu.memref_slice %arg2[%dma_wait3A_108, %dma_wait3A_109] : memref<16x1000012xf32, #tpu.memory_space<hbm>> -> memref<8x128xf32, #tpu.memory_space<hbm>>
    tpu.wait_dma2 semaphore(%arg12 : memref<!tpu.dma_semaphore, #tpu.memory_space<semaphore_mem>>) src(%dma_wait3A_110 : memref<8x128xf32, #tpu.memory_space<hbm>>) dst(%arg5 : memref<8x128xf32, #tpu.memory_space<vmem>>)
    %dma_wait3A_111 = arith.constant 0 : i32
    %dma_wait3A_112 = arith.constant 0 : i32
    %dma_wait3A_113 = tpu.memref_slice %arg2[%dma_wait3A_111, %dma_wait3A_112] : memref<16x1000012xf32, #tpu.memory_space<hbm>> -> memref<8x128xf32, #tpu.memory_space<hbm>>
    %dma_wait3A_114 = arith.constant 0 : i32
    %dma_wait3A_115 = arith.constant 0 : i32
    %dma_wait3A_116 = tpu.memref_slice %arg2[%dma_wait3A_114, %dma_wait3A_115] : memref<16x1000012xf32, #tpu.memory_space<hbm>> -> memref<8x128xf32, #tpu.memory_space<hbm>>
    tpu.wait_dma2 semaphore(%arg12 : memref<!tpu.dma_semaphore, #tpu.memory_space<semaphore_mem>>) src(%dma_wait3A_116 : memref<8x128xf32, #tpu.memory_space<hbm>>) dst(%arg6 : memref<8x128xf32, #tpu.memory_space<vmem>>)
    %dma_wait3A_117 = arith.constant 0 : i32
    %dma_wait3A_118 = arith.constant 0 : i32
    %dma_wait3A_119 = tpu.memref_slice %arg2[%dma_wait3A_117, %dma_wait3A_118] : memref<16x1000012xf32, #tpu.memory_space<hbm>> -> memref<8x128xf32, #tpu.memory_space<hbm>>
    %dma_wait3A_120 = arith.constant 0 : i32
    %dma_wait3A_121 = arith.constant 0 : i32
    %dma_wait3A_122 = tpu.memref_slice %arg2[%dma_wait3A_120, %dma_wait3A_121] : memref<16x1000012xf32, #tpu.memory_space<hbm>> -> memref<8x128xf32, #tpu.memory_space<hbm>>
    tpu.wait_dma2 semaphore(%arg13 : memref<!tpu.dma_semaphore, #tpu.memory_space<semaphore_mem>>) src(%dma_wait3A_122 : memref<8x128xf32, #tpu.memory_space<hbm>>) dst(%arg7 : memref<8x128xf32, #tpu.memory_space<vmem>>)
    %dma_wait3A_123 = arith.constant 0 : i32
    %dma_wait3A_124 = arith.constant 0 : i32
    %dma_wait3A_125 = tpu.memref_slice %arg2[%dma_wait3A_123, %dma_wait3A_124] : memref<16x1000012xf32, #tpu.memory_space<hbm>> -> memref<8x128xf32, #tpu.memory_space<hbm>>
    %dma_wait3A_126 = arith.constant 0 : i32
    %dma_wait3A_127 = arith.constant 0 : i32
    %dma_wait3A_128 = tpu.memref_slice %arg2[%dma_wait3A_126, %dma_wait3A_127] : memref<16x1000012xf32, #tpu.memory_space<hbm>> -> memref<8x128xf32, #tpu.memory_space<hbm>>
    tpu.wait_dma2 semaphore(%arg13 : memref<!tpu.dma_semaphore, #tpu.memory_space<semaphore_mem>>) src(%dma_wait3A_128 : memref<8x128xf32, #tpu.memory_space<hbm>>) dst(%arg8 : memref<8x128xf32, #tpu.memory_space<vmem>>)
    %dma_wait3A_129 = arith.constant 0 : i32
    %dma_wait3A_130 = tpu.memref_slice %arg4[%dma_wait3A_129] : memref<16000192xf32, #tpu.memory_space<hbm>> -> memref<2048xf32, #tpu.memory_space<hbm>>
    %dma_wait3A_131 = arith.constant 0 : i32
    %dma_wait3A_132 = tpu.memref_slice %arg4[%dma_wait3A_131] : memref<16000192xf32, #tpu.memory_space<hbm>> -> memref<2048xf32, #tpu.memory_space<hbm>>
    tpu.wait_dma2 semaphore(%arg14 : memref<!tpu.dma_semaphore, #tpu.memory_space<semaphore_mem>>) src(%arg9 : memref<2048xf32, #tpu.memory_space<vmem>>) dst(%dma_wait3A_132 : memref<2048xf32, #tpu.memory_space<hbm>>)
    %dma_wait3A_133 = arith.constant 0 : i32
    %dma_wait3A_134 = tpu.memref_slice %arg4[%dma_wait3A_133] : memref<16000192xf32, #tpu.memory_space<hbm>> -> memref<2048xf32, #tpu.memory_space<hbm>>
    %dma_wait3A_135 = arith.constant 0 : i32
    %dma_wait3A_136 = tpu.memref_slice %arg4[%dma_wait3A_135] : memref<16000192xf32, #tpu.memory_space<hbm>> -> memref<2048xf32, #tpu.memory_space<hbm>>
    tpu.wait_dma2 semaphore(%arg15 : memref<!tpu.dma_semaphore, #tpu.memory_space<semaphore_mem>>) src(%arg9 : memref<2048xf32, #tpu.memory_space<vmem>>) dst(%dma_wait3A_136 : memref<2048xf32, #tpu.memory_space<hbm>>)
    %lt3A = arith.constant 4 : i32
    %lt3A_137 = arith.cmpi slt, %add3A, %lt3A : i32
    %convert_element_type3A_138 = arith.extui %lt3A_137 : i1 to i32
    %cond3A_139 = arith.constant 0 : i32
    %cond3A_140 = arith.cmpi ne, %convert_element_type3A_138, %cond3A_139 : i32
    scf.if %cond3A_140 {
      %add3A_141 = arith.constant 7808 : i32
      %add3A_142 = arith.addi %add3A_141, %add3A : i32
      %mul3A_143 = arith.constant 128 : i32
      %mul3A_144 = arith.muli %add3A_142, %mul3A_143 : i32
      "tpu.region"() ({
        %run_scoped3A = tpu.sem_alloc : memref<!tpu.dma_semaphore, #tpu.memory_space<semaphore_mem>>
        %dma_start3A_152 = arith.constant 0 : i32
        %dma_start3A_153 = tpu.memref_slice %arg2[%dma_start3A_152, %mul3A_144] : memref<16x1000012xf32, #tpu.memory_space<hbm>> -> memref<8x128xf32, #tpu.memory_space<hbm>>
        %dma_start3A_154 = arith.constant 0 : i32
        %dma_start3A_155 = tpu.memref_slice %arg2[%dma_start3A_154, %mul3A_144] : memref<16x1000012xf32, #tpu.memory_space<hbm>> -> memref<8x128xf32, #tpu.memory_space<hbm>>
        tpu.enqueue_dma source(%dma_start3A_155 : memref<8x128xf32, #tpu.memory_space<hbm>>) target(%arg5 : memref<8x128xf32, #tpu.memory_space<vmem>>) target_semaphore(%run_scoped3A : memref<!tpu.dma_semaphore, #tpu.memory_space<semaphore_mem>>)
        %dma_wait3A_156 = arith.constant 0 : i32
        %dma_wait3A_157 = tpu.memref_slice %arg2[%dma_wait3A_156, %mul3A_144] : memref<16x1000012xf32, #tpu.memory_space<hbm>> -> memref<8x128xf32, #tpu.memory_space<hbm>>
        %dma_wait3A_158 = arith.constant 0 : i32
        %dma_wait3A_159 = tpu.memref_slice %arg2[%dma_wait3A_158, %mul3A_144] : memref<16x1000012xf32, #tpu.memory_space<hbm>> -> memref<8x128xf32, #tpu.memory_space<hbm>>
        tpu.wait_dma2 semaphore(%run_scoped3A : memref<!tpu.dma_semaphore, #tpu.memory_space<semaphore_mem>>) src(%dma_wait3A_159 : memref<8x128xf32, #tpu.memory_space<hbm>>) dst(%arg5 : memref<8x128xf32, #tpu.memory_space<vmem>>)
        tpu.yield
      }) : () -> ()
      %mul3A_145 = arith.constant 128 : i32
      %mul3A_146 = arith.muli %add3A_142, %mul3A_145 : i32
      "tpu.region"() ({
        %run_scoped3A = tpu.sem_alloc : memref<!tpu.dma_semaphore, #tpu.memory_space<semaphore_mem>>
        %dma_start3A_152 = arith.constant 8 : i32
        %dma_start3A_153 = tpu.memref_slice %arg2[%dma_start3A_152, %mul3A_146] : memref<16x1000012xf32, #tpu.memory_space<hbm>> -> memref<8x128xf32, #tpu.memory_space<hbm>>
        %dma_start3A_154 = arith.constant 8 : i32
        %dma_start3A_155 = tpu.memref_slice %arg2[%dma_start3A_154, %mul3A_146] : memref<16x1000012xf32, #tpu.memory_space<hbm>> -> memref<8x128xf32, #tpu.memory_space<hbm>>
        tpu.enqueue_dma source(%dma_start3A_155 : memref<8x128xf32, #tpu.memory_space<hbm>>) target(%arg6 : memref<8x128xf32, #tpu.memory_space<vmem>>) target_semaphore(%run_scoped3A : memref<!tpu.dma_semaphore, #tpu.memory_space<semaphore_mem>>)
        %dma_wait3A_156 = arith.constant 8 : i32
        %dma_wait3A_157 = tpu.memref_slice %arg2[%dma_wait3A_156, %mul3A_146] : memref<16x1000012xf32, #tpu.memory_space<hbm>> -> memref<8x128xf32, #tpu.memory_space<hbm>>
        %dma_wait3A_158 = arith.constant 8 : i32
        %dma_wait3A_159 = tpu.memref_slice %arg2[%dma_wait3A_158, %mul3A_146] : memref<16x1000012xf32, #tpu.memory_space<hbm>> -> memref<8x128xf32, #tpu.memory_space<hbm>>
        tpu.wait_dma2 semaphore(%run_scoped3A : memref<!tpu.dma_semaphore, #tpu.memory_space<semaphore_mem>>) src(%dma_wait3A_159 : memref<8x128xf32, #tpu.memory_space<hbm>>) dst(%arg6 : memref<8x128xf32, #tpu.memory_space<vmem>>)
        tpu.yield
      }) : () -> ()
      %parallel_loop3A_147 = arith.constant 0 : i32
      %parallel_loop3A_148 = arith.constant 64 : i32
      %parallel_loop3A_149 = arith.constant 1 : i32
      scf.for %parallel_loop3A_152 = %parallel_loop3A_147 to %parallel_loop3A_148 step %parallel_loop3A_149  : i32 {
        %parallel_loop3A_153 = arith.constant 8 : i32
        %parallel_loop3A_154 = arith.divsi %parallel_loop3A_152, %parallel_loop3A_153 : i32
        %parallel_loop3A_155 = arith.constant 0 : i32
        %parallel_loop3A_156 = arith.cmpi sgt, %parallel_loop3A_152, %parallel_loop3A_155 : i32
        %parallel_loop3A_157 = arith.extui %parallel_loop3A_156 : i1 to i32
        %parallel_loop3A_158 = arith.constant 0 : i32
        %parallel_loop3A_159 = arith.cmpi slt, %parallel_loop3A_152, %parallel_loop3A_158 : i32
        %parallel_loop3A_160 = arith.extui %parallel_loop3A_159 : i1 to i32
        %parallel_loop3A_161 = arith.subi %parallel_loop3A_157, %parallel_loop3A_160 : i32
        %parallel_loop3A_162 = arith.constant 0 : i32
        %parallel_loop3A_163 = arith.cmpi sgt, %parallel_loop3A_153, %parallel_loop3A_162 : i32
        %parallel_loop3A_164 = arith.extui %parallel_loop3A_163 : i1 to i32
        %parallel_loop3A_165 = arith.constant 0 : i32
        %parallel_loop3A_166 = arith.cmpi slt, %parallel_loop3A_153, %parallel_loop3A_165 : i32
        %parallel_loop3A_167 = arith.extui %parallel_loop3A_166 : i1 to i32
        %parallel_loop3A_168 = arith.subi %parallel_loop3A_164, %parallel_loop3A_167 : i32
        %parallel_loop3A_169 = arith.cmpi ne, %parallel_loop3A_161, %parallel_loop3A_168 : i32
        %parallel_loop3A_170 = arith.remsi %parallel_loop3A_152, %parallel_loop3A_153 : i32
        %parallel_loop3A_171 = arith.constant 0 : i32
        %parallel_loop3A_172 = arith.cmpi ne, %parallel_loop3A_170, %parallel_loop3A_171 : i32
        %parallel_loop3A_173 = arith.andi %parallel_loop3A_169, %parallel_loop3A_172 : i1
        %parallel_loop3A_174 = arith.constant 1 : i32
        %parallel_loop3A_175 = arith.subi %parallel_loop3A_154, %parallel_loop3A_174 : i32
        %parallel_loop3A_176 = arith.select %parallel_loop3A_173, %parallel_loop3A_175, %parallel_loop3A_154 : i32
        %parallel_loop3A_177 = arith.constant 8 : i32
        %parallel_loop3A_178 = arith.constant 0 : i32
        %parallel_loop3A_179 = arith.cmpi eq, %parallel_loop3A_177, %parallel_loop3A_178 : i32
        %parallel_loop3A_180 = arith.constant 1 : i32
        %parallel_loop3A_181 = arith.select %parallel_loop3A_179, %parallel_loop3A_180, %parallel_loop3A_177 : i32
        %parallel_loop3A_182 = arith.remsi %parallel_loop3A_152, %parallel_loop3A_181 : i32
        %parallel_loop3A_183 = arith.constant 0 : i32
        %parallel_loop3A_184 = arith.cmpi ne, %parallel_loop3A_182, %parallel_loop3A_183 : i32
        %parallel_loop3A_185 = arith.constant 0 : i32
        %parallel_loop3A_186 = arith.cmpi slt, %parallel_loop3A_182, %parallel_loop3A_185 : i32
        %parallel_loop3A_187 = arith.constant 0 : i32
        %parallel_loop3A_188 = arith.cmpi slt, %parallel_loop3A_181, %parallel_loop3A_187 : i32
        %parallel_loop3A_189 = arith.xori %parallel_loop3A_186, %parallel_loop3A_188 : i1
        %parallel_loop3A_190 = arith.andi %parallel_loop3A_189, %parallel_loop3A_184 : i1
        %parallel_loop3A_191 = arith.addi %parallel_loop3A_182, %parallel_loop3A_181 : i32
        %parallel_loop3A_192 = arith.select %parallel_loop3A_190, %parallel_loop3A_191, %parallel_loop3A_182 : i32
        %parallel_loop3A_193 = arith.constant 16 : i32
        %parallel_loop3A_194 = arith.muli %parallel_loop3A_192, %parallel_loop3A_193 : i32
        %parallel_loop3A_195 = arith.constant 16 : i32
        %parallel_loop3A_196 = arith.muli %parallel_loop3A_194, %parallel_loop3A_195 : i32
        %parallel_loop3A_197 = arith.addi %parallel_loop3A_196, %parallel_loop3A_176 : i32
        %parallel_loop3A_198 = vector.broadcast %parallel_loop3A_197 : i32 to vector<16xi32>
        %parallel_loop3A_199 = arith.addi %mul3A_5, %parallel_loop3A_198 : vector<16xi32>
        %parallel_loop3A_200 = arith.index_cast %parallel_loop3A_176 : i32 to index
        %parallel_loop3A_201 = arith.index_cast %parallel_loop3A_194 : i32 to index
        %parallel_loop3A_202 = tpu.vector_load %arg5[%parallel_loop3A_200, %parallel_loop3A_201] {strides = array<i32>} : memref<8x128xf32, #tpu.memory_space<vmem>>, vector<16xf32>,
        tpu.vector_store_idx %arg9[%parallel_loop3A_199], %parallel_loop3A_202 : memref<2048xf32, #tpu.memory_space<vmem>>[vector<16xi32>], vector<16xf32>,
        %parallel_loop3A_203 = arith.constant 8 : i32
        %parallel_loop3A_204 = vector.broadcast %parallel_loop3A_203 : i32 to vector<16xi32>
        %parallel_loop3A_205 = arith.addi %parallel_loop3A_199, %parallel_loop3A_204 : vector<16xi32>
        %parallel_loop3A_206 = arith.index_cast %parallel_loop3A_176 : i32 to index
        %parallel_loop3A_207 = arith.index_cast %parallel_loop3A_194 : i32 to index
        %parallel_loop3A_208 = tpu.vector_load %arg6[%parallel_loop3A_206, %parallel_loop3A_207] {strides = array<i32>} : memref<8x128xf32, #tpu.memory_space<vmem>>, vector<16xf32>,
        tpu.vector_store_idx %arg9[%parallel_loop3A_205], %parallel_loop3A_208 : memref<2048xf32, #tpu.memory_space<vmem>>[vector<16xi32>], vector<16xf32>,
      } {sc.loop_unroll_factor = 16 : i64, sc.parallel_access}
      %mul3A_150 = arith.constant 2048 : i32
      %mul3A_151 = arith.muli %add3A_142, %mul3A_150 : i32
      "tpu.region"() ({
        %run_scoped3A = tpu.sem_alloc : memref<!tpu.dma_semaphore, #tpu.memory_space<semaphore_mem>>
        %dma_start3A_152 = tpu.memref_slice %arg4[%mul3A_151] : memref<16000192xf32, #tpu.memory_space<hbm>> -> memref<2048xf32, #tpu.memory_space<hbm>>
        %dma_start3A_153 = tpu.memref_slice %arg4[%mul3A_151] : memref<16000192xf32, #tpu.memory_space<hbm>> -> memref<2048xf32, #tpu.memory_space<hbm>>
        tpu.enqueue_dma source(%arg9 : memref<2048xf32, #tpu.memory_space<vmem>>) target(%dma_start3A_153 : memref<2048xf32, #tpu.memory_space<hbm>>) target_semaphore(%run_scoped3A : memref<!tpu.dma_semaphore, #tpu.memory_space<semaphore_mem>>)
        %dma_wait3A_154 = tpu.memref_slice %arg4[%mul3A_151] : memref<16000192xf32, #tpu.memory_space<hbm>> -> memref<2048xf32, #tpu.memory_space<hbm>>
        %dma_wait3A_155 = tpu.memref_slice %arg4[%mul3A_151] : memref<16000192xf32, #tpu.memory_space<hbm>> -> memref<2048xf32, #tpu.memory_space<hbm>>
        tpu.wait_dma2 semaphore(%run_scoped3A : memref<!tpu.dma_semaphore, #tpu.memory_space<semaphore_mem>>) src(%arg9 : memref<2048xf32, #tpu.memory_space<vmem>>) dst(%dma_wait3A_155 : memref<2048xf32, #tpu.memory_space<hbm>>)
        tpu.yield
      }) : () -> ()
    } else {
    }
    return
  }
}

#map = affine_map<(d0, d1) -> (0, 0)>
module attributes {stable_mosaic.version = 14 : i64} {
  func.func @run(%arg0: i32, %arg1: i32, %arg2: memref<26x16384xi32, #tpu.memory_space<hbm>>, %arg3: memref<1000012x16xf32, #tpu.memory_space<hbm>>, %arg4: memref<26x262144xf32, #tpu.memory_space<hbm>>, %arg5: memref<26x512xi32, #tpu.memory_space<vmem>>, %arg6: memref<512x16xf32, #tpu.memory_space<vmem>>, %arg7: memref<512x16xf32, #tpu.memory_space<vmem>>, %arg8: memref<8192xf32, #tpu.memory_space<vmem>>, %arg9: memref<8192xf32, #tpu.memory_space<vmem>>, %arg10: memref<!tpu.dma_semaphore, #tpu.memory_space<semaphore_mem>>, %arg11: memref<!tpu.dma_semaphore, #tpu.memory_space<semaphore_mem>>, %arg12: memref<!tpu.dma_semaphore, #tpu.memory_space<semaphore_mem>>) attributes {dimension_semantics = [#tpu.dimension_semantics<core_parallel>, #tpu.dimension_semantics<subcore_parallel>], iteration_bounds = array<i64: 2, 16>, scalar_prefetch = 0 : i64, scratch_operands = 8 : i64, tpu.core_type = #tpu.core_type<sc_vector_subcore>, window_params = [{transform_indices = #map}, {transform_indices = #map}, {transform_indices = #map}]} {
    %mul3A = arith.constant 2 : i32
    %mul3A_0 = arith.muli %arg1, %mul3A : i32
    %add3A = arith.addi %mul3A_0, %arg0 : i32
    %mul3A_1 = arith.constant 512 : i32
    %mul3A_2 = arith.muli %add3A, %mul3A_1 : i32
    "tpu.region"() ({
      %run_scoped3A = tpu.sem_alloc : memref<!tpu.dma_semaphore, #tpu.memory_space<semaphore_mem>>
      %dma_start3A_393 = arith.constant 0 : i32
      %dma_start3A_394 = tpu.memref_slice %arg2[%dma_start3A_393, %mul3A_2] : memref<26x16384xi32, #tpu.memory_space<hbm>> -> memref<26x512xi32, #tpu.memory_space<hbm>>
      %dma_start3A_395 = arith.constant 0 : i32
      %dma_start3A_396 = tpu.memref_slice %arg2[%dma_start3A_395, %mul3A_2] : memref<26x16384xi32, #tpu.memory_space<hbm>> -> memref<26x512xi32, #tpu.memory_space<hbm>>
      tpu.enqueue_dma source(%dma_start3A_396 : memref<26x512xi32, #tpu.memory_space<hbm>>) target(%arg5 : memref<26x512xi32, #tpu.memory_space<vmem>>) target_semaphore(%run_scoped3A : memref<!tpu.dma_semaphore, #tpu.memory_space<semaphore_mem>>)
      %dma_wait3A_397 = arith.constant 0 : i32
      %dma_wait3A_398 = tpu.memref_slice %arg2[%dma_wait3A_397, %mul3A_2] : memref<26x16384xi32, #tpu.memory_space<hbm>> -> memref<26x512xi32, #tpu.memory_space<hbm>>
      %dma_wait3A_399 = arith.constant 0 : i32
      %dma_wait3A_400 = tpu.memref_slice %arg2[%dma_wait3A_399, %mul3A_2] : memref<26x16384xi32, #tpu.memory_space<hbm>> -> memref<26x512xi32, #tpu.memory_space<hbm>>
      tpu.wait_dma2 semaphore(%run_scoped3A : memref<!tpu.dma_semaphore, #tpu.memory_space<semaphore_mem>>) src(%dma_wait3A_400 : memref<26x512xi32, #tpu.memory_space<hbm>>) dst(%arg5 : memref<26x512xi32, #tpu.memory_space<vmem>>)
      tpu.yield
    }) : () -> ()
    %iota3A = tpu.iota {dimensions = array<i32: 0>} : vector<16xi32>
    %shift_right_logical3A = arith.constant 3 : i32
    %shift_right_logical3A_3 = vector.broadcast %shift_right_logical3A : i32 to vector<16xi32>
    %shift_right_logical3A_4 = arith.shrui %iota3A, %shift_right_logical3A_3 : vector<16xi32>
    %mul3A_5 = arith.constant 4096 : i32
    %mul3A_6 = vector.broadcast %mul3A_5 : i32 to vector<16xi32>
    %mul3A_7 = arith.muli %shift_right_logical3A_4, %mul3A_6 : vector<16xi32>
    %and3A = arith.constant 7 : i32
    %and3A_8 = vector.broadcast %and3A : i32 to vector<16xi32>
    %and3A_9 = arith.andi %iota3A, %and3A_8 : vector<16xi32>
    %mul3A_10 = arith.constant 128 : i32
    %mul3A_11 = vector.broadcast %mul3A_10 : i32 to vector<16xi32>
    %mul3A_12 = arith.muli %and3A_9, %mul3A_11 : vector<16xi32>
    %add3A_13 = arith.addi %mul3A_7, %mul3A_12 : vector<16xi32>
    %dma_start3A = arith.constant 0 : i32
    %dma_start3A_14 = arith.constant 0 : i32
    %dma_start3A_15 = arith.constant 0 : i32
    %dma_start3A_16 = tpu.memref_slice %arg6[%dma_start3A_14, %dma_start3A_15] : memref<512x16xf32, #tpu.memory_space<vmem>> -> memref<128x16xf32, #tpu.memory_space<vmem>>
    %dma_start3A_17 = arith.constant 0 : i32
    %dma_start3A_18 = tpu.memref_slice %arg5[%dma_start3A, %dma_start3A_17] : memref<26x512xi32, #tpu.memory_space<vmem>> -> memref<1x512xi32, #tpu.memory_space<vmem>>
    %dma_start3A_19 = tpu.memref_squeeze %dma_start3A_18 : memref<1x512xi32, #tpu.memory_space<vmem>> -> memref<512xi32, #tpu.memory_space<vmem>>
    %dma_start3A_20 = arith.constant 0 : i32
    %dma_start3A_21 = tpu.memref_slice %dma_start3A_19[%dma_start3A_20] : memref<512xi32, #tpu.memory_space<vmem>> -> memref<128xi32, #tpu.memory_space<vmem>>
    %dma_start3A_22 = arith.constant 0 : i32
    %dma_start3A_23 = arith.constant 0 : i32
    %dma_start3A_24 = tpu.memref_slice %arg3[%dma_start3A_22, %dma_start3A_23] : memref<1000012x16xf32, #tpu.memory_space<hbm>> -> memref<38462x16xf32, #tpu.memory_space<hbm>>
    %dma_start3A_25 = arith.constant 0 : i32
    %dma_start3A_26 = arith.constant 0 : i32
    %dma_start3A_27 = tpu.memref_slice %dma_start3A_24[%dma_start3A_25, %dma_start3A_26] : memref<38462x16xf32, #tpu.memory_space<hbm>> -> memref<38462x16xf32, #tpu.memory_space<hbm>>
    tpu.enqueue_indirect_dma source(%dma_start3A_27 : memref<38462x16xf32, #tpu.memory_space<hbm>>) target(%dma_start3A_16 : memref<128x16xf32, #tpu.memory_space<vmem>>) offsets(%dma_start3A_21 : memref<128xi32, #tpu.memory_space<vmem>>) semaphore(%arg10 : memref<!tpu.dma_semaphore, #tpu.memory_space<semaphore_mem>>)
    %dma_start3A_28 = arith.constant 0 : i32
    %dma_start3A_29 = arith.constant 128 : i32
    %dma_start3A_30 = arith.constant 0 : i32
    %dma_start3A_31 = tpu.memref_slice %arg6[%dma_start3A_29, %dma_start3A_30] : memref<512x16xf32, #tpu.memory_space<vmem>> -> memref<128x16xf32, #tpu.memory_space<vmem>>
    %dma_start3A_32 = arith.constant 0 : i32
    %dma_start3A_33 = tpu.memref_slice %arg5[%dma_start3A_28, %dma_start3A_32] : memref<26x512xi32, #tpu.memory_space<vmem>> -> memref<1x512xi32, #tpu.memory_space<vmem>>
    %dma_start3A_34 = tpu.memref_squeeze %dma_start3A_33 : memref<1x512xi32, #tpu.memory_space<vmem>> -> memref<512xi32, #tpu.memory_space<vmem>>
    %dma_start3A_35 = arith.constant 128 : i32
    %dma_start3A_36 = tpu.memref_slice %dma_start3A_34[%dma_start3A_35] : memref<512xi32, #tpu.memory_space<vmem>> -> memref<128xi32, #tpu.memory_space<vmem>>
    %dma_start3A_37 = arith.constant 0 : i32
    %dma_start3A_38 = arith.constant 0 : i32
    %dma_start3A_39 = tpu.memref_slice %arg3[%dma_start3A_37, %dma_start3A_38] : memref<1000012x16xf32, #tpu.memory_space<hbm>> -> memref<38462x16xf32, #tpu.memory_space<hbm>>
    %dma_start3A_40 = arith.constant 0 : i32
    %dma_start3A_41 = arith.constant 0 : i32
    %dma_start3A_42 = tpu.memref_slice %dma_start3A_39[%dma_start3A_40, %dma_start3A_41] : memref<38462x16xf32, #tpu.memory_space<hbm>> -> memref<38462x16xf32, #tpu.memory_space<hbm>>
    tpu.enqueue_indirect_dma source(%dma_start3A_42 : memref<38462x16xf32, #tpu.memory_space<hbm>>) target(%dma_start3A_31 : memref<128x16xf32, #tpu.memory_space<vmem>>) offsets(%dma_start3A_36 : memref<128xi32, #tpu.memory_space<vmem>>) semaphore(%arg10 : memref<!tpu.dma_semaphore, #tpu.memory_space<semaphore_mem>>)
    %dma_start3A_43 = arith.constant 0 : i32
    %dma_start3A_44 = arith.constant 256 : i32
    %dma_start3A_45 = arith.constant 0 : i32
    %dma_start3A_46 = tpu.memref_slice %arg6[%dma_start3A_44, %dma_start3A_45] : memref<512x16xf32, #tpu.memory_space<vmem>> -> memref<128x16xf32, #tpu.memory_space<vmem>>
    %dma_start3A_47 = arith.constant 0 : i32
    %dma_start3A_48 = tpu.memref_slice %arg5[%dma_start3A_43, %dma_start3A_47] : memref<26x512xi32, #tpu.memory_space<vmem>> -> memref<1x512xi32, #tpu.memory_space<vmem>>
    %dma_start3A_49 = tpu.memref_squeeze %dma_start3A_48 : memref<1x512xi32, #tpu.memory_space<vmem>> -> memref<512xi32, #tpu.memory_space<vmem>>
    %dma_start3A_50 = arith.constant 256 : i32
    %dma_start3A_51 = tpu.memref_slice %dma_start3A_49[%dma_start3A_50] : memref<512xi32, #tpu.memory_space<vmem>> -> memref<128xi32, #tpu.memory_space<vmem>>
    %dma_start3A_52 = arith.constant 0 : i32
    %dma_start3A_53 = arith.constant 0 : i32
    %dma_start3A_54 = tpu.memref_slice %arg3[%dma_start3A_52, %dma_start3A_53] : memref<1000012x16xf32, #tpu.memory_space<hbm>> -> memref<38462x16xf32, #tpu.memory_space<hbm>>
    %dma_start3A_55 = arith.constant 0 : i32
    %dma_start3A_56 = arith.constant 0 : i32
    %dma_start3A_57 = tpu.memref_slice %dma_start3A_54[%dma_start3A_55, %dma_start3A_56] : memref<38462x16xf32, #tpu.memory_space<hbm>> -> memref<38462x16xf32, #tpu.memory_space<hbm>>
    tpu.enqueue_indirect_dma source(%dma_start3A_57 : memref<38462x16xf32, #tpu.memory_space<hbm>>) target(%dma_start3A_46 : memref<128x16xf32, #tpu.memory_space<vmem>>) offsets(%dma_start3A_51 : memref<128xi32, #tpu.memory_space<vmem>>) semaphore(%arg10 : memref<!tpu.dma_semaphore, #tpu.memory_space<semaphore_mem>>)
    %dma_start3A_58 = arith.constant 0 : i32
    %dma_start3A_59 = arith.constant 384 : i32
    %dma_start3A_60 = arith.constant 0 : i32
    %dma_start3A_61 = tpu.memref_slice %arg6[%dma_start3A_59, %dma_start3A_60] : memref<512x16xf32, #tpu.memory_space<vmem>> -> memref<128x16xf32, #tpu.memory_space<vmem>>
    %dma_start3A_62 = arith.constant 0 : i32
    %dma_start3A_63 = tpu.memref_slice %arg5[%dma_start3A_58, %dma_start3A_62] : memref<26x512xi32, #tpu.memory_space<vmem>> -> memref<1x512xi32, #tpu.memory_space<vmem>>
    %dma_start3A_64 = tpu.memref_squeeze %dma_start3A_63 : memref<1x512xi32, #tpu.memory_space<vmem>> -> memref<512xi32, #tpu.memory_space<vmem>>
    %dma_start3A_65 = arith.constant 384 : i32
    %dma_start3A_66 = tpu.memref_slice %dma_start3A_64[%dma_start3A_65] : memref<512xi32, #tpu.memory_space<vmem>> -> memref<128xi32, #tpu.memory_space<vmem>>
    %dma_start3A_67 = arith.constant 0 : i32
    %dma_start3A_68 = arith.constant 0 : i32
    %dma_start3A_69 = tpu.memref_slice %arg3[%dma_start3A_67, %dma_start3A_68] : memref<1000012x16xf32, #tpu.memory_space<hbm>> -> memref<38462x16xf32, #tpu.memory_space<hbm>>
    %dma_start3A_70 = arith.constant 0 : i32
    %dma_start3A_71 = arith.constant 0 : i32
    %dma_start3A_72 = tpu.memref_slice %dma_start3A_69[%dma_start3A_70, %dma_start3A_71] : memref<38462x16xf32, #tpu.memory_space<hbm>> -> memref<38462x16xf32, #tpu.memory_space<hbm>>
    tpu.enqueue_indirect_dma source(%dma_start3A_72 : memref<38462x16xf32, #tpu.memory_space<hbm>>) target(%dma_start3A_61 : memref<128x16xf32, #tpu.memory_space<vmem>>) offsets(%dma_start3A_66 : memref<128xi32, #tpu.memory_space<vmem>>) semaphore(%arg10 : memref<!tpu.dma_semaphore, #tpu.memory_space<semaphore_mem>>)
    %dma_wait3A = arith.constant 0 : i32
    %dma_wait3A_73 = arith.constant 0 : i32
    %dma_wait3A_74 = tpu.memref_slice %arg6[%dma_wait3A, %dma_wait3A_73] : memref<512x16xf32, #tpu.memory_space<vmem>> -> memref<128x16xf32, #tpu.memory_space<vmem>>
    %dma_wait3A_75 = arith.constant 0 : i32
    %dma_wait3A_76 = arith.constant 0 : i32
    %dma_wait3A_77 = tpu.memref_slice %arg3[%dma_wait3A_75, %dma_wait3A_76] : memref<1000012x16xf32, #tpu.memory_space<hbm>> -> memref<128x16xf32, #tpu.memory_space<hbm>>
    %dma_wait3A_78 = arith.constant 0 : i32
    %dma_wait3A_79 = arith.constant 0 : i32
    %dma_wait3A_80 = tpu.memref_slice %arg6[%dma_wait3A_78, %dma_wait3A_79] : memref<512x16xf32, #tpu.memory_space<vmem>> -> memref<128x16xf32, #tpu.memory_space<vmem>>
    %dma_wait3A_81 = arith.constant 0 : i32
    %dma_wait3A_82 = arith.constant 0 : i32
    %dma_wait3A_83 = tpu.memref_slice %arg3[%dma_wait3A_81, %dma_wait3A_82] : memref<1000012x16xf32, #tpu.memory_space<hbm>> -> memref<128x16xf32, #tpu.memory_space<hbm>>
    tpu.wait_dma2 semaphore(%arg10 : memref<!tpu.dma_semaphore, #tpu.memory_space<semaphore_mem>>) src(%dma_wait3A_83 : memref<128x16xf32, #tpu.memory_space<hbm>>) dst(%dma_wait3A_80 : memref<128x16xf32, #tpu.memory_space<vmem>>)
    %dma_wait3A_84 = arith.constant 128 : i32
    %dma_wait3A_85 = arith.constant 0 : i32
    %dma_wait3A_86 = tpu.memref_slice %arg6[%dma_wait3A_84, %dma_wait3A_85] : memref<512x16xf32, #tpu.memory_space<vmem>> -> memref<128x16xf32, #tpu.memory_space<vmem>>
    %dma_wait3A_87 = arith.constant 0 : i32
    %dma_wait3A_88 = arith.constant 0 : i32
    %dma_wait3A_89 = tpu.memref_slice %arg3[%dma_wait3A_87, %dma_wait3A_88] : memref<1000012x16xf32, #tpu.memory_space<hbm>> -> memref<128x16xf32, #tpu.memory_space<hbm>>
    %dma_wait3A_90 = arith.constant 128 : i32
    %dma_wait3A_91 = arith.constant 0 : i32
    %dma_wait3A_92 = tpu.memref_slice %arg6[%dma_wait3A_90, %dma_wait3A_91] : memref<512x16xf32, #tpu.memory_space<vmem>> -> memref<128x16xf32, #tpu.memory_space<vmem>>
    %dma_wait3A_93 = arith.constant 0 : i32
    %dma_wait3A_94 = arith.constant 0 : i32
    %dma_wait3A_95 = tpu.memref_slice %arg3[%dma_wait3A_93, %dma_wait3A_94] : memref<1000012x16xf32, #tpu.memory_space<hbm>> -> memref<128x16xf32, #tpu.memory_space<hbm>>
    tpu.wait_dma2 semaphore(%arg10 : memref<!tpu.dma_semaphore, #tpu.memory_space<semaphore_mem>>) src(%dma_wait3A_95 : memref<128x16xf32, #tpu.memory_space<hbm>>) dst(%dma_wait3A_92 : memref<128x16xf32, #tpu.memory_space<vmem>>)
    %dma_wait3A_96 = arith.constant 256 : i32
    %dma_wait3A_97 = arith.constant 0 : i32
    %dma_wait3A_98 = tpu.memref_slice %arg6[%dma_wait3A_96, %dma_wait3A_97] : memref<512x16xf32, #tpu.memory_space<vmem>> -> memref<128x16xf32, #tpu.memory_space<vmem>>
    %dma_wait3A_99 = arith.constant 0 : i32
    %dma_wait3A_100 = arith.constant 0 : i32
    %dma_wait3A_101 = tpu.memref_slice %arg3[%dma_wait3A_99, %dma_wait3A_100] : memref<1000012x16xf32, #tpu.memory_space<hbm>> -> memref<128x16xf32, #tpu.memory_space<hbm>>
    %dma_wait3A_102 = arith.constant 256 : i32
    %dma_wait3A_103 = arith.constant 0 : i32
    %dma_wait3A_104 = tpu.memref_slice %arg6[%dma_wait3A_102, %dma_wait3A_103] : memref<512x16xf32, #tpu.memory_space<vmem>> -> memref<128x16xf32, #tpu.memory_space<vmem>>
    %dma_wait3A_105 = arith.constant 0 : i32
    %dma_wait3A_106 = arith.constant 0 : i32
    %dma_wait3A_107 = tpu.memref_slice %arg3[%dma_wait3A_105, %dma_wait3A_106] : memref<1000012x16xf32, #tpu.memory_space<hbm>> -> memref<128x16xf32, #tpu.memory_space<hbm>>
    tpu.wait_dma2 semaphore(%arg10 : memref<!tpu.dma_semaphore, #tpu.memory_space<semaphore_mem>>) src(%dma_wait3A_107 : memref<128x16xf32, #tpu.memory_space<hbm>>) dst(%dma_wait3A_104 : memref<128x16xf32, #tpu.memory_space<vmem>>)
    %dma_wait3A_108 = arith.constant 384 : i32
    %dma_wait3A_109 = arith.constant 0 : i32
    %dma_wait3A_110 = tpu.memref_slice %arg6[%dma_wait3A_108, %dma_wait3A_109] : memref<512x16xf32, #tpu.memory_space<vmem>> -> memref<128x16xf32, #tpu.memory_space<vmem>>
    %dma_wait3A_111 = arith.constant 0 : i32
    %dma_wait3A_112 = arith.constant 0 : i32
    %dma_wait3A_113 = tpu.memref_slice %arg3[%dma_wait3A_111, %dma_wait3A_112] : memref<1000012x16xf32, #tpu.memory_space<hbm>> -> memref<128x16xf32, #tpu.memory_space<hbm>>
    %dma_wait3A_114 = arith.constant 384 : i32
    %dma_wait3A_115 = arith.constant 0 : i32
    %dma_wait3A_116 = tpu.memref_slice %arg6[%dma_wait3A_114, %dma_wait3A_115] : memref<512x16xf32, #tpu.memory_space<vmem>> -> memref<128x16xf32, #tpu.memory_space<vmem>>
    %dma_wait3A_117 = arith.constant 0 : i32
    %dma_wait3A_118 = arith.constant 0 : i32
    %dma_wait3A_119 = tpu.memref_slice %arg3[%dma_wait3A_117, %dma_wait3A_118] : memref<1000012x16xf32, #tpu.memory_space<hbm>> -> memref<128x16xf32, #tpu.memory_space<hbm>>
    tpu.wait_dma2 semaphore(%arg10 : memref<!tpu.dma_semaphore, #tpu.memory_space<semaphore_mem>>) src(%dma_wait3A_119 : memref<128x16xf32, #tpu.memory_space<hbm>>) dst(%dma_wait3A_116 : memref<128x16xf32, #tpu.memory_space<vmem>>)
    %dma_start3A_120 = arith.constant 1 : i32
    %dma_start3A_121 = arith.constant 0 : i32
    %dma_start3A_122 = arith.constant 0 : i32
    %dma_start3A_123 = tpu.memref_slice %arg7[%dma_start3A_121, %dma_start3A_122] : memref<512x16xf32, #tpu.memory_space<vmem>> -> memref<128x16xf32, #tpu.memory_space<vmem>>
    %dma_start3A_124 = arith.constant 0 : i32
    %dma_start3A_125 = tpu.memref_slice %arg5[%dma_start3A_120, %dma_start3A_124] : memref<26x512xi32, #tpu.memory_space<vmem>> -> memref<1x512xi32, #tpu.memory_space<vmem>>
    %dma_start3A_126 = tpu.memref_squeeze %dma_start3A_125 : memref<1x512xi32, #tpu.memory_space<vmem>> -> memref<512xi32, #tpu.memory_space<vmem>>
    %dma_start3A_127 = arith.constant 0 : i32
    %dma_start3A_128 = tpu.memref_slice %dma_start3A_126[%dma_start3A_127] : memref<512xi32, #tpu.memory_space<vmem>> -> memref<128xi32, #tpu.memory_space<vmem>>
    %dma_start3A_129 = arith.constant 38462 : i32
    %dma_start3A_130 = arith.constant 0 : i32
    %dma_start3A_131 = tpu.memref_slice %arg3[%dma_start3A_129, %dma_start3A_130] : memref<1000012x16xf32, #tpu.memory_space<hbm>> -> memref<38462x16xf32, #tpu.memory_space<hbm>>
    %dma_start3A_132 = arith.constant 0 : i32
    %dma_start3A_133 = arith.constant 0 : i32
    %dma_start3A_134 = tpu.memref_slice %dma_start3A_131[%dma_start3A_132, %dma_start3A_133] : memref<38462x16xf32, #tpu.memory_space<hbm>> -> memref<38462x16xf32, #tpu.memory_space<hbm>>
    tpu.enqueue_indirect_dma source(%dma_start3A_134 : memref<38462x16xf32, #tpu.memory_space<hbm>>) target(%dma_start3A_123 : memref<128x16xf32, #tpu.memory_space<vmem>>) offsets(%dma_start3A_128 : memref<128xi32, #tpu.memory_space<vmem>>) semaphore(%arg10 : memref<!tpu.dma_semaphore, #tpu.memory_space<semaphore_mem>>)
    %dma_start3A_135 = arith.constant 1 : i32
    %dma_start3A_136 = arith.constant 128 : i32
    %dma_start3A_137 = arith.constant 0 : i32
    %dma_start3A_138 = tpu.memref_slice %arg7[%dma_start3A_136, %dma_start3A_137] : memref<512x16xf32, #tpu.memory_space<vmem>> -> memref<128x16xf32, #tpu.memory_space<vmem>>
    %dma_start3A_139 = arith.constant 0 : i32
    %dma_start3A_140 = tpu.memref_slice %arg5[%dma_start3A_135, %dma_start3A_139] : memref<26x512xi32, #tpu.memory_space<vmem>> -> memref<1x512xi32, #tpu.memory_space<vmem>>
    %dma_start3A_141 = tpu.memref_squeeze %dma_start3A_140 : memref<1x512xi32, #tpu.memory_space<vmem>> -> memref<512xi32, #tpu.memory_space<vmem>>
    %dma_start3A_142 = arith.constant 128 : i32
    %dma_start3A_143 = tpu.memref_slice %dma_start3A_141[%dma_start3A_142] : memref<512xi32, #tpu.memory_space<vmem>> -> memref<128xi32, #tpu.memory_space<vmem>>
    %dma_start3A_144 = arith.constant 38462 : i32
    %dma_start3A_145 = arith.constant 0 : i32
    %dma_start3A_146 = tpu.memref_slice %arg3[%dma_start3A_144, %dma_start3A_145] : memref<1000012x16xf32, #tpu.memory_space<hbm>> -> memref<38462x16xf32, #tpu.memory_space<hbm>>
    %dma_start3A_147 = arith.constant 0 : i32
    %dma_start3A_148 = arith.constant 0 : i32
    %dma_start3A_149 = tpu.memref_slice %dma_start3A_146[%dma_start3A_147, %dma_start3A_148] : memref<38462x16xf32, #tpu.memory_space<hbm>> -> memref<38462x16xf32, #tpu.memory_space<hbm>>
    tpu.enqueue_indirect_dma source(%dma_start3A_149 : memref<38462x16xf32, #tpu.memory_space<hbm>>) target(%dma_start3A_138 : memref<128x16xf32, #tpu.memory_space<vmem>>) offsets(%dma_start3A_143 : memref<128xi32, #tpu.memory_space<vmem>>) semaphore(%arg10 : memref<!tpu.dma_semaphore, #tpu.memory_space<semaphore_mem>>)
    %dma_start3A_150 = arith.constant 1 : i32
    %dma_start3A_151 = arith.constant 256 : i32
    %dma_start3A_152 = arith.constant 0 : i32
    %dma_start3A_153 = tpu.memref_slice %arg7[%dma_start3A_151, %dma_start3A_152] : memref<512x16xf32, #tpu.memory_space<vmem>> -> memref<128x16xf32, #tpu.memory_space<vmem>>
    %dma_start3A_154 = arith.constant 0 : i32
    %dma_start3A_155 = tpu.memref_slice %arg5[%dma_start3A_150, %dma_start3A_154] : memref<26x512xi32, #tpu.memory_space<vmem>> -> memref<1x512xi32, #tpu.memory_space<vmem>>
    %dma_start3A_156 = tpu.memref_squeeze %dma_start3A_155 : memref<1x512xi32, #tpu.memory_space<vmem>> -> memref<512xi32, #tpu.memory_space<vmem>>
    %dma_start3A_157 = arith.constant 256 : i32
    %dma_start3A_158 = tpu.memref_slice %dma_start3A_156[%dma_start3A_157] : memref<512xi32, #tpu.memory_space<vmem>> -> memref<128xi32, #tpu.memory_space<vmem>>
    %dma_start3A_159 = arith.constant 38462 : i32
    %dma_start3A_160 = arith.constant 0 : i32
    %dma_start3A_161 = tpu.memref_slice %arg3[%dma_start3A_159, %dma_start3A_160] : memref<1000012x16xf32, #tpu.memory_space<hbm>> -> memref<38462x16xf32, #tpu.memory_space<hbm>>
    %dma_start3A_162 = arith.constant 0 : i32
    %dma_start3A_163 = arith.constant 0 : i32
    %dma_start3A_164 = tpu.memref_slice %dma_start3A_161[%dma_start3A_162, %dma_start3A_163] : memref<38462x16xf32, #tpu.memory_space<hbm>> -> memref<38462x16xf32, #tpu.memory_space<hbm>>
    tpu.enqueue_indirect_dma source(%dma_start3A_164 : memref<38462x16xf32, #tpu.memory_space<hbm>>) target(%dma_start3A_153 : memref<128x16xf32, #tpu.memory_space<vmem>>) offsets(%dma_start3A_158 : memref<128xi32, #tpu.memory_space<vmem>>) semaphore(%arg10 : memref<!tpu.dma_semaphore, #tpu.memory_space<semaphore_mem>>)
    %dma_start3A_165 = arith.constant 1 : i32
    %dma_start3A_166 = arith.constant 384 : i32
    %dma_start3A_167 = arith.constant 0 : i32
    %dma_start3A_168 = tpu.memref_slice %arg7[%dma_start3A_166, %dma_start3A_167] : memref<512x16xf32, #tpu.memory_space<vmem>> -> memref<128x16xf32, #tpu.memory_space<vmem>>
    %dma_start3A_169 = arith.constant 0 : i32
    %dma_start3A_170 = tpu.memref_slice %arg5[%dma_start3A_165, %dma_start3A_169] : memref<26x512xi32, #tpu.memory_space<vmem>> -> memref<1x512xi32, #tpu.memory_space<vmem>>
    %dma_start3A_171 = tpu.memref_squeeze %dma_start3A_170 : memref<1x512xi32, #tpu.memory_space<vmem>> -> memref<512xi32, #tpu.memory_space<vmem>>
    %dma_start3A_172 = arith.constant 384 : i32
    %dma_start3A_173 = tpu.memref_slice %dma_start3A_171[%dma_start3A_172] : memref<512xi32, #tpu.memory_space<vmem>> -> memref<128xi32, #tpu.memory_space<vmem>>
    %dma_start3A_174 = arith.constant 38462 : i32
    %dma_start3A_175 = arith.constant 0 : i32
    %dma_start3A_176 = tpu.memref_slice %arg3[%dma_start3A_174, %dma_start3A_175] : memref<1000012x16xf32, #tpu.memory_space<hbm>> -> memref<38462x16xf32, #tpu.memory_space<hbm>>
    %dma_start3A_177 = arith.constant 0 : i32
    %dma_start3A_178 = arith.constant 0 : i32
    %dma_start3A_179 = tpu.memref_slice %dma_start3A_176[%dma_start3A_177, %dma_start3A_178] : memref<38462x16xf32, #tpu.memory_space<hbm>> -> memref<38462x16xf32, #tpu.memory_space<hbm>>
    tpu.enqueue_indirect_dma source(%dma_start3A_179 : memref<38462x16xf32, #tpu.memory_space<hbm>>) target(%dma_start3A_168 : memref<128x16xf32, #tpu.memory_space<vmem>>) offsets(%dma_start3A_173 : memref<128xi32, #tpu.memory_space<vmem>>) semaphore(%arg10 : memref<!tpu.dma_semaphore, #tpu.memory_space<semaphore_mem>>)
    %parallel_loop3A = arith.constant 0 : i32
    %parallel_loop3A_180 = arith.constant 512 : i32
    %parallel_loop3A_181 = arith.constant 1 : i32
    scf.for %parallel_loop3A_393 = %parallel_loop3A to %parallel_loop3A_180 step %parallel_loop3A_181  : i32 {
      %parallel_loop3A_394 = arith.constant 128 : i32
      %parallel_loop3A_395 = arith.divsi %parallel_loop3A_393, %parallel_loop3A_394 : i32
      %parallel_loop3A_396 = arith.constant 0 : i32
      %parallel_loop3A_397 = arith.cmpi sgt, %parallel_loop3A_393, %parallel_loop3A_396 : i32
      %parallel_loop3A_398 = arith.extui %parallel_loop3A_397 : i1 to i32
      %parallel_loop3A_399 = arith.constant 0 : i32
      %parallel_loop3A_400 = arith.cmpi slt, %parallel_loop3A_393, %parallel_loop3A_399 : i32
      %parallel_loop3A_401 = arith.extui %parallel_loop3A_400 : i1 to i32
      %parallel_loop3A_402 = arith.subi %parallel_loop3A_398, %parallel_loop3A_401 : i32
      %parallel_loop3A_403 = arith.constant 0 : i32
      %parallel_loop3A_404 = arith.cmpi sgt, %parallel_loop3A_394, %parallel_loop3A_403 : i32
      %parallel_loop3A_405 = arith.extui %parallel_loop3A_404 : i1 to i32
      %parallel_loop3A_406 = arith.constant 0 : i32
      %parallel_loop3A_407 = arith.cmpi slt, %parallel_loop3A_394, %parallel_loop3A_406 : i32
      %parallel_loop3A_408 = arith.extui %parallel_loop3A_407 : i1 to i32
      %parallel_loop3A_409 = arith.subi %parallel_loop3A_405, %parallel_loop3A_408 : i32
      %parallel_loop3A_410 = arith.cmpi ne, %parallel_loop3A_402, %parallel_loop3A_409 : i32
      %parallel_loop3A_411 = arith.remsi %parallel_loop3A_393, %parallel_loop3A_394 : i32
      %parallel_loop3A_412 = arith.constant 0 : i32
      %parallel_loop3A_413 = arith.cmpi ne, %parallel_loop3A_411, %parallel_loop3A_412 : i32
      %parallel_loop3A_414 = arith.andi %parallel_loop3A_410, %parallel_loop3A_413 : i1
      %parallel_loop3A_415 = arith.constant 1 : i32
      %parallel_loop3A_416 = arith.subi %parallel_loop3A_395, %parallel_loop3A_415 : i32
      %parallel_loop3A_417 = arith.select %parallel_loop3A_414, %parallel_loop3A_416, %parallel_loop3A_395 : i32
      %parallel_loop3A_418 = arith.constant 1024 : i32
      %parallel_loop3A_419 = arith.muli %parallel_loop3A_417, %parallel_loop3A_418 : i32
      %parallel_loop3A_420 = arith.constant 128 : i32
      %parallel_loop3A_421 = arith.constant 0 : i32
      %parallel_loop3A_422 = arith.cmpi eq, %parallel_loop3A_420, %parallel_loop3A_421 : i32
      %parallel_loop3A_423 = arith.constant 1 : i32
      %parallel_loop3A_424 = arith.select %parallel_loop3A_422, %parallel_loop3A_423, %parallel_loop3A_420 : i32
      %parallel_loop3A_425 = arith.remsi %parallel_loop3A_393, %parallel_loop3A_424 : i32
      %parallel_loop3A_426 = arith.constant 0 : i32
      %parallel_loop3A_427 = arith.cmpi ne, %parallel_loop3A_425, %parallel_loop3A_426 : i32
      %parallel_loop3A_428 = arith.constant 0 : i32
      %parallel_loop3A_429 = arith.cmpi slt, %parallel_loop3A_425, %parallel_loop3A_428 : i32
      %parallel_loop3A_430 = arith.constant 0 : i32
      %parallel_loop3A_431 = arith.cmpi slt, %parallel_loop3A_424, %parallel_loop3A_430 : i32
      %parallel_loop3A_432 = arith.xori %parallel_loop3A_429, %parallel_loop3A_431 : i1
      %parallel_loop3A_433 = arith.andi %parallel_loop3A_432, %parallel_loop3A_427 : i1
      %parallel_loop3A_434 = arith.addi %parallel_loop3A_425, %parallel_loop3A_424 : i32
      %parallel_loop3A_435 = arith.select %parallel_loop3A_433, %parallel_loop3A_434, %parallel_loop3A_425 : i32
      %parallel_loop3A_436 = arith.addi %parallel_loop3A_419, %parallel_loop3A_435 : i32
      %parallel_loop3A_437 = arith.index_cast %parallel_loop3A_393 : i32 to index
      %parallel_loop3A_438 = arith.constant 0 : index
      %parallel_loop3A_439 = tpu.vector_load %arg6[%parallel_loop3A_437, %parallel_loop3A_438] {strides = array<i32>} : memref<512x16xf32, #tpu.memory_space<vmem>>, vector<16xf32>,
      %parallel_loop3A_440 = vector.broadcast %parallel_loop3A_436 : i32 to vector<16xi32>
      %parallel_loop3A_441 = arith.addi %add3A_13, %parallel_loop3A_440 : vector<16xi32>
      tpu.vector_store_idx %arg8[%parallel_loop3A_441], %parallel_loop3A_439 : memref<8192xf32, #tpu.memory_space<vmem>>[vector<16xi32>], vector<16xf32>,
    } {sc.loop_unroll_factor = 32 : i64, sc.parallel_access}
    %mul3A_182 = arith.constant 4096 : i32
    %mul3A_183 = arith.muli %add3A, %mul3A_182 : i32
    %add3A_184 = arith.constant 0 : i32
    %add3A_185 = arith.addi %add3A_184, %mul3A_183 : i32
    %dma_start3A_186 = arith.constant 0 : i32
    %dma_start3A_187 = arith.constant 0 : i32
    %dma_start3A_188 = tpu.memref_slice %arg8[%dma_start3A_187] : memref<8192xf32, #tpu.memory_space<vmem>> -> memref<4096xf32, #tpu.memory_space<vmem>>
    %dma_start3A_189 = tpu.memref_slice %arg4[%dma_start3A_186, %add3A_185] : memref<26x262144xf32, #tpu.memory_space<hbm>> -> memref<1x4096xf32, #tpu.memory_space<hbm>>
    %dma_start3A_190 = tpu.memref_squeeze %dma_start3A_189 : memref<1x4096xf32, #tpu.memory_space<hbm>> -> memref<4096xf32, #tpu.memory_space<hbm>>
    %dma_start3A_191 = tpu.memref_slice %arg4[%dma_start3A_186, %add3A_185] : memref<26x262144xf32, #tpu.memory_space<hbm>> -> memref<1x4096xf32, #tpu.memory_space<hbm>>
    %dma_start3A_192 = tpu.memref_squeeze %dma_start3A_191 : memref<1x4096xf32, #tpu.memory_space<hbm>> -> memref<4096xf32, #tpu.memory_space<hbm>>
    %dma_start3A_193 = arith.constant 0 : i32
    %dma_start3A_194 = tpu.memref_slice %arg8[%dma_start3A_193] : memref<8192xf32, #tpu.memory_space<vmem>> -> memref<4096xf32, #tpu.memory_space<vmem>>
    tpu.enqueue_dma source(%dma_start3A_194 : memref<4096xf32, #tpu.memory_space<vmem>>) target(%dma_start3A_192 : memref<4096xf32, #tpu.memory_space<hbm>>) target_semaphore(%arg11 : memref<!tpu.dma_semaphore, #tpu.memory_space<semaphore_mem>>)
    %mul3A_195 = arith.constant 4096 : i32
    %mul3A_196 = arith.muli %add3A, %mul3A_195 : i32
    %add3A_197 = arith.constant 131072 : i32
    %add3A_198 = arith.addi %add3A_197, %mul3A_196 : i32
    %dma_start3A_199 = arith.constant 0 : i32
    %dma_start3A_200 = arith.constant 4096 : i32
    %dma_start3A_201 = tpu.memref_slice %arg8[%dma_start3A_200] : memref<8192xf32, #tpu.memory_space<vmem>> -> memref<4096xf32, #tpu.memory_space<vmem>>
    %dma_start3A_202 = tpu.memref_slice %arg4[%dma_start3A_199, %add3A_198] : memref<26x262144xf32, #tpu.memory_space<hbm>> -> memref<1x4096xf32, #tpu.memory_space<hbm>>
    %dma_start3A_203 = tpu.memref_squeeze %dma_start3A_202 : memref<1x4096xf32, #tpu.memory_space<hbm>> -> memref<4096xf32, #tpu.memory_space<hbm>>
    %dma_start3A_204 = tpu.memref_slice %arg4[%dma_start3A_199, %add3A_198] : memref<26x262144xf32, #tpu.memory_space<hbm>> -> memref<1x4096xf32, #tpu.memory_space<hbm>>
    %dma_start3A_205 = tpu.memref_squeeze %dma_start3A_204 : memref<1x4096xf32, #tpu.memory_space<hbm>> -> memref<4096xf32, #tpu.memory_space<hbm>>
    %dma_start3A_206 = arith.constant 4096 : i32
    %dma_start3A_207 = tpu.memref_slice %arg8[%dma_start3A_206] : memref<8192xf32, #tpu.memory_space<vmem>> -> memref<4096xf32, #tpu.memory_space<vmem>>
    tpu.enqueue_dma source(%dma_start3A_207 : memref<4096xf32, #tpu.memory_space<vmem>>) target(%dma_start3A_205 : memref<4096xf32, #tpu.memory_space<hbm>>) target_semaphore(%arg11 : memref<!tpu.dma_semaphore, #tpu.memory_space<semaphore_mem>>)
    %dma_wait3A_208 = arith.constant 0 : i32
    %dma_wait3A_209 = arith.constant 0 : i32
    %dma_wait3A_210 = tpu.memref_slice %arg7[%dma_wait3A_208, %dma_wait3A_209] : memref<512x16xf32, #tpu.memory_space<vmem>> -> memref<128x16xf32, #tpu.memory_space<vmem>>
    %dma_wait3A_211 = arith.constant 0 : i32
    %dma_wait3A_212 = arith.constant 0 : i32
    %dma_wait3A_213 = tpu.memref_slice %arg3[%dma_wait3A_211, %dma_wait3A_212] : memref<1000012x16xf32, #tpu.memory_space<hbm>> -> memref<128x16xf32, #tpu.memory_space<hbm>>
    %dma_wait3A_214 = arith.constant 0 : i32
    %dma_wait3A_215 = arith.constant 0 : i32
    %dma_wait3A_216 = tpu.memref_slice %arg7[%dma_wait3A_214, %dma_wait3A_215] : memref<512x16xf32, #tpu.memory_space<vmem>> -> memref<128x16xf32, #tpu.memory_space<vmem>>
    %dma_wait3A_217 = arith.constant 0 : i32
    %dma_wait3A_218 = arith.constant 0 : i32
    %dma_wait3A_219 = tpu.memref_slice %arg3[%dma_wait3A_217, %dma_wait3A_218] : memref<1000012x16xf32, #tpu.memory_space<hbm>> -> memref<128x16xf32, #tpu.memory_space<hbm>>
    tpu.wait_dma2 semaphore(%arg10 : memref<!tpu.dma_semaphore, #tpu.memory_space<semaphore_mem>>) src(%dma_wait3A_219 : memref<128x16xf32, #tpu.memory_space<hbm>>) dst(%dma_wait3A_216 : memref<128x16xf32, #tpu.memory_space<vmem>>)
    %dma_wait3A_220 = arith.constant 128 : i32
    %dma_wait3A_221 = arith.constant 0 : i32
    %dma_wait3A_222 = tpu.memref_slice %arg7[%dma_wait3A_220, %dma_wait3A_221] : memref<512x16xf32, #tpu.memory_space<vmem>> -> memref<128x16xf32, #tpu.memory_space<vmem>>
    %dma_wait3A_223 = arith.constant 0 : i32
    %dma_wait3A_224 = arith.constant 0 : i32
    %dma_wait3A_225 = tpu.memref_slice %arg3[%dma_wait3A_223, %dma_wait3A_224] : memref<1000012x16xf32, #tpu.memory_space<hbm>> -> memref<128x16xf32, #tpu.memory_space<hbm>>
    %dma_wait3A_226 = arith.constant 128 : i32
    %dma_wait3A_227 = arith.constant 0 : i32
    %dma_wait3A_228 = tpu.memref_slice %arg7[%dma_wait3A_226, %dma_wait3A_227] : memref<512x16xf32, #tpu.memory_space<vmem>> -> memref<128x16xf32, #tpu.memory_space<vmem>>
    %dma_wait3A_229 = arith.constant 0 : i32
    %dma_wait3A_230 = arith.constant 0 : i32
    %dma_wait3A_231 = tpu.memref_slice %arg3[%dma_wait3A_229, %dma_wait3A_230] : memref<1000012x16xf32, #tpu.memory_space<hbm>> -> memref<128x16xf32, #tpu.memory_space<hbm>>
    tpu.wait_dma2 semaphore(%arg10 : memref<!tpu.dma_semaphore, #tpu.memory_space<semaphore_mem>>) src(%dma_wait3A_231 : memref<128x16xf32, #tpu.memory_space<hbm>>) dst(%dma_wait3A_228 : memref<128x16xf32, #tpu.memory_space<vmem>>)
    %dma_wait3A_232 = arith.constant 256 : i32
    %dma_wait3A_233 = arith.constant 0 : i32
    %dma_wait3A_234 = tpu.memref_slice %arg7[%dma_wait3A_232, %dma_wait3A_233] : memref<512x16xf32, #tpu.memory_space<vmem>> -> memref<128x16xf32, #tpu.memory_space<vmem>>
    %dma_wait3A_235 = arith.constant 0 : i32
    %dma_wait3A_236 = arith.constant 0 : i32
    %dma_wait3A_237 = tpu.memref_slice %arg3[%dma_wait3A_235, %dma_wait3A_236] : memref<1000012x16xf32, #tpu.memory_space<hbm>> -> memref<128x16xf32, #tpu.memory_space<hbm>>
    %dma_wait3A_238 = arith.constant 256 : i32
    %dma_wait3A_239 = arith.constant 0 : i32
    %dma_wait3A_240 = tpu.memref_slice %arg7[%dma_wait3A_238, %dma_wait3A_239] : memref<512x16xf32, #tpu.memory_space<vmem>> -> memref<128x16xf32, #tpu.memory_space<vmem>>
    %dma_wait3A_241 = arith.constant 0 : i32
    %dma_wait3A_242 = arith.constant 0 : i32
    %dma_wait3A_243 = tpu.memref_slice %arg3[%dma_wait3A_241, %dma_wait3A_242] : memref<1000012x16xf32, #tpu.memory_space<hbm>> -> memref<128x16xf32, #tpu.memory_space<hbm>>
    tpu.wait_dma2 semaphore(%arg10 : memref<!tpu.dma_semaphore, #tpu.memory_space<semaphore_mem>>) src(%dma_wait3A_243 : memref<128x16xf32, #tpu.memory_space<hbm>>) dst(%dma_wait3A_240 : memref<128x16xf32, #tpu.memory_space<vmem>>)
    %dma_wait3A_244 = arith.constant 384 : i32
    %dma_wait3A_245 = arith.constant 0 : i32
    %dma_wait3A_246 = tpu.memref_slice %arg7[%dma_wait3A_244, %dma_wait3A_245] : memref<512x16xf32, #tpu.memory_space<vmem>> -> memref<128x16xf32, #tpu.memory_space<vmem>>
    %dma_wait3A_247 = arith.constant 0 : i32
    %dma_wait3A_248 = arith.constant 0 : i32
    %dma_wait3A_249 = tpu.memref_slice %arg3[%dma_wait3A_247, %dma_wait3A_248] : memref<1000012x16xf32, #tpu.memory_space<hbm>> -> memref<128x16xf32, #tpu.memory_space<hbm>>
    %dma_wait3A_250 = arith.constant 384 : i32
    %dma_wait3A_251 = arith.constant 0 : i32
    %dma_wait3A_252 = tpu.memref_slice %arg7[%dma_wait3A_250, %dma_wait3A_251] : memref<512x16xf32, #tpu.memory_space<vmem>> -> memref<128x16xf32, #tpu.memory_space<vmem>>
    %dma_wait3A_253 = arith.constant 0 : i32
    %dma_wait3A_254 = arith.constant 0 : i32
    %dma_wait3A_255 = tpu.memref_slice %arg3[%dma_wait3A_253, %dma_wait3A_254] : memref<1000012x16xf32, #tpu.memory_space<hbm>> -> memref<128x16xf32, #tpu.memory_space<hbm>>
    tpu.wait_dma2 semaphore(%arg10 : memref<!tpu.dma_semaphore, #tpu.memory_space<semaphore_mem>>) src(%dma_wait3A_255 : memref<128x16xf32, #tpu.memory_space<hbm>>) dst(%dma_wait3A_252 : memref<128x16xf32, #tpu.memory_space<vmem>>)
    %dma_start3A_256 = arith.constant 2 : i32
    %dma_start3A_257 = arith.constant 0 : i32
    %dma_start3A_258 = arith.constant 0 : i32
    %dma_start3A_259 = tpu.memref_slice %arg6[%dma_start3A_257, %dma_start3A_258] : memref<512x16xf32, #tpu.memory_space<vmem>> -> memref<128x16xf32, #tpu.memory_space<vmem>>
    %dma_start3A_260 = arith.constant 0 : i32
    %dma_start3A_261 = tpu.memref_slice %arg5[%dma_start3A_256, %dma_start3A_260] : memref<26x512xi32, #tpu.memory_space<vmem>> -> memref<1x512xi32, #tpu.memory_space<vmem>>
    %dma_start3A_262 = tpu.memref_squeeze %dma_start3A_261 : memref<1x512xi32, #tpu.memory_space<vmem>> -> memref<512xi32, #tpu.memory_space<vmem>>
    %dma_start3A_263 = arith.constant 0 : i32
    %dma_start3A_264 = tpu.memref_slice %dma_start3A_262[%dma_start3A_263] : memref<512xi32, #tpu.memory_space<vmem>> -> memref<128xi32, #tpu.memory_space<vmem>>
    %dma_start3A_265 = arith.constant 76924 : i32
    %dma_start3A_266 = arith.constant 0 : i32
    %dma_start3A_267 = tpu.memref_slice %arg3[%dma_start3A_265, %dma_start3A_266] : memref<1000012x16xf32, #tpu.memory_space<hbm>> -> memref<38462x16xf32, #tpu.memory_space<hbm>>
    %dma_start3A_268 = arith.constant 0 : i32
    %dma_start3A_269 = arith.constant 0 : i32
    %dma_start3A_270 = tpu.memref_slice %dma_start3A_267[%dma_start3A_268, %dma_start3A_269] : memref<38462x16xf32, #tpu.memory_space<hbm>> -> memref<38462x16xf32, #tpu.memory_space<hbm>>
    tpu.enqueue_indirect_dma source(%dma_start3A_270 : memref<38462x16xf32, #tpu.memory_space<hbm>>) target(%dma_start3A_259 : memref<128x16xf32, #tpu.memory_space<vmem>>) offsets(%dma_start3A_264 : memref<128xi32, #tpu.memory_space<vmem>>) semaphore(%arg10 : memref<!tpu.dma_semaphore, #tpu.memory_space<semaphore_mem>>)
    %dma_start3A_271 = arith.constant 2 : i32
    %dma_start3A_272 = arith.constant 128 : i32
    %dma_start3A_273 = arith.constant 0 : i32
    %dma_start3A_274 = tpu.memref_slice %arg6[%dma_start3A_272, %dma_start3A_273] : memref<512x16xf32, #tpu.memory_space<vmem>> -> memref<128x16xf32, #tpu.memory_space<vmem>>
    %dma_start3A_275 = arith.constant 0 : i32
    %dma_start3A_276 = tpu.memref_slice %arg5[%dma_start3A_271, %dma_start3A_275] : memref<26x512xi32, #tpu.memory_space<vmem>> -> memref<1x512xi32, #tpu.memory_space<vmem>>
    %dma_start3A_277 = tpu.memref_squeeze %dma_start3A_276 : memref<1x512xi32, #tpu.memory_space<vmem>> -> memref<512xi32, #tpu.memory_space<vmem>>
    %dma_start3A_278 = arith.constant 128 : i32
    %dma_start3A_279 = tpu.memref_slice %dma_start3A_277[%dma_start3A_278] : memref<512xi32, #tpu.memory_space<vmem>> -> memref<128xi32, #tpu.memory_space<vmem>>
    %dma_start3A_280 = arith.constant 76924 : i32
    %dma_start3A_281 = arith.constant 0 : i32
    %dma_start3A_282 = tpu.memref_slice %arg3[%dma_start3A_280, %dma_start3A_281] : memref<1000012x16xf32, #tpu.memory_space<hbm>> -> memref<38462x16xf32, #tpu.memory_space<hbm>>
    %dma_start3A_283 = arith.constant 0 : i32
    %dma_start3A_284 = arith.constant 0 : i32
    %dma_start3A_285 = tpu.memref_slice %dma_start3A_282[%dma_start3A_283, %dma_start3A_284] : memref<38462x16xf32, #tpu.memory_space<hbm>> -> memref<38462x16xf32, #tpu.memory_space<hbm>>
    tpu.enqueue_indirect_dma source(%dma_start3A_285 : memref<38462x16xf32, #tpu.memory_space<hbm>>) target(%dma_start3A_274 : memref<128x16xf32, #tpu.memory_space<vmem>>) offsets(%dma_start3A_279 : memref<128xi32, #tpu.memory_space<vmem>>) semaphore(%arg10 : memref<!tpu.dma_semaphore, #tpu.memory_space<semaphore_mem>>)
    %dma_start3A_286 = arith.constant 2 : i32
    %dma_start3A_287 = arith.constant 256 : i32
    %dma_start3A_288 = arith.constant 0 : i32
    %dma_start3A_289 = tpu.memref_slice %arg6[%dma_start3A_287, %dma_start3A_288] : memref<512x16xf32, #tpu.memory_space<vmem>> -> memref<128x16xf32, #tpu.memory_space<vmem>>
    %dma_start3A_290 = arith.constant 0 : i32
    %dma_start3A_291 = tpu.memref_slice %arg5[%dma_start3A_286, %dma_start3A_290] : memref<26x512xi32, #tpu.memory_space<vmem>> -> memref<1x512xi32, #tpu.memory_space<vmem>>
    %dma_start3A_292 = tpu.memref_squeeze %dma_start3A_291 : memref<1x512xi32, #tpu.memory_space<vmem>> -> memref<512xi32, #tpu.memory_space<vmem>>
    %dma_start3A_293 = arith.constant 256 : i32
    %dma_start3A_294 = tpu.memref_slice %dma_start3A_292[%dma_start3A_293] : memref<512xi32, #tpu.memory_space<vmem>> -> memref<128xi32, #tpu.memory_space<vmem>>
    %dma_start3A_295 = arith.constant 76924 : i32
    %dma_start3A_296 = arith.constant 0 : i32
    %dma_start3A_297 = tpu.memref_slice %arg3[%dma_start3A_295, %dma_start3A_296] : memref<1000012x16xf32, #tpu.memory_space<hbm>> -> memref<38462x16xf32, #tpu.memory_space<hbm>>
    %dma_start3A_298 = arith.constant 0 : i32
    %dma_start3A_299 = arith.constant 0 : i32
    %dma_start3A_300 = tpu.memref_slice %dma_start3A_297[%dma_start3A_298, %dma_start3A_299] : memref<38462x16xf32, #tpu.memory_space<hbm>> -> memref<38462x16xf32, #tpu.memory_space<hbm>>
    tpu.enqueue_indirect_dma source(%dma_start3A_300 : memref<38462x16xf32, #tpu.memory_space<hbm>>) target(%dma_start3A_289 : memref<128x16xf32, #tpu.memory_space<vmem>>) offsets(%dma_start3A_294 : memref<128xi32, #tpu.memory_space<vmem>>) semaphore(%arg10 : memref<!tpu.dma_semaphore, #tpu.memory_space<semaphore_mem>>)
    %dma_start3A_301 = arith.constant 2 : i32
    %dma_start3A_302 = arith.constant 384 : i32
    %dma_start3A_303 = arith.constant 0 : i32
    %dma_start3A_304 = tpu.memref_slice %arg6[%dma_start3A_302, %dma_start3A_303] : memref<512x16xf32, #tpu.memory_space<vmem>> -> memref<128x16xf32, #tpu.memory_space<vmem>>
    %dma_start3A_305 = arith.constant 0 : i32
    %dma_start3A_306 = tpu.memref_slice %arg5[%dma_start3A_301, %dma_start3A_305] : memref<26x512xi32, #tpu.memory_space<vmem>> -> memref<1x512xi32, #tpu.memory_space<vmem>>
    %dma_start3A_307 = tpu.memref_squeeze %dma_start3A_306 : memref<1x512xi32, #tpu.memory_space<vmem>> -> memref<512xi32, #tpu.memory_space<vmem>>
    %dma_start3A_308 = arith.constant 384 : i32
    %dma_start3A_309 = tpu.memref_slice %dma_start3A_307[%dma_start3A_308] : memref<512xi32, #tpu.memory_space<vmem>> -> memref<128xi32, #tpu.memory_space<vmem>>
    %dma_start3A_310 = arith.constant 76924 : i32
    %dma_start3A_311 = arith.constant 0 : i32
    %dma_start3A_312 = tpu.memref_slice %arg3[%dma_start3A_310, %dma_start3A_311] : memref<1000012x16xf32, #tpu.memory_space<hbm>> -> memref<38462x16xf32, #tpu.memory_space<hbm>>
    %dma_start3A_313 = arith.constant 0 : i32
    %dma_start3A_314 = arith.constant 0 : i32
    %dma_start3A_315 = tpu.memref_slice %dma_start3A_312[%dma_start3A_313, %dma_start3A_314] : memref<38462x16xf32, #tpu.memory_space<hbm>> -> memref<38462x16xf32, #tpu.memory_space<hbm>>
    tpu.enqueue_indirect_dma source(%dma_start3A_315 : memref<38462x16xf32, #tpu.memory_space<hbm>>) target(%dma_start3A_304 : memref<128x16xf32, #tpu.memory_space<vmem>>) offsets(%dma_start3A_309 : memref<128xi32, #tpu.memory_space<vmem>>) semaphore(%arg10 : memref<!tpu.dma_semaphore, #tpu.memory_space<semaphore_mem>>)
    %parallel_loop3A_316 = arith.constant 0 : i32
    %parallel_loop3A_317 = arith.constant 512 : i32
    %parallel_loop3A_318 = arith.constant 1 : i32
    scf.for %parallel_loop3A_393 = %parallel_loop3A_316 to %parallel_loop3A_317 step %parallel_loop3A_318  : i32 {
      %parallel_loop3A_394 = arith.constant 128 : i32
      %parallel_loop3A_395 = arith.divsi %parallel_loop3A_393, %parallel_loop3A_394 : i32
      %parallel_loop3A_396 = arith.constant 0 : i32
      %parallel_loop3A_397 = arith.cmpi sgt, %parallel_loop3A_393, %parallel_loop3A_396 : i32
      %parallel_loop3A_398 = arith.extui %parallel_loop3A_397 : i1 to i32
      %parallel_loop3A_399 = arith.constant 0 : i32
      %parallel_loop3A_400 = arith.cmpi slt, %parallel_loop3A_393, %parallel_loop3A_399 : i32
      %parallel_loop3A_401 = arith.extui %parallel_loop3A_400 : i1 to i32
      %parallel_loop3A_402 = arith.subi %parallel_loop3A_398, %parallel_loop3A_401 : i32
      %parallel_loop3A_403 = arith.constant 0 : i32
      %parallel_loop3A_404 = arith.cmpi sgt, %parallel_loop3A_394, %parallel_loop3A_403 : i32
      %parallel_loop3A_405 = arith.extui %parallel_loop3A_404 : i1 to i32
      %parallel_loop3A_406 = arith.constant 0 : i32
      %parallel_loop3A_407 = arith.cmpi slt, %parallel_loop3A_394, %parallel_loop3A_406 : i32
      %parallel_loop3A_408 = arith.extui %parallel_loop3A_407 : i1 to i32
      %parallel_loop3A_409 = arith.subi %parallel_loop3A_405, %parallel_loop3A_408 : i32
      %parallel_loop3A_410 = arith.cmpi ne, %parallel_loop3A_402, %parallel_loop3A_409 : i32
      %parallel_loop3A_411 = arith.remsi %parallel_loop3A_393, %parallel_loop3A_394 : i32
      %parallel_loop3A_412 = arith.constant 0 : i32
      %parallel_loop3A_413 = arith.cmpi ne, %parallel_loop3A_411, %parallel_loop3A_412 : i32
      %parallel_loop3A_414 = arith.andi %parallel_loop3A_410, %parallel_loop3A_413 : i1
      %parallel_loop3A_415 = arith.constant 1 : i32
      %parallel_loop3A_416 = arith.subi %parallel_loop3A_395, %parallel_loop3A_415 : i32
      %parallel_loop3A_417 = arith.select %parallel_loop3A_414, %parallel_loop3A_416, %parallel_loop3A_395 : i32
      %parallel_loop3A_418 = arith.constant 1024 : i32
      %parallel_loop3A_419 = arith.muli %parallel_loop3A_417, %parallel_loop3A_418 : i32
      %parallel_loop3A_420 = arith.constant 128 : i32
      %parallel_loop3A_421 = arith.constant 0 : i32
      %parallel_loop3A_422 = arith.cmpi eq, %parallel_loop3A_420, %parallel_loop3A_421 : i32
      %parallel_loop3A_423 = arith.constant 1 : i32
      %parallel_loop3A_424 = arith.select %parallel_loop3A_422, %parallel_loop3A_423, %parallel_loop3A_420 : i32
      %parallel_loop3A_425 = arith.remsi %parallel_loop3A_393, %parallel_loop3A_424 : i32
      %parallel_loop3A_426 = arith.constant 0 : i32
      %parallel_loop3A_427 = arith.cmpi ne, %parallel_loop3A_425, %parallel_loop3A_426 : i32
      %parallel_loop3A_428 = arith.constant 0 : i32
      %parallel_loop3A_429 = arith.cmpi slt, %parallel_loop3A_425, %parallel_loop3A_428 : i32
      %parallel_loop3A_430 = arith.constant 0 : i32
      %parallel_loop3A_431 = arith.cmpi slt, %parallel_loop3A_424, %parallel_loop3A_430 : i32
      %parallel_loop3A_432 = arith.xori %parallel_loop3A_429, %parallel_loop3A_431 : i1
      %parallel_loop3A_433 = arith.andi %parallel_loop3A_432, %parallel_loop3A_427 : i1
      %parallel_loop3A_434 = arith.addi %parallel_loop3A_425, %parallel_loop3A_424 : i32
      %parallel_loop3A_435 = arith.select %parallel_loop3A_433, %parallel_loop3A_434, %parallel_loop3A_425 : i32
      %parallel_loop3A_436 = arith.addi %parallel_loop3A_419, %parallel_loop3A_435 : i32
      %parallel_loop3A_437 = arith.index_cast %parallel_loop3A_393 : i32 to index
      %parallel_loop3A_438 = arith.constant 0 : index
      %parallel_loop3A_439 = tpu.vector_load %arg7[%parallel_loop3A_437, %parallel_loop3A_438] {strides = array<i32>} : memref<512x16xf32, #tpu.memory_space<vmem>>, vector<16xf32>,
      %parallel_loop3A_440 = vector.broadcast %parallel_loop3A_436 : i32 to vector<16xi32>
      %parallel_loop3A_441 = arith.addi %add3A_13, %parallel_loop3A_440 : vector<16xi32>
      tpu.vector_store_idx %arg9[%parallel_loop3A_441], %parallel_loop3A_439 : memref<8192xf32, #tpu.memory_space<vmem>>[vector<16xi32>], vector<16xf32>,
    } {sc.loop_unroll_factor = 32 : i64, sc.parallel_access}
    %mul3A_319 = arith.constant 4096 : i32
    %mul3A_320 = arith.muli %add3A, %mul3A_319 : i32
    %add3A_321 = arith.constant 0 : i32
    %add3A_322 = arith.addi %add3A_321, %mul3A_320 : i32
    %dma_start3A_323 = arith.constant 1 : i32
    %dma_start3A_324 = arith.constant 0 : i32
    %dma_start3A_325 = tpu.memref_slice %arg9[%dma_start3A_324] : memref<8192xf32, #tpu.memory_space<vmem>> -> memref<4096xf32, #tpu.memory_space<vmem>>
    %dma_start3A_326 = tpu.memref_slice %arg4[%dma_start3A_323, %add3A_322] : memref<26x262144xf32, #tpu.memory_space<hbm>> -> memref<1x4096xf32, #tpu.memory_space<hbm>>
    %dma_start3A_327 = tpu.memref_squeeze %dma_start3A_326 : memref<1x4096xf32, #tpu.memory_space<hbm>> -> memref<4096xf32, #tpu.memory_space<hbm>>
    %dma_start3A_328 = tpu.memref_slice %arg4[%dma_start3A_323, %add3A_322] : memref<26x262144xf32, #tpu.memory_space<hbm>> -> memref<1x4096xf32, #tpu.memory_space<hbm>>
    %dma_start3A_329 = tpu.memref_squeeze %dma_start3A_328 : memref<1x4096xf32, #tpu.memory_space<hbm>> -> memref<4096xf32, #tpu.memory_space<hbm>>
    %dma_start3A_330 = arith.constant 0 : i32
    %dma_start3A_331 = tpu.memref_slice %arg9[%dma_start3A_330] : memref<8192xf32, #tpu.memory_space<vmem>> -> memref<4096xf32, #tpu.memory_space<vmem>>
    tpu.enqueue_dma source(%dma_start3A_331 : memref<4096xf32, #tpu.memory_space<vmem>>) target(%dma_start3A_329 : memref<4096xf32, #tpu.memory_space<hbm>>) target_semaphore(%arg12 : memref<!tpu.dma_semaphore, #tpu.memory_space<semaphore_mem>>)
    %mul3A_332 = arith.constant 4096 : i32
    %mul3A_333 = arith.muli %add3A, %mul3A_332 : i32
    %add3A_334 = arith.constant 131072 : i32
    %add3A_335 = arith.addi %add3A_334, %mul3A_333 : i32
    %dma_start3A_336 = arith.constant 1 : i32
    %dma_start3A_337 = arith.constant 4096 : i32
    %dma_start3A_338 = tpu.memref_slice %arg9[%dma_start3A_337] : memref<8192xf32, #tpu.memory_space<vmem>> -> memref<4096xf32, #tpu.memory_space<vmem>>
    %dma_start3A_339 = tpu.memref_slice %arg4[%dma_start3A_336, %add3A_335] : memref<26x262144xf32, #tpu.memory_space<hbm>> -> memref<1x4096xf32, #tpu.memory_space<hbm>>
    %dma_start3A_340 = tpu.memref_squeeze %dma_start3A_339 : memref<1x4096xf32, #tpu.memory_space<hbm>> -> memref<4096xf32, #tpu.memory_space<hbm>>
    %dma_start3A_341 = tpu.memref_slice %arg4[%dma_start3A_336, %add3A_335] : memref<26x262144xf32, #tpu.memory_space<hbm>> -> memref<1x4096xf32, #tpu.memory_space<hbm>>
    %dma_start3A_342 = tpu.memref_squeeze %dma_start3A_341 : memref<1x4096xf32, #tpu.memory_space<hbm>> -> memref<4096xf32, #tpu.memory_space<hbm>>
    %dma_start3A_343 = arith.constant 4096 : i32
    %dma_start3A_344 = tpu.memref_slice %arg9[%dma_start3A_343] : memref<8192xf32, #tpu.memory_space<vmem>> -> memref<4096xf32, #tpu.memory_space<vmem>>
    tpu.enqueue_dma source(%dma_start3A_344 : memref<4096xf32, #tpu.memory_space<vmem>>) target(%dma_start3A_342 : memref<4096xf32, #tpu.memory_space<hbm>>) target_semaphore(%arg12 : memref<!tpu.dma_semaphore, #tpu.memory_space<semaphore_mem>>)
    %scan3A = arith.constant 1 : i32
    %scan3A_345 = arith.constant 12 : i32
    %scan3A_346 = arith.addi %scan3A, %scan3A_345 : i32
    %scan3A_347 = arith.constant 1 : i32
    scf.for %scan3A_393 = %scan3A to %scan3A_346 step %scan3A_347  : i32 {
      %mul3A_394 = arith.constant 2 : i32
      %mul3A_395 = arith.muli %mul3A_394, %scan3A_393 : i32
      %dma_wait3A_396 = arith.constant 0 : i32
      %dma_wait3A_397 = arith.constant 0 : i32
      %dma_wait3A_398 = tpu.memref_slice %arg6[%dma_wait3A_396, %dma_wait3A_397] : memref<512x16xf32, #tpu.memory_space<vmem>> -> memref<128x16xf32, #tpu.memory_space<vmem>>
      %dma_wait3A_399 = arith.constant 0 : i32
      %dma_wait3A_400 = arith.constant 0 : i32
      %dma_wait3A_401 = tpu.memref_slice %arg3[%dma_wait3A_399, %dma_wait3A_400] : memref<1000012x16xf32, #tpu.memory_space<hbm>> -> memref<128x16xf32, #tpu.memory_space<hbm>>
      %dma_wait3A_402 = arith.constant 0 : i32
      %dma_wait3A_403 = arith.constant 0 : i32
      %dma_wait3A_404 = tpu.memref_slice %arg6[%dma_wait3A_402, %dma_wait3A_403] : memref<512x16xf32, #tpu.memory_space<vmem>> -> memref<128x16xf32, #tpu.memory_space<vmem>>
      %dma_wait3A_405 = arith.constant 0 : i32
      %dma_wait3A_406 = arith.constant 0 : i32
      %dma_wait3A_407 = tpu.memref_slice %arg3[%dma_wait3A_405, %dma_wait3A_406] : memref<1000012x16xf32, #tpu.memory_space<hbm>> -> memref<128x16xf32, #tpu.memory_space<hbm>>
      tpu.wait_dma2 semaphore(%arg10 : memref<!tpu.dma_semaphore, #tpu.memory_space<semaphore_mem>>) src(%dma_wait3A_407 : memref<128x16xf32, #tpu.memory_space<hbm>>) dst(%dma_wait3A_404 : memref<128x16xf32, #tpu.memory_space<vmem>>)
      %dma_wait3A_408 = arith.constant 128 : i32
      %dma_wait3A_409 = arith.constant 0 : i32
      %dma_wait3A_410 = tpu.memref_slice %arg6[%dma_wait3A_408, %dma_wait3A_409] : memref<512x16xf32, #tpu.memory_space<vmem>> -> memref<128x16xf32, #tpu.memory_space<vmem>>
      %dma_wait3A_411 = arith.constant 0 : i32
      %dma_wait3A_412 = arith.constant 0 : i32
      %dma_wait3A_413 = tpu.memref_slice %arg3[%dma_wait3A_411, %dma_wait3A_412] : memref<1000012x16xf32, #tpu.memory_space<hbm>> -> memref<128x16xf32, #tpu.memory_space<hbm>>
      %dma_wait3A_414 = arith.constant 128 : i32
      %dma_wait3A_415 = arith.constant 0 : i32
      %dma_wait3A_416 = tpu.memref_slice %arg6[%dma_wait3A_414, %dma_wait3A_415] : memref<512x16xf32, #tpu.memory_space<vmem>> -> memref<128x16xf32, #tpu.memory_space<vmem>>
      %dma_wait3A_417 = arith.constant 0 : i32
      %dma_wait3A_418 = arith.constant 0 : i32
      %dma_wait3A_419 = tpu.memref_slice %arg3[%dma_wait3A_417, %dma_wait3A_418] : memref<1000012x16xf32, #tpu.memory_space<hbm>> -> memref<128x16xf32, #tpu.memory_space<hbm>>
      tpu.wait_dma2 semaphore(%arg10 : memref<!tpu.dma_semaphore, #tpu.memory_space<semaphore_mem>>) src(%dma_wait3A_419 : memref<128x16xf32, #tpu.memory_space<hbm>>) dst(%dma_wait3A_416 : memref<128x16xf32, #tpu.memory_space<vmem>>)
      %dma_wait3A_420 = arith.constant 256 : i32
      %dma_wait3A_421 = arith.constant 0 : i32
      %dma_wait3A_422 = tpu.memref_slice %arg6[%dma_wait3A_420, %dma_wait3A_421] : memref<512x16xf32, #tpu.memory_space<vmem>> -> memref<128x16xf32, #tpu.memory_space<vmem>>
      %dma_wait3A_423 = arith.constant 0 : i32
      %dma_wait3A_424 = arith.constant 0 : i32
      %dma_wait3A_425 = tpu.memref_slice %arg3[%dma_wait3A_423, %dma_wait3A_424] : memref<1000012x16xf32, #tpu.memory_space<hbm>> -> memref<128x16xf32, #tpu.memory_space<hbm>>
      %dma_wait3A_426 = arith.constant 256 : i32
      %dma_wait3A_427 = arith.constant 0 : i32
      %dma_wait3A_428 = tpu.memref_slice %arg6[%dma_wait3A_426, %dma_wait3A_427] : memref<512x16xf32, #tpu.memory_space<vmem>> -> memref<128x16xf32, #tpu.memory_space<vmem>>
      %dma_wait3A_429 = arith.constant 0 : i32
      %dma_wait3A_430 = arith.constant 0 : i32
      %dma_wait3A_431 = tpu.memref_slice %arg3[%dma_wait3A_429, %dma_wait3A_430] : memref<1000012x16xf32, #tpu.memory_space<hbm>> -> memref<128x16xf32, #tpu.memory_space<hbm>>
      tpu.wait_dma2 semaphore(%arg10 : memref<!tpu.dma_semaphore, #tpu.memory_space<semaphore_mem>>) src(%dma_wait3A_431 : memref<128x16xf32, #tpu.memory_space<hbm>>) dst(%dma_wait3A_428 : memref<128x16xf32, #tpu.memory_space<vmem>>)
      %dma_wait3A_432 = arith.constant 384 : i32
      %dma_wait3A_433 = arith.constant 0 : i32
      %dma_wait3A_434 = tpu.memref_slice %arg6[%dma_wait3A_432, %dma_wait3A_433] : memref<512x16xf32, #tpu.memory_space<vmem>> -> memref<128x16xf32, #tpu.memory_space<vmem>>
      %dma_wait3A_435 = arith.constant 0 : i32
      %dma_wait3A_436 = arith.constant 0 : i32
      %dma_wait3A_437 = tpu.memref_slice %arg3[%dma_wait3A_435, %dma_wait3A_436] : memref<1000012x16xf32, #tpu.memory_space<hbm>> -> memref<128x16xf32, #tpu.memory_space<hbm>>
      %dma_wait3A_438 = arith.constant 384 : i32
      %dma_wait3A_439 = arith.constant 0 : i32
      %dma_wait3A_440 = tpu.memref_slice %arg6[%dma_wait3A_438, %dma_wait3A_439] : memref<512x16xf32, #tpu.memory_space<vmem>> -> memref<128x16xf32, #tpu.memory_space<vmem>>
      %dma_wait3A_441 = arith.constant 0 : i32
      %dma_wait3A_442 = arith.constant 0 : i32
      %dma_wait3A_443 = tpu.memref_slice %arg3[%dma_wait3A_441, %dma_wait3A_442] : memref<1000012x16xf32, #tpu.memory_space<hbm>> -> memref<128x16xf32, #tpu.memory_space<hbm>>
      tpu.wait_dma2 semaphore(%arg10 : memref<!tpu.dma_semaphore, #tpu.memory_space<semaphore_mem>>) src(%dma_wait3A_443 : memref<128x16xf32, #tpu.memory_space<hbm>>) dst(%dma_wait3A_440 : memref<128x16xf32, #tpu.memory_space<vmem>>)
      %add3A_444 = arith.constant 1 : i32
      %add3A_445 = arith.addi %mul3A_395, %add3A_444 : i32
      %mul3A_446 = arith.constant 38462 : i32
      %mul3A_447 = arith.muli %add3A_445, %mul3A_446 : i32
      %dma_start3A_448 = arith.constant 0 : i32
      %dma_start3A_449 = arith.constant 0 : i32
      %dma_start3A_450 = tpu.memref_slice %arg7[%dma_start3A_448, %dma_start3A_449] : memref<512x16xf32, #tpu.memory_space<vmem>> -> memref<128x16xf32, #tpu.memory_space<vmem>>
      %dma_start3A_451 = arith.constant 0 : i32
      %dma_start3A_452 = tpu.memref_slice %arg5[%add3A_445, %dma_start3A_451] : memref<26x512xi32, #tpu.memory_space<vmem>> -> memref<1x512xi32, #tpu.memory_space<vmem>>
      %dma_start3A_453 = tpu.memref_squeeze %dma_start3A_452 : memref<1x512xi32, #tpu.memory_space<vmem>> -> memref<512xi32, #tpu.memory_space<vmem>>
      %dma_start3A_454 = arith.constant 0 : i32
      %dma_start3A_455 = tpu.memref_slice %dma_start3A_453[%dma_start3A_454] : memref<512xi32, #tpu.memory_space<vmem>> -> memref<128xi32, #tpu.memory_space<vmem>>
      %dma_start3A_456 = arith.constant 0 : i32
      %dma_start3A_457 = tpu.memref_slice %arg3[%mul3A_447, %dma_start3A_456] : memref<1000012x16xf32, #tpu.memory_space<hbm>> -> memref<38462x16xf32, #tpu.memory_space<hbm>>
      %dma_start3A_458 = arith.constant 0 : i32
      %dma_start3A_459 = arith.constant 0 : i32
      %dma_start3A_460 = tpu.memref_slice %dma_start3A_457[%dma_start3A_458, %dma_start3A_459] : memref<38462x16xf32, #tpu.memory_space<hbm>> -> memref<38462x16xf32, #tpu.memory_space<hbm>>
      tpu.enqueue_indirect_dma source(%dma_start3A_460 : memref<38462x16xf32, #tpu.memory_space<hbm>>) target(%dma_start3A_450 : memref<128x16xf32, #tpu.memory_space<vmem>>) offsets(%dma_start3A_455 : memref<128xi32, #tpu.memory_space<vmem>>) semaphore(%arg10 : memref<!tpu.dma_semaphore, #tpu.memory_space<semaphore_mem>>)
      %dma_start3A_461 = arith.constant 128 : i32
      %dma_start3A_462 = arith.constant 0 : i32
      %dma_start3A_463 = tpu.memref_slice %arg7[%dma_start3A_461, %dma_start3A_462] : memref<512x16xf32, #tpu.memory_space<vmem>> -> memref<128x16xf32, #tpu.memory_space<vmem>>
      %dma_start3A_464 = arith.constant 0 : i32
      %dma_start3A_465 = tpu.memref_slice %arg5[%add3A_445, %dma_start3A_464] : memref<26x512xi32, #tpu.memory_space<vmem>> -> memref<1x512xi32, #tpu.memory_space<vmem>>
      %dma_start3A_466 = tpu.memref_squeeze %dma_start3A_465 : memref<1x512xi32, #tpu.memory_space<vmem>> -> memref<512xi32, #tpu.memory_space<vmem>>
      %dma_start3A_467 = arith.constant 128 : i32
      %dma_start3A_468 = tpu.memref_slice %dma_start3A_466[%dma_start3A_467] : memref<512xi32, #tpu.memory_space<vmem>> -> memref<128xi32, #tpu.memory_space<vmem>>
      %dma_start3A_469 = arith.constant 0 : i32
      %dma_start3A_470 = tpu.memref_slice %arg3[%mul3A_447, %dma_start3A_469] : memref<1000012x16xf32, #tpu.memory_space<hbm>> -> memref<38462x16xf32, #tpu.memory_space<hbm>>
      %dma_start3A_471 = arith.constant 0 : i32
      %dma_start3A_472 = arith.constant 0 : i32
      %dma_start3A_473 = tpu.memref_slice %dma_start3A_470[%dma_start3A_471, %dma_start3A_472] : memref<38462x16xf32, #tpu.memory_space<hbm>> -> memref<38462x16xf32, #tpu.memory_space<hbm>>
      tpu.enqueue_indirect_dma source(%dma_start3A_473 : memref<38462x16xf32, #tpu.memory_space<hbm>>) target(%dma_start3A_463 : memref<128x16xf32, #tpu.memory_space<vmem>>) offsets(%dma_start3A_468 : memref<128xi32, #tpu.memory_space<vmem>>) semaphore(%arg10 : memref<!tpu.dma_semaphore, #tpu.memory_space<semaphore_mem>>)
      %dma_start3A_474 = arith.constant 256 : i32
      %dma_start3A_475 = arith.constant 0 : i32
      %dma_start3A_476 = tpu.memref_slice %arg7[%dma_start3A_474, %dma_start3A_475] : memref<512x16xf32, #tpu.memory_space<vmem>> -> memref<128x16xf32, #tpu.memory_space<vmem>>
      %dma_start3A_477 = arith.constant 0 : i32
      %dma_start3A_478 = tpu.memref_slice %arg5[%add3A_445, %dma_start3A_477] : memref<26x512xi32, #tpu.memory_space<vmem>> -> memref<1x512xi32, #tpu.memory_space<vmem>>
      %dma_start3A_479 = tpu.memref_squeeze %dma_start3A_478 : memref<1x512xi32, #tpu.memory_space<vmem>> -> memref<512xi32, #tpu.memory_space<vmem>>
      %dma_start3A_480 = arith.constant 256 : i32
      %dma_start3A_481 = tpu.memref_slice %dma_start3A_479[%dma_start3A_480] : memref<512xi32, #tpu.memory_space<vmem>> -> memref<128xi32, #tpu.memory_space<vmem>>
      %dma_start3A_482 = arith.constant 0 : i32
      %dma_start3A_483 = tpu.memref_slice %arg3[%mul3A_447, %dma_start3A_482] : memref<1000012x16xf32, #tpu.memory_space<hbm>> -> memref<38462x16xf32, #tpu.memory_space<hbm>>
      %dma_start3A_484 = arith.constant 0 : i32
      %dma_start3A_485 = arith.constant 0 : i32
      %dma_start3A_486 = tpu.memref_slice %dma_start3A_483[%dma_start3A_484, %dma_start3A_485] : memref<38462x16xf32, #tpu.memory_space<hbm>> -> memref<38462x16xf32, #tpu.memory_space<hbm>>
      tpu.enqueue_indirect_dma source(%dma_start3A_486 : memref<38462x16xf32, #tpu.memory_space<hbm>>) target(%dma_start3A_476 : memref<128x16xf32, #tpu.memory_space<vmem>>) offsets(%dma_start3A_481 : memref<128xi32, #tpu.memory_space<vmem>>) semaphore(%arg10 : memref<!tpu.dma_semaphore, #tpu.memory_space<semaphore_mem>>)
      %dma_start3A_487 = arith.constant 384 : i32
      %dma_start3A_488 = arith.constant 0 : i32
      %dma_start3A_489 = tpu.memref_slice %arg7[%dma_start3A_487, %dma_start3A_488] : memref<512x16xf32, #tpu.memory_space<vmem>> -> memref<128x16xf32, #tpu.memory_space<vmem>>
      %dma_start3A_490 = arith.constant 0 : i32
      %dma_start3A_491 = tpu.memref_slice %arg5[%add3A_445, %dma_start3A_490] : memref<26x512xi32, #tpu.memory_space<vmem>> -> memref<1x512xi32, #tpu.memory_space<vmem>>
      %dma_start3A_492 = tpu.memref_squeeze %dma_start3A_491 : memref<1x512xi32, #tpu.memory_space<vmem>> -> memref<512xi32, #tpu.memory_space<vmem>>
      %dma_start3A_493 = arith.constant 384 : i32
      %dma_start3A_494 = tpu.memref_slice %dma_start3A_492[%dma_start3A_493] : memref<512xi32, #tpu.memory_space<vmem>> -> memref<128xi32, #tpu.memory_space<vmem>>
      %dma_start3A_495 = arith.constant 0 : i32
      %dma_start3A_496 = tpu.memref_slice %arg3[%mul3A_447, %dma_start3A_495] : memref<1000012x16xf32, #tpu.memory_space<hbm>> -> memref<38462x16xf32, #tpu.memory_space<hbm>>
      %dma_start3A_497 = arith.constant 0 : i32
      %dma_start3A_498 = arith.constant 0 : i32
      %dma_start3A_499 = tpu.memref_slice %dma_start3A_496[%dma_start3A_497, %dma_start3A_498] : memref<38462x16xf32, #tpu.memory_space<hbm>> -> memref<38462x16xf32, #tpu.memory_space<hbm>>
      tpu.enqueue_indirect_dma source(%dma_start3A_499 : memref<38462x16xf32, #tpu.memory_space<hbm>>) target(%dma_start3A_489 : memref<128x16xf32, #tpu.memory_space<vmem>>) offsets(%dma_start3A_494 : memref<128xi32, #tpu.memory_space<vmem>>) semaphore(%arg10 : memref<!tpu.dma_semaphore, #tpu.memory_space<semaphore_mem>>)
      %dma_wait3A_500 = arith.constant 0 : i32
      %dma_wait3A_501 = arith.constant 0 : i32
      %dma_wait3A_502 = tpu.memref_slice %arg8[%dma_wait3A_501] : memref<8192xf32, #tpu.memory_space<vmem>> -> memref<4096xf32, #tpu.memory_space<vmem>>
      %dma_wait3A_503 = arith.constant 0 : i32
      %dma_wait3A_504 = tpu.memref_slice %arg4[%dma_wait3A_500, %dma_wait3A_503] : memref<26x262144xf32, #tpu.memory_space<hbm>> -> memref<1x4096xf32, #tpu.memory_space<hbm>>
      %dma_wait3A_505 = tpu.memref_squeeze %dma_wait3A_504 : memref<1x4096xf32, #tpu.memory_space<hbm>> -> memref<4096xf32, #tpu.memory_space<hbm>>
      %dma_wait3A_506 = arith.constant 0 : i32
      %dma_wait3A_507 = tpu.memref_slice %arg4[%dma_wait3A_500, %dma_wait3A_506] : memref<26x262144xf32, #tpu.memory_space<hbm>> -> memref<1x4096xf32, #tpu.memory_space<hbm>>
      %dma_wait3A_508 = tpu.memref_squeeze %dma_wait3A_507 : memref<1x4096xf32, #tpu.memory_space<hbm>> -> memref<4096xf32, #tpu.memory_space<hbm>>
      %dma_wait3A_509 = arith.constant 0 : i32
      %dma_wait3A_510 = tpu.memref_slice %arg8[%dma_wait3A_509] : memref<8192xf32, #tpu.memory_space<vmem>> -> memref<4096xf32, #tpu.memory_space<vmem>>
      tpu.wait_dma2 semaphore(%arg11 : memref<!tpu.dma_semaphore, #tpu.memory_space<semaphore_mem>>) src(%dma_wait3A_510 : memref<4096xf32, #tpu.memory_space<vmem>>) dst(%dma_wait3A_508 : memref<4096xf32, #tpu.memory_space<hbm>>)
      %dma_wait3A_511 = arith.constant 0 : i32
      %dma_wait3A_512 = arith.constant 0 : i32
      %dma_wait3A_513 = tpu.memref_slice %arg8[%dma_wait3A_512] : memref<8192xf32, #tpu.memory_space<vmem>> -> memref<4096xf32, #tpu.memory_space<vmem>>
      %dma_wait3A_514 = arith.constant 0 : i32
      %dma_wait3A_515 = tpu.memref_slice %arg4[%dma_wait3A_511, %dma_wait3A_514] : memref<26x262144xf32, #tpu.memory_space<hbm>> -> memref<1x4096xf32, #tpu.memory_space<hbm>>
      %dma_wait3A_516 = tpu.memref_squeeze %dma_wait3A_515 : memref<1x4096xf32, #tpu.memory_space<hbm>> -> memref<4096xf32, #tpu.memory_space<hbm>>
      %dma_wait3A_517 = arith.constant 0 : i32
      %dma_wait3A_518 = tpu.memref_slice %arg4[%dma_wait3A_511, %dma_wait3A_517] : memref<26x262144xf32, #tpu.memory_space<hbm>> -> memref<1x4096xf32, #tpu.memory_space<hbm>>
      %dma_wait3A_519 = tpu.memref_squeeze %dma_wait3A_518 : memref<1x4096xf32, #tpu.memory_space<hbm>> -> memref<4096xf32, #tpu.memory_space<hbm>>
      %dma_wait3A_520 = arith.constant 0 : i32
      %dma_wait3A_521 = tpu.memref_slice %arg8[%dma_wait3A_520] : memref<8192xf32, #tpu.memory_space<vmem>> -> memref<4096xf32, #tpu.memory_space<vmem>>
      tpu.wait_dma2 semaphore(%arg11 : memref<!tpu.dma_semaphore, #tpu.memory_space<semaphore_mem>>) src(%dma_wait3A_521 : memref<4096xf32, #tpu.memory_space<vmem>>) dst(%dma_wait3A_519 : memref<4096xf32, #tpu.memory_space<hbm>>)
      %parallel_loop3A_522 = arith.constant 0 : i32
      %parallel_loop3A_523 = arith.constant 512 : i32
      %parallel_loop3A_524 = arith.constant 1 : i32
      scf.for %parallel_loop3A_650 = %parallel_loop3A_522 to %parallel_loop3A_523 step %parallel_loop3A_524  : i32 {
        %parallel_loop3A_651 = arith.constant 128 : i32
        %parallel_loop3A_652 = arith.divsi %parallel_loop3A_650, %parallel_loop3A_651 : i32
        %parallel_loop3A_653 = arith.constant 0 : i32
        %parallel_loop3A_654 = arith.cmpi sgt, %parallel_loop3A_650, %parallel_loop3A_653 : i32
        %parallel_loop3A_655 = arith.extui %parallel_loop3A_654 : i1 to i32
        %parallel_loop3A_656 = arith.constant 0 : i32
        %parallel_loop3A_657 = arith.cmpi slt, %parallel_loop3A_650, %parallel_loop3A_656 : i32
        %parallel_loop3A_658 = arith.extui %parallel_loop3A_657 : i1 to i32
        %parallel_loop3A_659 = arith.subi %parallel_loop3A_655, %parallel_loop3A_658 : i32
        %parallel_loop3A_660 = arith.constant 0 : i32
        %parallel_loop3A_661 = arith.cmpi sgt, %parallel_loop3A_651, %parallel_loop3A_660 : i32
        %parallel_loop3A_662 = arith.extui %parallel_loop3A_661 : i1 to i32
        %parallel_loop3A_663 = arith.constant 0 : i32
        %parallel_loop3A_664 = arith.cmpi slt, %parallel_loop3A_651, %parallel_loop3A_663 : i32
        %parallel_loop3A_665 = arith.extui %parallel_loop3A_664 : i1 to i32
        %parallel_loop3A_666 = arith.subi %parallel_loop3A_662, %parallel_loop3A_665 : i32
        %parallel_loop3A_667 = arith.cmpi ne, %parallel_loop3A_659, %parallel_loop3A_666 : i32
        %parallel_loop3A_668 = arith.remsi %parallel_loop3A_650, %parallel_loop3A_651 : i32
        %parallel_loop3A_669 = arith.constant 0 : i32
        %parallel_loop3A_670 = arith.cmpi ne, %parallel_loop3A_668, %parallel_loop3A_669 : i32
        %parallel_loop3A_671 = arith.andi %parallel_loop3A_667, %parallel_loop3A_670 : i1
        %parallel_loop3A_672 = arith.constant 1 : i32
        %parallel_loop3A_673 = arith.subi %parallel_loop3A_652, %parallel_loop3A_672 : i32
        %parallel_loop3A_674 = arith.select %parallel_loop3A_671, %parallel_loop3A_673, %parallel_loop3A_652 : i32
        %parallel_loop3A_675 = arith.constant 1024 : i32
        %parallel_loop3A_676 = arith.muli %parallel_loop3A_674, %parallel_loop3A_675 : i32
        %parallel_loop3A_677 = arith.constant 128 : i32
        %parallel_loop3A_678 = arith.constant 0 : i32
        %parallel_loop3A_679 = arith.cmpi eq, %parallel_loop3A_677, %parallel_loop3A_678 : i32
        %parallel_loop3A_680 = arith.constant 1 : i32
        %parallel_loop3A_681 = arith.select %parallel_loop3A_679, %parallel_loop3A_680, %parallel_loop3A_677 : i32
        %parallel_loop3A_682 = arith.remsi %parallel_loop3A_650, %parallel_loop3A_681 : i32
        %parallel_loop3A_683 = arith.constant 0 : i32
        %parallel_loop3A_684 = arith.cmpi ne, %parallel_loop3A_682, %parallel_loop3A_683 : i32
        %parallel_loop3A_685 = arith.constant 0 : i32
        %parallel_loop3A_686 = arith.cmpi slt, %parallel_loop3A_682, %parallel_loop3A_685 : i32
        %parallel_loop3A_687 = arith.constant 0 : i32
        %parallel_loop3A_688 = arith.cmpi slt, %parallel_loop3A_681, %parallel_loop3A_687 : i32
        %parallel_loop3A_689 = arith.xori %parallel_loop3A_686, %parallel_loop3A_688 : i1
        %parallel_loop3A_690 = arith.andi %parallel_loop3A_689, %parallel_loop3A_684 : i1
        %parallel_loop3A_691 = arith.addi %parallel_loop3A_682, %parallel_loop3A_681 : i32
        %parallel_loop3A_692 = arith.select %parallel_loop3A_690, %parallel_loop3A_691, %parallel_loop3A_682 : i32
        %parallel_loop3A_693 = arith.addi %parallel_loop3A_676, %parallel_loop3A_692 : i32
        %parallel_loop3A_694 = arith.index_cast %parallel_loop3A_650 : i32 to index
        %parallel_loop3A_695 = arith.constant 0 : index
        %parallel_loop3A_696 = tpu.vector_load %arg6[%parallel_loop3A_694, %parallel_loop3A_695] {strides = array<i32>} : memref<512x16xf32, #tpu.memory_space<vmem>>, vector<16xf32>,
        %parallel_loop3A_697 = vector.broadcast %parallel_loop3A_693 : i32 to vector<16xi32>
        %parallel_loop3A_698 = arith.addi %add3A_13, %parallel_loop3A_697 : vector<16xi32>
        tpu.vector_store_idx %arg8[%parallel_loop3A_698], %parallel_loop3A_696 : memref<8192xf32, #tpu.memory_space<vmem>>[vector<16xi32>], vector<16xf32>,
      } {sc.loop_unroll_factor = 32 : i64, sc.parallel_access}
      %mul3A_525 = arith.constant 4096 : i32
      %mul3A_526 = arith.muli %add3A, %mul3A_525 : i32
      %add3A_527 = arith.constant 0 : i32
      %add3A_528 = arith.addi %add3A_527, %mul3A_526 : i32
      %dma_start3A_529 = arith.constant 0 : i32
      %dma_start3A_530 = tpu.memref_slice %arg8[%dma_start3A_529] : memref<8192xf32, #tpu.memory_space<vmem>> -> memref<4096xf32, #tpu.memory_space<vmem>>
      %dma_start3A_531 = tpu.memref_slice %arg4[%mul3A_395, %add3A_528] : memref<26x262144xf32, #tpu.memory_space<hbm>> -> memref<1x4096xf32, #tpu.memory_space<hbm>>
      %dma_start3A_532 = tpu.memref_squeeze %dma_start3A_531 : memref<1x4096xf32, #tpu.memory_space<hbm>> -> memref<4096xf32, #tpu.memory_space<hbm>>
      %dma_start3A_533 = tpu.memref_slice %arg4[%mul3A_395, %add3A_528] : memref<26x262144xf32, #tpu.memory_space<hbm>> -> memref<1x4096xf32, #tpu.memory_space<hbm>>
      %dma_start3A_534 = tpu.memref_squeeze %dma_start3A_533 : memref<1x4096xf32, #tpu.memory_space<hbm>> -> memref<4096xf32, #tpu.memory_space<hbm>>
      %dma_start3A_535 = arith.constant 0 : i32
      %dma_start3A_536 = tpu.memref_slice %arg8[%dma_start3A_535] : memref<8192xf32, #tpu.memory_space<vmem>> -> memref<4096xf32, #tpu.memory_space<vmem>>
      tpu.enqueue_dma source(%dma_start3A_536 : memref<4096xf32, #tpu.memory_space<vmem>>) target(%dma_start3A_534 : memref<4096xf32, #tpu.memory_space<hbm>>) target_semaphore(%arg11 : memref<!tpu.dma_semaphore, #tpu.memory_space<semaphore_mem>>)
      %mul3A_537 = arith.constant 4096 : i32
      %mul3A_538 = arith.muli %add3A, %mul3A_537 : i32
      %add3A_539 = arith.constant 131072 : i32
      %add3A_540 = arith.addi %add3A_539, %mul3A_538 : i32
      %dma_start3A_541 = arith.constant 4096 : i32
      %dma_start3A_542 = tpu.memref_slice %arg8[%dma_start3A_541] : memref<8192xf32, #tpu.memory_space<vmem>> -> memref<4096xf32, #tpu.memory_space<vmem>>
      %dma_start3A_543 = tpu.memref_slice %arg4[%mul3A_395, %add3A_540] : memref<26x262144xf32, #tpu.memory_space<hbm>> -> memref<1x4096xf32, #tpu.memory_space<hbm>>
      %dma_start3A_544 = tpu.memref_squeeze %dma_start3A_543 : memref<1x4096xf32, #tpu.memory_space<hbm>> -> memref<4096xf32, #tpu.memory_space<hbm>>
      %dma_start3A_545 = tpu.memref_slice %arg4[%mul3A_395, %add3A_540] : memref<26x262144xf32, #tpu.memory_space<hbm>> -> memref<1x4096xf32, #tpu.memory_space<hbm>>
      %dma_start3A_546 = tpu.memref_squeeze %dma_start3A_545 : memref<1x4096xf32, #tpu.memory_space<hbm>> -> memref<4096xf32, #tpu.memory_space<hbm>>
      %dma_start3A_547 = arith.constant 4096 : i32
      %dma_start3A_548 = tpu.memref_slice %arg8[%dma_start3A_547] : memref<8192xf32, #tpu.memory_space<vmem>> -> memref<4096xf32, #tpu.memory_space<vmem>>
      tpu.enqueue_dma source(%dma_start3A_548 : memref<4096xf32, #tpu.memory_space<vmem>>) target(%dma_start3A_546 : memref<4096xf32, #tpu.memory_space<hbm>>) target_semaphore(%arg11 : memref<!tpu.dma_semaphore, #tpu.memory_space<semaphore_mem>>)
      %dma_wait3A_549 = arith.constant 0 : i32
      %dma_wait3A_550 = arith.constant 0 : i32
      %dma_wait3A_551 = tpu.memref_slice %arg7[%dma_wait3A_549, %dma_wait3A_550] : memref<512x16xf32, #tpu.memory_space<vmem>> -> memref<128x16xf32, #tpu.memory_space<vmem>>
      %dma_wait3A_552 = arith.constant 0 : i32
      %dma_wait3A_553 = arith.constant 0 : i32
      %dma_wait3A_554 = tpu.memref_slice %arg3[%dma_wait3A_552, %dma_wait3A_553] : memref<1000012x16xf32, #tpu.memory_space<hbm>> -> memref<128x16xf32, #tpu.memory_space<hbm>>
      %dma_wait3A_555 = arith.constant 0 : i32
      %dma_wait3A_556 = arith.constant 0 : i32
      %dma_wait3A_557 = tpu.memref_slice %arg7[%dma_wait3A_555, %dma_wait3A_556] : memref<512x16xf32, #tpu.memory_space<vmem>> -> memref<128x16xf32, #tpu.memory_space<vmem>>
      %dma_wait3A_558 = arith.constant 0 : i32
      %dma_wait3A_559 = arith.constant 0 : i32
      %dma_wait3A_560 = tpu.memref_slice %arg3[%dma_wait3A_558, %dma_wait3A_559] : memref<1000012x16xf32, #tpu.memory_space<hbm>> -> memref<128x16xf32, #tpu.memory_space<hbm>>
      tpu.wait_dma2 semaphore(%arg10 : memref<!tpu.dma_semaphore, #tpu.memory_space<semaphore_mem>>) src(%dma_wait3A_560 : memref<128x16xf32, #tpu.memory_space<hbm>>) dst(%dma_wait3A_557 : memref<128x16xf32, #tpu.memory_space<vmem>>)
      %dma_wait3A_561 = arith.constant 128 : i32
      %dma_wait3A_562 = arith.constant 0 : i32
      %dma_wait3A_563 = tpu.memref_slice %arg7[%dma_wait3A_561, %dma_wait3A_562] : memref<512x16xf32, #tpu.memory_space<vmem>> -> memref<128x16xf32, #tpu.memory_space<vmem>>
      %dma_wait3A_564 = arith.constant 0 : i32
      %dma_wait3A_565 = arith.constant 0 : i32
      %dma_wait3A_566 = tpu.memref_slice %arg3[%dma_wait3A_564, %dma_wait3A_565] : memref<1000012x16xf32, #tpu.memory_space<hbm>> -> memref<128x16xf32, #tpu.memory_space<hbm>>
      %dma_wait3A_567 = arith.constant 128 : i32
      %dma_wait3A_568 = arith.constant 0 : i32
      %dma_wait3A_569 = tpu.memref_slice %arg7[%dma_wait3A_567, %dma_wait3A_568] : memref<512x16xf32, #tpu.memory_space<vmem>> -> memref<128x16xf32, #tpu.memory_space<vmem>>
      %dma_wait3A_570 = arith.constant 0 : i32
      %dma_wait3A_571 = arith.constant 0 : i32
      %dma_wait3A_572 = tpu.memref_slice %arg3[%dma_wait3A_570, %dma_wait3A_571] : memref<1000012x16xf32, #tpu.memory_space<hbm>> -> memref<128x16xf32, #tpu.memory_space<hbm>>
      tpu.wait_dma2 semaphore(%arg10 : memref<!tpu.dma_semaphore, #tpu.memory_space<semaphore_mem>>) src(%dma_wait3A_572 : memref<128x16xf32, #tpu.memory_space<hbm>>) dst(%dma_wait3A_569 : memref<128x16xf32, #tpu.memory_space<vmem>>)
      %dma_wait3A_573 = arith.constant 256 : i32
      %dma_wait3A_574 = arith.constant 0 : i32
      %dma_wait3A_575 = tpu.memref_slice %arg7[%dma_wait3A_573, %dma_wait3A_574] : memref<512x16xf32, #tpu.memory_space<vmem>> -> memref<128x16xf32, #tpu.memory_space<vmem>>
      %dma_wait3A_576 = arith.constant 0 : i32
      %dma_wait3A_577 = arith.constant 0 : i32
      %dma_wait3A_578 = tpu.memref_slice %arg3[%dma_wait3A_576, %dma_wait3A_577] : memref<1000012x16xf32, #tpu.memory_space<hbm>> -> memref<128x16xf32, #tpu.memory_space<hbm>>
      %dma_wait3A_579 = arith.constant 256 : i32
      %dma_wait3A_580 = arith.constant 0 : i32
      %dma_wait3A_581 = tpu.memref_slice %arg7[%dma_wait3A_579, %dma_wait3A_580] : memref<512x16xf32, #tpu.memory_space<vmem>> -> memref<128x16xf32, #tpu.memory_space<vmem>>
      %dma_wait3A_582 = arith.constant 0 : i32
      %dma_wait3A_583 = arith.constant 0 : i32
      %dma_wait3A_584 = tpu.memref_slice %arg3[%dma_wait3A_582, %dma_wait3A_583] : memref<1000012x16xf32, #tpu.memory_space<hbm>> -> memref<128x16xf32, #tpu.memory_space<hbm>>
      tpu.wait_dma2 semaphore(%arg10 : memref<!tpu.dma_semaphore, #tpu.memory_space<semaphore_mem>>) src(%dma_wait3A_584 : memref<128x16xf32, #tpu.memory_space<hbm>>) dst(%dma_wait3A_581 : memref<128x16xf32, #tpu.memory_space<vmem>>)
      %dma_wait3A_585 = arith.constant 384 : i32
      %dma_wait3A_586 = arith.constant 0 : i32
      %dma_wait3A_587 = tpu.memref_slice %arg7[%dma_wait3A_585, %dma_wait3A_586] : memref<512x16xf32, #tpu.memory_space<vmem>> -> memref<128x16xf32, #tpu.memory_space<vmem>>
      %dma_wait3A_588 = arith.constant 0 : i32
      %dma_wait3A_589 = arith.constant 0 : i32
      %dma_wait3A_590 = tpu.memref_slice %arg3[%dma_wait3A_588, %dma_wait3A_589] : memref<1000012x16xf32, #tpu.memory_space<hbm>> -> memref<128x16xf32, #tpu.memory_space<hbm>>
      %dma_wait3A_591 = arith.constant 384 : i32
      %dma_wait3A_592 = arith.constant 0 : i32
      %dma_wait3A_593 = tpu.memref_slice %arg7[%dma_wait3A_591, %dma_wait3A_592] : memref<512x16xf32, #tpu.memory_space<vmem>> -> memref<128x16xf32, #tpu.memory_space<vmem>>
      %dma_wait3A_594 = arith.constant 0 : i32
      %dma_wait3A_595 = arith.constant 0 : i32
      %dma_wait3A_596 = tpu.memref_slice %arg3[%dma_wait3A_594, %dma_wait3A_595] : memref<1000012x16xf32, #tpu.memory_space<hbm>> -> memref<128x16xf32, #tpu.memory_space<hbm>>
      tpu.wait_dma2 semaphore(%arg10 : memref<!tpu.dma_semaphore, #tpu.memory_space<semaphore_mem>>) src(%dma_wait3A_596 : memref<128x16xf32, #tpu.memory_space<hbm>>) dst(%dma_wait3A_593 : memref<128x16xf32, #tpu.memory_space<vmem>>)
      %lt3A = arith.constant 12 : i32
      %lt3A_597 = arith.cmpi slt, %scan3A_393, %lt3A : i32
      %convert_element_type3A = arith.extui %lt3A_597 : i1 to i32
      %cond3A = arith.constant 0 : i32
      %cond3A_598 = arith.cmpi ne, %convert_element_type3A, %cond3A : i32
      scf.if %cond3A_598 {
        %add3A_650 = arith.constant 2 : i32
        %add3A_651 = arith.addi %mul3A_395, %add3A_650 : i32
        %mul3A_652 = arith.constant 38462 : i32
        %mul3A_653 = arith.muli %add3A_651, %mul3A_652 : i32
        %dma_start3A_654 = arith.constant 0 : i32
        %dma_start3A_655 = arith.constant 0 : i32
        %dma_start3A_656 = tpu.memref_slice %arg6[%dma_start3A_654, %dma_start3A_655] : memref<512x16xf32, #tpu.memory_space<vmem>> -> memref<128x16xf32, #tpu.memory_space<vmem>>
        %dma_start3A_657 = arith.constant 0 : i32
        %dma_start3A_658 = tpu.memref_slice %arg5[%add3A_651, %dma_start3A_657] : memref<26x512xi32, #tpu.memory_space<vmem>> -> memref<1x512xi32, #tpu.memory_space<vmem>>
        %dma_start3A_659 = tpu.memref_squeeze %dma_start3A_658 : memref<1x512xi32, #tpu.memory_space<vmem>> -> memref<512xi32, #tpu.memory_space<vmem>>
        %dma_start3A_660 = arith.constant 0 : i32
        %dma_start3A_661 = tpu.memref_slice %dma_start3A_659[%dma_start3A_660] : memref<512xi32, #tpu.memory_space<vmem>> -> memref<128xi32, #tpu.memory_space<vmem>>
        %dma_start3A_662 = arith.constant 0 : i32
        %dma_start3A_663 = tpu.memref_slice %arg3[%mul3A_653, %dma_start3A_662] : memref<1000012x16xf32, #tpu.memory_space<hbm>> -> memref<38462x16xf32, #tpu.memory_space<hbm>>
        %dma_start3A_664 = arith.constant 0 : i32
        %dma_start3A_665 = arith.constant 0 : i32
        %dma_start3A_666 = tpu.memref_slice %dma_start3A_663[%dma_start3A_664, %dma_start3A_665] : memref<38462x16xf32, #tpu.memory_space<hbm>> -> memref<38462x16xf32, #tpu.memory_space<hbm>>
        tpu.enqueue_indirect_dma source(%dma_start3A_666 : memref<38462x16xf32, #tpu.memory_space<hbm>>) target(%dma_start3A_656 : memref<128x16xf32, #tpu.memory_space<vmem>>) offsets(%dma_start3A_661 : memref<128xi32, #tpu.memory_space<vmem>>) semaphore(%arg10 : memref<!tpu.dma_semaphore, #tpu.memory_space<semaphore_mem>>)
        %dma_start3A_667 = arith.constant 128 : i32
        %dma_start3A_668 = arith.constant 0 : i32
        %dma_start3A_669 = tpu.memref_slice %arg6[%dma_start3A_667, %dma_start3A_668] : memref<512x16xf32, #tpu.memory_space<vmem>> -> memref<128x16xf32, #tpu.memory_space<vmem>>
        %dma_start3A_670 = arith.constant 0 : i32
        %dma_start3A_671 = tpu.memref_slice %arg5[%add3A_651, %dma_start3A_670] : memref<26x512xi32, #tpu.memory_space<vmem>> -> memref<1x512xi32, #tpu.memory_space<vmem>>
        %dma_start3A_672 = tpu.memref_squeeze %dma_start3A_671 : memref<1x512xi32, #tpu.memory_space<vmem>> -> memref<512xi32, #tpu.memory_space<vmem>>
        %dma_start3A_673 = arith.constant 128 : i32
        %dma_start3A_674 = tpu.memref_slice %dma_start3A_672[%dma_start3A_673] : memref<512xi32, #tpu.memory_space<vmem>> -> memref<128xi32, #tpu.memory_space<vmem>>
        %dma_start3A_675 = arith.constant 0 : i32
        %dma_start3A_676 = tpu.memref_slice %arg3[%mul3A_653, %dma_start3A_675] : memref<1000012x16xf32, #tpu.memory_space<hbm>> -> memref<38462x16xf32, #tpu.memory_space<hbm>>
        %dma_start3A_677 = arith.constant 0 : i32
        %dma_start3A_678 = arith.constant 0 : i32
        %dma_start3A_679 = tpu.memref_slice %dma_start3A_676[%dma_start3A_677, %dma_start3A_678] : memref<38462x16xf32, #tpu.memory_space<hbm>> -> memref<38462x16xf32, #tpu.memory_space<hbm>>
        tpu.enqueue_indirect_dma source(%dma_start3A_679 : memref<38462x16xf32, #tpu.memory_space<hbm>>) target(%dma_start3A_669 : memref<128x16xf32, #tpu.memory_space<vmem>>) offsets(%dma_start3A_674 : memref<128xi32, #tpu.memory_space<vmem>>) semaphore(%arg10 : memref<!tpu.dma_semaphore, #tpu.memory_space<semaphore_mem>>)
        %dma_start3A_680 = arith.constant 256 : i32
        %dma_start3A_681 = arith.constant 0 : i32
        %dma_start3A_682 = tpu.memref_slice %arg6[%dma_start3A_680, %dma_start3A_681] : memref<512x16xf32, #tpu.memory_space<vmem>> -> memref<128x16xf32, #tpu.memory_space<vmem>>
        %dma_start3A_683 = arith.constant 0 : i32
        %dma_start3A_684 = tpu.memref_slice %arg5[%add3A_651, %dma_start3A_683] : memref<26x512xi32, #tpu.memory_space<vmem>> -> memref<1x512xi32, #tpu.memory_space<vmem>>
        %dma_start3A_685 = tpu.memref_squeeze %dma_start3A_684 : memref<1x512xi32, #tpu.memory_space<vmem>> -> memref<512xi32, #tpu.memory_space<vmem>>
        %dma_start3A_686 = arith.constant 256 : i32
        %dma_start3A_687 = tpu.memref_slice %dma_start3A_685[%dma_start3A_686] : memref<512xi32, #tpu.memory_space<vmem>> -> memref<128xi32, #tpu.memory_space<vmem>>
        %dma_start3A_688 = arith.constant 0 : i32
        %dma_start3A_689 = tpu.memref_slice %arg3[%mul3A_653, %dma_start3A_688] : memref<1000012x16xf32, #tpu.memory_space<hbm>> -> memref<38462x16xf32, #tpu.memory_space<hbm>>
        %dma_start3A_690 = arith.constant 0 : i32
        %dma_start3A_691 = arith.constant 0 : i32
        %dma_start3A_692 = tpu.memref_slice %dma_start3A_689[%dma_start3A_690, %dma_start3A_691] : memref<38462x16xf32, #tpu.memory_space<hbm>> -> memref<38462x16xf32, #tpu.memory_space<hbm>>
        tpu.enqueue_indirect_dma source(%dma_start3A_692 : memref<38462x16xf32, #tpu.memory_space<hbm>>) target(%dma_start3A_682 : memref<128x16xf32, #tpu.memory_space<vmem>>) offsets(%dma_start3A_687 : memref<128xi32, #tpu.memory_space<vmem>>) semaphore(%arg10 : memref<!tpu.dma_semaphore, #tpu.memory_space<semaphore_mem>>)
        %dma_start3A_693 = arith.constant 384 : i32
        %dma_start3A_694 = arith.constant 0 : i32
        %dma_start3A_695 = tpu.memref_slice %arg6[%dma_start3A_693, %dma_start3A_694] : memref<512x16xf32, #tpu.memory_space<vmem>> -> memref<128x16xf32, #tpu.memory_space<vmem>>
        %dma_start3A_696 = arith.constant 0 : i32
        %dma_start3A_697 = tpu.memref_slice %arg5[%add3A_651, %dma_start3A_696] : memref<26x512xi32, #tpu.memory_space<vmem>> -> memref<1x512xi32, #tpu.memory_space<vmem>>
        %dma_start3A_698 = tpu.memref_squeeze %dma_start3A_697 : memref<1x512xi32, #tpu.memory_space<vmem>> -> memref<512xi32, #tpu.memory_space<vmem>>
        %dma_start3A_699 = arith.constant 384 : i32
        %dma_start3A_700 = tpu.memref_slice %dma_start3A_698[%dma_start3A_699] : memref<512xi32, #tpu.memory_space<vmem>> -> memref<128xi32, #tpu.memory_space<vmem>>
        %dma_start3A_701 = arith.constant 0 : i32
        %dma_start3A_702 = tpu.memref_slice %arg3[%mul3A_653, %dma_start3A_701] : memref<1000012x16xf32, #tpu.memory_space<hbm>> -> memref<38462x16xf32, #tpu.memory_space<hbm>>
        %dma_start3A_703 = arith.constant 0 : i32
        %dma_start3A_704 = arith.constant 0 : i32
        %dma_start3A_705 = tpu.memref_slice %dma_start3A_702[%dma_start3A_703, %dma_start3A_704] : memref<38462x16xf32, #tpu.memory_space<hbm>> -> memref<38462x16xf32, #tpu.memory_space<hbm>>
        tpu.enqueue_indirect_dma source(%dma_start3A_705 : memref<38462x16xf32, #tpu.memory_space<hbm>>) target(%dma_start3A_695 : memref<128x16xf32, #tpu.memory_space<vmem>>) offsets(%dma_start3A_700 : memref<128xi32, #tpu.memory_space<vmem>>) semaphore(%arg10 : memref<!tpu.dma_semaphore, #tpu.memory_space<semaphore_mem>>)
      } else {
      }
      %dma_wait3A_599 = arith.constant 0 : i32
      %dma_wait3A_600 = arith.constant 0 : i32
      %dma_wait3A_601 = tpu.memref_slice %arg8[%dma_wait3A_600] : memref<8192xf32, #tpu.memory_space<vmem>> -> memref<4096xf32, #tpu.memory_space<vmem>>
      %dma_wait3A_602 = arith.constant 0 : i32
      %dma_wait3A_603 = tpu.memref_slice %arg4[%dma_wait3A_599, %dma_wait3A_602] : memref<26x262144xf32, #tpu.memory_space<hbm>> -> memref<1x4096xf32, #tpu.memory_space<hbm>>
      %dma_wait3A_604 = tpu.memref_squeeze %dma_wait3A_603 : memref<1x4096xf32, #tpu.memory_space<hbm>> -> memref<4096xf32, #tpu.memory_space<hbm>>
      %dma_wait3A_605 = arith.constant 0 : i32
      %dma_wait3A_606 = tpu.memref_slice %arg4[%dma_wait3A_599, %dma_wait3A_605] : memref<26x262144xf32, #tpu.memory_space<hbm>> -> memref<1x4096xf32, #tpu.memory_space<hbm>>
      %dma_wait3A_607 = tpu.memref_squeeze %dma_wait3A_606 : memref<1x4096xf32, #tpu.memory_space<hbm>> -> memref<4096xf32, #tpu.memory_space<hbm>>
      %dma_wait3A_608 = arith.constant 0 : i32
      %dma_wait3A_609 = tpu.memref_slice %arg8[%dma_wait3A_608] : memref<8192xf32, #tpu.memory_space<vmem>> -> memref<4096xf32, #tpu.memory_space<vmem>>
      tpu.wait_dma2 semaphore(%arg12 : memref<!tpu.dma_semaphore, #tpu.memory_space<semaphore_mem>>) src(%dma_wait3A_609 : memref<4096xf32, #tpu.memory_space<vmem>>) dst(%dma_wait3A_607 : memref<4096xf32, #tpu.memory_space<hbm>>)
      %dma_wait3A_610 = arith.constant 0 : i32
      %dma_wait3A_611 = arith.constant 0 : i32
      %dma_wait3A_612 = tpu.memref_slice %arg8[%dma_wait3A_611] : memref<8192xf32, #tpu.memory_space<vmem>> -> memref<4096xf32, #tpu.memory_space<vmem>>
      %dma_wait3A_613 = arith.constant 0 : i32
      %dma_wait3A_614 = tpu.memref_slice %arg4[%dma_wait3A_610, %dma_wait3A_613] : memref<26x262144xf32, #tpu.memory_space<hbm>> -> memref<1x4096xf32, #tpu.memory_space<hbm>>
      %dma_wait3A_615 = tpu.memref_squeeze %dma_wait3A_614 : memref<1x4096xf32, #tpu.memory_space<hbm>> -> memref<4096xf32, #tpu.memory_space<hbm>>
      %dma_wait3A_616 = arith.constant 0 : i32
      %dma_wait3A_617 = tpu.memref_slice %arg4[%dma_wait3A_610, %dma_wait3A_616] : memref<26x262144xf32, #tpu.memory_space<hbm>> -> memref<1x4096xf32, #tpu.memory_space<hbm>>
      %dma_wait3A_618 = tpu.memref_squeeze %dma_wait3A_617 : memref<1x4096xf32, #tpu.memory_space<hbm>> -> memref<4096xf32, #tpu.memory_space<hbm>>
      %dma_wait3A_619 = arith.constant 0 : i32
      %dma_wait3A_620 = tpu.memref_slice %arg8[%dma_wait3A_619] : memref<8192xf32, #tpu.memory_space<vmem>> -> memref<4096xf32, #tpu.memory_space<vmem>>
      tpu.wait_dma2 semaphore(%arg12 : memref<!tpu.dma_semaphore, #tpu.memory_space<semaphore_mem>>) src(%dma_wait3A_620 : memref<4096xf32, #tpu.memory_space<vmem>>) dst(%dma_wait3A_618 : memref<4096xf32, #tpu.memory_space<hbm>>)
      %parallel_loop3A_621 = arith.constant 0 : i32
      %parallel_loop3A_622 = arith.constant 512 : i32
      %parallel_loop3A_623 = arith.constant 1 : i32
      scf.for %parallel_loop3A_650 = %parallel_loop3A_621 to %parallel_loop3A_622 step %parallel_loop3A_623  : i32 {
        %parallel_loop3A_651 = arith.constant 128 : i32
        %parallel_loop3A_652 = arith.divsi %parallel_loop3A_650, %parallel_loop3A_651 : i32
        %parallel_loop3A_653 = arith.constant 0 : i32
        %parallel_loop3A_654 = arith.cmpi sgt, %parallel_loop3A_650, %parallel_loop3A_653 : i32
        %parallel_loop3A_655 = arith.extui %parallel_loop3A_654 : i1 to i32
        %parallel_loop3A_656 = arith.constant 0 : i32
        %parallel_loop3A_657 = arith.cmpi slt, %parallel_loop3A_650, %parallel_loop3A_656 : i32
        %parallel_loop3A_658 = arith.extui %parallel_loop3A_657 : i1 to i32
        %parallel_loop3A_659 = arith.subi %parallel_loop3A_655, %parallel_loop3A_658 : i32
        %parallel_loop3A_660 = arith.constant 0 : i32
        %parallel_loop3A_661 = arith.cmpi sgt, %parallel_loop3A_651, %parallel_loop3A_660 : i32
        %parallel_loop3A_662 = arith.extui %parallel_loop3A_661 : i1 to i32
        %parallel_loop3A_663 = arith.constant 0 : i32
        %parallel_loop3A_664 = arith.cmpi slt, %parallel_loop3A_651, %parallel_loop3A_663 : i32
        %parallel_loop3A_665 = arith.extui %parallel_loop3A_664 : i1 to i32
        %parallel_loop3A_666 = arith.subi %parallel_loop3A_662, %parallel_loop3A_665 : i32
        %parallel_loop3A_667 = arith.cmpi ne, %parallel_loop3A_659, %parallel_loop3A_666 : i32
        %parallel_loop3A_668 = arith.remsi %parallel_loop3A_650, %parallel_loop3A_651 : i32
        %parallel_loop3A_669 = arith.constant 0 : i32
        %parallel_loop3A_670 = arith.cmpi ne, %parallel_loop3A_668, %parallel_loop3A_669 : i32
        %parallel_loop3A_671 = arith.andi %parallel_loop3A_667, %parallel_loop3A_670 : i1
        %parallel_loop3A_672 = arith.constant 1 : i32
        %parallel_loop3A_673 = arith.subi %parallel_loop3A_652, %parallel_loop3A_672 : i32
        %parallel_loop3A_674 = arith.select %parallel_loop3A_671, %parallel_loop3A_673, %parallel_loop3A_652 : i32
        %parallel_loop3A_675 = arith.constant 1024 : i32
        %parallel_loop3A_676 = arith.muli %parallel_loop3A_674, %parallel_loop3A_675 : i32
        %parallel_loop3A_677 = arith.constant 128 : i32
        %parallel_loop3A_678 = arith.constant 0 : i32
        %parallel_loop3A_679 = arith.cmpi eq, %parallel_loop3A_677, %parallel_loop3A_678 : i32
        %parallel_loop3A_680 = arith.constant 1 : i32
        %parallel_loop3A_681 = arith.select %parallel_loop3A_679, %parallel_loop3A_680, %parallel_loop3A_677 : i32
        %parallel_loop3A_682 = arith.remsi %parallel_loop3A_650, %parallel_loop3A_681 : i32
        %parallel_loop3A_683 = arith.constant 0 : i32
        %parallel_loop3A_684 = arith.cmpi ne, %parallel_loop3A_682, %parallel_loop3A_683 : i32
        %parallel_loop3A_685 = arith.constant 0 : i32
        %parallel_loop3A_686 = arith.cmpi slt, %parallel_loop3A_682, %parallel_loop3A_685 : i32
        %parallel_loop3A_687 = arith.constant 0 : i32
        %parallel_loop3A_688 = arith.cmpi slt, %parallel_loop3A_681, %parallel_loop3A_687 : i32
        %parallel_loop3A_689 = arith.xori %parallel_loop3A_686, %parallel_loop3A_688 : i1
        %parallel_loop3A_690 = arith.andi %parallel_loop3A_689, %parallel_loop3A_684 : i1
        %parallel_loop3A_691 = arith.addi %parallel_loop3A_682, %parallel_loop3A_681 : i32
        %parallel_loop3A_692 = arith.select %parallel_loop3A_690, %parallel_loop3A_691, %parallel_loop3A_682 : i32
        %parallel_loop3A_693 = arith.addi %parallel_loop3A_676, %parallel_loop3A_692 : i32
        %parallel_loop3A_694 = arith.index_cast %parallel_loop3A_650 : i32 to index
        %parallel_loop3A_695 = arith.constant 0 : index
        %parallel_loop3A_696 = tpu.vector_load %arg7[%parallel_loop3A_694, %parallel_loop3A_695] {strides = array<i32>} : memref<512x16xf32, #tpu.memory_space<vmem>>, vector<16xf32>,
        %parallel_loop3A_697 = vector.broadcast %parallel_loop3A_693 : i32 to vector<16xi32>
        %parallel_loop3A_698 = arith.addi %add3A_13, %parallel_loop3A_697 : vector<16xi32>
        tpu.vector_store_idx %arg9[%parallel_loop3A_698], %parallel_loop3A_696 : memref<8192xf32, #tpu.memory_space<vmem>>[vector<16xi32>], vector<16xf32>,
      } {sc.loop_unroll_factor = 32 : i64, sc.parallel_access}
      %add3A_624 = arith.constant 1 : i32
      %add3A_625 = arith.addi %mul3A_395, %add3A_624 : i32
      %mul3A_626 = arith.constant 4096 : i32
      %mul3A_627 = arith.muli %add3A, %mul3A_626 : i32
      %add3A_628 = arith.constant 0 : i32
      %add3A_629 = arith.addi %add3A_628, %mul3A_627 : i32
      %dma_start3A_630 = arith.constant 0 : i32
      %dma_start3A_631 = tpu.memref_slice %arg9[%dma_start3A_630] : memref<8192xf32, #tpu.memory_space<vmem>> -> memref<4096xf32, #tpu.memory_space<vmem>>
      %dma_start3A_632 = tpu.memref_slice %arg4[%add3A_625, %add3A_629] : memref<26x262144xf32, #tpu.memory_space<hbm>> -> memref<1x4096xf32, #tpu.memory_space<hbm>>
      %dma_start3A_633 = tpu.memref_squeeze %dma_start3A_632 : memref<1x4096xf32, #tpu.memory_space<hbm>> -> memref<4096xf32, #tpu.memory_space<hbm>>
      %dma_start3A_634 = tpu.memref_slice %arg4[%add3A_625, %add3A_629] : memref<26x262144xf32, #tpu.memory_space<hbm>> -> memref<1x4096xf32, #tpu.memory_space<hbm>>
      %dma_start3A_635 = tpu.memref_squeeze %dma_start3A_634 : memref<1x4096xf32, #tpu.memory_space<hbm>> -> memref<4096xf32, #tpu.memory_space<hbm>>
      %dma_start3A_636 = arith.constant 0 : i32
      %dma_start3A_637 = tpu.memref_slice %arg9[%dma_start3A_636] : memref<8192xf32, #tpu.memory_space<vmem>> -> memref<4096xf32, #tpu.memory_space<vmem>>
      tpu.enqueue_dma source(%dma_start3A_637 : memref<4096xf32, #tpu.memory_space<vmem>>) target(%dma_start3A_635 : memref<4096xf32, #tpu.memory_space<hbm>>) target_semaphore(%arg12 : memref<!tpu.dma_semaphore, #tpu.memory_space<semaphore_mem>>)
      %mul3A_638 = arith.constant 4096 : i32
      %mul3A_639 = arith.muli %add3A, %mul3A_638 : i32
      %add3A_640 = arith.constant 131072 : i32
      %add3A_641 = arith.addi %add3A_640, %mul3A_639 : i32
      %dma_start3A_642 = arith.constant 4096 : i32
      %dma_start3A_643 = tpu.memref_slice %arg9[%dma_start3A_642] : memref<8192xf32, #tpu.memory_space<vmem>> -> memref<4096xf32, #tpu.memory_space<vmem>>
      %dma_start3A_644 = tpu.memref_slice %arg4[%add3A_625, %add3A_641] : memref<26x262144xf32, #tpu.memory_space<hbm>> -> memref<1x4096xf32, #tpu.memory_space<hbm>>
      %dma_start3A_645 = tpu.memref_squeeze %dma_start3A_644 : memref<1x4096xf32, #tpu.memory_space<hbm>> -> memref<4096xf32, #tpu.memory_space<hbm>>
      %dma_start3A_646 = tpu.memref_slice %arg4[%add3A_625, %add3A_641] : memref<26x262144xf32, #tpu.memory_space<hbm>> -> memref<1x4096xf32, #tpu.memory_space<hbm>>
      %dma_start3A_647 = tpu.memref_squeeze %dma_start3A_646 : memref<1x4096xf32, #tpu.memory_space<hbm>> -> memref<4096xf32, #tpu.memory_space<hbm>>
      %dma_start3A_648 = arith.constant 4096 : i32
      %dma_start3A_649 = tpu.memref_slice %arg9[%dma_start3A_648] : memref<8192xf32, #tpu.memory_space<vmem>> -> memref<4096xf32, #tpu.memory_space<vmem>>
      tpu.enqueue_dma source(%dma_start3A_649 : memref<4096xf32, #tpu.memory_space<vmem>>) target(%dma_start3A_647 : memref<4096xf32, #tpu.memory_space<hbm>>) target_semaphore(%arg12 : memref<!tpu.dma_semaphore, #tpu.memory_space<semaphore_mem>>)
    }
    %scan3A_348 = arith.constant 12 : i32
    %dma_wait3A_349 = arith.constant 0 : i32
    %dma_wait3A_350 = arith.constant 0 : i32
    %dma_wait3A_351 = tpu.memref_slice %arg8[%dma_wait3A_350] : memref<8192xf32, #tpu.memory_space<vmem>> -> memref<4096xf32, #tpu.memory_space<vmem>>
    %dma_wait3A_352 = arith.constant 0 : i32
    %dma_wait3A_353 = tpu.memref_slice %arg4[%dma_wait3A_349, %dma_wait3A_352] : memref<26x262144xf32, #tpu.memory_space<hbm>> -> memref<1x4096xf32, #tpu.memory_space<hbm>>
    %dma_wait3A_354 = tpu.memref_squeeze %dma_wait3A_353 : memref<1x4096xf32, #tpu.memory_space<hbm>> -> memref<4096xf32, #tpu.memory_space<hbm>>
    %dma_wait3A_355 = arith.constant 0 : i32
    %dma_wait3A_356 = tpu.memref_slice %arg4[%dma_wait3A_349, %dma_wait3A_355] : memref<26x262144xf32, #tpu.memory_space<hbm>> -> memref<1x4096xf32, #tpu.memory_space<hbm>>
    %dma_wait3A_357 = tpu.memref_squeeze %dma_wait3A_356 : memref<1x4096xf32, #tpu.memory_space<hbm>> -> memref<4096xf32, #tpu.memory_space<hbm>>
    %dma_wait3A_358 = arith.constant 0 : i32
    %dma_wait3A_359 = tpu.memref_slice %arg8[%dma_wait3A_358] : memref<8192xf32, #tpu.memory_space<vmem>> -> memref<4096xf32, #tpu.memory_space<vmem>>
    tpu.wait_dma2 semaphore(%arg11 : memref<!tpu.dma_semaphore, #tpu.memory_space<semaphore_mem>>) src(%dma_wait3A_359 : memref<4096xf32, #tpu.memory_space<vmem>>) dst(%dma_wait3A_357 : memref<4096xf32, #tpu.memory_space<hbm>>)
    %dma_wait3A_360 = arith.constant 0 : i32
    %dma_wait3A_361 = arith.constant 0 : i32
    %dma_wait3A_362 = tpu.memref_slice %arg8[%dma_wait3A_361] : memref<8192xf32, #tpu.memory_space<vmem>> -> memref<4096xf32, #tpu.memory_space<vmem>>
    %dma_wait3A_363 = arith.constant 0 : i32
    %dma_wait3A_364 = tpu.memref_slice %arg4[%dma_wait3A_360, %dma_wait3A_363] : memref<26x262144xf32, #tpu.memory_space<hbm>> -> memref<1x4096xf32, #tpu.memory_space<hbm>>
    %dma_wait3A_365 = tpu.memref_squeeze %dma_wait3A_364 : memref<1x4096xf32, #tpu.memory_space<hbm>> -> memref<4096xf32, #tpu.memory_space<hbm>>
    %dma_wait3A_366 = arith.constant 0 : i32
    %dma_wait3A_367 = tpu.memref_slice %arg4[%dma_wait3A_360, %dma_wait3A_366] : memref<26x262144xf32, #tpu.memory_space<hbm>> -> memref<1x4096xf32, #tpu.memory_space<hbm>>
    %dma_wait3A_368 = tpu.memref_squeeze %dma_wait3A_367 : memref<1x4096xf32, #tpu.memory_space<hbm>> -> memref<4096xf32, #tpu.memory_space<hbm>>
    %dma_wait3A_369 = arith.constant 0 : i32
    %dma_wait3A_370 = tpu.memref_slice %arg8[%dma_wait3A_369] : memref<8192xf32, #tpu.memory_space<vmem>> -> memref<4096xf32, #tpu.memory_space<vmem>>
    tpu.wait_dma2 semaphore(%arg11 : memref<!tpu.dma_semaphore, #tpu.memory_space<semaphore_mem>>) src(%dma_wait3A_370 : memref<4096xf32, #tpu.memory_space<vmem>>) dst(%dma_wait3A_368 : memref<4096xf32, #tpu.memory_space<hbm>>)
    %dma_wait3A_371 = arith.constant 0 : i32
    %dma_wait3A_372 = arith.constant 0 : i32
    %dma_wait3A_373 = tpu.memref_slice %arg8[%dma_wait3A_372] : memref<8192xf32, #tpu.memory_space<vmem>> -> memref<4096xf32, #tpu.memory_space<vmem>>
    %dma_wait3A_374 = arith.constant 0 : i32
    %dma_wait3A_375 = tpu.memref_slice %arg4[%dma_wait3A_371, %dma_wait3A_374] : memref<26x262144xf32, #tpu.memory_space<hbm>> -> memref<1x4096xf32, #tpu.memory_space<hbm>>
    %dma_wait3A_376 = tpu.memref_squeeze %dma_wait3A_375 : memref<1x4096xf32, #tpu.memory_space<hbm>> -> memref<4096xf32, #tpu.memory_space<hbm>>
    %dma_wait3A_377 = arith.constant 0 : i32
    %dma_wait3A_378 = tpu.memref_slice %arg4[%dma_wait3A_371, %dma_wait3A_377] : memref<26x262144xf32, #tpu.memory_space<hbm>> -> memref<1x4096xf32, #tpu.memory_space<hbm>>
    %dma_wait3A_379 = tpu.memref_squeeze %dma_wait3A_378 : memref<1x4096xf32, #tpu.memory_space<hbm>> -> memref<4096xf32, #tpu.memory_space<hbm>>
    %dma_wait3A_380 = arith.constant 0 : i32
    %dma_wait3A_381 = tpu.memref_slice %arg8[%dma_wait3A_380] : memref<8192xf32, #tpu.memory_space<vmem>> -> memref<4096xf32, #tpu.memory_space<vmem>>
    tpu.wait_dma2 semaphore(%arg12 : memref<!tpu.dma_semaphore, #tpu.memory_space<semaphore_mem>>) src(%dma_wait3A_381 : memref<4096xf32, #tpu.memory_space<vmem>>) dst(%dma_wait3A_379 : memref<4096xf32, #tpu.memory_space<hbm>>)
    %dma_wait3A_382 = arith.constant 0 : i32
    %dma_wait3A_383 = arith.constant 0 : i32
    %dma_wait3A_384 = tpu.memref_slice %arg8[%dma_wait3A_383] : memref<8192xf32, #tpu.memory_space<vmem>> -> memref<4096xf32, #tpu.memory_space<vmem>>
    %dma_wait3A_385 = arith.constant 0 : i32
    %dma_wait3A_386 = tpu.memref_slice %arg4[%dma_wait3A_382, %dma_wait3A_385] : memref<26x262144xf32, #tpu.memory_space<hbm>> -> memref<1x4096xf32, #tpu.memory_space<hbm>>
    %dma_wait3A_387 = tpu.memref_squeeze %dma_wait3A_386 : memref<1x4096xf32, #tpu.memory_space<hbm>> -> memref<4096xf32, #tpu.memory_space<hbm>>
    %dma_wait3A_388 = arith.constant 0 : i32
    %dma_wait3A_389 = tpu.memref_slice %arg4[%dma_wait3A_382, %dma_wait3A_388] : memref<26x262144xf32, #tpu.memory_space<hbm>> -> memref<1x4096xf32, #tpu.memory_space<hbm>>
    %dma_wait3A_390 = tpu.memref_squeeze %dma_wait3A_389 : memref<1x4096xf32, #tpu.memory_space<hbm>> -> memref<4096xf32, #tpu.memory_space<hbm>>
    %dma_wait3A_391 = arith.constant 0 : i32
    %dma_wait3A_392 = tpu.memref_slice %arg8[%dma_wait3A_391] : memref<8192xf32, #tpu.memory_space<vmem>> -> memref<4096xf32, #tpu.memory_space<vmem>>
    tpu.wait_dma2 semaphore(%arg12 : memref<!tpu.dma_semaphore, #tpu.memory_space<semaphore_mem>>) src(%dma_wait3A_392 : memref<4096xf32, #tpu.memory_space<vmem>>) dst(%dma_wait3A_390 : memref<4096xf32, #tpu.memory_space<hbm>>)
    return
  }
}

</mosaic_0001>

<sc_bundles>
// kernel: kernel.4.cloned.1.call-start
scs
__scs_entry_jumppad:
0x0: {  	(pc) =	sbr.rel $0x88, $3  }
0x1: {  	(tag) =	ssettag $0x0;
	lr =	simm.s32 $0x1  }
0x2: {  	[smem:$0x3F9F] =	sst lr;
	_ =	strace $0xD0000000  }
0x3: {  	_ = 	snop  }
0x4: {  	_ = 	snop  }
0x5: {  	_ = 	snop  }
0x6: {  	_ = 	snop  }
0x7: {  	_ = 	snop  }
__scs_overlays_trampoline_lowered:
0x8: {  	[smem:$0x3FAE] =	sst s0  }
0x9: {  	[smem:$0x3FAF] =	sst s1  }
0xa: {  	[smem:$0x3FB0] =	sst s2  }
0xb: {  	[smem:$0x3FB1] =	sst s3  }
0xc: {  	[smem:$0x3FB2] =	sst s4  }
0xd: {  	[smem:$0x3FB3] =	sst s5  }
0xe: {  	[smem:$0x3FB4] =	sst s6  }
0xf: {  	[smem:$0x3FB5] =	sst s7  }
0x10: {  	[smem:$0x3FB6] =	sst s8  }
0x11: {  	[smem:$0x3FB7] =	sst s9;
	s0 =	simm.s32 @!p0 $0x0  }
0x12: {  	s1 =	sld [smem:$0x3F9D];
	s0 =	simm.s32 @p0 $0x1  }
0x13: {  	[smem:$0x3FB8] =	sst s0;
	s0 =	simm.s32 @!p1 $0x0  }
0x14: {  	s2 =	sld [smem:$0x3F9C];
	s0 =	simm.s32 @p1 $0x1  }
0x15: {  	[smem:$0x3FB9] =	sst s0;
	s0 =	simm.s32 @!p2 $0x0  }
0x16: {  	s3 =	sld [smem:$0x3FDB];
	s0 =	simm.s32 @p2 $0x1  }
0x17: {  	s4 =	simm.s32 $0x1BF5;
	[smem:$0x3FBB] =	sst s0  }
0x18: {  	s0 =	sld [smem:$0x3F9E];
	_ =	swait.ge [sflag:s4], $0x0  }
0x19: {  	s7 =	sld [smem:$0x3F9F]  }
0x1a: {  	s8 =	sadd.s32 $0xFFFFE003, lr  }
0x1b: {  	s9 =	sadd.s32 $0xFFFFFEF7, lr;
	s5 =	simm.s32 $0xFFFFFFFF;
	p2 =	slt.u32 s8, $0xFFFFF086  }
0x1c: {  	p1 =	slt.u32 s9, $0xF7A;
	s5 =	simm.s32 @!p2 $0x0  }
0x1d: {  	s5 =	simm.s32 @p1 $0x1;
	p0 =	seq.s32 s7, s2  }
0x1e: {  	s7 =	smul.u32 @!p0 $0xF7A, s2;
	p2 =	seq.s32 @!p0 s5, $0x0  }
0x1f: {  	s9 =	smul.u32 $0xF7A, s1;
	s8 =	simm.s32 @!p0 $0x1BF5;
	p2 =	por !p2, p0  }
0x20: {  	[sflag:s8] =	ssyncset.s32 @!p0 $0xFFFFF086;
	s6 =	sadd.s32 @!p0 s3, s7;
	s7 =	simm.s32 @!p0 $0x108  }
0x21: {  	s3 =	sadd.s32 s3, s9;
	s6 =	sadd.s32 @!p0 $0x88, s6;
	s7 =	simm.s32 @p2 $0x1082  }
0x22: {  	[simem:s7], [sflag:s8] =	dma.local @!p0 [hbm:s6], $0xF7A  }
0x23: {  	s9 =	sor.u32 $0xD0000000, s2;
	s6 =	simm.s32 $0x108;
	_ =	swait.ge @!p0 [sflag:s8], $0x0  }
0x24: {  	s3 =	sadd.s32 $0x88, s3;
	s6 =	simm.s32 @!p1 $0x1082;
	[sflag:s4] =	ssyncset.s32 $0xFFFFF086  }
0x25: {  	[simem:s6], [sflag:s4] =	dma.local [hbm:s3], $0xF7A  }
0x26: {  	[smem:$0x3F9F] =	sst s1;
	(tag) =	ssettag s2;
	_ =	strace s9  }
0x27: {  	s1 =	sld [smem:$0x3FAF]  }
0x28: {  	s2 =	sld [smem:$0x3FB0]  }
0x29: {  	s4 =	sld [smem:$0x3FB2]  }
0x2a: {  	p0 =	seq.s32 s5, $0x0;
	s5 =	sld [smem:$0x3FB3]  }
0x2b: {  	s6 =	sld [smem:$0x3FB4]  }
0x2c: {  	s7 =	sld [smem:$0x3FB5]  }
0x2d: {  	s3 =	simm.s32 $0x108;
	s8 =	sld [smem:$0x3FB6]  }
0x2e: {  	s3 =	simm.s32 @!p0 $0x1082;
	s9 =	sld [smem:$0x3FB7]  }
0x2f: {  	lr =	sadd.s32 s0, s3;
	s0 =	sld [smem:$0x3FAE]  }
0x30: {  	s3 =	sld [smem:$0x3FB1]  }
0x31: {  	[smem:$0x3FBA] =	sst s10  }
0x32: {  	s10 =	sld [smem:$0x3FB8];
	_ =	sdelay $0x3  }
0x33: {  	p0 =	seq.s32 s10, $0x1;
	s10 =	sld [smem:$0x3FBA];
	_ =	sdelay $0x3  }
0x34: {  	[smem:$0x3FBA] =	sst s10  }
0x35: {  	s10 =	sld [smem:$0x3FB9];
	_ =	sdelay $0x3  }
0x36: {  	p1 =	seq.s32 s10, $0x1;
	s10 =	sld [smem:$0x3FBA];
	_ =	sdelay $0x3  }
0x37: {  	[smem:$0x3FBA] =	sst s10  }
0x38: {  	s10 =	sld [smem:$0x3FBB]  }
0x39: {  	_ = 	snop;
	(pc) =	sbr.ind lr, $3  }
0x3a: {  	_ = 	snop  }
0x3b: {  	_ = 	snop  }
0x3c: {  	p2 =	seq.s32 s10, $0x1;
	s10 =	sld [smem:$0x3FBA]  }
0x3d: {  	_ =	shalt  }
0x3e: {  	_ =	shalt  }
0x3f: {  	_ =	shalt  }
0x40: {  	_ =	shalt  }
0x41: {  	_ =	shalt  }
0x42: {  	_ =	shalt  }
0x43: {  	_ =	shalt  }
0x44: {  	_ =	shalt  }
0x45: {  	_ =	shalt  }
0x46: {  	_ =	shalt  }
0x47: {  	_ =	shalt  }
0x48: {  	_ =	shalt  }
0x49: {  	_ =	shalt  }
0x4a: {  	_ =	shalt  }
0x4b: {  	_ =	shalt  }
0x4c: {  	_ =	shalt  }
0x4d: {  	_ =	shalt  }
0x4e: {  	_ =	shalt  }
0x4f: {  	_ =	shalt  }
0x50: {  	_ =	shalt  }
0x51: {  	_ =	shalt  }
0x52: {  	_ =	shalt  }
0x53: {  	_ =	shalt  }
0x54: {  	_ =	shalt  }
0x55: {  	_ =	shalt  }
0x56: {  	_ =	shalt  }
0x57: {  	_ =	shalt  }
0x58: {  	_ =	shalt  }
0x59: {  	_ =	shalt  }
0x5a: {  	_ =	shalt  }
0x5b: {  	_ =	shalt  }
0x5c: {  	_ =	shalt  }
0x5d: {  	_ =	shalt  }
0x5e: {  	_ =	shalt  }
0x5f: {  	_ =	shalt  }
0x60: {  	_ =	shalt  }
0x61: {  	_ =	shalt  }
0x62: {  	_ =	shalt  }
0x63: {  	_ =	shalt  }
0x64: {  	_ =	shalt  }
0x65: {  	_ =	shalt  }
0x66: {  	_ =	shalt  }
0x67: {  	_ =	shalt  }
0x68: {  	_ =	shalt  }
0x69: {  	_ =	shalt  }
0x6a: {  	_ =	shalt  }
0x6b: {  	_ =	shalt  }
0x6c: {  	_ =	shalt  }
0x6d: {  	_ =	shalt  }
0x6e: {  	_ =	shalt  }
0x6f: {  	_ =	shalt  }
0x70: {  	_ =	shalt  }
0x71: {  	_ =	shalt  }
0x72: {  	_ =	shalt  }
0x73: {  	_ =	shalt  }
0x74: {  	_ =	shalt  }
0x75: {  	_ =	shalt  }
0x76: {  	_ =	shalt  }
0x77: {  	_ =	shalt  }
0x78: {  	_ =	shalt  }
0x79: {  	_ =	shalt  }
0x7a: {  	_ =	shalt  }
0x7b: {  	_ =	shalt  }
0x7c: {  	_ =	shalt  }
0x7d: {  	_ =	shalt  }
0x7e: {  	_ =	shalt  }
0x7f: {  	_ =	shalt  }
0x80: {  	_ =	shalt  }
0x81: {  	_ =	shalt  }
0x82: {  	_ =	shalt  }
0x83: {  	_ =	shalt  }
0x84: {  	_ =	shalt  }
0x85: {  	_ =	shalt  }
0x86: {  	_ =	shalt  }
0x87: {  	_ =	shalt  }
.Lfunc_end0:
.L_simem_size_0:
called_computation_lowered:
.L_overlay_start_0:
0x88: {  	s2 =	sld [smem:$0x3FD9]  }
0x89: {  	s3 =	sld [smem:$0x3FFE];
	_ =	sdelay $0x1  }
0x8a: {  	s1 =	srdreg.scid  }
0x8b: {  	s0 =	sand.u32 $0x1, s1  }
0x8c: {  	s17 =	sshll.u32 s0, $0xA;
	s2 =	sadd.s32 s3, s2  }
0x8d: {  	s2 =	sadd.s32 s2, s17  }
0x8e: {  	[smem:$0x3FC6] =	sst s2  }
0x8f: {  	_ = 	snop  }
0x90: {  	s2 =	sld [smem:$0x3FC8]  }
0x91: {  	s18 =	sld [smem:$0x3FD0];
	(tm) =	ssettm $0x1  }
0x92: {  	s4 =	sld [smem:$0x3FFB];
	_ =	sdelay $0x3  }
0x93: {  	_ =	strace s4  }
0x94: {  	s4 =	sld [smem:$0x3FFC];
	_ =	sdelay $0x3  }
0x95: {  	_ =	strace s4  }
0x96: {  	s4 =	sld [smem:$0x3FFD];
	_ =	sdelay $0x3  }
0x97: {  	_ =	strace s4  }
0x98: {  	_ =	strace $0x8FFFFFFF  }
0x99: {  	s19 =	sld [smem:$0x3FDB];
	_ =	sdelay $0x1  }
0x9a: {  	s5 =	simm.s32 $_scs_section_size  }
0x9b: {  	s6 =	simm.s32 $_size__tile_overlayer_lowered;
	s7 =	simm.s32 $_tile_overlayer_lowered  }
0x9c: {  	s22 =	simm.s32 $0x1BFF;
	s21 =	sshll.u32 s7, $0x1;
	s4 =	sadd.s32 s5, s19  }
0x9d: {  	s8 =	simm.s32 $0x0;
	s20 =	sshll.u32 s6, $0x1;
	s6 =	sadd.s32 s21, s4  }
0x9e: {  	[timem:s8], [sflag:s22] =	dma.local [hbm:s6], s20  }
0x9f: {  	_ =	swait.ge [sflag:s22], s20  }
0xa0: {  	s5 =	ssub.s32 $0x0, s20;
	[sflag:s22] =	ssyncset.done $0x0  }
0xa1: {  	[sflag:s22] =	ssyncadd.s32 s5;
	_ =	sdelay $0x1  }
0xa2: {  	s23 =	simm.s32 $0x1B8B  }
0xa3: {  	_ =	swait.ge [sflag:s23], $0x1  }
0xa4: {  	[sflag:s23] =	ssyncset.done $0x0  }
0xa5: {  	s25 =	simm.s32 $0x1B8E;
	s24 =	sld [smem:$0x3FFE];
	[sflag:s23] =	ssyncadd.s32 $0xFFFFFFFF  }
0xa6: {  	s26 =	simm.s32 $execute0_lowered;
	[smem:$0x3FD2] =	sst s25  }
0xa7: {  	s6 =	sshll.u32 s26, $0x1;
	_ =	strace $0x80000046;
	[dreg:$0x1] =	wrdreg $0xFFFFFFFF  }
0xa8: {  	s28 =	simm.s32 $_size_execute0_lowered;
	s4 =	sadd.s32 s4, s6;
	[dreg:$0x0] =	wrdreg $0x0  }
0xa9: {  	s6 =	sshll.u32 s28, $0x1;
	[dreg:$0x2] =	wrdreg s4  }
0xaa: {  	[dreg:$0x3] =	wrdreg s6  }
0xab: {  	[dreg:$0x4] =	wrdreg $0xC0  }
0xac: {  	_ =	task [dreg:s8], $0x5FFFF  }
0xad: {  	[dreg:$0x1] =	wrdreg $0xFFFFFFFF  }
0xae: {  	[dreg:$0x0] =	wrdreg $0x60  }
0xaf: {  	[dreg:$0x2] =	wrdreg s2  }
0xb0: {  	[dreg:$0x3] =	wrdreg s18  }
0xb1: {  	[dreg:$0x4] =	wrdreg s24  }
0xb2: {  	[dreg:$0x5] =	wrdreg $0x9  }
0xb3: {  	_ =	task.clear_ibuf [dreg:s8], $0x6FFFF;
	_ =	strace $0x90000046  }
0xb4: {  	s29 =	simm.s32 $0x9;
	_ =	strace $0x80000048  }
0xb5: {  	_ =	swait.ge [sflag:s29], $0x1  }
0xb6: {  	[sflag:s29] =	ssyncadd.s32 $0xFFFFFFFF  }
0xb7: {  	_ =	strace $0x90000048  }
0xb8: {  	_ =	sfence  }
0xb9: {  	s30 =	sld [smem:$0x0];
	_ =	sdelay $0x2  }
0xba: {  	s31 =	sshll.u32 s1, $0xD;
	s1 =	sshrl.u32 s1, $0x2  }
0xbb: {  	s3 =	sand.u32 $0x4000, s31;
	s1 =	sadd.s32 s1, s30  }
0xbc: {  	s0 =	sor.u32 s3, s0;
	s1 =	sshll.u32 s1, $0x11  }
0xbd: {  	s0 =	sor.u32 s1, s0  }
0xbe: {  	s0 =	sadd.s32 $0x8F2B, s0  }
0xbf: {  	[sflag:s0] =	ssyncadd.remote.s32 $0x1  }
0xc0: {  	_ =	sfence.sel $0xFFFF  }
0xc1: {  	[dreg:$0x0] =	wrdreg $0xFFFFFFFF;
	(pc) =	sbr.abs _section_cstart, $3  }
0xc2: {  	[dreg:$0x1] =	wrdreg $0xFFFFFFFF  }
0xc3: {  	_ =	task.clear_ibuf [dreg:s8], $0x2FFFF;
	_ =	strace $0x9FFFFFFF  }
0xc4: {  	(tm) =	ssettm $0x7FFFFFFF  }
0xc5: {  	_ =	shalt  }
tec
execute0_lowered:
.L_overlay_start_1:
0x0: {  	(tag) =	ssettag $0x1  }
0x1: {  	s5 =	rddreg [dreg:$0x0];
	s0 =	srdreg.scid  }
0x2: {  	s1 =	stileid.u32;
	s2 =	rddreg [dreg:$0x2];
	s4 =	simm.s32 $0x0  }
0x3: {  	s30 =	simm.s32 $0x1;
	s31 =	simm.s32 $0x1000;
	s0 =	sand.u32 $0x1, s0  }
0x4: {  	s3 =	sshll.u32 s1, $0x1;
	[smem:$0x7FF] =	sst s4;
	s11 =	sadd.s32 $0xA00, s2  }
0x5: {  	s13 =	sadd.s32 $0x1E8E00, s2;
	s9 =	sadd.s32 $0xF4280, s5;
	s3 =	sor.u32 s0, s3  }
0x6: {  	s2 =	sadd.s32 $0xB00, s2;
	s0 =	ssub.s32 $0x2, s0;
	s10 =	smul.u32 $0xF400, s3  }
0x7: {  	_ =	strace $0x80000047;
	[dreg:$0x4] =	wrdreg s13;
	s6 =	smul.u32 $0xF4, s3  }
0x8: {  	[dreg:$0x10] =	wrdreg s2;
	s7 =	smul.u32 $0x3D000, s3;
	s17 =	sadd.s32 s11, s10  }
0x9: {  	s23 =	sor.u32 $0x1E80, s3;
	s22 =	sor.u32 $0x2, s6;
	[dreg:$0x9] =	wrdreg s17  }
0xa: {  	s25 =	sshll.u32 s23, $0x7;
	s24 =	sor.u32 $0x3, s6;
	[dreg:$0xf] =	wrdreg s22  }
0xb: {  	s8 =	sshrl.u32 s0, $0x1;
	s26 =	sadd.s32 s5, s25;
	[dreg:$0x11] =	wrdreg s24  }
0xc: {  	s28 =	sshll.u32 s23, $0x8;
	s2 =	sadd.s32 s25, s9;
	[dreg:$0x12] =	wrdreg s26  }
0xd: {  	s0 =	ssub.s32 s0, s8;
	s29 =	sadd.s32 s11, s28;
	[dreg:$0x13] =	wrdreg s2  }
0xe: {  	s7 =	sshrl.u32 s7, $0x3;
	s0 =	smax.u32 s0, $0x1;
	[dreg:$0x14] =	wrdreg s29  }
0xf: {  	s14 =	sor.u32 $0x1, s6;
	s12 =	sadd.s32 s5, s7;
	[dreg:$0x15] =	wrdreg s0  }
0x10: {  	s15 =	sshll.u32 s14, $0x7;
	s13 =	sadd.s32 $0xF4280, s12;
	[dreg:$0x5] =	wrdreg s12  }
0x11: {  	p1 =	sgt.u32 s1, $0x1;
	s16 =	sadd.s32 s5, s15;
	[dreg:$0x6] =	wrdreg s13  }
0x12: {  	p0 =	sne.s32 s3, $0x0;
	s8 =	sadd.s32 s15, s9;
	[dreg:$0x7] =	wrdreg s16  }
0x13: {  	s3 =	simm.s32 $0x3;
	s18 =	sadd.s32 $0x100, s12;
	[dreg:$0x8] =	wrdreg s8  }
0x14: {  	s7 =	sshll.u32 s14, $0x8;
	s19 =	sadd.s32 $0xF4380, s12;
	[dreg:$0xa] =	wrdreg s18  }
.Ltmp0:
0x15: {  	s7 =	sadd.s32 s11, s7;
	[dreg:$0xb] =	wrdreg s19;
	(pc) =	sbr.rel .LBB2_1-.Ltmp0, $4  }
0x16: {  	v0 =	vlaneseq.u32;
	s2 =	simm.s32 $0x2;
	s20 =	sadd.s32 $0x180, s12;
	[dreg:$0xc] =	wrdreg s7  }
0x17: {  	v0 =	vmul.u32 $0x10, v0;
	s0 =	simm.s32 $0x1800;
	s21 =	sadd.s32 $0xF4400, s12;
	[dreg:$0xd] =	wrdreg s20  }
0x18: {  	s22 =	simm.s32 $0x4;
	[dreg:$0xe] =	wrdreg s21;
	s20 =	smov.u32 s6  }
0x19: {  	v1 =	vor.u32 $0x8, v0;
	s19 =	smov.u32 s5;
	s21 =	smov.u32 s11;
	s6 =	simm.s32 $0x0  }
.LBB2_15:
0x1a: {  	s6 =	sadd.s32 $0x1, s6;
	s1 =	rddreg [dreg:$0x15]  }
0x1b: {  	p2 =	sne.s32 s6, s1  }
.Ltmp1:
0x1c: {  	_ = 	snop;
	(pc) =	sbr.rel @!p2 .LBB2_16-.Ltmp1, $1  }
0x1d: {  	_ =	sdelay $0x3  }
.LBB2_1:
0x1e: {  	s7 =	simm.s32 @!p0 $0x0  }
0x1f: {  	s8 =	simm.s32 @!p0 $0x2000;
	s1 =	rddreg [dreg:$0x1];
	s10 =	simm.s32 @!p0 $0x5  }
0x20: {  	[tilespmem:s8], [sflag:$0x5] =	stream.linear.gather @!p0 [hbm4b:s1+s7], $0x500, $0x38;
	[tilespmem:$0x2500] =	vst v63  }
0x21: {  	_ =	swait.ge @!p0 [sflag:s10], $0x500  }
0x22: {  	[sflag:s10] =	ssyncset.done @!p0 $0x0  }
0x23: {  	s1 =	rddreg [dreg:$0x4];
	[sflag:s10] =	ssyncadd.s32 @!p0 $0xFFFFFB00  }
0x24: {  	[hbm4b:s1+s7] =	stream.linear.scatter @!p0 [tilespmem:s8], [sflag:$0x5], $0x4C0, $0x38;
	[tilespmem:$0x2500] =	vst v63  }
0x25: {  	_ =	swait.ge @!p0 [sflag:s10], $0x4C0  }
0x26: {  	[sflag:s10] =	ssyncset.done @!p0 $0x0  }
0x27: {  	s25 =	rddreg [dreg:$0x5];
	[sflag:s10] =	ssyncadd.s32 @!p0 $0xFFFFFB40  }
0x28: {  	[tilespmem:s4], [sflag:$0x1] =	stream.linear.gather [hbm4b:s25+s4], $0x400, $0x38;
	[tilespmem:$0x2500] =	vst v63  }
0x29: {  	s5 =	simm.s32 $0x400;
	s26 =	rddreg [dreg:$0x6]  }
0x2a: {  	[tilespmem:s5], [sflag:$0x1] =	stream.linear.gather [hbm4b:s26+s4], $0x400, $0x38;
	[tilespmem:$0x2500] =	vst v63  }
0x2b: {  	s29 =	simm.s32 $0x800;
	s28 =	rddreg [dreg:$0x7]  }
0x2c: {  	[tilespmem:s29], [sflag:$0x2] =	stream.linear.gather [hbm4b:s28+s4], $0x400, $0x38;
	[tilespmem:$0x2500] =	vst v63  }
0x2d: {  	s7 =	simm.s32 $0xC00;
	s5 =	rddreg [dreg:$0x8]  }
0x2e: {  	[tilespmem:s7], [sflag:$0x2] =	stream.linear.gather [hbm4b:s5+s4], $0x400, $0x38;
	[tilespmem:$0x2500] =	vst v63  }
0x2f: {  	_ =	swait.ge [sflag:s30], $0x400  }
0x30: {  	[sflag:s30] =	ssyncset.done $0x0  }
0x31: {  	[sflag:s30] =	ssyncadd.s32 $0xFFFFFC00  }
0x32: {  	_ =	swait.ge [sflag:s30], $0x400  }
0x33: {  	[sflag:s30] =	ssyncset.done $0x0  }
0x34: {  	s8 =	simm.s32 $0x80;
	[sflag:s30] =	ssyncadd.s32 $0xFFFFFC00  }
0x35: {  	v2 =	vld [tilespmem:s8+$0xFFFFFFE0]  }
0x36: {  	v3 =	vld [tilespmem:s8+$0xFFFFFF80]  }
0x37: {  	s16 =	simm.s32 $0x100;
	v4 =	vld [tilespmem:s8+$0xFFFFFF90]  }
0x38: {  	v5 =	vor.u32 s16, v0;
	s26 =	simm.s32 $0x0;
	v6 =	vld [tilespmem:s8+$0x50]  }
0x39: {  	s12 =	simm.s32 $0x701;
	v9 =	vor.u32 s26, v0;
	v8 =	vld [tilespmem:s8+$0x70]  }
0x3a: {  	s14 =	simm.s32 $0x601;
	v7 =	vor.u32 s12, v0;
	v10 =	vld [tilespmem:s8+$0x60]  }
0x3b: {  	s11 =	simm.s32 $0x300;
	v11 =	vor.u32 s14, v0;
	v12 =	vld [tilespmem:s8+$0xFFFFFFB0]  }
0x3c: {  	s15 =	simm.s32 $0x400;
	v13 =	vor.u32 s11, v0;
	v14 =	vld [tilespmem:s8+$0xFFFFFFC0]  }
0x3d: {  	s17 =	simm.s32 $0x501;
	v15 =	vor.u32 s15, v0;
	[tilespmem:v5+s31+$0x0] =	vst.idx.msk $0xffff, v4;
	v4 =	vld [tilespmem:s8+$0x40]  }
0x3e: {  	s13 =	simm.s32 $0x600;
	v5 =	vor.u32 s17, v0;
	[tilespmem:v9+s31+$0x0] =	vst.idx.msk $0xffff, v3;
	v3 =	vld [tilespmem:s8+$0x30]  }
0x3f: {  	s18 =	simm.s32 $0x401;
	[tilespmem:v7+s31+$0x0] =	vst.idx.msk $0xffff, v8;
	v7 =	vor.u32 s13, v0;
	v9 =	vld [tilespmem:s8+$0x20]  }
0x40: {  	s23 =	simm.s32 $0x301;
	v8 =	vor.u32 s18, v0;
	[tilespmem:v11+s31+$0x0] =	vst.idx.msk $0xffff, v10;
	v11 =	vld [tilespmem:s8+$0x10]  }
0x41: {  	s24 =	simm.s32 $0x201;
	v10 =	vor.u32 s23, v0;
	[tilespmem:v13+s31+$0x0] =	vst.idx.msk $0xffff, v12;
	v13 =	vld [tilespmem:s8+$0x0]  }
0x42: {  	s25 =	simm.s32 $0x101;
	s7 =	simm.s32 $0x480;
	v12 =	vor.u32 s24, v0;
	[tilespmem:v15+s31+$0x0] =	vst.idx.msk $0xffff, v14;
	v14 =	vld [tilespmem:s8+$0xFFFFFFF0]  }
0x43: {  	v15 =	vor.u32 s25, v0;
	v16 =	vld [tilespmem:s7+$0xFFFFFF90];
	[tilespmem:v5+s31+$0x0] =	vst.idx.msk $0xffff, v6  }
0x44: {  	v20 =	vor.u32 s12, v1;
	s28 =	simm.s32 $0x1;
	v19 =	vld [tilespmem:s7+$0x70];
	[tilespmem:v7+s31+$0x0] =	vst.idx.msk $0xffff, v2  }
0x45: {  	v17 =	vld [tilespmem:s7+$0xFFFFFFC0];
	v2 =	vor.u32 s28, v0;
	[tilespmem:v8+s31+$0x0] =	vst.idx.msk $0xffff, v4  }
0x46: {  	s29 =	simm.s32 $0x700;
	v6 =	vld [tilespmem:s8+$0xFFFFFFD0];
	v5 =	vor.u32 s16, v1;
	[tilespmem:v10+s31+$0x0] =	vst.idx.msk $0xffff, v3  }
0x47: {  	s10 =	simm.s32 $0x500;
	v8 =	vld [tilespmem:s8+$0xFFFFFFA0];
	v4 =	vor.u32 s29, v0;
	[tilespmem:v12+s31+$0x0] =	vst.idx.msk $0xffff, v9  }
0x48: {  	v3 =	vor.u32 s10, v0;
	[tilespmem:v15+s31+$0x0] =	vst.idx.msk $0xffff, v11;
	v7 =	vld [tilespmem:s7+$0x50]  }
0x49: {  	v9 =	vor.u32 s18, v1;
	v10 =	vld [tilespmem:s7+$0x40];
	[tilespmem:v20+s31+$0x0] =	vst.idx.msk $0xffff, v19  }
0x4a: {  	v11 =	vor.u32 s23, v1;
	v12 =	vld [tilespmem:s7+$0x30];
	[tilespmem:v2+s31+$0x0] =	vst.idx.msk $0xffff, v13;
	v13 =	vor.u32 s17, v1;
	s17 =	simm.s32 $0x200  }
0x4b: {  	v2 =	vld [tilespmem:s7+$0x60];
	[tilespmem:v5+s31+$0x0] =	vst.idx.msk $0xffff, v16;
	v15 =	vor.u32 s17, v0  }
0x4c: {  	v5 =	vld [tilespmem:s7+$0xFFFFFFE0];
	[tilespmem:v4+s31+$0x0] =	vst.idx.msk $0xffff, v14  }
0x4d: {  	v18 =	vor.u32 s28, v1;
	[tilespmem:v3+s31+$0x0] =	vst.idx.msk $0xffff, v6;
	v14 =	vld [tilespmem:s7+$0x0]  }
0x4e: {  	v6 =	vld [tilespmem:s7+$0xFFFFFFB0];
	[tilespmem:v9+s31+$0x0] =	vst.idx.msk $0xffff, v10;
	v10 =	vor.u32 s15, v1  }
0x4f: {  	v16 =	vor.u32 s14, v1;
	[tilespmem:v11+s31+$0x0] =	vst.idx.msk $0xffff, v12;
	v4 =	vld [tilespmem:s7+$0xFFFFFFD0]  }
0x50: {  	v9 =	vld [tilespmem:s7+$0x20];
	[tilespmem:v15+s31+$0x0] =	vst.idx.msk $0xffff, v8;
	v15 =	vor.u32 s11, v1  }
0x51: {  	v12 =	vor.u32 s13, v1;
	[tilespmem:v13+s31+$0x0] =	vst.idx.msk $0xffff, v7;
	v7 =	vld [tilespmem:s7+$0xFFFFFF80]  }
0x52: {  	v13 =	vor.u32 s26, v1;
	v8 =	vld [tilespmem:s7+$0x10];
	[tilespmem:v18+s31+$0x0] =	vst.idx.msk $0xffff, v14  }
0x53: {  	[tilespmem:v10+s31+$0x0] =	vst.idx.msk $0xffff, v17;
	v10 =	vld [tilespmem:s7+$0xFFFFFFF0];
	v14 =	vor.u32 s25, v1  }
0x54: {  	s12 =	simm.s32 $0x703;
	v3 =	vor.u32 s24, v1;
	s13 =	simm.s32 $0x180;
	[tilespmem:v16+s31+$0x0] =	vst.idx.msk $0xffff, v2;
	v2 =	vor.u32 s29, v1;
	s11 =	simm.s32 $0x0;
	v11 =	vld [tilespmem:s7+$0xFFFFFFA0]  }
.LBB2_2:
0x55: {  	v16 =	vld [tilespmem:s13+$0xFFFFFFE0];
	s15 =	sadd.s32 $0xFFFFFF00, s12;
	v17 =	vor.u32 s12, v0;
	s11 =	sadd.s32 $0x10, s11;
	[tilespmem:v15+s31+$0x0] =	vst.idx.msk $0xffff, v6;
	v6 =	vor.u32 s10, v1;
	s7 =	sadd.s32 $0x100, s7  }
0x56: {  	s8 =	sadd.s32 $0xFFFFFE00, s12;
	v19 =	vor.u32 s17, v1;
	v15 =	vld [tilespmem:s13+$0xFFFFFF80];
	v18 =	vor.u32 s15, v0;
	p2 =	slt.u32 s11, $0x30;
	[tilespmem:v12+s31+$0x0] =	vst.idx.msk $0xffff, v5  }
0x57: {  	s17 =	sadd.s32 $0xFFFFF9FF, s12;
	v12 =	vor.u32 s8, v0;
	v5 =	vld [tilespmem:s13+$0xFFFFFF90];
	[tilespmem:v13+s31+$0x0] =	vst.idx.msk $0xffff, v7  }
0x58: {  	s14 =	sadd.s32 $0xFFFFF8FF, s12;
	v7 =	vor.u32 s17, v0;
	v13 =	vld [tilespmem:s13+$0x50];
	[tilespmem:v14+s31+$0x0] =	vst.idx.msk $0xffff, v8  }
0x59: {  	s10 =	sadd.s32 $0xFFFFFDFF, s12;
	v8 =	vor.u32 s14, v0;
	v14 =	vld [tilespmem:s13+$0x70];
	[tilespmem:v3+s31+$0x0] =	vst.idx.msk $0xffff, v9  }
0x5a: {  	s16 =	sadd.s32 $0xFFFFFBFF, s12;
	v9 =	vor.u32 s10, v0;
	v3 =	vld [tilespmem:s13+$0x60];
	[tilespmem:v2+s31+$0x0] =	vst.idx.msk $0xffff, v10  }
0x5b: {  	s23 =	sadd.s32 $0xFFFFFCFF, s12;
	v2 =	vor.u32 s16, v0;
	v10 =	vld [tilespmem:s13+$0xFFFFFFB0];
	[tilespmem:v19+s31+$0x0] =	vst.idx.msk $0xffff, v11  }
0x5c: {  	s18 =	sadd.s32 $0xFFFFFEFF, s12;
	v11 =	vor.u32 s23, v0;
	v19 =	vld [tilespmem:s13+$0xFFFFFFC0];
	[tilespmem:v6+s31+$0x0] =	vst.idx.msk $0xffff, v4  }
0x5d: {  	s25 =	sadd.s32 $0xFFFFFD00, s12;
	v4 =	vor.u32 s18, v0;
	[tilespmem:v7+s31+$0x0] =	vst.idx.msk $0xffff, v5;
	v5 =	vld [tilespmem:s13+$0x40]  }
0x5e: {  	s28 =	sadd.s32 $0xFFFFFC00, s12;
	v7 =	vor.u32 s25, v0;
	v6 =	vld [tilespmem:s7+$0xFFFFFF90];
	[tilespmem:v17+s31+$0x0] =	vst.idx.msk $0xffff, v14  }
0x5f: {  	s29 =	sadd.s32 $0xFFFFFB00, s12;
	[tilespmem:v8+s31+$0x0] =	vst.idx.msk $0xffff, v15;
	v8 =	vor.u32 s28, v0;
	v14 =	vld [tilespmem:s13+$0x30]  }
0x60: {  	v15 =	vor.u32 s29, v0;
	v17 =	vld [tilespmem:s13+$0x20];
	[tilespmem:v18+s31+$0x0] =	vst.idx.msk $0xffff, v3  }
0x61: {  	[tilespmem:v2+s31+$0x0] =	vst.idx.msk $0xffff, v10;
	v10 =	vld [tilespmem:s13+$0x10]  }
0x62: {  	s24 =	sadd.s32 $0xFFFFFA00, s12;
	[tilespmem:v11+s31+$0x0] =	vst.idx.msk $0xffff, v19;
	v11 =	vld [tilespmem:s13+$0x0]  }
0x63: {  	s26 =	sadd.s32 $0xFFFFF900, s12;
	v19 =	vor.u32 s24, v0;
	v18 =	vld [tilespmem:s13+$0xFFFFFFF0];
	[tilespmem:v12+s31+$0x0] =	vst.idx.msk $0xffff, v13  }
0x64: {  	v12 =	vor.u32 s25, v1;
	[tilespmem:v4+s31+$0x0] =	vst.idx.msk $0xffff, v16;
	v4 =	vor.u32 s26, v0;
	v13 =	vld [tilespmem:s7+$0x50]  }
0x65: {  	v21 =	vor.u32 s28, v1;
	v16 =	vor.u32 s17, v1;
	s17 =	sadd.s32 $0xFFFFFFFF, s12;
	v20 =	vld [tilespmem:s13+$0xFFFFFFD0];
	[tilespmem:v7+s31+$0x0] =	vst.idx.msk $0xffff, v5  }
0x66: {  	v3 =	vor.u32 s29, v1;
	v7 =	vor.u32 s17, v0;
	v2 =	vor.u32 s17, v1;
	[tilespmem:v8+s31+$0x0] =	vst.idx.msk $0xffff, v14;
	v8 =	vld [tilespmem:s7+$0x40]  }
0x67: {  	[tilespmem:v15+s31+$0x0] =	vst.idx.msk $0xffff, v17;
	v14 =	vld [tilespmem:s7+$0x30]  }
0x68: {  	v15 =	vld [tilespmem:s13+$0xFFFFFFA0];
	[tilespmem:v19+s31+$0x0] =	vst.idx.msk $0xffff, v10  }
0x69: {  	[tilespmem:v4+s31+$0x0] =	vst.idx.msk $0xffff, v11;
	v10 =	vld [tilespmem:s7+$0x60]  }
0x6a: {  	s17 =	sadd.s32 $0xFFFFFAFF, s12;
	v11 =	vor.u32 s8, v1;
	[tilespmem:v16+s31+$0x0] =	vst.idx.msk $0xffff, v6;
	v5 =	vld [tilespmem:s7+$0xFFFFFFE0]  }
0x6b: {  	v16 =	vor.u32 s17, v0;
	[tilespmem:v7+s31+$0x0] =	vst.idx.msk $0xffff, v18;
	v17 =	vld [tilespmem:s7+$0x0]  }
0x6c: {  	v18 =	vld [tilespmem:s7+$0xFFFFFFC0];
	[tilespmem:v9+s31+$0x0] =	vst.idx.msk $0xffff, v20;
	v9 =	vor.u32 s15, v1  }
0x6d: {  	v19 =	vor.u32 s26, v1;
	v6 =	vld [tilespmem:s7+$0xFFFFFFB0];
	[tilespmem:v12+s31+$0x0] =	vst.idx.msk $0xffff, v8  }
0x6e: {  	v20 =	vor.u32 s23, v1;
	[tilespmem:v21+s31+$0x0] =	vst.idx.msk $0xffff, v14;
	v21 =	vld [tilespmem:s7+$0x70]  }
0x6f: {  	v22 =	vor.u32 s12, v1;
	v4 =	vld [tilespmem:s7+$0xFFFFFFD0];
	[tilespmem:v11+s31+$0x0] =	vst.idx.msk $0xffff, v13  }
.Ltmp2:
0x70: {  	v7 =	vld [tilespmem:s7+$0xFFFFFF80];
	[tilespmem:v16+s31+$0x0] =	vst.idx.msk $0xffff, v15;
	v15 =	vor.u32 s16, v1;
	(pc) =	sbr.rel @p2 .LBB2_2-.Ltmp2, $4  }
0x71: {  	v12 =	vor.u32 s18, v1;
	v8 =	vld [tilespmem:s7+$0x10];
	[tilespmem:v9+s31+$0x0] =	vst.idx.msk $0xffff, v10  }
0x72: {  	v13 =	vor.u32 s14, v1;
	[tilespmem:v19+s31+$0x0] =	vst.idx.msk $0xffff, v17;
	v9 =	vld [tilespmem:s7+$0x20]  }
0x73: {  	v14 =	vor.u32 s24, v1;
	[tilespmem:v20+s31+$0x0] =	vst.idx.msk $0xffff, v18;
	v10 =	vld [tilespmem:s7+$0xFFFFFFF0]  }
0x74: {  	s12 =	sadd.s32 $0x2, s12;
	s13 =	sadd.s32 $0x100, s13;
	v11 =	vld [tilespmem:s7+$0xFFFFFFA0];
	[tilespmem:v22+s31+$0x0] =	vst.idx.msk $0xffff, v21  }
0x75: {  	_ =	sdelay $0x2  }
0x76: {  	[dreg:$0x16] =	wrdreg s6  }
0x77: {  	[tilespmem:v15+s31+$0x0] =	vst.idx.msk $0xffff, v6  }
0x78: {  	v6 =	vor.u32 s17, v1;
	[tilespmem:v12+s31+$0x0] =	vst.idx.msk $0xffff, v5  }
0x79: {  	v5 =	vor.u32 s10, v1;
	[tilespmem:v13+s31+$0x0] =	vst.idx.msk $0xffff, v7  }
0x7a: {  	[tilespmem:v14+s31+$0x0] =	vst.idx.msk $0xffff, v8  }
0x7b: {  	[tilespmem:v3+s31+$0x0] =	vst.idx.msk $0xffff, v9  }
0x7c: {  	[tilespmem:v2+s31+$0x0] =	vst.idx.msk $0xffff, v10  }
0x7d: {  	[tilespmem:v6+s31+$0x0] =	vst.idx.msk $0xffff, v11  }
0x7e: {  	[tilespmem:v5+s31+$0x0] =	vst.idx.msk $0xffff, v4  }
0x7f: {  	s1 =	rddreg [dreg:$0x9]  }
0x80: {  	[hbm4b:s1+s4] =	stream.linear.scatter [tilespmem:s31], [sflag:$0x3], $0x800, $0x38;
	[tilespmem:$0x2500] =	vst v63  }
0x81: {  	s25 =	rddreg [dreg:$0xa]  }
0x82: {  	[tilespmem:s4], [sflag:$0x1] =	stream.linear.gather [hbm4b:s25+s4], $0x400, $0x38;
	[tilespmem:$0x2500] =	vst v63  }
0x83: {  	s5 =	simm.s32 $0x400;
	s26 =	rddreg [dreg:$0xb]  }
0x84: {  	[tilespmem:s5], [sflag:$0x1] =	stream.linear.gather [hbm4b:s26+s4], $0x400, $0x38;
	[tilespmem:$0x2500] =	vst v63  }
0x85: {  	_ =	swait.ge [sflag:s2], $0x400  }
0x86: {  	[sflag:s2] =	ssyncset.done $0x0  }
0x87: {  	[sflag:s2] =	ssyncadd.s32 $0xFFFFFC00  }
0x88: {  	_ =	swait.ge [sflag:s2], $0x400  }
0x89: {  	[sflag:s2] =	ssyncset.done $0x0  }
0x8a: {  	s15 =	simm.s32 $0x880;
	[sflag:s2] =	ssyncadd.s32 $0xFFFFFC00  }
0x8b: {  	v2 =	vld [tilespmem:s15+$0xFFFFFFE0]  }
0x8c: {  	v3 =	vld [tilespmem:s15+$0xFFFFFF80]  }
0x8d: {  	s28 =	simm.s32 $0x100;
	v4 =	vld [tilespmem:s15+$0xFFFFFF90]  }
0x8e: {  	s8 =	simm.s32 $0x0;
	v5 =	vor.u32 s28, v0;
	v6 =	vld [tilespmem:s15+$0x50]  }
0x8f: {  	s11 =	simm.s32 $0x701;
	v9 =	vor.u32 s8, v0;
	v8 =	vld [tilespmem:s15+$0x70]  }
0x90: {  	s14 =	simm.s32 $0x601;
	v7 =	vor.u32 s11, v0;
	v10 =	vld [tilespmem:s15+$0x60]  }
0x91: {  	s12 =	simm.s32 $0x300;
	v11 =	vor.u32 s14, v0;
	v12 =	vld [tilespmem:s15+$0xFFFFFFB0]  }
0x92: {  	s16 =	simm.s32 $0x400;
	v13 =	vor.u32 s12, v0;
	v14 =	vld [tilespmem:s15+$0xFFFFFFC0]  }
0x93: {  	s18 =	simm.s32 $0x501;
	v15 =	vor.u32 s16, v0;
	[tilespmem:v5+s0+$0x0] =	vst.idx.msk $0xffff, v4;
	v4 =	vld [tilespmem:s15+$0x40]  }
0x94: {  	s13 =	simm.s32 $0x600;
	v5 =	vor.u32 s18, v0;
	[tilespmem:v9+s0+$0x0] =	vst.idx.msk $0xffff, v3;
	v3 =	vld [tilespmem:s15+$0x30]  }
0x95: {  	s29 =	simm.s32 $0x401;
	[tilespmem:v7+s0+$0x0] =	vst.idx.msk $0xffff, v8;
	v7 =	vor.u32 s13, v0;
	v9 =	vld [tilespmem:s15+$0x20]  }
0x96: {  	s24 =	simm.s32 $0x201;
	v8 =	vor.u32 s29, v0;
	[tilespmem:v11+s0+$0x0] =	vst.idx.msk $0xffff, v10;
	v11 =	vld [tilespmem:s15+$0x10]  }
0x97: {  	s23 =	simm.s32 $0x301;
	[tilespmem:v13+s0+$0x0] =	vst.idx.msk $0xffff, v12;
	v12 =	vor.u32 s24, v0;
	v13 =	vld [tilespmem:s15+$0x0]  }
0x98: {  	s7 =	simm.s32 $0xC80;
	s25 =	simm.s32 $0x101;
	v10 =	vor.u32 s23, v0;
	[tilespmem:v15+s0+$0x0] =	vst.idx.msk $0xffff, v14;
	v14 =	vld [tilespmem:s15+$0xFFFFFFF0]  }
0x99: {  	v15 =	vor.u32 s25, v0;
	v16 =	vld [tilespmem:s7+$0xFFFFFF90];
	[tilespmem:v5+s0+$0x0] =	vst.idx.msk $0xffff, v6  }
0x9a: {  	v20 =	vor.u32 s11, v1;
	s26 =	simm.s32 $0x1;
	v19 =	vld [tilespmem:s7+$0x70];
	[tilespmem:v7+s0+$0x0] =	vst.idx.msk $0xffff, v2  }
0x9b: {  	v2 =	vor.u32 s26, v0;
	v6 =	vld [tilespmem:s15+$0xFFFFFFD0];
	[tilespmem:v8+s0+$0x0] =	vst.idx.msk $0xffff, v4  }
0x9c: {  	s10 =	simm.s32 $0x500;
	v5 =	vor.u32 s28, v1;
	[tilespmem:v12+s0+$0x0] =	vst.idx.msk $0xffff, v9;
	v12 =	vld [tilespmem:s15+$0xFFFFFFA0]  }
0x9d: {  	s17 =	simm.s32 $0x200;
	[tilespmem:v10+s0+$0x0] =	vst.idx.msk $0xffff, v3;
	v8 =	vor.u32 s10, v0;
	v7 =	vld [tilespmem:s7+$0x50]  }
0x9e: {  	s28 =	simm.s32 $0x700;
	[tilespmem:v15+s0+$0x0] =	vst.idx.msk $0xffff, v11;
	v15 =	vor.u32 s17, v0;
	v3 =	vld [tilespmem:s7+$0x40]  }
0x9f: {  	v4 =	vor.u32 s28, v0;
	v9 =	vld [tilespmem:s7+$0x30];
	[tilespmem:v20+s0+$0x0] =	vst.idx.msk $0xffff, v19  }
0xa0: {  	v10 =	vor.u32 s29, v1;
	[tilespmem:v2+s0+$0x0] =	vst.idx.msk $0xffff, v13;
	v2 =	vld [tilespmem:s7+$0x60]  }
0xa1: {  	v11 =	vor.u32 s23, v1;
	[tilespmem:v5+s0+$0x0] =	vst.idx.msk $0xffff, v16;
	v5 =	vld [tilespmem:s7+$0xFFFFFFE0]  }
0xa2: {  	v13 =	vor.u32 s18, v1;
	v16 =	vld [tilespmem:s7+$0xFFFFFFC0];
	[tilespmem:v8+s0+$0x0] =	vst.idx.msk $0xffff, v6  }
0xa3: {  	v17 =	vor.u32 s14, v1;
	v6 =	vld [tilespmem:s7+$0xFFFFFFB0];
	[tilespmem:v15+s0+$0x0] =	vst.idx.msk $0xffff, v12  }
0xa4: {  	v18 =	vor.u32 s26, v1;
	[tilespmem:v4+s0+$0x0] =	vst.idx.msk $0xffff, v14;
	v14 =	vld [tilespmem:s7+$0x0]  }
0xa5: {  	v8 =	vld [tilespmem:s7+$0x10];
	[tilespmem:v10+s0+$0x0] =	vst.idx.msk $0xffff, v3;
	v10 =	vor.u32 s16, v1  }
0xa6: {  	v15 =	vor.u32 s12, v1;
	[tilespmem:v11+s0+$0x0] =	vst.idx.msk $0xffff, v9;
	v4 =	vld [tilespmem:s7+$0xFFFFFFD0]  }
0xa7: {  	v12 =	vor.u32 s13, v1;
	v9 =	vld [tilespmem:s7+$0x20];
	[tilespmem:v13+s0+$0x0] =	vst.idx.msk $0xffff, v7  }
0xa8: {  	v7 =	vld [tilespmem:s7+$0xFFFFFF80];
	[tilespmem:v17+s0+$0x0] =	vst.idx.msk $0xffff, v2;
	v13 =	vor.u32 s8, v1  }
0xa9: {  	v11 =	vld [tilespmem:s7+$0xFFFFFFA0];
	[tilespmem:v18+s0+$0x0] =	vst.idx.msk $0xffff, v14;
	v14 =	vor.u32 s25, v1  }
0xaa: {  	s11 =	simm.s32 $0x0;
	s12 =	simm.s32 $0x703;
	s13 =	simm.s32 $0x980;
	v3 =	vor.u32 s24, v1;
	v2 =	vor.u32 s28, v1;
	[tilespmem:v10+s0+$0x0] =	vst.idx.msk $0xffff, v16;
	v10 =	vld [tilespmem:s7+$0xFFFFFFF0]  }
.LBB2_4:
0xab: {  	v16 =	vld [tilespmem:s13+$0xFFFFFFE0];
	s15 =	sadd.s32 $0xFFFFFF00, s12;
	v17 =	vor.u32 s12, v0;
	s11 =	sadd.s32 $0x10, s11;
	[tilespmem:v15+s0+$0x0] =	vst.idx.msk $0xffff, v6;
	v6 =	vor.u32 s10, v1;
	s7 =	sadd.s32 $0x100, s7  }
0xac: {  	s8 =	sadd.s32 $0xFFFFFE00, s12;
	v19 =	vor.u32 s17, v1;
	v15 =	vld [tilespmem:s13+$0xFFFFFF80];
	v18 =	vor.u32 s15, v0;
	p2 =	slt.u32 s11, $0x30;
	[tilespmem:v12+s0+$0x0] =	vst.idx.msk $0xffff, v5  }
0xad: {  	s17 =	sadd.s32 $0xFFFFF9FF, s12;
	v12 =	vor.u32 s8, v0;
	v5 =	vld [tilespmem:s13+$0xFFFFFF90];
	[tilespmem:v13+s0+$0x0] =	vst.idx.msk $0xffff, v7  }
0xae: {  	s14 =	sadd.s32 $0xFFFFF8FF, s12;
	v7 =	vor.u32 s17, v0;
	v13 =	vld [tilespmem:s13+$0x50];
	[tilespmem:v14+s0+$0x0] =	vst.idx.msk $0xffff, v8  }
0xaf: {  	s10 =	sadd.s32 $0xFFFFFDFF, s12;
	v8 =	vor.u32 s14, v0;
	v14 =	vld [tilespmem:s13+$0x70];
	[tilespmem:v3+s0+$0x0] =	vst.idx.msk $0xffff, v9  }
0xb0: {  	s16 =	sadd.s32 $0xFFFFFBFF, s12;
	v9 =	vor.u32 s10, v0;
	v3 =	vld [tilespmem:s13+$0x60];
	[tilespmem:v2+s0+$0x0] =	vst.idx.msk $0xffff, v10  }
0xb1: {  	s23 =	sadd.s32 $0xFFFFFCFF, s12;
	v2 =	vor.u32 s16, v0;
	v10 =	vld [tilespmem:s13+$0xFFFFFFB0];
	[tilespmem:v19+s0+$0x0] =	vst.idx.msk $0xffff, v11  }
0xb2: {  	s18 =	sadd.s32 $0xFFFFFEFF, s12;
	v11 =	vor.u32 s23, v0;
	v19 =	vld [tilespmem:s13+$0xFFFFFFC0];
	[tilespmem:v6+s0+$0x0] =	vst.idx.msk $0xffff, v4  }
0xb3: {  	s25 =	sadd.s32 $0xFFFFFD00, s12;
	v4 =	vor.u32 s18, v0;
	[tilespmem:v7+s0+$0x0] =	vst.idx.msk $0xffff, v5;
	v5 =	vld [tilespmem:s13+$0x40]  }
0xb4: {  	s26 =	sadd.s32 $0xFFFFFC00, s12;
	v7 =	vor.u32 s25, v0;
	v6 =	vld [tilespmem:s7+$0xFFFFFF90];
	[tilespmem:v17+s0+$0x0] =	vst.idx.msk $0xffff, v14  }
0xb5: {  	s28 =	sadd.s32 $0xFFFFFB00, s12;
	[tilespmem:v8+s0+$0x0] =	vst.idx.msk $0xffff, v15;
	v8 =	vor.u32 s26, v0;
	v14 =	vld [tilespmem:s13+$0x30]  }
0xb6: {  	v15 =	vor.u32 s28, v0;
	v17 =	vld [tilespmem:s13+$0x20];
	[tilespmem:v18+s0+$0x0] =	vst.idx.msk $0xffff, v3  }
0xb7: {  	[tilespmem:v2+s0+$0x0] =	vst.idx.msk $0xffff, v10;
	v10 =	vld [tilespmem:s13+$0x10]  }
0xb8: {  	s24 =	sadd.s32 $0xFFFFFA00, s12;
	[tilespmem:v11+s0+$0x0] =	vst.idx.msk $0xffff, v19;
	v11 =	vld [tilespmem:s13+$0x0]  }
0xb9: {  	s29 =	sadd.s32 $0xFFFFF900, s12;
	v19 =	vor.u32 s24, v0;
	v18 =	vld [tilespmem:s13+$0xFFFFFFF0];
	[tilespmem:v12+s0+$0x0] =	vst.idx.msk $0xffff, v13  }
0xba: {  	v12 =	vor.u32 s25, v1;
	[tilespmem:v4+s0+$0x0] =	vst.idx.msk $0xffff, v16;
	v4 =	vor.u32 s29, v0;
	v13 =	vld [tilespmem:s7+$0x50]  }
0xbb: {  	v21 =	vor.u32 s26, v1;
	v16 =	vor.u32 s17, v1;
	s17 =	sadd.s32 $0xFFFFFFFF, s12;
	v20 =	vld [tilespmem:s13+$0xFFFFFFD0];
	[tilespmem:v7+s0+$0x0] =	vst.idx.msk $0xffff, v5  }
0xbc: {  	v3 =	vor.u32 s28, v1;
	v7 =	vor.u32 s17, v0;
	v2 =	vor.u32 s17, v1;
	[tilespmem:v8+s0+$0x0] =	vst.idx.msk $0xffff, v14;
	v8 =	vld [tilespmem:s7+$0x40]  }
0xbd: {  	[tilespmem:v15+s0+$0x0] =	vst.idx.msk $0xffff, v17;
	v14 =	vld [tilespmem:s7+$0x30]  }
0xbe: {  	v15 =	vld [tilespmem:s13+$0xFFFFFFA0];
	[tilespmem:v19+s0+$0x0] =	vst.idx.msk $0xffff, v10  }
0xbf: {  	[tilespmem:v4+s0+$0x0] =	vst.idx.msk $0xffff, v11;
	v10 =	vld [tilespmem:s7+$0x60]  }
0xc0: {  	s17 =	sadd.s32 $0xFFFFFAFF, s12;
	v11 =	vor.u32 s8, v1;
	[tilespmem:v16+s0+$0x0] =	vst.idx.msk $0xffff, v6;
	v5 =	vld [tilespmem:s7+$0xFFFFFFE0]  }
0xc1: {  	v16 =	vor.u32 s17, v0;
	[tilespmem:v7+s0+$0x0] =	vst.idx.msk $0xffff, v18;
	v17 =	vld [tilespmem:s7+$0x0]  }
0xc2: {  	v18 =	vld [tilespmem:s7+$0xFFFFFFC0];
	[tilespmem:v9+s0+$0x0] =	vst.idx.msk $0xffff, v20;
	v9 =	vor.u32 s15, v1  }
0xc3: {  	v19 =	vor.u32 s29, v1;
	v6 =	vld [tilespmem:s7+$0xFFFFFFB0];
	[tilespmem:v12+s0+$0x0] =	vst.idx.msk $0xffff, v8  }
0xc4: {  	v20 =	vor.u32 s23, v1;
	[tilespmem:v21+s0+$0x0] =	vst.idx.msk $0xffff, v14;
	v21 =	vld [tilespmem:s7+$0x70]  }
0xc5: {  	v22 =	vor.u32 s12, v1;
	v4 =	vld [tilespmem:s7+$0xFFFFFFD0];
	[tilespmem:v11+s0+$0x0] =	vst.idx.msk $0xffff, v13  }
.Ltmp3:
0xc6: {  	v7 =	vld [tilespmem:s7+$0xFFFFFF80];
	[tilespmem:v16+s0+$0x0] =	vst.idx.msk $0xffff, v15;
	v15 =	vor.u32 s16, v1;
	(pc) =	sbr.rel @p2 .LBB2_4-.Ltmp3, $4  }
0xc7: {  	v12 =	vor.u32 s18, v1;
	v8 =	vld [tilespmem:s7+$0x10];
	[tilespmem:v9+s0+$0x0] =	vst.idx.msk $0xffff, v10  }
0xc8: {  	v13 =	vor.u32 s14, v1;
	[tilespmem:v19+s0+$0x0] =	vst.idx.msk $0xffff, v17;
	v9 =	vld [tilespmem:s7+$0x20]  }
0xc9: {  	v14 =	vor.u32 s24, v1;
	[tilespmem:v20+s0+$0x0] =	vst.idx.msk $0xffff, v18;
	v10 =	vld [tilespmem:s7+$0xFFFFFFF0]  }
0xca: {  	s12 =	sadd.s32 $0x2, s12;
	s13 =	sadd.s32 $0x100, s13;
	v11 =	vld [tilespmem:s7+$0xFFFFFFA0];
	[tilespmem:v22+s0+$0x0] =	vst.idx.msk $0xffff, v21  }
0xcb: {  	_ =	sdelay $0x3  }
0xcc: {  	[tilespmem:v15+s0+$0x0] =	vst.idx.msk $0xffff, v6  }
0xcd: {  	v62 =	vor.u32 s17, v1;
	[tilespmem:v12+s0+$0x0] =	vst.idx.msk $0xffff, v5  }
0xce: {  	v63 =	vor.u32 s10, v1;
	[tilespmem:v13+s0+$0x0] =	vst.idx.msk $0xffff, v7  }
0xcf: {  	[tilespmem:v14+s0+$0x0] =	vst.idx.msk $0xffff, v8  }
0xd0: {  	[tilespmem:v3+s0+$0x0] =	vst.idx.msk $0xffff, v9  }
0xd1: {  	[tilespmem:v2+s0+$0x0] =	vst.idx.msk $0xffff, v10  }
0xd2: {  	[tilespmem:v62+s0+$0x0] =	vst.idx.msk $0xffff, v11  }
0xd3: {  	[tilespmem:v63+s0+$0x0] =	vst.idx.msk $0xffff, v4  }
0xd4: {  	s1 =	rddreg [dreg:$0xc]  }
0xd5: {  	[hbm4b:s1+s4] =	stream.linear.scatter [tilespmem:s0], [sflag:$0x4], $0x800, $0x38;
	[tilespmem:$0x2500] =	vst v63  }
0xd6: {  	s5 =	simm.s32 $0x800;
	s26 =	rddreg [dreg:$0xd]  }
0xd7: {  	[tilespmem:s5], [sflag:$0x2] =	stream.linear.gather [hbm4b:s26+s4], $0x400, $0x38;
	[tilespmem:$0x2500] =	vst v63  }
0xd8: {  	s29 =	simm.s32 $0xC00;
	s7 =	simm.s32 $0x1;
	s28 =	rddreg [dreg:$0xe]  }
0xd9: {  	[tilespmem:s29], [sflag:$0x2] =	stream.linear.gather [hbm4b:s28+s4], $0x400, $0x38;
	[tilespmem:$0x2500] =	vst v63  }
.LBB2_6:
0xda: {  	_ =	swait.ge [sflag:s30], $0x400  }
0xdb: {  	[sflag:s30] =	ssyncset.done $0x0  }
0xdc: {  	[sflag:s30] =	ssyncadd.s32 $0xFFFFFC00  }
0xdd: {  	_ =	swait.ge [sflag:s30], $0x400  }
0xde: {  	[sflag:s30] =	ssyncset.done $0x0  }
0xdf: {  	[sflag:s30] =	ssyncadd.s32 $0xFFFFFC00  }
0xe0: {  	_ =	swait.ge [sflag:s3], $0x800  }
0xe1: {  	[sflag:s3] =	ssyncset.done $0x0  }
0xe2: {  	s16 =	simm.s32 $0x80;
	[sflag:s3] =	ssyncadd.s32 $0xFFFFF800  }
0xe3: {  	v2 =	vld [tilespmem:s16+$0xFFFFFFE0]  }
0xe4: {  	v3 =	vld [tilespmem:s16+$0xFFFFFF80]  }
0xe5: {  	s11 =	simm.s32 $0x100;
	v4 =	vld [tilespmem:s16+$0xFFFFFF90]  }
0xe6: {  	s8 =	simm.s32 $0x0;
	v5 =	vor.u32 s11, v0;
	v6 =	vld [tilespmem:s16+$0x50]  }
0xe7: {  	s12 =	simm.s32 $0x701;
	v9 =	vor.u32 s8, v0;
	v8 =	vld [tilespmem:s16+$0x70]  }
0xe8: {  	s15 =	simm.s32 $0x601;
	v7 =	vor.u32 s12, v0;
	v10 =	vld [tilespmem:s16+$0x60]  }
0xe9: {  	s13 =	simm.s32 $0x300;
	v11 =	vor.u32 s15, v0;
	v12 =	vld [tilespmem:s16+$0xFFFFFFB0]  }
0xea: {  	s17 =	simm.s32 $0x400;
	v13 =	vor.u32 s13, v0;
	v14 =	vld [tilespmem:s16+$0xFFFFFFC0]  }
0xeb: {  	s23 =	simm.s32 $0x501;
	v15 =	vor.u32 s17, v0;
	[tilespmem:v5+s31+$0x0] =	vst.idx.msk $0xffff, v4;
	v4 =	vld [tilespmem:s16+$0x40]  }
0xec: {  	s14 =	simm.s32 $0x600;
	v5 =	vor.u32 s23, v0;
	[tilespmem:v9+s31+$0x0] =	vst.idx.msk $0xffff, v3;
	v3 =	vld [tilespmem:s16+$0x30]  }
0xed: {  	s18 =	simm.s32 $0x401;
	[tilespmem:v7+s31+$0x0] =	vst.idx.msk $0xffff, v8;
	v7 =	vor.u32 s14, v0;
	v9 =	vld [tilespmem:s16+$0x20]  }
0xee: {  	s25 =	simm.s32 $0x201;
	v8 =	vor.u32 s18, v0;
	[tilespmem:v11+s31+$0x0] =	vst.idx.msk $0xffff, v10;
	v11 =	vld [tilespmem:s16+$0x10]  }
0xef: {  	s24 =	simm.s32 $0x301;
	[tilespmem:v13+s31+$0x0] =	vst.idx.msk $0xffff, v12;
	v12 =	vor.u32 s25, v0;
	v13 =	vld [tilespmem:s16+$0x0]  }
0xf0: {  	s10 =	simm.s32 $0x480;
	s26 =	simm.s32 $0x101;
	v10 =	vor.u32 s24, v0;
	[tilespmem:v15+s31+$0x0] =	vst.idx.msk $0xffff, v14;
	v14 =	vld [tilespmem:s16+$0xFFFFFFF0]  }
0xf1: {  	v15 =	vor.u32 s26, v0;
	v16 =	vld [tilespmem:s10+$0xFFFFFF90];
	[tilespmem:v5+s31+$0x0] =	vst.idx.msk $0xffff, v6  }
0xf2: {  	s28 =	simm.s32 $0x1;
	v20 =	vor.u32 s12, v1;
	v19 =	vld [tilespmem:s10+$0x70];
	[tilespmem:v7+s31+$0x0] =	vst.idx.msk $0xffff, v2  }
0xf3: {  	v2 =	vor.u32 s28, v0;
	v6 =	vld [tilespmem:s16+$0xFFFFFFD0];
	[tilespmem:v8+s31+$0x0] =	vst.idx.msk $0xffff, v4  }
0xf4: {  	s29 =	simm.s32 $0x700;
	v5 =	vor.u32 s11, v1;
	[tilespmem:v12+s31+$0x0] =	vst.idx.msk $0xffff, v9;
	v12 =	vld [tilespmem:s16+$0xFFFFFFA0]  }
0xf5: {  	s11 =	simm.s32 $0x500;
	v4 =	vor.u32 s29, v0;
	[tilespmem:v10+s31+$0x0] =	vst.idx.msk $0xffff, v3;
	v7 =	vld [tilespmem:s10+$0x50]  }
0xf6: {  	[tilespmem:v15+s31+$0x0] =	vst.idx.msk $0xffff, v11;
	v3 =	vld [tilespmem:s10+$0x40];
	v8 =	vor.u32 s11, v0  }
0xf7: {  	v10 =	vor.u32 s18, v1;
	v9 =	vld [tilespmem:s10+$0x30];
	[tilespmem:v20+s31+$0x0] =	vst.idx.msk $0xffff, v19  }
0xf8: {  	v11 =	vor.u32 s24, v1;
	s18 =	simm.s32 $0x200;
	[tilespmem:v2+s31+$0x0] =	vst.idx.msk $0xffff, v13;
	v2 =	vld [tilespmem:s10+$0x60]  }
0xf9: {  	v15 =	vor.u32 s18, v0;
	[tilespmem:v5+s31+$0x0] =	vst.idx.msk $0xffff, v16;
	v5 =	vld [tilespmem:s10+$0xFFFFFFE0]  }
0xfa: {  	v13 =	vor.u32 s23, v1;
	[tilespmem:v4+s31+$0x0] =	vst.idx.msk $0xffff, v14;
	v16 =	vld [tilespmem:s10+$0xFFFFFFC0]  }
0xfb: {  	v17 =	vor.u32 s15, v1;
	v14 =	vld [tilespmem:s10+$0x0];
	[tilespmem:v8+s31+$0x0] =	vst.idx.msk $0xffff, v6  }
0xfc: {  	v18 =	vor.u32 s28, v1;
	v6 =	vld [tilespmem:s10+$0xFFFFFFB0];
	[tilespmem:v10+s31+$0x0] =	vst.idx.msk $0xffff, v3  }
0xfd: {  	v10 =	vor.u32 s17, v1;
	[tilespmem:v11+s31+$0x0] =	vst.idx.msk $0xffff, v9;
	v8 =	vld [tilespmem:s10+$0x10]  }
0xfe: {  	[tilespmem:v15+s31+$0x0] =	vst.idx.msk $0xffff, v12;
	v9 =	vld [tilespmem:s10+$0x20];
	v15 =	vor.u32 s13, v1  }
0xff: {  	v12 =	vor.u32 s14, v1;
	v4 =	vld [tilespmem:s10+$0xFFFFFFD0];
	[tilespmem:v13+s31+$0x0] =	vst.idx.msk $0xffff, v7  }
0x100: {  	v7 =	vld [tilespmem:s10+$0xFFFFFF80];
	[tilespmem:v17+s31+$0x0] =	vst.idx.msk $0xffff, v2;
	v13 =	vor.u32 s8, v1  }
0x101: {  	v11 =	vld [tilespmem:s10+$0xFFFFFFA0];
	[tilespmem:v18+s31+$0x0] =	vst.idx.msk $0xffff, v14;
	v14 =	vor.u32 s26, v1  }
0x102: {  	s12 =	simm.s32 $0x0;
	v3 =	vor.u32 s25, v1;
	s13 =	simm.s32 $0x703;
	s14 =	simm.s32 $0x180;
	v2 =	vor.u32 s29, v1;
	[tilespmem:v10+s31+$0x0] =	vst.idx.msk $0xffff, v16;
	v10 =	vld [tilespmem:s10+$0xFFFFFFF0]  }
.LBB2_7:
0x103: {  	v16 =	vld [tilespmem:s14+$0xFFFFFFE0];
	s16 =	sadd.s32 $0xFFFFFF00, s13;
	v17 =	vor.u32 s13, v0;
	s12 =	sadd.s32 $0x10, s12;
	[tilespmem:v15+s31+$0x0] =	vst.idx.msk $0xffff, v6;
	v6 =	vor.u32 s11, v1;
	s10 =	sadd.s32 $0x100, s10  }
0x104: {  	s8 =	sadd.s32 $0xFFFFFE00, s13;
	v19 =	vor.u32 s18, v1;
	v15 =	vld [tilespmem:s14+$0xFFFFFF80];
	v18 =	vor.u32 s16, v0;
	p2 =	slt.u32 s12, $0x30;
	[tilespmem:v12+s31+$0x0] =	vst.idx.msk $0xffff, v5  }
0x105: {  	s18 =	sadd.s32 $0xFFFFF9FF, s13;
	v12 =	vor.u32 s8, v0;
	v5 =	vld [tilespmem:s14+$0xFFFFFF90];
	[tilespmem:v13+s31+$0x0] =	vst.idx.msk $0xffff, v7  }
0x106: {  	s15 =	sadd.s32 $0xFFFFF8FF, s13;
	v7 =	vor.u32 s18, v0;
	v13 =	vld [tilespmem:s14+$0x50];
	[tilespmem:v14+s31+$0x0] =	vst.idx.msk $0xffff, v8  }
0x107: {  	s11 =	sadd.s32 $0xFFFFFDFF, s13;
	v8 =	vor.u32 s15, v0;
	v14 =	vld [tilespmem:s14+$0x70];
	[tilespmem:v3+s31+$0x0] =	vst.idx.msk $0xffff, v9  }
0x108: {  	s17 =	sadd.s32 $0xFFFFFBFF, s13;
	v9 =	vor.u32 s11, v0;
	v3 =	vld [tilespmem:s14+$0x60];
	[tilespmem:v2+s31+$0x0] =	vst.idx.msk $0xffff, v10  }
0x109: {  	s24 =	sadd.s32 $0xFFFFFCFF, s13;
	v2 =	vor.u32 s17, v0;
	v10 =	vld [tilespmem:s14+$0xFFFFFFB0];
	[tilespmem:v19+s31+$0x0] =	vst.idx.msk $0xffff, v11  }
0x10a: {  	s23 =	sadd.s32 $0xFFFFFEFF, s13;
	v11 =	vor.u32 s24, v0;
	v19 =	vld [tilespmem:s14+$0xFFFFFFC0];
	[tilespmem:v6+s31+$0x0] =	vst.idx.msk $0xffff, v4  }
0x10b: {  	s26 =	sadd.s32 $0xFFFFFD00, s13;
	v4 =	vor.u32 s23, v0;
	[tilespmem:v7+s31+$0x0] =	vst.idx.msk $0xffff, v5;
	v5 =	vld [tilespmem:s14+$0x40]  }
0x10c: {  	s28 =	sadd.s32 $0xFFFFFC00, s13;
	v7 =	vor.u32 s26, v0;
	v6 =	vld [tilespmem:s10+$0xFFFFFF90];
	[tilespmem:v17+s31+$0x0] =	vst.idx.msk $0xffff, v14  }
0x10d: {  	s29 =	sadd.s32 $0xFFFFFB00, s13;
	[tilespmem:v8+s31+$0x0] =	vst.idx.msk $0xffff, v15;
	v8 =	vor.u32 s28, v0;
	v14 =	vld [tilespmem:s14+$0x30]  }
0x10e: {  	v15 =	vor.u32 s29, v0;
	v17 =	vld [tilespmem:s14+$0x20];
	[tilespmem:v18+s31+$0x0] =	vst.idx.msk $0xffff, v3  }
0x10f: {  	[tilespmem:v2+s31+$0x0] =	vst.idx.msk $0xffff, v10;
	v10 =	vld [tilespmem:s14+$0x10]  }
0x110: {  	s25 =	sadd.s32 $0xFFFFFA00, s13;
	[tilespmem:v11+s31+$0x0] =	vst.idx.msk $0xffff, v19;
	v11 =	vld [tilespmem:s14+$0x0]  }
0x111: {  	s1 =	sadd.s32 $0xFFFFF900, s13;
	v19 =	vor.u32 s25, v0;
	v18 =	vld [tilespmem:s14+$0xFFFFFFF0];
	[tilespmem:v12+s31+$0x0] =	vst.idx.msk $0xffff, v13  }
0x112: {  	v12 =	vor.u32 s26, v1;
	[tilespmem:v4+s31+$0x0] =	vst.idx.msk $0xffff, v16;
	v4 =	vor.u32 s1, v0;
	v13 =	vld [tilespmem:s10+$0x50]  }
0x113: {  	v21 =	vor.u32 s28, v1;
	v16 =	vor.u32 s18, v1;
	s18 =	sadd.s32 $0xFFFFFFFF, s13;
	v20 =	vld [tilespmem:s14+$0xFFFFFFD0];
	[tilespmem:v7+s31+$0x0] =	vst.idx.msk $0xffff, v5  }
0x114: {  	v3 =	vor.u32 s29, v1;
	v7 =	vor.u32 s18, v0;
	v2 =	vor.u32 s18, v1;
	[tilespmem:v8+s31+$0x0] =	vst.idx.msk $0xffff, v14;
	v8 =	vld [tilespmem:s10+$0x40]  }
0x115: {  	[tilespmem:v15+s31+$0x0] =	vst.idx.msk $0xffff, v17;
	v14 =	vld [tilespmem:s10+$0x30]  }
0x116: {  	v15 =	vld [tilespmem:s14+$0xFFFFFFA0];
	[tilespmem:v19+s31+$0x0] =	vst.idx.msk $0xffff, v10  }
0x117: {  	[tilespmem:v4+s31+$0x0] =	vst.idx.msk $0xffff, v11;
	v10 =	vld [tilespmem:s10+$0x60]  }
0x118: {  	s18 =	sadd.s32 $0xFFFFFAFF, s13;
	v11 =	vor.u32 s8, v1;
	[tilespmem:v16+s31+$0x0] =	vst.idx.msk $0xffff, v6;
	v5 =	vld [tilespmem:s10+$0xFFFFFFE0]  }
0x119: {  	v16 =	vor.u32 s18, v0;
	[tilespmem:v7+s31+$0x0] =	vst.idx.msk $0xffff, v18;
	v17 =	vld [tilespmem:s10+$0x0]  }
0x11a: {  	v18 =	vld [tilespmem:s10+$0xFFFFFFC0];
	[tilespmem:v9+s31+$0x0] =	vst.idx.msk $0xffff, v20;
	v9 =	vor.u32 s16, v1  }
0x11b: {  	v19 =	vor.u32 s1, v1;
	v6 =	vld [tilespmem:s10+$0xFFFFFFB0];
	[tilespmem:v12+s31+$0x0] =	vst.idx.msk $0xffff, v8  }
0x11c: {  	v20 =	vor.u32 s24, v1;
	[tilespmem:v21+s31+$0x0] =	vst.idx.msk $0xffff, v14;
	v21 =	vld [tilespmem:s10+$0x70]  }
0x11d: {  	v22 =	vor.u32 s13, v1;
	v4 =	vld [tilespmem:s10+$0xFFFFFFD0];
	[tilespmem:v11+s31+$0x0] =	vst.idx.msk $0xffff, v13  }
.Ltmp4:
0x11e: {  	v7 =	vld [tilespmem:s10+$0xFFFFFF80];
	[tilespmem:v16+s31+$0x0] =	vst.idx.msk $0xffff, v15;
	v15 =	vor.u32 s17, v1;
	(pc) =	sbr.rel @p2 .LBB2_7-.Ltmp4, $4  }
0x11f: {  	v12 =	vor.u32 s23, v1;
	v8 =	vld [tilespmem:s10+$0x10];
	[tilespmem:v9+s31+$0x0] =	vst.idx.msk $0xffff, v10  }
0x120: {  	v13 =	vor.u32 s15, v1;
	[tilespmem:v19+s31+$0x0] =	vst.idx.msk $0xffff, v17;
	v9 =	vld [tilespmem:s10+$0x20]  }
0x121: {  	v14 =	vor.u32 s25, v1;
	[tilespmem:v20+s31+$0x0] =	vst.idx.msk $0xffff, v18;
	v10 =	vld [tilespmem:s10+$0xFFFFFFF0]  }
0x122: {  	s13 =	sadd.s32 $0x2, s13;
	s14 =	sadd.s32 $0x100, s14;
	v11 =	vld [tilespmem:s10+$0xFFFFFFA0];
	[tilespmem:v22+s31+$0x0] =	vst.idx.msk $0xffff, v21  }
0x123: {  	_ =	sdelay $0x3  }
0x124: {  	[tilespmem:v15+s31+$0x0] =	vst.idx.msk $0xffff, v6  }
0x125: {  	v6 =	vor.u32 s18, v1;
	[tilespmem:v12+s31+$0x0] =	vst.idx.msk $0xffff, v5  }
0x126: {  	v5 =	vor.u32 s11, v1;
	[tilespmem:v13+s31+$0x0] =	vst.idx.msk $0xffff, v7  }
0x127: {  	s10 =	sshll.u32 s7, $0x1;
	[tilespmem:v14+s31+$0x0] =	vst.idx.msk $0xffff, v8  }
0x128: {  	s1 =	sadd.s32 s20, s10;
	[tilespmem:v3+s31+$0x0] =	vst.idx.msk $0xffff, v9  }
0x129: {  	s1 =	sshll.u32 s1, $0x8;
	[tilespmem:v2+s31+$0x0] =	vst.idx.msk $0xffff, v10  }
0x12a: {  	s11 =	sand.u32 $0x1FFFFE00, s1;
	[tilespmem:v6+s31+$0x0] =	vst.idx.msk $0xffff, v11  }
0x12b: {  	s1 =	sadd.s32 s21, s11;
	[tilespmem:v5+s31+$0x0] =	vst.idx.msk $0xffff, v4  }
0x12c: {  	[hbm4b:s1+s4] =	stream.linear.scatter [tilespmem:s31], [sflag:$0x3], $0x800, $0x38;
	[tilespmem:$0x2500] =	vst v63  }
0x12d: {  	s12 =	rddreg [dreg:$0xf]  }
0x12e: {  	s1 =	sadd.s32 s10, s12  }
0x12f: {  	s1 =	sshll.u32 s1, $0x7  }
0x130: {  	s8 =	sadd.s32 s19, s1  }
0x131: {  	[tilespmem:s4], [sflag:$0x1] =	stream.linear.gather [hbm4b:s8+s4], $0x400, $0x38;
	[tilespmem:$0x2500] =	vst v63  }
0x132: {  	s5 =	simm.s32 $0x400;
	s1 =	sadd.s32 s1, s9  }
0x133: {  	[tilespmem:s5], [sflag:$0x1] =	stream.linear.gather [hbm4b:s1+s4], $0x400, $0x38;
	[tilespmem:$0x2500] =	vst v63  }
0x134: {  	_ =	swait.ge [sflag:s2], $0x400  }
0x135: {  	[sflag:s2] =	ssyncset.done $0x0  }
0x136: {  	[sflag:s2] =	ssyncadd.s32 $0xFFFFFC00  }
0x137: {  	_ =	swait.ge [sflag:s2], $0x400  }
0x138: {  	[sflag:s2] =	ssyncset.done $0x0  }
0x139: {  	[sflag:s2] =	ssyncadd.s32 $0xFFFFFC00  }
0x13a: {  	_ =	swait.ge [sflag:s22], $0x800  }
0x13b: {  	[sflag:s22] =	ssyncset.done $0x0  }
0x13c: {  	s1 =	simm.s32 $0x880;
	[sflag:s22] =	ssyncadd.s32 $0xFFFFF800  }
0x13d: {  	v2 =	vld [tilespmem:s1+$0xFFFFFFE0]  }
0x13e: {  	v3 =	vld [tilespmem:s1+$0xFFFFFF80]  }
0x13f: {  	s13 =	simm.s32 $0x100;
	v4 =	vld [tilespmem:s1+$0xFFFFFF90]  }
0x140: {  	s15 =	simm.s32 $0x0;
	v5 =	vor.u32 s13, v0;
	v6 =	vld [tilespmem:s1+$0x50]  }
0x141: {  	s16 =	simm.s32 $0x701;
	v9 =	vor.u32 s15, v0;
	v8 =	vld [tilespmem:s1+$0x70]  }
0x142: {  	s18 =	simm.s32 $0x601;
	v7 =	vor.u32 s16, v0;
	v10 =	vld [tilespmem:s1+$0x60]  }
0x143: {  	s14 =	simm.s32 $0x300;
	v11 =	vor.u32 s18, v0;
	v12 =	vld [tilespmem:s1+$0xFFFFFFB0]  }
0x144: {  	s23 =	simm.s32 $0x400;
	v13 =	vor.u32 s14, v0;
	v14 =	vld [tilespmem:s1+$0xFFFFFFC0]  }
0x145: {  	s24 =	simm.s32 $0x501;
	v15 =	vor.u32 s23, v0;
	[tilespmem:v5+s0+$0x0] =	vst.idx.msk $0xffff, v4;
	v4 =	vld [tilespmem:s1+$0x40]  }
0x146: {  	s17 =	simm.s32 $0x600;
	v5 =	vor.u32 s24, v0;
	[tilespmem:v9+s0+$0x0] =	vst.idx.msk $0xffff, v3;
	v3 =	vld [tilespmem:s1+$0x30]  }
0x147: {  	s25 =	simm.s32 $0x401;
	[tilespmem:v7+s0+$0x0] =	vst.idx.msk $0xffff, v8;
	v7 =	vor.u32 s17, v0;
	v9 =	vld [tilespmem:s1+$0x20]  }
0x148: {  	s26 =	simm.s32 $0x301;
	v8 =	vor.u32 s25, v0;
	[tilespmem:v11+s0+$0x0] =	vst.idx.msk $0xffff, v10;
	v11 =	vld [tilespmem:s1+$0x10]  }
0x149: {  	s28 =	simm.s32 $0x201;
	v10 =	vor.u32 s26, v0;
	[tilespmem:v13+s0+$0x0] =	vst.idx.msk $0xffff, v12;
	v13 =	vld [tilespmem:s1+$0x0]  }
0x14a: {  	s29 =	simm.s32 $0x101;
	s12 =	simm.s32 $0xC80;
	v12 =	vor.u32 s28, v0;
	[tilespmem:v15+s0+$0x0] =	vst.idx.msk $0xffff, v14;
	v14 =	vld [tilespmem:s1+$0xFFFFFFF0]  }
0x14b: {  	v15 =	vor.u32 s29, v0;
	v16 =	vld [tilespmem:s12+$0xFFFFFF90];
	[tilespmem:v5+s0+$0x0] =	vst.idx.msk $0xffff, v6  }
0x14c: {  	v20 =	vor.u32 s16, v1;
	s5 =	simm.s32 $0x1;
	v19 =	vld [tilespmem:s12+$0x70];
	[tilespmem:v7+s0+$0x0] =	vst.idx.msk $0xffff, v2  }
0x14d: {  	v17 =	vld [tilespmem:s12+$0xFFFFFFC0];
	v2 =	vor.u32 s5, v0;
	[tilespmem:v8+s0+$0x0] =	vst.idx.msk $0xffff, v4  }
0x14e: {  	s6 =	simm.s32 $0x700;
	v6 =	vld [tilespmem:s1+$0xFFFFFFD0];
	v5 =	vor.u32 s13, v1;
	[tilespmem:v10+s0+$0x0] =	vst.idx.msk $0xffff, v3  }
0x14f: {  	s8 =	simm.s32 $0x200;
	v8 =	vld [tilespmem:s1+$0xFFFFFFA0];
	v4 =	vor.u32 s6, v0;
	[tilespmem:v12+s0+$0x0] =	vst.idx.msk $0xffff, v9  }
0x150: {  	s13 =	simm.s32 $0x500;
	[tilespmem:v15+s0+$0x0] =	vst.idx.msk $0xffff, v11;
	v15 =	vor.u32 s8, v0;
	v7 =	vld [tilespmem:s12+$0x50]  }
0x151: {  	v3 =	vor.u32 s13, v0;
	v10 =	vld [tilespmem:s12+$0x40];
	[tilespmem:v20+s0+$0x0] =	vst.idx.msk $0xffff, v19  }
0x152: {  	v9 =	vor.u32 s25, v1;
	v12 =	vld [tilespmem:s12+$0x30];
	[tilespmem:v2+s0+$0x0] =	vst.idx.msk $0xffff, v13  }
0x153: {  	v11 =	vor.u32 s26, v1;
	v2 =	vld [tilespmem:s12+$0x60];
	[tilespmem:v5+s0+$0x0] =	vst.idx.msk $0xffff, v16  }
0x154: {  	v13 =	vor.u32 s24, v1;
	v5 =	vld [tilespmem:s12+$0xFFFFFFE0];
	[tilespmem:v4+s0+$0x0] =	vst.idx.msk $0xffff, v14  }
0x155: {  	v16 =	vor.u32 s18, v1;
	[tilespmem:v15+s0+$0x0] =	vst.idx.msk $0xffff, v8;
	v8 =	vld [tilespmem:s12+$0x10]  }
0x156: {  	v18 =	vor.u32 s5, v1;
	v14 =	vld [tilespmem:s12+$0x0];
	[tilespmem:v3+s0+$0x0] =	vst.idx.msk $0xffff, v6  }
0x157: {  	v6 =	vld [tilespmem:s12+$0xFFFFFFB0];
	[tilespmem:v9+s0+$0x0] =	vst.idx.msk $0xffff, v10;
	v10 =	vor.u32 s23, v1  }
0x158: {  	v15 =	vor.u32 s14, v1;
	[tilespmem:v11+s0+$0x0] =	vst.idx.msk $0xffff, v12;
	v9 =	vld [tilespmem:s12+$0x20]  }
0x159: {  	v12 =	vor.u32 s17, v1;
	v11 =	vld [tilespmem:s12+$0xFFFFFFA0];
	[tilespmem:v13+s0+$0x0] =	vst.idx.msk $0xffff, v7  }
0x15a: {  	v7 =	vld [tilespmem:s12+$0xFFFFFF80];
	[tilespmem:v16+s0+$0x0] =	vst.idx.msk $0xffff, v2;
	v13 =	vor.u32 s15, v1  }
0x15b: {  	v4 =	vld [tilespmem:s12+$0xFFFFFFD0];
	[tilespmem:v18+s0+$0x0] =	vst.idx.msk $0xffff, v14;
	v14 =	vor.u32 s29, v1  }
0x15c: {  	s16 =	simm.s32 $0x980;
	s14 =	simm.s32 $0x0;
	v3 =	vor.u32 s28, v1;
	v2 =	vor.u32 s6, v1;
	s15 =	simm.s32 $0x703;
	[tilespmem:v10+s0+$0x0] =	vst.idx.msk $0xffff, v17;
	v10 =	vld [tilespmem:s12+$0xFFFFFFF0]  }
.LBB2_9:
0x15d: {  	v16 =	vld [tilespmem:s16+$0xFFFFFFE0];
	s18 =	sadd.s32 $0xFFFFFF00, s15;
	v17 =	vor.u32 s15, v0;
	s14 =	sadd.s32 $0x10, s14;
	[tilespmem:v15+s0+$0x0] =	vst.idx.msk $0xffff, v6;
	v6 =	vor.u32 s13, v1;
	s12 =	sadd.s32 $0x100, s12  }
0x15e: {  	s23 =	sadd.s32 $0xFFFFFE00, s15;
	v19 =	vor.u32 s8, v1;
	v15 =	vld [tilespmem:s16+$0xFFFFFF80];
	v18 =	vor.u32 s18, v0;
	p2 =	slt.u32 s14, $0x30;
	[tilespmem:v12+s0+$0x0] =	vst.idx.msk $0xffff, v5  }
0x15f: {  	s8 =	sadd.s32 $0xFFFFF9FF, s15;
	v12 =	vor.u32 s23, v0;
	v5 =	vld [tilespmem:s16+$0xFFFFFF90];
	[tilespmem:v13+s0+$0x0] =	vst.idx.msk $0xffff, v7  }
0x160: {  	s17 =	sadd.s32 $0xFFFFF8FF, s15;
	v7 =	vor.u32 s8, v0;
	v13 =	vld [tilespmem:s16+$0x50];
	[tilespmem:v14+s0+$0x0] =	vst.idx.msk $0xffff, v8  }
0x161: {  	s13 =	sadd.s32 $0xFFFFFDFF, s15;
	v8 =	vor.u32 s17, v0;
	v14 =	vld [tilespmem:s16+$0x70];
	[tilespmem:v3+s0+$0x0] =	vst.idx.msk $0xffff, v9  }
0x162: {  	s25 =	sadd.s32 $0xFFFFFBFF, s15;
	v9 =	vor.u32 s13, v0;
	v3 =	vld [tilespmem:s16+$0x60];
	[tilespmem:v2+s0+$0x0] =	vst.idx.msk $0xffff, v10  }
0x163: {  	s28 =	sadd.s32 $0xFFFFFCFF, s15;
	v2 =	vor.u32 s25, v0;
	v10 =	vld [tilespmem:s16+$0xFFFFFFB0];
	[tilespmem:v19+s0+$0x0] =	vst.idx.msk $0xffff, v11  }
0x164: {  	s24 =	sadd.s32 $0xFFFFFEFF, s15;
	v11 =	vor.u32 s28, v0;
	v19 =	vld [tilespmem:s16+$0xFFFFFFC0];
	[tilespmem:v6+s0+$0x0] =	vst.idx.msk $0xffff, v4  }
0x165: {  	s1 =	sadd.s32 $0xFFFFFD00, s15;
	v4 =	vor.u32 s24, v0;
	[tilespmem:v7+s0+$0x0] =	vst.idx.msk $0xffff, v5;
	v5 =	vld [tilespmem:s16+$0x40]  }
0x166: {  	s5 =	sadd.s32 $0xFFFFFC00, s15;
	v7 =	vor.u32 s1, v0;
	v6 =	vld [tilespmem:s12+$0xFFFFFF90];
	[tilespmem:v17+s0+$0x0] =	vst.idx.msk $0xffff, v14  }
0x167: {  	s6 =	sadd.s32 $0xFFFFFB00, s15;
	[tilespmem:v8+s0+$0x0] =	vst.idx.msk $0xffff, v15;
	v8 =	vor.u32 s5, v0;
	v14 =	vld [tilespmem:s16+$0x30]  }
0x168: {  	v15 =	vor.u32 s6, v0;
	v17 =	vld [tilespmem:s16+$0x20];
	[tilespmem:v18+s0+$0x0] =	vst.idx.msk $0xffff, v3  }
0x169: {  	[tilespmem:v2+s0+$0x0] =	vst.idx.msk $0xffff, v10;
	v10 =	vld [tilespmem:s16+$0x10]  }
0x16a: {  	s29 =	sadd.s32 $0xFFFFFA00, s15;
	[tilespmem:v11+s0+$0x0] =	vst.idx.msk $0xffff, v19;
	v11 =	vld [tilespmem:s16+$0x0]  }
0x16b: {  	s26 =	sadd.s32 $0xFFFFF900, s15;
	v19 =	vor.u32 s29, v0;
	v18 =	vld [tilespmem:s16+$0xFFFFFFF0];
	[tilespmem:v12+s0+$0x0] =	vst.idx.msk $0xffff, v13  }
0x16c: {  	v12 =	vor.u32 s1, v1;
	[tilespmem:v4+s0+$0x0] =	vst.idx.msk $0xffff, v16;
	v4 =	vor.u32 s26, v0;
	v13 =	vld [tilespmem:s12+$0x50]  }
0x16d: {  	v21 =	vor.u32 s5, v1;
	s1 =	sadd.s32 $0xFFFFFFFF, s15;
	v16 =	vor.u32 s8, v1;
	v20 =	vld [tilespmem:s16+$0xFFFFFFD0];
	[tilespmem:v7+s0+$0x0] =	vst.idx.msk $0xffff, v5  }
0x16e: {  	v3 =	vor.u32 s6, v1;
	v2 =	vor.u32 s1, v1;
	v7 =	vor.u32 s1, v0;
	[tilespmem:v8+s0+$0x0] =	vst.idx.msk $0xffff, v14;
	v8 =	vld [tilespmem:s12+$0x40]  }
0x16f: {  	[tilespmem:v15+s0+$0x0] =	vst.idx.msk $0xffff, v17;
	v14 =	vld [tilespmem:s12+$0x30]  }
0x170: {  	v15 =	vld [tilespmem:s16+$0xFFFFFFA0];
	[tilespmem:v19+s0+$0x0] =	vst.idx.msk $0xffff, v10  }
0x171: {  	[tilespmem:v4+s0+$0x0] =	vst.idx.msk $0xffff, v11;
	v10 =	vld [tilespmem:s12+$0x60]  }
0x172: {  	s8 =	sadd.s32 $0xFFFFFAFF, s15;
	v11 =	vor.u32 s23, v1;
	[tilespmem:v16+s0+$0x0] =	vst.idx.msk $0xffff, v6;
	v5 =	vld [tilespmem:s12+$0xFFFFFFE0]  }
0x173: {  	v16 =	vor.u32 s8, v0;
	[tilespmem:v7+s0+$0x0] =	vst.idx.msk $0xffff, v18;
	v17 =	vld [tilespmem:s12+$0x0]  }
0x174: {  	v18 =	vld [tilespmem:s12+$0xFFFFFFC0];
	[tilespmem:v9+s0+$0x0] =	vst.idx.msk $0xffff, v20;
	v9 =	vor.u32 s18, v1  }
0x175: {  	v19 =	vor.u32 s26, v1;
	v6 =	vld [tilespmem:s12+$0xFFFFFFB0];
	[tilespmem:v12+s0+$0x0] =	vst.idx.msk $0xffff, v8  }
0x176: {  	v20 =	vor.u32 s28, v1;
	[tilespmem:v21+s0+$0x0] =	vst.idx.msk $0xffff, v14;
	v21 =	vld [tilespmem:s12+$0x70]  }
0x177: {  	v22 =	vor.u32 s15, v1;
	v4 =	vld [tilespmem:s12+$0xFFFFFFD0];
	[tilespmem:v11+s0+$0x0] =	vst.idx.msk $0xffff, v13  }
.Ltmp5:
0x178: {  	v7 =	vld [tilespmem:s12+$0xFFFFFF80];
	[tilespmem:v16+s0+$0x0] =	vst.idx.msk $0xffff, v15;
	v15 =	vor.u32 s25, v1;
	(pc) =	sbr.rel @p2 .LBB2_9-.Ltmp5, $4  }
0x179: {  	v12 =	vor.u32 s24, v1;
	v8 =	vld [tilespmem:s12+$0x10];
	[tilespmem:v9+s0+$0x0] =	vst.idx.msk $0xffff, v10  }
0x17a: {  	v13 =	vor.u32 s17, v1;
	[tilespmem:v19+s0+$0x0] =	vst.idx.msk $0xffff, v17;
	v9 =	vld [tilespmem:s12+$0x20]  }
0x17b: {  	v14 =	vor.u32 s29, v1;
	[tilespmem:v20+s0+$0x0] =	vst.idx.msk $0xffff, v18;
	v10 =	vld [tilespmem:s12+$0xFFFFFFF0]  }
0x17c: {  	s15 =	sadd.s32 $0x2, s15;
	s16 =	sadd.s32 $0x100, s16;
	v11 =	vld [tilespmem:s12+$0xFFFFFFA0];
	[tilespmem:v22+s0+$0x0] =	vst.idx.msk $0xffff, v21  }
0x17d: {  	_ =	sdelay $0x3  }
0x17e: {  	[tilespmem:v15+s0+$0x0] =	vst.idx.msk $0xffff, v6  }
0x17f: {  	v62 =	vor.u32 s8, v1;
	[tilespmem:v12+s0+$0x0] =	vst.idx.msk $0xffff, v5  }
0x180: {  	v63 =	vor.u32 s13, v1;
	[tilespmem:v13+s0+$0x0] =	vst.idx.msk $0xffff, v7  }
0x181: {  	[tilespmem:v14+s0+$0x0] =	vst.idx.msk $0xffff, v8  }
0x182: {  	[tilespmem:v3+s0+$0x0] =	vst.idx.msk $0xffff, v9  }
0x183: {  	[tilespmem:v2+s0+$0x0] =	vst.idx.msk $0xffff, v10  }
0x184: {  	[tilespmem:v62+s0+$0x0] =	vst.idx.msk $0xffff, v11  }
0x185: {  	[tilespmem:v63+s0+$0x0] =	vst.idx.msk $0xffff, v4  }
0x186: {  	s1 =	rddreg [dreg:$0x10]  }
0x187: {  	s7 =	sadd.s32 $0x1, s7;
	s28 =	rddreg [dreg:$0x11];
	s1 =	sadd.s32 s11, s1  }
0x188: {  	[hbm4b:s1+s4] =	stream.linear.scatter [tilespmem:s0], [sflag:$0x4], $0x800, $0x38;
	[tilespmem:$0x2500] =	vst v63  }
0x189: {  	p2 =	sne.s32 s7, $0x7A;
	s1 =	sadd.s32 s10, s28  }
.Ltmp6:
0x18a: {  	s1 =	sshll.u32 s1, $0x7;
	(pc) =	sbr.rel @p2 .LBB2_6-.Ltmp6, $4  }
0x18b: {  	s6 =	simm.s32 $0x800;
	s5 =	sadd.s32 s19, s1  }
0x18c: {  	[tilespmem:s6], [sflag:$0x2] =	stream.linear.gather [hbm4b:s5+s4], $0x400, $0x38;
	[tilespmem:$0x2500] =	vst v63  }
0x18d: {  	s29 =	simm.s32 $0xC00;
	s1 =	sadd.s32 s1, s9  }
0x18e: {  	[tilespmem:s29], [sflag:$0x2] =	stream.linear.gather [hbm4b:s1+s4], $0x400, $0x38;
	[tilespmem:$0x2500] =	vst v63  }
0x18f: {  	_ =	swait.ge [sflag:s30], $0x400  }
0x190: {  	[sflag:s30] =	ssyncset.done $0x0  }
0x191: {  	[sflag:s30] =	ssyncadd.s32 $0xFFFFFC00  }
0x192: {  	_ =	swait.ge [sflag:s30], $0x400  }
0x193: {  	[sflag:s30] =	ssyncset.done $0x0  }
0x194: {  	[sflag:s30] =	ssyncadd.s32 $0xFFFFFC00  }
0x195: {  	_ =	swait.ge [sflag:s2], $0x400  }
0x196: {  	[sflag:s2] =	ssyncset.done $0x0  }
0x197: {  	[sflag:s2] =	ssyncadd.s32 $0xFFFFFC00  }
0x198: {  	_ =	swait.ge [sflag:s2], $0x400  }
0x199: {  	[sflag:s2] =	ssyncset.done $0x0  }
0x19a: {  	[sflag:s2] =	ssyncadd.s32 $0xFFFFFC00  }
0x19b: {  	_ =	swait.ge [sflag:s3], $0x800  }
.Ltmp7:
0x19c: {  	[sflag:s3] =	ssyncset.done $0x0;
	(pc) =	sbr.rel @p1 .LBB2_15-.Ltmp7, $4  }
0x19d: {  	[sflag:s3] =	ssyncadd.s32 $0xFFFFF800  }
0x19e: {  	_ =	swait.ge [sflag:s22], $0x800  }
0x19f: {  	[sflag:s22] =	ssyncset.done $0x0  }
0x1a0: {  	s6 =	rddreg [dreg:$0x16];
	[sflag:s22] =	ssyncadd.s32 $0xFFFFF800  }
0x1a1: {  	s1 =	rddreg [dreg:$0x12];
	s6 =	simm.s32 $0x5  }
0x1a2: {  	[tilespmem:s4], [sflag:$0x5] =	stream.linear.gather [hbm4b:s1+s4], $0x400, $0x38;
	[tilespmem:$0x2500] =	vst v63  }
0x1a3: {  	_ =	swait.ge [sflag:s6], $0x400  }
0x1a4: {  	[sflag:s6] =	ssyncset.done $0x0  }
0x1a5: {  	s5 =	simm.s32 $0x400;
	s24 =	rddreg [dreg:$0x13];
	[sflag:s6] =	ssyncadd.s32 $0xFFFFFC00  }
0x1a6: {  	[tilespmem:s5], [sflag:$0x5] =	stream.linear.gather [hbm4b:s24+s4], $0x400, $0x38;
	[tilespmem:$0x2500] =	vst v63  }
0x1a7: {  	_ =	swait.ge [sflag:s6], $0x400  }
0x1a8: {  	[sflag:s6] =	ssyncset.done $0x0  }
0x1a9: {  	s15 =	simm.s32 $0x80;
	[sflag:s6] =	ssyncadd.s32 $0xFFFFFC00  }
0x1aa: {  	v2 =	vld [tilespmem:s15+$0xFFFFFFE0]  }
0x1ab: {  	v3 =	vld [tilespmem:s15+$0xFFFFFF80]  }
0x1ac: {  	s25 =	simm.s32 $0x100;
	v4 =	vld [tilespmem:s15+$0xFFFFFF90]  }
0x1ad: {  	s8 =	simm.s32 $0x0;
	v5 =	vor.u32 s25, v0;
	v6 =	vld [tilespmem:s15+$0x50]  }
0x1ae: {  	s11 =	simm.s32 $0x701;
	v9 =	vor.u32 s8, v0;
	v8 =	vld [tilespmem:s15+$0x70]  }
0x1af: {  	s14 =	simm.s32 $0x601;
	v7 =	vor.u32 s11, v0;
	v10 =	vld [tilespmem:s15+$0x60]  }
0x1b0: {  	s12 =	simm.s32 $0x300;
	v11 =	vor.u32 s14, v0;
	v12 =	vld [tilespmem:s15+$0xFFFFFFB0]  }
0x1b1: {  	s16 =	simm.s32 $0x400;
	v13 =	vor.u32 s12, v0;
	v14 =	vld [tilespmem:s15+$0xFFFFFFC0]  }
0x1b2: {  	s26 =	simm.s32 $0x501;
	v15 =	vor.u32 s16, v0;
	[tilespmem:v5+s31+$0x0] =	vst.idx.msk $0xffff, v4;
	v4 =	vld [tilespmem:s15+$0x40]  }
0x1b3: {  	s13 =	simm.s32 $0x600;
	v5 =	vor.u32 s26, v0;
	[tilespmem:v9+s31+$0x0] =	vst.idx.msk $0xffff, v3;
	v3 =	vld [tilespmem:s15+$0x30]  }
0x1b4: {  	s28 =	simm.s32 $0x401;
	[tilespmem:v7+s31+$0x0] =	vst.idx.msk $0xffff, v8;
	v7 =	vor.u32 s13, v0;
	v9 =	vld [tilespmem:s15+$0x20]  }
0x1b5: {  	s18 =	simm.s32 $0x201;
	v8 =	vor.u32 s28, v0;
	[tilespmem:v11+s31+$0x0] =	vst.idx.msk $0xffff, v10;
	v11 =	vld [tilespmem:s15+$0x10]  }
0x1b6: {  	s17 =	simm.s32 $0x301;
	[tilespmem:v13+s31+$0x0] =	vst.idx.msk $0xffff, v12;
	v12 =	vor.u32 s18, v0;
	v13 =	vld [tilespmem:s15+$0x0]  }
0x1b7: {  	s7 =	simm.s32 $0x480;
	s23 =	simm.s32 $0x101;
	v10 =	vor.u32 s17, v0;
	[tilespmem:v15+s31+$0x0] =	vst.idx.msk $0xffff, v14;
	v14 =	vld [tilespmem:s15+$0xFFFFFFF0]  }
0x1b8: {  	v15 =	vor.u32 s23, v0;
	v16 =	vld [tilespmem:s7+$0xFFFFFF90];
	[tilespmem:v5+s31+$0x0] =	vst.idx.msk $0xffff, v6  }
0x1b9: {  	v20 =	vor.u32 s11, v1;
	s24 =	simm.s32 $0x1;
	v19 =	vld [tilespmem:s7+$0x70];
	[tilespmem:v7+s31+$0x0] =	vst.idx.msk $0xffff, v2  }
0x1ba: {  	v2 =	vor.u32 s24, v0;
	v6 =	vld [tilespmem:s15+$0xFFFFFFD0];
	[tilespmem:v8+s31+$0x0] =	vst.idx.msk $0xffff, v4  }
0x1bb: {  	s29 =	simm.s32 $0x700;
	v5 =	vor.u32 s25, v1;
	[tilespmem:v12+s31+$0x0] =	vst.idx.msk $0xffff, v9;
	v12 =	vld [tilespmem:s15+$0xFFFFFFA0]  }
0x1bc: {  	s10 =	simm.s32 $0x500;
	v4 =	vor.u32 s29, v0;
	[tilespmem:v10+s31+$0x0] =	vst.idx.msk $0xffff, v3;
	v7 =	vld [tilespmem:s7+$0x50]  }
0x1bd: {  	v8 =	vor.u32 s10, v0;
	[tilespmem:v15+s31+$0x0] =	vst.idx.msk $0xffff, v11;
	v3 =	vld [tilespmem:s7+$0x40]  }
0x1be: {  	v10 =	vor.u32 s28, v1;
	v9 =	vld [tilespmem:s7+$0x30];
	[tilespmem:v20+s31+$0x0] =	vst.idx.msk $0xffff, v19  }
0x1bf: {  	v11 =	vor.u32 s17, v1;
	s17 =	simm.s32 $0x200;
	[tilespmem:v2+s31+$0x0] =	vst.idx.msk $0xffff, v13;
	v2 =	vld [tilespmem:s7+$0x60]  }
0x1c0: {  	v15 =	vor.u32 s17, v0;
	[tilespmem:v5+s31+$0x0] =	vst.idx.msk $0xffff, v16;
	v5 =	vld [tilespmem:s7+$0xFFFFFFE0]  }
0x1c1: {  	v13 =	vor.u32 s26, v1;
	[tilespmem:v4+s31+$0x0] =	vst.idx.msk $0xffff, v14;
	v16 =	vld [tilespmem:s7+$0xFFFFFFC0]  }
0x1c2: {  	v17 =	vor.u32 s14, v1;
	[tilespmem:v8+s31+$0x0] =	vst.idx.msk $0xffff, v6;
	v6 =	vld [tilespmem:s7+$0xFFFFFFB0]  }
0x1c3: {  	v18 =	vor.u32 s24, v1;
	v14 =	vld [tilespmem:s7+$0x0];
	[tilespmem:v10+s31+$0x0] =	vst.idx.msk $0xffff, v3  }
0x1c4: {  	v8 =	vld [tilespmem:s7+$0x10];
	v10 =	vor.u32 s16, v1;
	[tilespmem:v11+s31+$0x0] =	vst.idx.msk $0xffff, v9  }
0x1c5: {  	v4 =	vld [tilespmem:s7+$0xFFFFFFD0];
	[tilespmem:v15+s31+$0x0] =	vst.idx.msk $0xffff, v12;
	v15 =	vor.u32 s12, v1  }
0x1c6: {  	v9 =	vld [tilespmem:s7+$0x20];
	v12 =	vor.u32 s13, v1;
	[tilespmem:v13+s31+$0x0] =	vst.idx.msk $0xffff, v7  }
0x1c7: {  	v7 =	vld [tilespmem:s7+$0xFFFFFF80];
	[tilespmem:v17+s31+$0x0] =	vst.idx.msk $0xffff, v2;
	v13 =	vor.u32 s8, v1  }
0x1c8: {  	v11 =	vld [tilespmem:s7+$0xFFFFFFA0];
	[tilespmem:v18+s31+$0x0] =	vst.idx.msk $0xffff, v14;
	v14 =	vor.u32 s23, v1  }
0x1c9: {  	s11 =	simm.s32 $0x0;
	v3 =	vor.u32 s18, v1;
	s12 =	simm.s32 $0x703;
	s13 =	simm.s32 $0x180;
	v2 =	vor.u32 s29, v1;
	[tilespmem:v10+s31+$0x0] =	vst.idx.msk $0xffff, v16;
	v10 =	vld [tilespmem:s7+$0xFFFFFFF0]  }
.LBB2_13:
0x1ca: {  	v16 =	vld [tilespmem:s13+$0xFFFFFFE0];
	s15 =	sadd.s32 $0xFFFFFF00, s12;
	v17 =	vor.u32 s12, v0;
	s11 =	sadd.s32 $0x10, s11;
	[tilespmem:v15+s31+$0x0] =	vst.idx.msk $0xffff, v6;
	v6 =	vor.u32 s10, v1;
	s7 =	sadd.s32 $0x100, s7  }
0x1cb: {  	s8 =	sadd.s32 $0xFFFFFE00, s12;
	v19 =	vor.u32 s17, v1;
	v15 =	vld [tilespmem:s13+$0xFFFFFF80];
	v18 =	vor.u32 s15, v0;
	p2 =	slt.u32 s11, $0x30;
	[tilespmem:v12+s31+$0x0] =	vst.idx.msk $0xffff, v5  }
0x1cc: {  	s17 =	sadd.s32 $0xFFFFF9FF, s12;
	v12 =	vor.u32 s8, v0;
	v5 =	vld [tilespmem:s13+$0xFFFFFF90];
	[tilespmem:v13+s31+$0x0] =	vst.idx.msk $0xffff, v7  }
0x1cd: {  	s14 =	sadd.s32 $0xFFFFF8FF, s12;
	v7 =	vor.u32 s17, v0;
	v13 =	vld [tilespmem:s13+$0x50];
	[tilespmem:v14+s31+$0x0] =	vst.idx.msk $0xffff, v8  }
0x1ce: {  	s10 =	sadd.s32 $0xFFFFFDFF, s12;
	v8 =	vor.u32 s14, v0;
	v14 =	vld [tilespmem:s13+$0x70];
	[tilespmem:v3+s31+$0x0] =	vst.idx.msk $0xffff, v9  }
0x1cf: {  	s16 =	sadd.s32 $0xFFFFFBFF, s12;
	v9 =	vor.u32 s10, v0;
	v3 =	vld [tilespmem:s13+$0x60];
	[tilespmem:v2+s31+$0x0] =	vst.idx.msk $0xffff, v10  }
0x1d0: {  	s23 =	sadd.s32 $0xFFFFFCFF, s12;
	v2 =	vor.u32 s16, v0;
	v10 =	vld [tilespmem:s13+$0xFFFFFFB0];
	[tilespmem:v19+s31+$0x0] =	vst.idx.msk $0xffff, v11  }
0x1d1: {  	s18 =	sadd.s32 $0xFFFFFEFF, s12;
	v11 =	vor.u32 s23, v0;
	v19 =	vld [tilespmem:s13+$0xFFFFFFC0];
	[tilespmem:v6+s31+$0x0] =	vst.idx.msk $0xffff, v4  }
0x1d2: {  	s1 =	sadd.s32 $0xFFFFFD00, s12;
	v4 =	vor.u32 s18, v0;
	[tilespmem:v7+s31+$0x0] =	vst.idx.msk $0xffff, v5;
	v5 =	vld [tilespmem:s13+$0x40]  }
0x1d3: {  	s5 =	sadd.s32 $0xFFFFFC00, s12;
	v7 =	vor.u32 s1, v0;
	v6 =	vld [tilespmem:s7+$0xFFFFFF90];
	[tilespmem:v17+s31+$0x0] =	vst.idx.msk $0xffff, v14  }
0x1d4: {  	s6 =	sadd.s32 $0xFFFFFB00, s12;
	[tilespmem:v8+s31+$0x0] =	vst.idx.msk $0xffff, v15;
	v8 =	vor.u32 s5, v0;
	v14 =	vld [tilespmem:s13+$0x30]  }
0x1d5: {  	v15 =	vor.u32 s6, v0;
	v17 =	vld [tilespmem:s13+$0x20];
	[tilespmem:v18+s31+$0x0] =	vst.idx.msk $0xffff, v3  }
0x1d6: {  	[tilespmem:v2+s31+$0x0] =	vst.idx.msk $0xffff, v10;
	v10 =	vld [tilespmem:s13+$0x10]  }
0x1d7: {  	s24 =	sadd.s32 $0xFFFFFA00, s12;
	[tilespmem:v11+s31+$0x0] =	vst.idx.msk $0xffff, v19;
	v11 =	vld [tilespmem:s13+$0x0]  }
0x1d8: {  	s25 =	sadd.s32 $0xFFFFF900, s12;
	v19 =	vor.u32 s24, v0;
	v18 =	vld [tilespmem:s13+$0xFFFFFFF0];
	[tilespmem:v12+s31+$0x0] =	vst.idx.msk $0xffff, v13  }
0x1d9: {  	v12 =	vor.u32 s1, v1;
	[tilespmem:v4+s31+$0x0] =	vst.idx.msk $0xffff, v16;
	v4 =	vor.u32 s25, v0;
	v13 =	vld [tilespmem:s7+$0x50]  }
0x1da: {  	v21 =	vor.u32 s5, v1;
	s1 =	sadd.s32 $0xFFFFFFFF, s12;
	v16 =	vor.u32 s17, v1;
	v20 =	vld [tilespmem:s13+$0xFFFFFFD0];
	[tilespmem:v7+s31+$0x0] =	vst.idx.msk $0xffff, v5  }
0x1db: {  	v3 =	vor.u32 s6, v1;
	v2 =	vor.u32 s1, v1;
	v7 =	vor.u32 s1, v0;
	[tilespmem:v8+s31+$0x0] =	vst.idx.msk $0xffff, v14;
	v8 =	vld [tilespmem:s7+$0x40]  }
0x1dc: {  	[tilespmem:v15+s31+$0x0] =	vst.idx.msk $0xffff, v17;
	v14 =	vld [tilespmem:s7+$0x30]  }
0x1dd: {  	v15 =	vld [tilespmem:s13+$0xFFFFFFA0];
	[tilespmem:v19+s31+$0x0] =	vst.idx.msk $0xffff, v10  }
0x1de: {  	[tilespmem:v4+s31+$0x0] =	vst.idx.msk $0xffff, v11;
	v10 =	vld [tilespmem:s7+$0x60]  }
0x1df: {  	s17 =	sadd.s32 $0xFFFFFAFF, s12;
	v11 =	vor.u32 s8, v1;
	[tilespmem:v16+s31+$0x0] =	vst.idx.msk $0xffff, v6;
	v5 =	vld [tilespmem:s7+$0xFFFFFFE0]  }
0x1e0: {  	v16 =	vor.u32 s17, v0;
	[tilespmem:v7+s31+$0x0] =	vst.idx.msk $0xffff, v18;
	v17 =	vld [tilespmem:s7+$0x0]  }
0x1e1: {  	v18 =	vld [tilespmem:s7+$0xFFFFFFC0];
	[tilespmem:v9+s31+$0x0] =	vst.idx.msk $0xffff, v20;
	v9 =	vor.u32 s15, v1  }
0x1e2: {  	v19 =	vor.u32 s25, v1;
	v6 =	vld [tilespmem:s7+$0xFFFFFFB0];
	[tilespmem:v12+s31+$0x0] =	vst.idx.msk $0xffff, v8  }
0x1e3: {  	v20 =	vor.u32 s23, v1;
	[tilespmem:v21+s31+$0x0] =	vst.idx.msk $0xffff, v14;
	v21 =	vld [tilespmem:s7+$0x70]  }
0x1e4: {  	v22 =	vor.u32 s12, v1;
	v4 =	vld [tilespmem:s7+$0xFFFFFFD0];
	[tilespmem:v11+s31+$0x0] =	vst.idx.msk $0xffff, v13  }
.Ltmp8:
0x1e5: {  	v7 =	vld [tilespmem:s7+$0xFFFFFF80];
	[tilespmem:v16+s31+$0x0] =	vst.idx.msk $0xffff, v15;
	v15 =	vor.u32 s16, v1;
	(pc) =	sbr.rel @p2 .LBB2_13-.Ltmp8, $4  }
0x1e6: {  	v12 =	vor.u32 s18, v1;
	v8 =	vld [tilespmem:s7+$0x10];
	[tilespmem:v9+s31+$0x0] =	vst.idx.msk $0xffff, v10  }
0x1e7: {  	v13 =	vor.u32 s14, v1;
	[tilespmem:v19+s31+$0x0] =	vst.idx.msk $0xffff, v17;
	v9 =	vld [tilespmem:s7+$0x20]  }
0x1e8: {  	v14 =	vor.u32 s24, v1;
	[tilespmem:v20+s31+$0x0] =	vst.idx.msk $0xffff, v18;
	v10 =	vld [tilespmem:s7+$0xFFFFFFF0]  }
0x1e9: {  	s12 =	sadd.s32 $0x2, s12;
	s13 =	sadd.s32 $0x100, s13;
	v11 =	vld [tilespmem:s7+$0xFFFFFFA0];
	[tilespmem:v22+s31+$0x0] =	vst.idx.msk $0xffff, v21  }
0x1ea: {  	_ =	sdelay $0x3  }
0x1eb: {  	[tilespmem:v15+s31+$0x0] =	vst.idx.msk $0xffff, v6  }
0x1ec: {  	v62 =	vor.u32 s17, v1;
	[tilespmem:v12+s31+$0x0] =	vst.idx.msk $0xffff, v5  }
0x1ed: {  	v63 =	vor.u32 s10, v1;
	[tilespmem:v13+s31+$0x0] =	vst.idx.msk $0xffff, v7  }
0x1ee: {  	[tilespmem:v14+s31+$0x0] =	vst.idx.msk $0xffff, v8  }
0x1ef: {  	[tilespmem:v3+s31+$0x0] =	vst.idx.msk $0xffff, v9  }
0x1f0: {  	[tilespmem:v2+s31+$0x0] =	vst.idx.msk $0xffff, v10  }
0x1f1: {  	[tilespmem:v62+s31+$0x0] =	vst.idx.msk $0xffff, v11  }
0x1f2: {  	[tilespmem:v63+s31+$0x0] =	vst.idx.msk $0xffff, v4  }
.Ltmp9:
0x1f3: {  	s29 =	simm.s32 $0x5;
	s1 =	rddreg [dreg:$0x14];
	(pc) =	sbr.rel .LBB2_15-.Ltmp9, $4  }
0x1f4: {  	[hbm4b:s1+s4] =	stream.linear.scatter [tilespmem:s31], [sflag:$0x5], $0x800, $0x38;
	[tilespmem:$0x2500] =	vst v63  }
0x1f5: {  	_ =	swait.ge [sflag:s29], $0x800  }
0x1f6: {  	[sflag:s29] =	ssyncset.done $0x0  }
0x1f7: {  	s6 =	rddreg [dreg:$0x16];
	[sflag:s29] =	ssyncadd.s32 $0xFFFFF800  }
.LBB2_16:
0x1f8: {  	_ =	sfence.sel $0x180000  }
0x1f9: {  	[bflag:$0x0] =	sbarrier.arrive $0xFFFF  }
0x1fa: {  	_ =	strace $0x90000047  }
0x1fb: {  	s0 =	stileid.u32;
	[bflag:$0x2] =	sbarrier.arrive $0xFFFF  }
0x1fc: {  	p0 =	sne.s32 s0, $0x0;
	s0 =	rddreg [dreg:$0x3]  }
0x1fd: {  	s0 =	sadd.s32 @!p0 $0x100000, s0  }
0x1fe: {  	[sflag:s0] =	ssyncadd.tile.s32 @!p0 $0x1;
	_ =	shalt  }
.Lfunc_end2:
_tile_overlayer_lowered:
.L_overlay_start_2:
0x1ff: {  	(tag) =	ssettag $0x2  }
0x200: {  	s0 =	rddreg [dreg:$0x0];
	s2 =	stileid.u32  }
0x201: {  	s1 =	rddreg [dreg:$0x1];
	p0 =	sne.s32 s2, $0x0  }
0x202: {  	s3 =	rddreg [dreg:$0x2];
	[bflag:$0x3] =	sbarrier.arrive $0xFFFF;
	s2 =	simm.s32 @!p0 $0x1C05  }
0x203: {  	[timem:s3], [sflag:s2] =	dma.local @!p0 [hbm:s0], s1  }
0x204: {  	s0 =	simm.s32 @!p0 $0x5  }
0x205: {  	_ =	swait.ge @!p0 [sflag:s0], s1  }
0x206: {  	s1 =	ssub.s32 @!p0 $0x0, s1;
	[sflag:s0] =	ssyncset.done @!p0 $0x0  }
0x207: {  	[sflag:s0] =	ssyncadd.s32 @!p0 s1  }
0x208: {  	[bflag:$0x3] =	sbarrier.arrive $0xFFFF  }
0x209: {  	_ =	shalt  }

// kernel: kernel.7.cloned.1.call-start
scs
__scs_entry_jumppad:
0x0: {  	(pc) =	sbr.rel $0x88, $3  }
0x1: {  	(tag) =	ssettag $0x0;
	lr =	simm.s32 $0x1  }
0x2: {  	[smem:$0x3F9F] =	sst lr;
	_ =	strace $0xD0000000  }
0x3: {  	_ = 	snop  }
0x4: {  	_ = 	snop  }
0x5: {  	_ = 	snop  }
0x6: {  	_ = 	snop  }
0x7: {  	_ = 	snop  }
__scs_overlays_trampoline_lowered:
0x8: {  	[smem:$0x3FAE] =	sst s0  }
0x9: {  	[smem:$0x3FAF] =	sst s1  }
0xa: {  	[smem:$0x3FB0] =	sst s2  }
0xb: {  	[smem:$0x3FB1] =	sst s3  }
0xc: {  	[smem:$0x3FB2] =	sst s4  }
0xd: {  	[smem:$0x3FB3] =	sst s5  }
0xe: {  	[smem:$0x3FB4] =	sst s6  }
0xf: {  	[smem:$0x3FB5] =	sst s7  }
0x10: {  	[smem:$0x3FB6] =	sst s8  }
0x11: {  	[smem:$0x3FB7] =	sst s9;
	s0 =	simm.s32 @!p0 $0x0  }
0x12: {  	s1 =	sld [smem:$0x3F9D];
	s0 =	simm.s32 @p0 $0x1  }
0x13: {  	[smem:$0x3FB8] =	sst s0;
	s0 =	simm.s32 @!p1 $0x0  }
0x14: {  	s2 =	sld [smem:$0x3F9C];
	s0 =	simm.s32 @p1 $0x1  }
0x15: {  	[smem:$0x3FB9] =	sst s0;
	s0 =	simm.s32 @!p2 $0x0  }
0x16: {  	s3 =	sld [smem:$0x3FDB];
	s0 =	simm.s32 @p2 $0x1  }
0x17: {  	s4 =	simm.s32 $0x1BF5;
	[smem:$0x3FBB] =	sst s0  }
0x18: {  	s0 =	sld [smem:$0x3F9E];
	_ =	swait.ge [sflag:s4], $0x0  }
0x19: {  	s7 =	sld [smem:$0x3F9F]  }
0x1a: {  	s8 =	sadd.s32 $0xFFFFE003, lr  }
0x1b: {  	s9 =	sadd.s32 $0xFFFFFEF7, lr;
	s5 =	simm.s32 $0xFFFFFFFF;
	p2 =	slt.u32 s8, $0xFFFFF086  }
0x1c: {  	p1 =	slt.u32 s9, $0xF7A;
	s5 =	simm.s32 @!p2 $0x0  }
0x1d: {  	s5 =	simm.s32 @p1 $0x1;
	p0 =	seq.s32 s7, s2  }
0x1e: {  	s7 =	smul.u32 @!p0 $0xF7A, s2;
	p2 =	seq.s32 @!p0 s5, $0x0  }
0x1f: {  	s9 =	smul.u32 $0xF7A, s1;
	s8 =	simm.s32 @!p0 $0x1BF5;
	p2 =	por !p2, p0  }
0x20: {  	[sflag:s8] =	ssyncset.s32 @!p0 $0xFFFFF086;
	s6 =	sadd.s32 @!p0 s3, s7;
	s7 =	simm.s32 @!p0 $0x108  }
0x21: {  	s3 =	sadd.s32 s3, s9;
	s6 =	sadd.s32 @!p0 $0x88, s6;
	s7 =	simm.s32 @p2 $0x1082  }
0x22: {  	[simem:s7], [sflag:s8] =	dma.local @!p0 [hbm:s6], $0xF7A  }
0x23: {  	s9 =	sor.u32 $0xD0000000, s2;
	s6 =	simm.s32 $0x108;
	_ =	swait.ge @!p0 [sflag:s8], $0x0  }
0x24: {  	s3 =	sadd.s32 $0x88, s3;
	s6 =	simm.s32 @!p1 $0x1082;
	[sflag:s4] =	ssyncset.s32 $0xFFFFF086  }
0x25: {  	[simem:s6], [sflag:s4] =	dma.local [hbm:s3], $0xF7A  }
0x26: {  	[smem:$0x3F9F] =	sst s1;
	(tag) =	ssettag s2;
	_ =	strace s9  }
0x27: {  	s1 =	sld [smem:$0x3FAF]  }
0x28: {  	s2 =	sld [smem:$0x3FB0]  }
0x29: {  	s4 =	sld [smem:$0x3FB2]  }
0x2a: {  	p0 =	seq.s32 s5, $0x0;
	s5 =	sld [smem:$0x3FB3]  }
0x2b: {  	s6 =	sld [smem:$0x3FB4]  }
0x2c: {  	s7 =	sld [smem:$0x3FB5]  }
0x2d: {  	s3 =	simm.s32 $0x108;
	s8 =	sld [smem:$0x3FB6]  }
0x2e: {  	s3 =	simm.s32 @!p0 $0x1082;
	s9 =	sld [smem:$0x3FB7]  }
0x2f: {  	lr =	sadd.s32 s0, s3;
	s0 =	sld [smem:$0x3FAE]  }
0x30: {  	s3 =	sld [smem:$0x3FB1]  }
0x31: {  	[smem:$0x3FBA] =	sst s10  }
0x32: {  	s10 =	sld [smem:$0x3FB8];
	_ =	sdelay $0x3  }
0x33: {  	p0 =	seq.s32 s10, $0x1;
	s10 =	sld [smem:$0x3FBA];
	_ =	sdelay $0x3  }
0x34: {  	[smem:$0x3FBA] =	sst s10  }
0x35: {  	s10 =	sld [smem:$0x3FB9];
	_ =	sdelay $0x3  }
0x36: {  	p1 =	seq.s32 s10, $0x1;
	s10 =	sld [smem:$0x3FBA];
	_ =	sdelay $0x3  }
0x37: {  	[smem:$0x3FBA] =	sst s10  }
0x38: {  	s10 =	sld [smem:$0x3FBB]  }
0x39: {  	_ = 	snop;
	(pc) =	sbr.ind lr, $3  }
0x3a: {  	_ = 	snop  }
0x3b: {  	_ = 	snop  }
0x3c: {  	p2 =	seq.s32 s10, $0x1;
	s10 =	sld [smem:$0x3FBA]  }
0x3d: {  	_ =	shalt  }
0x3e: {  	_ =	shalt  }
0x3f: {  	_ =	shalt  }
0x40: {  	_ =	shalt  }
0x41: {  	_ =	shalt  }
0x42: {  	_ =	shalt  }
0x43: {  	_ =	shalt  }
0x44: {  	_ =	shalt  }
0x45: {  	_ =	shalt  }
0x46: {  	_ =	shalt  }
0x47: {  	_ =	shalt  }
0x48: {  	_ =	shalt  }
0x49: {  	_ =	shalt  }
0x4a: {  	_ =	shalt  }
0x4b: {  	_ =	shalt  }
0x4c: {  	_ =	shalt  }
0x4d: {  	_ =	shalt  }
0x4e: {  	_ =	shalt  }
0x4f: {  	_ =	shalt  }
0x50: {  	_ =	shalt  }
0x51: {  	_ =	shalt  }
0x52: {  	_ =	shalt  }
0x53: {  	_ =	shalt  }
0x54: {  	_ =	shalt  }
0x55: {  	_ =	shalt  }
0x56: {  	_ =	shalt  }
0x57: {  	_ =	shalt  }
0x58: {  	_ =	shalt  }
0x59: {  	_ =	shalt  }
0x5a: {  	_ =	shalt  }
0x5b: {  	_ =	shalt  }
0x5c: {  	_ =	shalt  }
0x5d: {  	_ =	shalt  }
0x5e: {  	_ =	shalt  }
0x5f: {  	_ =	shalt  }
0x60: {  	_ =	shalt  }
0x61: {  	_ =	shalt  }
0x62: {  	_ =	shalt  }
0x63: {  	_ =	shalt  }
0x64: {  	_ =	shalt  }
0x65: {  	_ =	shalt  }
0x66: {  	_ =	shalt  }
0x67: {  	_ =	shalt  }
0x68: {  	_ =	shalt  }
0x69: {  	_ =	shalt  }
0x6a: {  	_ =	shalt  }
0x6b: {  	_ =	shalt  }
0x6c: {  	_ =	shalt  }
0x6d: {  	_ =	shalt  }
0x6e: {  	_ =	shalt  }
0x6f: {  	_ =	shalt  }
0x70: {  	_ =	shalt  }
0x71: {  	_ =	shalt  }
0x72: {  	_ =	shalt  }
0x73: {  	_ =	shalt  }
0x74: {  	_ =	shalt  }
0x75: {  	_ =	shalt  }
0x76: {  	_ =	shalt  }
0x77: {  	_ =	shalt  }
0x78: {  	_ =	shalt  }
0x79: {  	_ =	shalt  }
0x7a: {  	_ =	shalt  }
0x7b: {  	_ =	shalt  }
0x7c: {  	_ =	shalt  }
0x7d: {  	_ =	shalt  }
0x7e: {  	_ =	shalt  }
0x7f: {  	_ =	shalt  }
0x80: {  	_ =	shalt  }
0x81: {  	_ =	shalt  }
0x82: {  	_ =	shalt  }
0x83: {  	_ =	shalt  }
0x84: {  	_ =	shalt  }
0x85: {  	_ =	shalt  }
0x86: {  	_ =	shalt  }
0x87: {  	_ =	shalt  }
.Lfunc_end0:
.L_simem_size_0:
called_computation.1_lowered:
.L_overlay_start_0:
0x88: {  	s2 =	sld [smem:$0x3FD9]  }
0x89: {  	s3 =	sld [smem:$0x3FFE];
	_ =	sdelay $0x1  }
0x8a: {  	s1 =	srdreg.scid  }
0x8b: {  	s0 =	sand.u32 $0x1, s1  }
0x8c: {  	s17 =	sshll.u32 s0, $0xA;
	s2 =	sadd.s32 s3, s2  }
0x8d: {  	s2 =	sadd.s32 s2, s17  }
0x8e: {  	[smem:$0x3FC6] =	sst s2  }
0x8f: {  	_ = 	snop  }
0x90: {  	s2 =	sld [smem:$0x3FD0];
	(tm) =	ssettm $0x1  }
0x91: {  	s18 =	sld [smem:$0x3FFB];
	_ =	sdelay $0x3  }
0x92: {  	_ =	strace s18  }
0x93: {  	s3 =	sld [smem:$0x3FFC];
	_ =	sdelay $0x3  }
0x94: {  	_ =	strace s3  }
0x95: {  	s3 =	sld [smem:$0x3FFD];
	_ =	sdelay $0x3  }
0x96: {  	_ =	strace s3  }
0x97: {  	_ =	strace $0x8FFFFFFF  }
0x98: {  	s19 =	sld [smem:$0x3FDB];
	_ =	sdelay $0x1  }
0x99: {  	s4 =	simm.s32 $_scs_section_size  }
0x9a: {  	s5 =	simm.s32 $_size__tile_overlayer_lowered;
	s6 =	simm.s32 $_tile_overlayer_lowered  }
0x9b: {  	s22 =	simm.s32 $0x1BFF;
	s21 =	sshll.u32 s6, $0x1;
	s3 =	sadd.s32 s4, s19  }
0x9c: {  	s7 =	simm.s32 $0x0;
	s20 =	sshll.u32 s5, $0x1;
	s5 =	sadd.s32 s21, s3  }
0x9d: {  	[timem:s7], [sflag:s22] =	dma.local [hbm:s5], s20  }
0x9e: {  	_ =	swait.ge [sflag:s22], s20  }
0x9f: {  	s4 =	ssub.s32 $0x0, s20;
	[sflag:s22] =	ssyncset.done $0x0  }
0xa0: {  	[sflag:s22] =	ssyncadd.s32 s4;
	_ =	sdelay $0x1  }
0xa1: {  	s23 =	simm.s32 $0x1B8B  }
0xa2: {  	_ =	swait.ge [sflag:s23], $0x1  }
0xa3: {  	[sflag:s23] =	ssyncset.done $0x0  }
0xa4: {  	s25 =	simm.s32 $0x1B8E;
	s24 =	sld [smem:$0x3FFE];
	[sflag:s23] =	ssyncadd.s32 $0xFFFFFFFF  }
0xa5: {  	s26 =	simm.s32 $execute0_lowered;
	[smem:$0x3FD2] =	sst s25  }
0xa6: {  	s5 =	sshll.u32 s26, $0x1;
	_ =	strace $0x80000049;
	[dreg:$0x1] =	wrdreg $0xFFFFFFFF  }
0xa7: {  	s28 =	simm.s32 $_size_execute0_lowered;
	s3 =	sadd.s32 s3, s5;
	[dreg:$0x0] =	wrdreg $0x0  }
0xa8: {  	s5 =	sshll.u32 s28, $0x1;
	[dreg:$0x2] =	wrdreg s3  }
0xa9: {  	[dreg:$0x3] =	wrdreg s5  }
0xaa: {  	[dreg:$0x4] =	wrdreg $0xC0  }
0xab: {  	_ =	task [dreg:s7], $0x5FFFF  }
0xac: {  	[dreg:$0x1] =	wrdreg $0xFFFFFFFF  }
0xad: {  	[dreg:$0x0] =	wrdreg $0x60  }
0xae: {  	[dreg:$0x2] =	wrdreg s24  }
0xaf: {  	[dreg:$0x3] =	wrdreg s2  }
0xb0: {  	[dreg:$0x4] =	wrdreg $0x9  }
0xb1: {  	_ =	task.clear_ibuf [dreg:s7], $0x5FFFF;
	_ =	strace $0x90000049  }
0xb2: {  	s29 =	simm.s32 $0x9;
	_ =	strace $0x8000004B  }
0xb3: {  	_ =	swait.ge [sflag:s29], $0x1  }
0xb4: {  	[sflag:s29] =	ssyncadd.s32 $0xFFFFFFFF  }
0xb5: {  	_ =	strace $0x9000004B  }
0xb6: {  	_ =	sfence  }
0xb7: {  	s30 =	sld [smem:$0x0];
	_ =	sdelay $0x2  }
0xb8: {  	s31 =	sshll.u32 s1, $0xD;
	s1 =	sshrl.u32 s1, $0x2  }
0xb9: {  	s3 =	sand.u32 $0x4000, s31;
	s1 =	sadd.s32 s1, s30  }
0xba: {  	s0 =	sor.u32 s3, s0;
	s1 =	sshll.u32 s1, $0x11  }
0xbb: {  	s0 =	sor.u32 s1, s0  }
0xbc: {  	s0 =	sadd.s32 $0x8F2B, s0  }
0xbd: {  	[sflag:s0] =	ssyncadd.remote.s32 $0x1  }
0xbe: {  	_ =	sfence.sel $0xFFFF  }
0xbf: {  	[dreg:$0x0] =	wrdreg $0xFFFFFFFF;
	(pc) =	sbr.abs _section_cstart, $3  }
0xc0: {  	[dreg:$0x1] =	wrdreg $0xFFFFFFFF  }
0xc1: {  	_ =	task.clear_ibuf [dreg:s7], $0x2FFFF;
	_ =	strace $0x9FFFFFFF  }
0xc2: {  	(tm) =	ssettm $0x7FFFFFFF  }
0xc3: {  	_ =	shalt  }
tec
execute0_lowered:
.L_overlay_start_1:
0x0: {  	(tag) =	ssettag $0x1  }
0x1: {  	s0 =	rddreg [dreg:$0x0];
	v0 =	vimm.s32 $0x1380;
	vm0 =	vcmask $0x300  }
0x2: {  	s5 =	rddreg [dreg:$0x1];
	vm14 =	vcmask $0x704;
	v0 =	vsel vm0, $0x0, v0  }
0x3: {  	s1 =	srdreg.scid;
	s2 =	stileid.u32;
	vm15 =	vcmask $0xB08;
	v0 =	vsel vm14, $0x80, v0  }
0x4: {  	s3 =	simm.s32 $0x0;
	vm4 =	vcmask $0xF0C;
	s1 =	sand.u32 $0x1, s1;
	s2 =	sshll.u32 s2, $0x1;
	v0 =	vsel vm15, $0x100, v0  }
0x5: {  	vm5 =	vcmask $0x1310;
	[smem:$0x7FF] =	sst s3;
	s7 =	sadd.s32 $0xA00, s0;
	s28 =	sadd.s32 $0x1367C, s0;
	v0 =	vsel vm4, $0x180, v0  }
0x6: {  	vm6 =	vcmask $0x1714;
	s2 =	sor.u32 s1, s2;
	_ =	strace $0x8000004A;
	[smem:$0x7F3] =	sst s7;
	v0 =	vsel vm5, $0x200, v0  }
0x7: {  	vm7 =	vcmask $0x1B18;
	[smem:$0x7F7] =	sst s28;
	s24 =	sshll.u32 s2, $0x6;
	s6 =	sshll.u32 s2, $0xC;
	v0 =	vsel vm6, $0x280, v0  }
0x8: {  	vm8 =	vcmask $0x1F1C;
	s2 =	sshll.u32 s2, $0x9;
	[smem:$0x7F4] =	sst s6;
	s25 =	sor.u32 $0x20000, s6;
	v0 =	vsel vm7, $0x300, v0  }
0x9: {  	vm9 =	vcmask $0x2320;
	s3 =	sadd.s32 s24, s0;
	s0 =	sadd.s32 $0x262F8, s0;
	[smem:$0x7F6] =	sst s25;
	v0 =	vsel vm8, $0x380, v0  }
0xa: {  	vm10 =	vcmask $0x2724;
	s2 =	sadd.s32 s5, s2;
	[smem:$0x7F9] =	sst s0;
	v0 =	vsel vm9, $0x1000, v0  }
0xb: {  	vm11 =	vcmask $0x2B28;
	s1 =	ssub.s32 $0x2, s1;
	s3 =	sadd.s32 $0x1E9000, s3;
	[smem:$0x7FB] =	sst s2;
	v0 =	vsel vm10, $0x1080, v0  }
0xc: {  	vm12 =	vcmask $0x2F2C;
	s4 =	sshrl.u32 s1, $0x1;
	s29 =	sadd.s32 $0x8000, s2;
	[smem:$0x7F5] =	sst s3;
	v0 =	vsel vm11, $0x1100, v0  }
0xd: {  	vm13 =	vcmask $0x3330;
	s1 =	ssub.s32 s1, s4;
	s30 =	sadd.s32 $0xC000, s2;
	[smem:$0x7FA] =	sst s29;
	v0 =	vsel vm12, $0x1180, v0  }
0xe: {  	vm14 =	vcmask $0x3734;
	s26 =	sshrl.u32 s25, $0x3;
	s31 =	smax.u32 s1, $0x1;
	[smem:$0x7FC] =	sst s30;
	v0 =	vsel vm13, $0x1200, v0  }
0xf: {  	vm15 =	vcmask $0x3B38;
	s3 =	sadd.s32 s5, s26;
	[smem:$0x7FD] =	sst s31;
	v0 =	vsel vm14, $0x1280, v0  }
0x10: {  	s2 =	simm.s32 $0x0;
	[smem:$0x7F8] =	sst s3;
	v0 =	vsel vm15, $0x1300, v0  }
.LBB2_1:
0x11: {  	s0 =	sld [smem:$0x7F5]  }
0x12: {  	[smem:$0x7F0] =	sst s2;
	s20 =	simm.s32 $0x0  }
0x13: {  	s1 =	simm.s32 $0x200;
	s21 =	simm.s32 $0x4000;
	s22 =	simm.s32 $0x4  }
0x14: {  	[tilespmem:s20], [sflag:$0x4] =	stream.strided.gather [hbm4b:s0+s1], $0x3400, s21, s1, $0x38;
	[tilespmem:$0xB400] =	vst v63  }
0x15: {  	_ =	swait.ge [sflag:s22], $0x3400  }
0x16: {  	s23 =	sld [smem:$0x7F3]  }
0x17: {  	[sflag:s22] =	ssyncset.done $0x0  }
0x18: {  	s24 =	simm.s32 $0x80;
	s3 =	simm.s32 $0x3400;
	[sflag:s22] =	ssyncadd.s32 $0xFFFFCC00  }
0x19: {  	[tilespmem:s3], [sflag:$0x1] =	stream.indirect.gather [hbm4b:s23+s24], $0x10, s20, s24, $0xb8;
	[tilespmem:$0xB400] =	vst v63  }
0x1a: {  	s25 =	simm.s32 $0x3C00  }
0x1b: {  	[tilespmem:s25], [sflag:$0x1] =	stream.indirect.gather [hbm4b:s23+s24], $0x10, s24, s24, $0xb8;
	[tilespmem:$0xB400] =	vst v63  }
0x1c: {  	s26 =	simm.s32 $0x100;
	s4 =	simm.s32 $0x4400  }
0x1d: {  	[tilespmem:s4], [sflag:$0x1] =	stream.indirect.gather [hbm4b:s23+s24], $0x10, s26, s24, $0xb8;
	[tilespmem:$0xB400] =	vst v63  }
0x1e: {  	s5 =	simm.s32 $0x180;
	s6 =	simm.s32 $0x4C00;
	s7 =	simm.s32 $0x1  }
0x1f: {  	[tilespmem:s6], [sflag:$0x1] =	stream.indirect.gather [hbm4b:s23+s24], $0x10, s5, s24, $0xb8;
	[tilespmem:$0xB400] =	vst v63  }
0x20: {  	s9 =	simm.s32 $0x5400;
	_ =	swait.ge [sflag:s7], $0x800  }
0x21: {  	s10 =	simm.s32 $0x280;
	s11 =	simm.s32 $0x5C00;
	[sflag:s7] =	ssyncset.done $0x0  }
0x22: {  	s12 =	simm.s32 $0x300;
	s13 =	simm.s32 $0x6400;
	[sflag:s7] =	ssyncadd.s32 $0xFFFFF800  }
0x23: {  	s14 =	simm.s32 $0x380;
	s15 =	simm.s32 $0x6C00;
	_ =	swait.ge [sflag:s7], $0x800  }
0x24: {  	s16 =	simm.s32 $0x1B;
	s17 =	simm.s32 $0x0;
	[sflag:s7] =	ssyncset.done $0x0  }
0x25: {  	s18 =	simm.s32 $0x1A;
	s19 =	simm.s32 $0x1D;
	[sflag:s7] =	ssyncadd.s32 $0xFFFFF800  }
0x26: {  	s30 =	simm.s32 $0x9;
	s31 =	simm.s32 $0xB;
	_ =	swait.ge [sflag:s7], $0x800  }
0x27: {  	s30 =	sand.u32 $0x69, s30;
	s31 =	sand.u32 $0x6B, s31;
	[sflag:s7] =	ssyncset.done $0x0  }
0x28: {  	s21 =	simm.s32 $0x16;
	s0 =	sand.u32 $0xC00, s20;
	[sflag:s7] =	ssyncadd.s32 $0xFFFFF800  }
0x29: {  	s22 =	simm.s32 $0x15;
	s20 =	simm.s32 $0x10;
	_ =	swait.ge [sflag:s7], $0x800  }
0x2a: {  	s3 =	simm.s32 $0x4;
	s20 =	sand.u32 $0x70, s20;
	s8 =	sld [smem:$0x7F7]  }
0x2b: {  	s3 =	sand.u32 $0x64, s3;
	s4 =	sand.u32 $0x7B, s16;
	[sflag:s7] =	ssyncset.done $0x0  }
0x2c: {  	s16 =	sand.u32 $0x60, s17;
	s17 =	simm.s32 $0x12;
	[sflag:s7] =	ssyncadd.s32 $0xFFFFF800  }
0x2d: {  	[tilespmem:s9], [sflag:$0x1] =	stream.indirect.gather [hbm4b:s8+s24], $0x10, s1, s24, $0xb8;
	[tilespmem:$0xB400] =	vst v63  }
0x2e: {  	s25 =	simm.s32 $0x1C;
	s20 =	sor.u32 s20, s0;
	s17 =	sand.u32 $0x72, s17  }
0x2f: {  	[tilespmem:s11], [sflag:$0x1] =	stream.indirect.gather [hbm4b:s8+s24], $0x10, s10, s24, $0xb8;
	[tilespmem:$0xB400] =	vst v63  }
0x30: {  	s4 =	sor.u32 s4, s0;
	s5 =	simm.s32 $0x18;
	s6 =	simm.s32 $0x19  }
0x31: {  	[tilespmem:s13], [sflag:$0x1] =	stream.indirect.gather [hbm4b:s8+s24], $0x10, s12, s24, $0xb8;
	[tilespmem:$0xB400] =	vst v63  }
0x32: {  	s23 =	simm.s32 $0x6;
	s17 =	sor.u32 s17, s0;
	s12 =	simm.s32 $0x14  }
0x33: {  	[tilespmem:s15], [sflag:$0x1] =	stream.indirect.gather [hbm4b:s8+s24], $0x10, s14, s24, $0xb8;
	[tilespmem:$0xB400] =	vst v63  }
0x34: {  	v21 =	vor.u32 s17, v0;
	s17 =	simm.s32 $0x7400;
	s7 =	sand.u32 $0x7D, s19;
	s24 =	sand.u32 $0x74, s12  }
0x35: {  	s19 =	simm.s32 $0x3;
	s1 =	simm.s32 $0x3500;
	s26 =	sor.u32 s24, s0  }
0x36: {  	s9 =	sand.u32 $0x79, s6;
	s6 =	sand.u32 $0x76, s21;
	[smem:$0x7F1] =	sst s26  }
0x37: {  	s6 =	sor.u32 s6, s0;
	s11 =	simm.s32 $0x17;
	s13 =	simm.s32 $0x11;
	v4 =	vld [tilespmem:s1+$0xA0]  }
0x38: {  	s10 =	sand.u32 $0x78, s5;
	s11 =	sand.u32 $0x77, s11;
	s21 =	sand.u32 $0x71, s13;
	v6 =	vld [tilespmem:s1+$0xFFFFFF80]  }
0x39: {  	s13 =	simm.s32 $0x8;
	s8 =	sand.u32 $0x7A, s18;
	s15 =	simm.s32 $0x13;
	v1 =	vld [tilespmem:s1+$0xFFFFFF70]  }
0x3a: {  	s14 =	sand.u32 $0x75, s22;
	s18 =	simm.s32 $0x1E;
	s22 =	sand.u32 $0x66, s23;
	v5 =	vld [tilespmem:s1+$0x0]  }
0x3b: {  	s24 =	sand.u32 $0x7C, s25;
	s25 =	simm.s32 $0x1;
	s12 =	sand.u32 $0x7E, s18;
	v7 =	vld [tilespmem:s1+$0xFFFFFFF0]  }
0x3c: {  	s18 =	sand.u32 $0x68, s13;
	s13 =	sor.u32 s11, s0;
	s25 =	sand.u32 $0x61, s25;
	v3 =	vld [tilespmem:s1+$0xF0]  }
0x3d: {  	s28 =	sor.u32 s22, s0;
	s22 =	simm.s32 $0x5;
	s11 =	sor.u32 s25, s0;
	v8 =	vld [tilespmem:s1+$0xE0]  }
0x3e: {  	s25 =	sand.u32 $0x63, s19;
	s19 =	sand.u32 $0x65, s22;
	v9 =	vld [tilespmem:s1+$0xC0];
	s22 =	sor.u32 s3, s0  }
0x3f: {  	v15 =	vor.u32 s20, v0;
	s26 =	simm.s32 $0x2;
	s24 =	sor.u32 s24, s0;
	v10 =	vld [tilespmem:s1+$0x20];
	[smem:$0x7F2] =	sst s22  }
0x40: {  	s23 =	simm.s32 $0xA;
	s5 =	sand.u32 $0x73, s15;
	s2 =	sand.u32 $0x62, s26;
	v17 =	vor.u32 s24, v0;
	v12 =	vld [tilespmem:s1+$0xFFFFFF10]  }
0x41: {  	s15 =	simm.s32 $0x1F;
	s26 =	sor.u32 s2, s0;
	s2 =	simm.s32 $0xF;
	v14 =	vld [tilespmem:s1+$0xFFFFFF20]  }
0x42: {  	s29 =	sand.u32 $0x6A, s23;
	s8 =	sor.u32 s8, s0;
	v13 =	vor.u32 s11, v0;
	s23 =	sand.u32 $0x6F, s2;
	v2 =	vld [tilespmem:s1+$0xFFFFFF40]  }
0x43: {  	s15 =	sand.u32 $0x7F, s15;
	s5 =	sor.u32 s5, s0;
	v16 =	vor.u32 s26, v0;
	v11 =	vld [tilespmem:s1+$0x30];
	s23 =	sor.u32 s23, s0  }
0x44: {  	s3 =	simm.s32 $0xC;
	s24 =	simm.s32 $0xE;
	s15 =	sor.u32 s15, s0;
	v18 =	vld [tilespmem:s1+$0xFFFFFF60];
	v19 =	vor.u32 s23, v0;
	[tilespmem:v15+s17+$0x0] =	vst.idx.msk $0xffff, v5  }
0x45: {  	s22 =	sor.u32 s19, s0;
	s3 =	sand.u32 $0x6C, s3;
	s2 =	sor.u32 s18, s0;
	v20 =	vld [tilespmem:s1+$0x70];
	[tilespmem:v17+s17+$0x0] =	vst.idx.msk $0xffff, v9  }
0x46: {  	s19 =	simm.s32 $0xD;
	s11 =	sor.u32 s30, s0;
	s30 =	sand.u32 $0x6E, s24;
	v22 =	vor.u32 s2, v0;
	v5 =	vld [tilespmem:s1+$0xFFFFFF50];
	[tilespmem:v21+s17+$0x0] =	vst.idx.msk $0xffff, v10  }
0x47: {  	s24 =	sor.u32 s7, s0;
	s7 =	sor.u32 s31, s0;
	s18 =	sor.u32 s16, s0;
	v9 =	vld [tilespmem:s1+$0xFFFFFF30];
	[tilespmem:v13+s17+$0x0] =	vst.idx.msk $0xffff, v12  }
0x48: {  	s20 =	sand.u32 $0x6D, s19;
	s2 =	sor.u32 s25, s0;
	s25 =	simm.s32 $0x3B;
	v15 =	vor.u32 s28, v0;
	v13 =	vld [tilespmem:s1+$0xFFFFFF00];
	[tilespmem:v16+s17+$0x0] =	vst.idx.msk $0xffff, v14  }
0x49: {  	s26 =	sor.u32 s21, s0;
	v14 =	vld [tilespmem:s1+$0xFFFFFFB0];
	v16 =	vor.u32 s18, v0;
	s18 =	sor.u32 s12, s0;
	s12 =	sand.u32 $0x7B, s25;
	[tilespmem:v19+s17+$0x0] =	vst.idx.msk $0xffff, v7  }
0x4a: {  	s19 =	sor.u32 s20, s0;
	v17 =	vor.u32 s13, v0;
	s13 =	simm.s32 $0x3D;
	v12 =	vld [tilespmem:s1+$0x40];
	[dreg:$0x5] =	wrdreg s12  }
0x4b: {  	s20 =	sor.u32 s9, s0;
	s9 =	simm.s32 $0x7;
	s12 =	sand.u32 $0x7D, s13;
	[tilespmem:v22+s17+$0x0] =	vst.idx.msk $0xffff, v6  }
0x4c: {  	s9 =	sand.u32 $0x67, s9;
	v7 =	vor.u32 s8, v0;
	s8 =	simm.s32 $0x3A;
	v10 =	vld [tilespmem:s1+$0xFFFFFFE0];
	[dreg:$0x7] =	wrdreg s12  }
0x4d: {  	s16 =	sor.u32 s14, s0;
	v21 =	vor.u32 s7, v0;
	s7 =	sor.u32 s9, s0;
	s9 =	sand.u32 $0x7A, s8;
	v6 =	vld [tilespmem:s1+$0xB0];
	[tilespmem:v15+s17+$0x0] =	vst.idx.msk $0xffff, v18  }
0x4e: {  	v19 =	vor.u32 s18, v0;
	s18 =	simm.s32 $0x39;
	s8 =	simm.s32 $0x7400;
	v15 =	vld [tilespmem:s1+$0x90];
	[dreg:$0xd] =	wrdreg s9  }
0x4f: {  	s21 =	sor.u32 s29, s0;
	s14 =	sor.u32 s30, s0;
	s12 =	sand.u32 $0x79, s18;
	[tilespmem:v16+s8+$0x0] =	vst.idx.msk $0xffff, v13  }
0x50: {  	s23 =	sor.u32 s10, s0;
	s10 =	sor.u32 s3, s0;
	[dreg:$0xb] =	wrdreg s12  }
0x51: {  	s3 =	simm.s32 $0x38;
	s0 =	simm.s32 $0x36;
	s25 =	simm.s32 $0x37;
	v18 =	vor.u32 s2, v0;
	v13 =	vld [tilespmem:s1+$0xD0];
	[tilespmem:v17+s8+$0x0] =	vst.idx.msk $0xffff, v20  }
0x52: {  	s9 =	sand.u32 $0x78, s3;
	s3 =	sand.u32 $0x77, s25;
	s25 =	simm.s32 $0x33;
	v17 =	vld [tilespmem:s1+$0xFFFFFF90];
	[tilespmem:v7+s8+$0x0] =	vst.idx.msk $0xffff, v4  }
0x53: {  	v16 =	vor.u32 s15, v0;
	v20 =	vor.u32 s14, v0;
	s14 =	sand.u32 $0x76, s0;
	v7 =	vld [tilespmem:s1+$0xFFFFFFA0];
	[tilespmem:v19+s8+$0x0] =	vst.idx.msk $0xffff, v8;
	s0 =	sand.u32 $0x73, s25  }
0x54: {  	v23 =	vor.u32 s19, v0;
	s19 =	simm.s32 $0x3700;
	s13 =	simm.s32 $0x35;
	v8 =	vld [tilespmem:s1+$0xFFFFFFD0];
	[dreg:$0x14] =	wrdreg s0  }
0x55: {  	v25 =	vor.u32 s23, v0;
	s23 =	simm.s32 $0x3F;
	s17 =	sand.u32 $0x75, s13;
	s13 =	simm.s32 $0x31;
	v4 =	vor.u32 s4, v0;
	[tilespmem:v21+s8+$0x0] =	vst.idx.msk $0xffff, v14  }
0x56: {  	s28 =	sand.u32 $0x7F, s23;
	s18 =	simm.s32 $0x34;
	v19 =	vor.u32 s20, v0;
	s0 =	sand.u32 $0x71, s13;
	v14 =	vld [tilespmem:s1+$0x80];
	[tilespmem:v18+s8+$0x0] =	vst.idx.msk $0xffff, v9  }
0x57: {  	v22 =	vor.u32 s21, v0;
	s2 =	sand.u32 $0x74, s18;
	s12 =	simm.s32 $0x100;
	v18 =	vld [tilespmem:s1+$0x60];
	[dreg:$0x17] =	wrdreg s0  }
0x58: {  	s18 =	simm.s32 $0x32;
	s15 =	simm.s32 $0x26;
	s20 =	sand.u32 $0xC00, s12;
	[tilespmem:v16+s8+$0x0] =	vst.idx.msk $0xffff, v3  }
0x59: {  	s12 =	sand.u32 $0x66, s15;
	s4 =	sand.u32 $0x72, s18;
	s25 =	simm.s32 $0x3E;
	v21 =	vor.u32 s24, v0;
	v16 =	vld [tilespmem:s1+$0x50];
	[tilespmem:v20+s8+$0x0] =	vst.idx.msk $0xffff, v10  }
0x5a: {  	s15 =	simm.s32 $0x28;
	s18 =	simm.s32 $0x22;
	s21 =	sand.u32 $0x7E, s25;
	v9 =	vor.u32 s11, v0;
	v24 =	vld [tilespmem:s1+$0xFFFFFFC0];
	[tilespmem:v4+s8+$0x0] =	vst.idx.msk $0xffff, v6  }
0x5b: {  	s13 =	simm.s32 $0x30;
	s25 =	simm.s32 $0x21;
	s23 =	sor.u32 s12, s20;
	v3 =	vld [tilespmem:s19+$0xFFFFFF70];
	[tilespmem:v19+s8+$0x0] =	vst.idx.msk $0xffff, v15  }
0x5c: {  	s12 =	simm.s32 $0x23;
	s24 =	simm.s32 $0x3C;
	s11 =	sor.u32 s2, s20;
	v20 =	vld [tilespmem:s1+$0x10];
	v15 =	vor.u32 s6, v0;
	[tilespmem:v22+s8+$0x0] =	vst.idx.msk $0xffff, v7  }
0x5d: {  	s2 =	sand.u32 $0x62, s18;
	s29 =	sand.u32 $0x63, s12;
	s18 =	simm.s32 $0x25;
	v4 =	vld [tilespmem:s19+$0xA0];
	v19 =	vor.u32 s16, v0;
	[tilespmem:v23+s8+$0x0] =	vst.idx.msk $0xffff, v8  }
0x5e: {  	s0 =	sand.u32 $0x7C, s24;
	s24 =	sand.u32 $0x68, s15;
	s1 =	sand.u32 $0x70, s13;
	v6 =	vld [tilespmem:s19+$0xFFFFFF80];
	v22 =	vor.u32 s10, v0;
	[tilespmem:v21+s8+$0x0] =	vst.idx.msk $0xffff, v13  }
0x5f: {  	s6 =	sor.u32 s3, s20;
	s3 =	sand.u32 $0x61, s25;
	s25 =	sor.u32 s2, s20;
	v10 =	vld [tilespmem:s19+$0xFFFFFFF0];
	[tilespmem:v9+s8+$0x0] =	vst.idx.msk $0xffff, v17;
	v21 =	vor.u32 s26, v0  }
0x60: {  	s13 =	simm.s32 $0x24;
	v7 =	vld [tilespmem:s19+$0xF0];
	s1 =	sor.u32 s1, s20;
	s15 =	sld [smem:$0x7F1];
	[tilespmem:v25+s8+$0x0] =	vst.idx.msk $0xffff, v14  }
0x61: {  	v23 =	vld [tilespmem:s19+$0xFFFFFF20];
	s31 =	sor.u32 s3, s20;
	s16 =	sand.u32 $0x64, s13;
	s13 =	simm.s32 $0x2A;
	v25 =	vor.u32 s22, v0;
	[tilespmem:v15+s8+$0x0] =	vst.idx.msk $0xffff, v18  }
0x62: {  	s3 =	sand.u32 $0x65, s18;
	v13 =	vld [tilespmem:s19+$0x0];
	s26 =	simm.s32 $0x2F;
	s18 =	sand.u32 $0x6A, s13;
	v18 =	vor.u32 s5, v0;
	[tilespmem:v19+s8+$0x0] =	vst.idx.msk $0xffff, v16  }
0x63: {  	v9 =	vld [tilespmem:s19+$0xE0];
	s2 =	sor.u32 s16, s20;
	s16 =	simm.s32 $0x2B;
	s30 =	sor.u32 s3, s20;
	[tilespmem:v22+s8+$0x0] =	vst.idx.msk $0xffff, v24;
	v26 =	vor.u32 s15, v0  }
0x64: {  	v17 =	vld [tilespmem:s19+$0xC0];
	s12 =	sand.u32 $0x6F, s26;
	s16 =	sand.u32 $0x6B, s16;
	s22 =	simm.s32 $0x2C;
	[tilespmem:v21+s8+$0x0] =	vst.idx.msk $0xffff, v20  }
0x65: {  	v14 =	vld [tilespmem:s19+$0xFFFFFF10];
	s3 =	sand.u32 $0x6C, s22;
	s22 =	simm.s32 $0x20;
	s26 =	sld [smem:$0x7F2]  }
0x66: {  	v15 =	vld [tilespmem:s19+$0x20];
	s5 =	sor.u32 s24, s20;
	v24 =	vor.u32 s7, v0;
	s24 =	simm.s32 $0x3900;
	s15 =	simm.s32 $0x29;
	[tilespmem:v25+s8+$0x0] =	vst.idx.msk $0xffff, v5  }
0x67: {  	v22 =	vor.u32 s1, v0;
	v16 =	vld [tilespmem:s19+$0xFFFFFF40];
	s7 =	sand.u32 $0x60, s22;
	s1 =	simm.s32 $0x27;
	s10 =	sand.u32 $0x69, s15;
	v21 =	vor.u32 s31, v0;
	[tilespmem:v18+s8+$0x0] =	vst.idx.msk $0xffff, v11  }
0x68: {  	s31 =	simm.s32 $0x2D;
	s15 =	simm.s32 $0x2E;
	v25 =	vor.u32 s25, v0;
	v5 =	vld [tilespmem:s19+$0x30];
	v8 =	vor.u32 s26, v0;
	[tilespmem:v26+s8+$0x0] =	vst.idx.msk $0xffff, v12;
	s26 =	simm.s32 $0x200  }
.LBB2_2:
0x69: {  	s7 =	sor.u32 s7, s20  }
0x6a: {  	s31 =	sand.u32 $0x6D, s31;
	v28 =	vor.u32 s6, v0;
	s13 =	sor.u32 s0, s20;
	s6 =	smov.u32 s22  }
0x6b: {  	v26 =	vld [tilespmem:s19+$0xFFFFFF60];
	v27 =	vor.u32 s5, v0;
	s5 =	smov.u32 s19;
	s19 =	smov.u32 s24;
	s0 =	sor.u32 s10, s20  }
0x6c: {  	v30 =	vor.u32 s23, v0;
	s10 =	sor.u32 s12, s20;
	s23 =	rddreg [dreg:$0x17];
	s4 =	sor.u32 s4, s20  }
0x6d: {  	[tilespmem:v8+s8+$0x0] =	vst.idx.msk $0xffff, v2;
	s14 =	sor.u32 s14, s20;
	v8 =	vor.u32 s2, v0;
	s2 =	sor.u32 s9, s20;
	s22 =	sadd.s32 $0x20, s22  }
0x6e: {  	s1 =	sand.u32 $0x67, s1;
	v29 =	vor.u32 s7, v0;
	s25 =	sor.u32 s31, s20;
	s7 =	sor.u32 s23, s20  }
0x6f: {  	v19 =	vor.u32 s13, v0;
	s13 =	sand.u32 $0x6E, s15;
	s15 =	rddreg [dreg:$0xb];
	s23 =	sor.u32 s29, s20  }
0x70: {  	v20 =	vor.u32 s11, v0;
	v33 =	vor.u32 s10, v0;
	p0 =	slt.u32 s22, $0x1E0;
	s10 =	sadd.s32 $0x3A, s6;
	s11 =	sadd.s32 $0x3D, s6  }
0x71: {  	[tilespmem:v24+s8+$0x0] =	vst.idx.msk $0xffff, v1;
	s1 =	sor.u32 s1, s20;
	s29 =	sadd.s32 $0x30, s6;
	s31 =	sadd.s32 $0x2D, s6  }
0x72: {  	v24 =	vld [tilespmem:s24+$0xA0];
	v11 =	vor.u32 s30, v0;
	s30 =	sadd.s32 $0x2A, s6;
	v18 =	vor.u32 s25, v0;
	s25 =	rddreg [dreg:$0x14];
	v37 =	vor.u32 s23, v0;
	s23 =	sor.u32 s28, s20  }
0x73: {  	v31 =	vld [tilespmem:s24+$0xFFFFFF80];
	s28 =	sadd.s32 $0x3F, s6;
	s12 =	sor.u32 s25, s20;
	s25 =	simm.s32 $0x7400;
	[tilespmem:v21+s8+$0x0] =	vst.idx.msk $0xffff, v14  }
0x74: {  	v32 =	vor.u32 s4, v0;
	v34 =	vld [tilespmem:s5+$0x70];
	s28 =	sand.u32 $0x7F, s28;
	v14 =	vor.u32 s7, v0;
	s7 =	sor.u32 s17, s20;
	s17 =	rddreg [dreg:$0xd];
	[tilespmem:v22+s25+$0x0] =	vst.idx.msk $0xffff, v13  }
0x75: {  	v35 =	vld [tilespmem:s5+$0xFFFFFF00];
	v12 =	vor.u32 s12, v0;
	s8 =	sor.u32 s15, s20;
	s12 =	sor.u32 s18, s20;
	v21 =	vor.u32 s14, v0;
	s14 =	rddreg [dreg:$0x7];
	[tilespmem:v25+s25+$0x0] =	vst.idx.msk $0xffff, v23  }
0x76: {  	v57 =	vld [tilespmem:s5+$0xFFFFFFB0];
	s15 =	sor.u32 s13, s20;
	s18 =	sor.u32 s16, s20;
	s13 =	sadd.s32 $0x39, s6;
	[tilespmem:v27+s25+$0x0] =	vst.idx.msk $0xffff, v6  }
0x77: {  	v1 =	vmov v3;
	v3 =	vld [tilespmem:s24+$0xFFFFFF70];
	s16 =	sadd.s32 $0x37, s6;
	s24 =	sadd.s32 $0x200, s24;
	s9 =	sor.u32 s17, s20;
	[tilespmem:v30+s25+$0x0] =	vst.idx.msk $0xffff, v26  }
0x78: {  	v60 =	vld [tilespmem:s5+$0x90];
	s4 =	sor.u32 s14, s20;
	s17 =	rddreg [dreg:$0x5];
	v25 =	vor.u32 s8, v0;
	v39 =	vor.u32 s18, v0;
	s8 =	sor.u32 s21, s20;
	[tilespmem:v19+s25+$0x0] =	vst.idx.msk $0xffff, v17  }
0x79: {  	v23 =	vor.u32 s15, v0;
	v40 =	vor.u32 s12, v0;
	s12 =	sadd.s32 $0x38, s6;
	s14 =	sadd.s32 $0x36, s6;
	s21 =	sand.u32 $0x7A, s10;
	v27 =	vld [tilespmem:s5+$0xFFFFFFE0];
	[tilespmem:v33+s25+$0x0] =	vst.idx.msk $0xffff, v10  }
0x7a: {  	v62 =	vld [tilespmem:s5+$0x50];
	s18 =	sadd.s32 $0x34, s6;
	s15 =	sadd.s32 $0x31, s6;
	s10 =	sadd.s32 $0x2C, s6;
	[tilespmem:v32+s25+$0x0] =	vst.idx.msk $0xffff, v15  }
0x7b: {  	v2 =	vmovc v16;
	v22 =	vor.u32 s2, v0;
	v16 =	vor.u32 s7, v0;
	s7 =	sand.u32 $0x60, s22;
	s2 =	sor.u32 s17, s20;
	v13 =	vor.u32 s4, v0;
	s4 =	smov.u32 s26;
	[tilespmem:v29+s25+$0x0] =	vst.idx.msk $0xffff, v35  }
0x7c: {  	v26 =	vld [tilespmem:s5+$0x40];
	v36 =	vor.u32 s9, v0;
	v17 =	vor.u32 s23, v0;
	s9 =	sadd.s32 $0x3B, s6;
	[dreg:$0xd] =	wrdreg s21;
	s23 =	sadd.s32 $0x35, s6;
	[tilespmem:v28+s25+$0x0] =	vst.idx.msk $0xffff, v34  }
0x7d: {  	v10 =	vor.u32 s8, v0;
	s17 =	sand.u32 $0x79, s13;
	s26 =	sadd.s32 $0x100, s26;
	s8 =	sand.u32 $0x78, s12;
	[tilespmem:v39+s25+$0x0] =	vst.idx.msk $0xffff, v57  }
0x7e: {  	[smem:$0x7EF] =	sst s10;
	s12 =	sand.u32 $0x77, s16;
	s21 =	sadd.s32 $0x26, s6;
	[tilespmem:v23+s25+$0x0] =	vst.idx.msk $0xffff, v27  }
0x7f: {  	v15 =	vld [tilespmem:s5+$0xFFFFFF30];
	s10 =	sand.u32 $0x76, s14;
	s16 =	sadd.s32 $0x2F, s6;
	s14 =	sadd.s32 $0x32, s6;
	[tilespmem:v25+s25+$0x0] =	vst.idx.msk $0xffff, v60  }
0x80: {  	v58 =	vor.u32 s0, v0;
	v59 =	vld [tilespmem:s5+$0xB0];
	s0 =	sand.u32 $0x74, s18;
	s13 =	sadd.s32 $0x3C, s6;
	s18 =	sadd.s32 $0x23, s6;
	[tilespmem:v16+s25+$0x0] =	vst.idx.msk $0xffff, v62  }
0x81: {  	v61 =	vld [tilespmem:s5+$0xD0];
	v38 =	vor.u32 s2, v0;
	s2 =	sor.u32 s3, s20;
	s3 =	sand.u32 $0x7B, s9;
	[dreg:$0x1f] =	wrdreg s8;
	[tilespmem:v20+s25+$0x0] =	vst.idx.msk $0xffff, v26  }
0x82: {  	v19 =	vld [tilespmem:s5+$0xFFFFFF50];
	s20 =	sadd.s32 $0x33, s6;
	s8 =	sadd.s32 $0x25, s6;
	[dreg:$0x5] =	wrdreg s3;
	[tilespmem:v36+s25+$0x0] =	vst.idx.msk $0xffff, v4  }
0x83: {  	v63 =	vld [tilespmem:s5+$0xFFFFFFC0];
	s3 =	sand.u32 $0x7D, s11;
	s20 =	sand.u32 $0x73, s20;
	s8 =	sand.u32 $0x65, s8;
	[tilespmem:v10+s25+$0x0] =	vst.idx.msk $0xffff, v9  }
0x84: {  	[dreg:$0x7] =	wrdreg s3;
	s3 =	sand.u32 $0x75, s23;
	s23 =	sadd.s32 $0x3E, s6;
	v23 =	vld [tilespmem:s5+$0x60];
	[tilespmem:v37+s25+$0x0] =	vst.idx.msk $0xffff, v15  }
0x85: {  	[dreg:$0x14] =	wrdreg s20;
	s20 =	sand.u32 $0xC00, s4;
	v27 =	vor.u32 s2, v0;
	s2 =	sand.u32 $0x66, s21;
	v25 =	vld [tilespmem:s5+$0x10];
	[tilespmem:v17+s25+$0x0] =	vst.idx.msk $0xffff, v7  }
0x86: {  	s21 =	sand.u32 $0x7E, s23;
	s23 =	sand.u32 $0x70, s29;
	s29 =	sand.u32 $0x63, s18;
	v16 =	vld [tilespmem:s19+$0xFFFFFF40];
	[tilespmem:v13+s25+$0x0] =	vst.idx.msk $0xffff, v61  }
0x87: {  	s18 =	sand.u32 $0x6A, s30;
	s30 =	sor.u32 s8, s20;
	s8 =	simm.s32 $0x7400;
	v9 =	vld [tilespmem:s5+$0xFFFFFF90];
	[tilespmem:v11+s25+$0x0] =	vst.idx.msk $0xffff, v19  }
0x88: {  	[dreg:$0xb] =	wrdreg s17;
	s9 =	sadd.s32 $0x29, s6;
	s17 =	sadd.s32 $0x22, s6;
	v10 =	vld [tilespmem:s5+$0xFFFFFFA0];
	[tilespmem:v12+s8+$0x0] =	vst.idx.msk $0xffff, v5  }
0x89: {  	[smem:$0x7EE] =	sst s9;
	s9 =	sand.u32 $0x71, s15;
	s15 =	sadd.s32 $0x2E, s6;
	v15 =	vld [tilespmem:s5+$0xFFFFFFD0];
	[tilespmem:v38+s25+$0x0] =	vst.idx.msk $0xffff, v59  }
0x8a: {  	[dreg:$0x17] =	wrdreg s9;
	s9 =	sadd.s32 $0x2B, s6;
	s4 =	sand.u32 $0x72, s14;
	v17 =	vld [tilespmem:s5+$0x80];
	[tilespmem:v21+s25+$0x0] =	vst.idx.msk $0xffff, v23  }
0x8b: {  	s14 =	sadd.s32 $0x24, s6;
	s11 =	sor.u32 s0, s20;
	s0 =	sand.u32 $0x7C, s13;
	v13 =	vld [tilespmem:s19+$0x0];
	[tilespmem:v14+s25+$0x0] =	vst.idx.msk $0xffff, v25  }
0x8c: {  	s13 =	sadd.s32 $0x21, s6;
	v4 =	vmov v24;
	v24 =	vor.u32 s1, v0;
	s1 =	sadd.s32 $0x27, s6;
	s5 =	sadd.s32 $0x28, s6;
	v7 =	vld [tilespmem:s19+$0xF0];
	[tilespmem:v27+s25+$0x0] =	vst.idx.msk $0xffff, v63  }
0x8d: {  	s6 =	sor.u32 s12, s20;
	s12 =	sand.u32 $0x62, s17;
	s17 =	sor.u32 s23, s20;
	v5 =	vld [tilespmem:s19+$0x30];
	[tilespmem:v58+s25+$0x0] =	vst.idx.msk $0xffff, v9  }
0x8e: {  	s13 =	sand.u32 $0x61, s13;
	s23 =	sor.u32 s2, s20;
	s12 =	sor.u32 s12, s20;
	v14 =	vld [tilespmem:s19+$0xFFFFFF10];
	[tilespmem:v40+s25+$0x0] =	vst.idx.msk $0xffff, v10  }
.Ltmp0:
0x8f: {  	v25 =	vor.u32 s12, v0;
	v23 =	vld [tilespmem:s19+$0xFFFFFF20];
	s12 =	sand.u32 $0x6F, s16;
	s16 =	sld [smem:$0x7EE];
	[tilespmem:v18+s25+$0x0] =	vst.idx.msk $0xffff, v15;
	(pc) =	sbr.rel @p0 .LBB2_2-.Ltmp0, $4  }
0x90: {  	s5 =	sand.u32 $0x68, s5;
	s13 =	sor.u32 s13, s20;
	v10 =	vld [tilespmem:s19+$0xFFFFFFF0];
	[tilespmem:v22+s25+$0x0] =	vst.idx.msk $0xffff, v17;
	s25 =	sld [smem:$0x7EF]  }
0x91: {  	s5 =	sor.u32 s5, s20;
	v9 =	vld [tilespmem:s19+$0xE0];
	v22 =	vor.u32 s17, v0;
	s17 =	smov.u32 s3;
	s3 =	sand.u32 $0x64, s14  }
0x92: {  	v17 =	vld [tilespmem:s19+$0xC0];
	s14 =	smov.u32 s10;
	s2 =	sor.u32 s3, s20;
	s10 =	sand.u32 $0x69, s16  }
0x93: {  	v6 =	vmov v31;
	v21 =	vor.u32 s13, v0;
	v15 =	vld [tilespmem:s19+$0x20];
	s16 =	sand.u32 $0x6B, s9;
	s9 =	rddreg [dreg:$0x1f];
	s3 =	sand.u32 $0x6C, s25  }
0x94: {  	_ =	sdelay $0x2  }
0x95: {  	s0 =	sor.u32 s0, s20  }
0x96: {  	[tilespmem:v24+s8+$0x0] =	vst.idx.msk $0xffff, v1;
	v11 =	vor.u32 s0, v0  }
0x97: {  	s26 =	sor.u32 s12, s20;
	[tilespmem:v8+s8+$0x0] =	vst.idx.msk $0xffff, v2  }
0x98: {  	s4 =	sor.u32 s4, s20;
	[tilespmem:v21+s8+$0x0] =	vst.idx.msk $0xffff, v14;
	v1 =	vor.u32 s26, v0  }
0x99: {  	[tilespmem:v22+s8+$0x0] =	vst.idx.msk $0xffff, v13;
	v2 =	vor.u32 s4, v0  }
0x9a: {  	v8 =	vor.u32 s5, v0;
	[tilespmem:v25+s8+$0x0] =	vst.idx.msk $0xffff, v23  }
0x9b: {  	v12 =	vor.u32 s23, v0;
	s7 =	sor.u32 s7, s20;
	v13 =	vld [tilespmem:s19+$0xFFFFFF60];
	[tilespmem:v11+s8+$0x0] =	vst.idx.msk $0xffff, v17  }
0x9c: {  	v18 =	vld [tilespmem:s19+$0xFFFFFF00];
	v14 =	vor.u32 s7, v0;
	s12 =	rddreg [dreg:$0xd]  }
0x9d: {  	v11 =	vor.u32 s6, v0;
	v17 =	vld [tilespmem:s19+$0x70];
	[tilespmem:v1+s8+$0x0] =	vst.idx.msk $0xffff, v10;
	s0 =	sor.u32 s12, s20  }
0x9e: {  	s13 =	sor.u32 s21, s20;
	[tilespmem:v2+s8+$0x0] =	vst.idx.msk $0xffff, v15;
	v1 =	vor.u32 s0, v0  }
0x9f: {  	v2 =	vor.u32 s13, v0;
	[tilespmem:v8+s8+$0x0] =	vst.idx.msk $0xffff, v6  }
0xa0: {  	s21 =	sor.u32 s16, s20;
	[tilespmem:v12+s8+$0x0] =	vst.idx.msk $0xffff, v13  }
0xa1: {  	s22 =	sor.u32 s29, s20;
	v6 =	vor.u32 s21, v0;
	v8 =	vld [tilespmem:s19+$0xFFFFFFB0];
	[tilespmem:v14+s8+$0x0] =	vst.idx.msk $0xffff, v18  }
0xa2: {  	s23 =	sand.u32 $0x6E, s15;
	s24 =	sor.u32 s28, s20;
	v10 =	vor.u32 s22, v0;
	v12 =	vld [tilespmem:s19+$0xFFFFFF30];
	[tilespmem:v11+s8+$0x0] =	vst.idx.msk $0xffff, v17  }
0xa3: {  	s4 =	sor.u32 s23, s20;
	v13 =	vor.u32 s24, v0;
	s25 =	rddreg [dreg:$0x5];
	[tilespmem:v1+s8+$0x0] =	vst.idx.msk $0xffff, v4  }
0xa4: {  	v14 =	vld [tilespmem:s19+$0xFFFFFFE0];
	v11 =	vor.u32 s4, v0;
	s0 =	sor.u32 s25, s20;
	s26 =	rddreg [dreg:$0xb];
	[tilespmem:v2+s8+$0x0] =	vst.idx.msk $0xffff, v9  }
0xa5: {  	v1 =	vor.u32 s0, v0;
	v4 =	vld [tilespmem:s19+$0xB0];
	s4 =	sor.u32 s26, s20;
	s5 =	rddreg [dreg:$0x7]  }
0xa6: {  	v9 =	vld [tilespmem:s19+$0x90];
	[tilespmem:v6+s8+$0x0] =	vst.idx.msk $0xffff, v8;
	s0 =	sor.u32 s5, s20;
	v2 =	vor.u32 s4, v0  }
0xa7: {  	s6 =	sor.u32 s10, s20;
	v8 =	vld [tilespmem:s19+$0xD0];
	[tilespmem:v10+s8+$0x0] =	vst.idx.msk $0xffff, v12;
	v6 =	vor.u32 s0, v0  }
0xa8: {  	s7 =	sand.u32 $0x6D, s31;
	s10 =	sor.u32 s18, s20;
	v10 =	vor.u32 s6, v0;
	v12 =	vld [tilespmem:s19+$0xFFFFFF90];
	[tilespmem:v13+s8+$0x0] =	vst.idx.msk $0xffff, v7  }
0xa9: {  	v7 =	vor.u32 s10, v0;
	v13 =	vld [tilespmem:s19+$0xFFFFFFA0];
	[tilespmem:v11+s8+$0x0] =	vst.idx.msk $0xffff, v14;
	s0 =	sor.u32 s7, s20  }
0xaa: {  	s12 =	sor.u32 s9, s20;
	v14 =	vld [tilespmem:s19+$0xFFFFFFD0];
	v11 =	vor.u32 s0, v0;
	[tilespmem:v1+s8+$0x0] =	vst.idx.msk $0xffff, v4  }
0xab: {  	v1 =	vor.u32 s12, v0;
	v4 =	vld [tilespmem:s19+$0x80];
	[tilespmem:v2+s8+$0x0] =	vst.idx.msk $0xffff, v9  }
0xac: {  	s13 =	sor.u32 s14, s20;
	[tilespmem:v6+s8+$0x0] =	vst.idx.msk $0xffff, v8  }
0xad: {  	s14 =	sor.u32 s17, s20;
	v2 =	vor.u32 s13, v0;
	v9 =	vld [tilespmem:s19+$0x60];
	s15 =	rddreg [dreg:$0x17];
	[tilespmem:v10+s8+$0x0] =	vst.idx.msk $0xffff, v12  }
0xae: {  	s16 =	sor.u32 s3, s20;
	v6 =	vor.u32 s14, v0;
	v8 =	vld [tilespmem:s19+$0x50];
	[tilespmem:v7+s8+$0x0] =	vst.idx.msk $0xffff, v13  }
0xaf: {  	v7 =	vor.u32 s16, v0;
	v13 =	vld [tilespmem:s19+$0xFFFFFFC0];
	[tilespmem:v11+s8+$0x0] =	vst.idx.msk $0xffff, v14  }
0xb0: {  	v11 =	vor.u32 s11, v0;
	v14 =	vld [tilespmem:s19+$0x40];
	[tilespmem:v1+s8+$0x0] =	vst.idx.msk $0xffff, v4  }
0xb1: {  	v1 =	vor.u32 s30, v0;
	v4 =	vld [tilespmem:s19+$0xFFFFFF50];
	s4 =	sor.u32 s15, s20;
	s17 =	rddreg [dreg:$0x14]  }
0xb2: {  	s1 =	sand.u32 $0x67, s1;
	v12 =	vld [tilespmem:s19+$0x10];
	v10 =	vor.u32 s4, v0;
	s0 =	sor.u32 s17, s20;
	[tilespmem:v2+s8+$0x0] =	vst.idx.msk $0xffff, v9  }
0xb3: {  	s18 =	sor.u32 s1, s20;
	v2 =	vor.u32 s0, v0;
	[tilespmem:v6+s8+$0x0] =	vst.idx.msk $0xffff, v8  }
0xb4: {  	v6 =	vor.u32 s18, v0;
	[tilespmem:v7+s8+$0x0] =	vst.idx.msk $0xffff, v13  }
0xb5: {  	v8 =	vor.u32 s2, v0;
	[tilespmem:v11+s8+$0x0] =	vst.idx.msk $0xffff, v14  }
0xb6: {  	[tilespmem:v1+s8+$0x0] =	vst.idx.msk $0xffff, v4  }
0xb7: {  	[tilespmem:v10+s8+$0x0] =	vst.idx.msk $0xffff, v12  }
0xb8: {  	[tilespmem:v2+s8+$0x0] =	vst.idx.msk $0xffff, v5  }
0xb9: {  	[tilespmem:v6+s8+$0x0] =	vst.idx.msk $0xffff, v3  }
0xba: {  	[tilespmem:v8+s8+$0x0] =	vst.idx.msk $0xffff, v16  }
0xbb: {  	s19 =	sld [smem:$0x7FB];
	_ =	sdelay $0x1  }
0xbc: {  	s0 =	simm.s32 $0x0;
	s20 =	sld [smem:$0x7F8]  }
0xbd: {  	[hbm4b:s19+s0] =	stream.linear.scatter [tilespmem:s8], [sflag:$0x2], $0x1000, $0x38;
	[tilespmem:$0xB400] =	vst v63  }
0xbe: {  	s21 =	simm.s32 $0x8400;
	s22 =	simm.s32 $0x1  }
0xbf: {  	[hbm4b:s20+s0] =	stream.linear.scatter [tilespmem:s21], [sflag:$0x2], $0x1000, $0x38;
	[tilespmem:$0xB400] =	vst v63  }
0xc0: {  	_ =	swait.ge [sflag:s22], $0x800  }
0xc1: {  	s31 =	simm.s32 $0xB;
	[sflag:s22] =	ssyncset.done $0x0  }
0xc2: {  	s31 =	sand.u32 $0x6B, s31;
	s1 =	simm.s32 $0x5500;
	[sflag:s22] =	ssyncadd.s32 $0xFFFFF800  }
0xc3: {  	s24 =	simm.s32 $0x80;
	s9 =	simm.s32 $0x4C00;
	_ =	swait.ge [sflag:s22], $0x800  }
0xc4: {  	s25 =	simm.s32 $0x3400;
	s26 =	simm.s32 $0x400;
	[sflag:s22] =	ssyncset.done $0x0  }
0xc5: {  	s6 =	simm.s32 $0x480;
	s10 =	simm.s32 $0x580;
	[sflag:s22] =	ssyncadd.s32 $0xFFFFF800  }
0xc6: {  	s5 =	simm.s32 $0x3C00;
	s7 =	simm.s32 $0x4400;
	_ =	swait.ge [sflag:s22], $0x800  }
0xc7: {  	s12 =	simm.s32 $0x0;
	s13 =	simm.s32 $0x11;
	[sflag:s22] =	ssyncset.done $0x0  }
0xc8: {  	s14 =	simm.s32 $0x1A;
	s11 =	simm.s32 $0x1B;
	[sflag:s22] =	ssyncadd.s32 $0xFFFFF800  }
0xc9: {  	s16 =	simm.s32 $0x18;
	s30 =	simm.s32 $0x9;
	_ =	swait.ge [sflag:s22], $0x800  }
0xca: {  	s15 =	simm.s32 $0x1D;
	s4 =	sand.u32 $0x7B, s11;
	s23 =	sld [smem:$0x7F9]  }
0xcb: {  	s17 =	simm.s32 $0x19;
	s18 =	simm.s32 $0x16;
	[sflag:s22] =	ssyncset.done $0x0  }
0xcc: {  	s8 =	simm.s32 $0x500;
	s19 =	simm.s32 $0x17;
	[sflag:s22] =	ssyncadd.s32 $0xFFFFF800  }
0xcd: {  	[tilespmem:s25], [sflag:$0x1] =	stream.indirect.gather [hbm4b:s23+s24], $0x10, s26, s24, $0xb8;
	[tilespmem:$0xB400] =	vst v63  }
0xce: {  	s11 =	sand.u32 $0x77, s19;
	s19 =	simm.s32 $0x3;
	s20 =	simm.s32 $0x15  }
0xcf: {  	[tilespmem:s5], [sflag:$0x1] =	stream.indirect.gather [hbm4b:s23+s24], $0x10, s6, s24, $0xb8;
	[tilespmem:$0xB400] =	vst v63  }
0xd0: {  	s21 =	simm.s32 $0x14;
	s0 =	sand.u32 $0xC00, s0;
	s25 =	simm.s32 $0x1C  }
0xd1: {  	[tilespmem:s7], [sflag:$0x1] =	stream.indirect.gather [hbm4b:s23+s24], $0x10, s8, s24, $0xb8;
	[tilespmem:$0xB400] =	vst v63  }
0xd2: {  	s29 =	sand.u32 $0x63, s19;
	s22 =	simm.s32 $0x13;
	s25 =	sand.u32 $0x7C, s25  }
0xd3: {  	[tilespmem:s9], [sflag:$0x1] =	stream.indirect.gather [hbm4b:s23+s24], $0x10, s10, s24, $0xb8;
	[tilespmem:$0xB400] =	vst v63  }
0xd4: {  	s10 =	sand.u32 $0x78, s16;
	s16 =	sand.u32 $0x60, s12;
	s12 =	sand.u32 $0x74, s21  }
0xd5: {  	s6 =	sand.u32 $0x76, s18;
	s8 =	sand.u32 $0x7A, s14;
	s26 =	sor.u32 s12, s0  }
0xd6: {  	s14 =	sand.u32 $0x75, s20;
	s20 =	simm.s32 $0x10;
	[smem:$0x7EC] =	sst s26  }
0xd7: {  	s18 =	simm.s32 $0x1E;
	s20 =	sand.u32 $0x70, s20;
	s9 =	sand.u32 $0x79, s17;
	v4 =	vld [tilespmem:s1+$0xA0]  }
0xd8: {  	s23 =	simm.s32 $0x6;
	s24 =	simm.s32 $0x12;
	s21 =	sand.u32 $0x71, s13;
	v6 =	vld [tilespmem:s1+$0xFFFFFF80]  }
0xd9: {  	s13 =	simm.s32 $0x8;
	s17 =	simm.s32 $0x1;
	s20 =	sor.u32 s20, s0;
	v1 =	vld [tilespmem:s1+$0xFFFFFF70]  }
0xda: {  	s3 =	sand.u32 $0x66, s23;
	s23 =	sand.u32 $0x72, s24;
	s24 =	simm.s32 $0x4;
	v5 =	vld [tilespmem:s1+$0x0]  }
0xdb: {  	s12 =	sand.u32 $0x7E, s18;
	s18 =	sand.u32 $0x68, s13;
	s13 =	sor.u32 s11, s0;
	v7 =	vld [tilespmem:s1+$0xFFFFFFF0]  }
0xdc: {  	s17 =	sand.u32 $0x61, s17;
	v15 =	vor.u32 s20, v0;
	s20 =	sor.u32 s25, s0;
	s26 =	simm.s32 $0x2;
	v3 =	vld [tilespmem:s1+$0xF0]  }
0xdd: {  	s28 =	sor.u32 s3, s0;
	s11 =	sor.u32 s17, s0;
	s3 =	sand.u32 $0x64, s24;
	v8 =	vld [tilespmem:s1+$0xE0]  }
0xde: {  	s24 =	simm.s32 $0x5;
	s2 =	sand.u32 $0x62, s26;
	v9 =	vld [tilespmem:s1+$0xC0];
	s17 =	sor.u32 s3, s0  }
0xdf: {  	v10 =	vld [tilespmem:s1+$0x20];
	s26 =	sor.u32 s2, s0;
	s2 =	simm.s32 $0xF;
	[smem:$0x7ED] =	sst s17  }
0xe0: {  	s5 =	sand.u32 $0x73, s22;
	v17 =	vor.u32 s20, v0;
	s19 =	sand.u32 $0x65, s24;
	s24 =	sand.u32 $0x6F, s2;
	v12 =	vld [tilespmem:s1+$0xFFFFFF10]  }
0xe1: {  	v13 =	vor.u32 s11, v0;
	s2 =	sor.u32 s18, s0;
	v14 =	vld [tilespmem:s1+$0xFFFFFF20];
	s18 =	sor.u32 s16, s0;
	s16 =	simm.s32 $0xD  }
0xe2: {  	s17 =	sor.u32 s19, s0;
	v2 =	vld [tilespmem:s1+$0xFFFFFF40];
	v16 =	vor.u32 s26, v0;
	s19 =	sand.u32 $0x6D, s16;
	s16 =	sor.u32 s24, s0  }
0xe3: {  	s22 =	simm.s32 $0xA;
	s20 =	simm.s32 $0x9400;
	v11 =	vld [tilespmem:s1+$0x30];
	s24 =	sor.u32 s23, s0;
	v19 =	vor.u32 s16, v0  }
0xe4: {  	s30 =	sand.u32 $0x69, s30;
	s4 =	sor.u32 s4, s0;
	s22 =	sand.u32 $0x6A, s22;
	v18 =	vld [tilespmem:s1+$0xFFFFFF60];
	v21 =	vor.u32 s24, v0;
	[tilespmem:v15+s20+$0x0] =	vst.idx.msk $0xffff, v5  }
0xe5: {  	s5 =	sor.u32 s5, s0;
	s7 =	sand.u32 $0x7D, s15;
	s15 =	simm.s32 $0x1F;
	v20 =	vld [tilespmem:s1+$0x70];
	[tilespmem:v17+s20+$0x0] =	vst.idx.msk $0xffff, v9  }
0xe6: {  	s6 =	sor.u32 s6, s0;
	s15 =	sand.u32 $0x7F, s15;
	s8 =	sor.u32 s8, s0;
	v22 =	vor.u32 s2, v0;
	v5 =	vld [tilespmem:s1+$0xFFFFFF50];
	[tilespmem:v13+s20+$0x0] =	vst.idx.msk $0xffff, v12  }
0xe7: {  	s15 =	sor.u32 s15, s0;
	s25 =	sor.u32 s21, s0;
	s26 =	simm.s32 $0xE;
	v9 =	vld [tilespmem:s1+$0xFFFFFF30];
	[tilespmem:v16+s20+$0x0] =	vst.idx.msk $0xffff, v14  }
0xe8: {  	s21 =	sor.u32 s22, s0;
	s22 =	simm.s32 $0x3B;
	s26 =	sand.u32 $0x6E, s26;
	v15 =	vor.u32 s28, v0;
	v13 =	vld [tilespmem:s1+$0xFFFFFF00];
	[tilespmem:v19+s20+$0x0] =	vst.idx.msk $0xffff, v7  }
0xe9: {  	s16 =	sor.u32 s14, s0;
	v17 =	vor.u32 s13, v0;
	s13 =	sor.u32 s12, s0;
	s12 =	sand.u32 $0x7B, s22;
	v14 =	vld [tilespmem:s1+$0xFFFFFFB0];
	[tilespmem:v21+s20+$0x0] =	vst.idx.msk $0xffff, v10  }
0xea: {  	s14 =	sor.u32 s26, s0;
	s26 =	simm.s32 $0x3D;
	v16 =	vor.u32 s18, v0;
	v12 =	vld [tilespmem:s1+$0x40];
	[dreg:$0x3] =	wrdreg s12  }
0xeb: {  	s23 =	sor.u32 s10, s0;
	s10 =	sor.u32 s9, s0;
	s12 =	sand.u32 $0x7D, s26;
	[tilespmem:v22+s20+$0x0] =	vst.idx.msk $0xffff, v6  }
0xec: {  	s9 =	simm.s32 $0x7;
	v7 =	vor.u32 s8, v0;
	s8 =	simm.s32 $0x3A;
	v10 =	vld [tilespmem:s1+$0xFFFFFFE0];
	[dreg:$0x6] =	wrdreg s12  }
0xed: {  	s3 =	simm.s32 $0xC;
	s9 =	sand.u32 $0x67, s9;
	s8 =	sand.u32 $0x7A, s8;
	v6 =	vld [tilespmem:s1+$0xB0];
	[tilespmem:v15+s20+$0x0] =	vst.idx.msk $0xffff, v18  }
0xee: {  	v19 =	vor.u32 s13, v0;
	s13 =	simm.s32 $0x39;
	v15 =	vld [tilespmem:s1+$0x90];
	[dreg:$0xe] =	wrdreg s8;
	s8 =	simm.s32 $0x9400  }
0xef: {  	s22 =	sor.u32 s9, s0;
	s18 =	sor.u32 s31, s0;
	s9 =	sand.u32 $0x79, s13;
	[tilespmem:v16+s8+$0x0] =	vst.idx.msk $0xffff, v13  }
0xf0: {  	s11 =	sor.u32 s30, s0;
	s2 =	sor.u32 s29, s0;
	v21 =	vor.u32 s18, v0;
	[dreg:$0x9] =	wrdreg s9  }
0xf1: {  	s3 =	sand.u32 $0x6C, s3;
	s12 =	simm.s32 $0x35;
	s20 =	simm.s32 $0x36;
	v18 =	vor.u32 s2, v0;
	v13 =	vld [tilespmem:s1+$0xD0];
	[tilespmem:v17+s8+$0x0] =	vst.idx.msk $0xffff, v20  }
0xf2: {  	s19 =	sor.u32 s19, s0;
	s13 =	sand.u32 $0x76, s20;
	s20 =	sand.u32 $0x75, s12;
	v17 =	vld [tilespmem:s1+$0xFFFFFF90];
	[tilespmem:v7+s8+$0x0] =	vst.idx.msk $0xffff, v4  }
0xf3: {  	s24 =	sor.u32 s7, s0;
	s7 =	sor.u32 s3, s0;
	v16 =	vor.u32 s15, v0;
	v7 =	vld [tilespmem:s1+$0xFFFFFFA0];
	[dreg:$0x12] =	wrdreg s20  }
0xf4: {  	s3 =	simm.s32 $0x38;
	v25 =	vor.u32 s23, v0;
	s23 =	simm.s32 $0x3F;
	v23 =	vor.u32 s19, v0;
	s19 =	simm.s32 $0x5700;
	v20 =	vor.u32 s14, v0;
	[tilespmem:v19+s8+$0x0] =	vst.idx.msk $0xffff, v8  }
0xf5: {  	s28 =	sand.u32 $0x7F, s23;
	s18 =	simm.s32 $0x34;
	s12 =	simm.s32 $0x31;
	v4 =	vor.u32 s4, v0;
	v8 =	vld [tilespmem:s1+$0xFFFFFFD0];
	[tilespmem:v21+s8+$0x0] =	vst.idx.msk $0xffff, v14  }
0xf6: {  	s26 =	simm.s32 $0x37;
	v22 =	vor.u32 s21, v0;
	s2 =	sand.u32 $0x74, s18;
	s0 =	sand.u32 $0x71, s12;
	v14 =	vld [tilespmem:s1+$0x80];
	[tilespmem:v18+s8+$0x0] =	vst.idx.msk $0xffff, v9  }
0xf7: {  	s18 =	simm.s32 $0x32;
	s15 =	simm.s32 $0x26;
	v19 =	vor.u32 s10, v0;
	v18 =	vld [tilespmem:s1+$0x60];
	[dreg:$0x16] =	wrdreg s0  }
0xf8: {  	s9 =	sand.u32 $0x78, s3;
	s3 =	sand.u32 $0x77, s26;
	s26 =	simm.s32 $0x33;
	v21 =	vor.u32 s24, v0;
	[tilespmem:v16+s8+$0x0] =	vst.idx.msk $0xffff, v3  }
0xf9: {  	s12 =	simm.s32 $0x30;
	s14 =	sand.u32 $0x73, s26;
	s4 =	simm.s32 $0x100;
	v9 =	vor.u32 s11, v0;
	[tilespmem:v20+s8+$0x0] =	vst.idx.msk $0xffff, v10  }
0xfa: {  	s26 =	simm.s32 $0x3E;
	s20 =	sand.u32 $0xC00, s4;
	s4 =	sand.u32 $0x72, s18;
	v16 =	vld [tilespmem:s1+$0x50];
	[tilespmem:v4+s8+$0x0] =	vst.idx.msk $0xffff, v6  }
0xfb: {  	s21 =	sand.u32 $0x7E, s26;
	s18 =	simm.s32 $0x22;
	s26 =	simm.s32 $0x21;
	v24 =	vld [tilespmem:s1+$0xFFFFFFC0];
	[tilespmem:v22+s8+$0x0] =	vst.idx.msk $0xffff, v7  }
0xfc: {  	s10 =	sand.u32 $0x66, s15;
	s24 =	simm.s32 $0x3C;
	s11 =	sor.u32 s2, s20;
	v3 =	vld [tilespmem:s19+$0xFFFFFF70];
	[tilespmem:v19+s8+$0x0] =	vst.idx.msk $0xffff, v15  }
0xfd: {  	s15 =	simm.s32 $0x28;
	s2 =	sand.u32 $0x62, s18;
	s18 =	simm.s32 $0x25;
	v20 =	vld [tilespmem:s1+$0x10];
	v22 =	vor.u32 s7, v0;
	[tilespmem:v21+s8+$0x0] =	vst.idx.msk $0xffff, v13  }
0xfe: {  	s0 =	sand.u32 $0x7C, s24;
	s23 =	sor.u32 s10, s20;
	s10 =	simm.s32 $0x23;
	v4 =	vld [tilespmem:s19+$0xA0];
	v15 =	vor.u32 s6, v0;
	[tilespmem:v9+s8+$0x0] =	vst.idx.msk $0xffff, v17  }
0xff: {  	s24 =	sand.u32 $0x68, s15;
	s29 =	sand.u32 $0x63, s10;
	s1 =	sand.u32 $0x70, s12;
	v6 =	vld [tilespmem:s19+$0xFFFFFF80];
	v19 =	vor.u32 s16, v0;
	[tilespmem:v23+s8+$0x0] =	vst.idx.msk $0xffff, v8  }
0x100: {  	v10 =	vld [tilespmem:s19+$0xFFFFFFF0];
	s12 =	simm.s32 $0x24;
	s1 =	sor.u32 s1, s20;
	v21 =	vor.u32 s25, v0;
	s15 =	sld [smem:$0x7EC]  }
0x101: {  	v7 =	vld [tilespmem:s19+$0xF0];
	s6 =	sor.u32 s3, s20;
	s3 =	sand.u32 $0x61, s26;
	s25 =	sor.u32 s2, s20;
	[tilespmem:v25+s8+$0x0] =	vst.idx.msk $0xffff, v14  }
0x102: {  	v13 =	vld [tilespmem:s19+$0x0];
	s16 =	sand.u32 $0x64, s12;
	s26 =	simm.s32 $0x2F;
	s12 =	simm.s32 $0x2A;
	v25 =	vor.u32 s17, v0;
	[tilespmem:v22+s8+$0x0] =	vst.idx.msk $0xffff, v24  }
0x103: {  	v9 =	vld [tilespmem:s19+$0xE0];
	s31 =	sor.u32 s3, s20;
	s3 =	sand.u32 $0x65, s18;
	s18 =	sand.u32 $0x6A, s12;
	v26 =	vor.u32 s15, v0;
	[tilespmem:v15+s8+$0x0] =	vst.idx.msk $0xffff, v18  }
0x104: {  	v17 =	vld [tilespmem:s19+$0xC0];
	s10 =	sand.u32 $0x6F, s26;
	s2 =	sor.u32 s16, s20;
	s16 =	simm.s32 $0x2B;
	v18 =	vor.u32 s5, v0;
	[tilespmem:v19+s8+$0x0] =	vst.idx.msk $0xffff, v16  }
0x105: {  	v23 =	vld [tilespmem:s19+$0xFFFFFF20];
	s17 =	simm.s32 $0x2C;
	s16 =	sand.u32 $0x6B, s16;
	s30 =	sor.u32 s3, s20;
	[tilespmem:v21+s8+$0x0] =	vst.idx.msk $0xffff, v20  }
0x106: {  	v14 =	vld [tilespmem:s19+$0xFFFFFF10];
	s3 =	sand.u32 $0x6C, s17;
	s17 =	simm.s32 $0x20;
	s26 =	sld [smem:$0x7ED]  }
0x107: {  	v24 =	vor.u32 s22, v0;
	v22 =	vor.u32 s1, v0;
	s22 =	sand.u32 $0x60, s17;
	s1 =	simm.s32 $0x27;
	s15 =	simm.s32 $0x29;
	v15 =	vld [tilespmem:s19+$0x20];
	[tilespmem:v25+s8+$0x0] =	vst.idx.msk $0xffff, v5  }
0x108: {  	s7 =	sand.u32 $0x69, s15;
	s5 =	sor.u32 s24, s20;
	v16 =	vld [tilespmem:s19+$0xFFFFFF40];
	s24 =	simm.s32 $0x5900;
	v21 =	vor.u32 s31, v0;
	[tilespmem:v26+s8+$0x0] =	vst.idx.msk $0xffff, v12  }
0x109: {  	s31 =	simm.s32 $0x2D;
	s15 =	simm.s32 $0x2E;
	v25 =	vor.u32 s25, v0;
	v5 =	vld [tilespmem:s19+$0x30];
	v8 =	vor.u32 s26, v0;
	s26 =	simm.s32 $0x200;
	[tilespmem:v18+s8+$0x0] =	vst.idx.msk $0xffff, v11  }
.LBB2_4:
0x10a: {  	s22 =	sor.u32 s22, s20  }
0x10b: {  	s31 =	sand.u32 $0x6D, s31;
	v28 =	vor.u32 s6, v0;
	s12 =	sor.u32 s0, s20;
	s6 =	smov.u32 s17  }
0x10c: {  	v26 =	vld [tilespmem:s19+$0xFFFFFF60];
	v27 =	vor.u32 s5, v0;
	s5 =	smov.u32 s19;
	s19 =	smov.u32 s24;
	s0 =	sor.u32 s7, s20  }
0x10d: {  	v30 =	vor.u32 s23, v0;
	s10 =	sor.u32 s10, s20;
	s23 =	rddreg [dreg:$0x16];
	s4 =	sor.u32 s4, s20  }
0x10e: {  	s25 =	sor.u32 s14, s20;
	s14 =	sand.u32 $0x6E, s15;
	s15 =	rddreg [dreg:$0x12]  }
0x10f: {  	s17 =	sadd.s32 $0x20, s17;
	s1 =	sand.u32 $0x67, s1;
	v29 =	vor.u32 s22, v0;
	s22 =	sor.u32 s31, s20  }
0x110: {  	s7 =	sor.u32 s23, s20;
	v32 =	vor.u32 s4, v0;
	s4 =	sor.u32 s15, s20;
	v33 =	vor.u32 s10, v0;
	s10 =	rddreg [dreg:$0x9]  }
0x111: {  	v19 =	vor.u32 s12, v0;
	v12 =	vor.u32 s25, v0;
	s23 =	sor.u32 s9, s20;
	s25 =	simm.s32 $0x9400;
	s12 =	rddreg [dreg:$0xe]  }
0x112: {  	s15 =	sor.u32 s18, s20;
	s18 =	rddreg [dreg:$0x6];
	p0 =	slt.u32 s17, $0x1E0  }
0x113: {  	v20 =	vor.u32 s11, v0;
	s11 =	sadd.s32 $0x36, s6;
	s1 =	sor.u32 s1, s20;
	s31 =	sadd.s32 $0x2D, s6  }
0x114: {  	[tilespmem:v24+s8+$0x0] =	vst.idx.msk $0xffff, v1;
	v11 =	vor.u32 s30, v0;
	s30 =	sadd.s32 $0x2B, s6;
	v18 =	vor.u32 s22, v0;
	s22 =	sor.u32 s13, s20;
	s9 =	sor.u32 s12, s20  }
0x115: {  	[tilespmem:v8+s8+$0x0] =	vst.idx.msk $0xffff, v2;
	s13 =	sor.u32 s29, s20;
	v40 =	vor.u32 s15, v0;
	s15 =	sadd.s32 $0x3A, s6;
	s29 =	sadd.s32 $0x30, s6  }
0x116: {  	v24 =	vld [tilespmem:s24+$0xA0];
	s12 =	sadd.s32 $0x2A, s6;
	v36 =	vor.u32 s9, v0;
	v37 =	vor.u32 s13, v0;
	s9 =	sor.u32 s16, s20;
	s13 =	sor.u32 s21, s20;
	[tilespmem:v21+s8+$0x0] =	vst.idx.msk $0xffff, v14  }
0x117: {  	v31 =	vld [tilespmem:s24+$0xFFFFFF80];
	s16 =	sadd.s32 $0x3D, s6;
	s21 =	sand.u32 $0x7A, s15;
	s15 =	sadd.s32 $0x31, s6;
	[tilespmem:v22+s25+$0x0] =	vst.idx.msk $0xffff, v13  }
0x118: {  	v34 =	vld [tilespmem:s5+$0x70];
	v2 =	vmov v16;
	s8 =	sor.u32 s10, s20;
	v16 =	vor.u32 s4, v0;
	v21 =	vor.u32 s22, v0;
	s4 =	sor.u32 s18, s20;
	s22 =	sor.u32 s14, s20;
	[tilespmem:v25+s25+$0x0] =	vst.idx.msk $0xffff, v23  }
0x119: {  	v35 =	vld [tilespmem:s5+$0xFFFFFF00];
	v22 =	vor.u32 s23, v0;
	s23 =	rddreg [dreg:$0x3];
	s10 =	sor.u32 s28, s20;
	s14 =	sadd.s32 $0x3B, s6;
	[tilespmem:v27+s25+$0x0] =	vst.idx.msk $0xffff, v6  }
0x11a: {  	v57 =	vld [tilespmem:s5+$0xFFFFFFB0];
	v39 =	vor.u32 s9, v0;
	s18 =	sadd.s32 $0x38, s6;
	s9 =	sadd.s32 $0x37, s6;
	[dreg:$0xe] =	wrdreg s21;
	[tilespmem:v30+s25+$0x0] =	vst.idx.msk $0xffff, v26  }
0x11b: {  	v1 =	vmov v3;
	v3 =	vld [tilespmem:s24+$0xFFFFFF70];
	v14 =	vor.u32 s7, v0;
	s24 =	sadd.s32 $0x200, s24;
	s21 =	sadd.s32 $0x26, s6;
	s7 =	sand.u32 $0x76, s11;
	[tilespmem:v19+s25+$0x0] =	vst.idx.msk $0xffff, v17  }
0x11c: {  	v8 =	vor.u32 s2, v0;
	v59 =	vld [tilespmem:s5+$0xB0];
	s28 =	sadd.s32 $0x3F, s6;
	s2 =	sor.u32 s23, s20;
	v13 =	vor.u32 s4, v0;
	s4 =	smov.u32 s26;
	[tilespmem:v33+s25+$0x0] =	vst.idx.msk $0xffff, v10  }
0x11d: {  	v62 =	vld [tilespmem:s5+$0x50];
	v25 =	vor.u32 s8, v0;
	s23 =	sadd.s32 $0x39, s6;
	s26 =	sadd.s32 $0x100, s26;
	s8 =	sadd.s32 $0x21, s6;
	[tilespmem:v32+s25+$0x0] =	vst.idx.msk $0xffff, v15  }
0x11e: {  	v23 =	vor.u32 s22, v0;
	v27 =	vld [tilespmem:s5+$0xFFFFFFE0];
	s28 =	sand.u32 $0x7F, s28;
	v38 =	vor.u32 s2, v0;
	s2 =	sor.u32 s3, s20;
	s3 =	sand.u32 $0x7B, s14;
	[tilespmem:v29+s25+$0x0] =	vst.idx.msk $0xffff, v35  }
0x11f: {  	v60 =	vld [tilespmem:s5+$0x90];
	s14 =	sadd.s32 $0x35, s6;
	s22 =	sand.u32 $0x79, s23;
	[tilespmem:v28+s25+$0x0] =	vst.idx.msk $0xffff, v34;
	s23 =	sadd.s32 $0x34, s6  }
0x120: {  	v61 =	vld [tilespmem:s5+$0xD0];
	v10 =	vor.u32 s13, v0;
	s20 =	sadd.s32 $0x33, s6;
	s13 =	sand.u32 $0x78, s18;
	[dreg:$0x3] =	wrdreg s3;
	[tilespmem:v36+s25+$0x0] =	vst.idx.msk $0xffff, v4  }
0x121: {  	v26 =	vld [tilespmem:s5+$0x40];
	v17 =	vor.u32 s10, v0;
	s18 =	sadd.s32 $0x2C, s6;
	s10 =	sand.u32 $0x77, s9;
	[dreg:$0x9] =	wrdreg s22;
	[tilespmem:v39+s25+$0x0] =	vst.idx.msk $0xffff, v57  }
0x122: {  	v63 =	vld [tilespmem:s5+$0xFFFFFFC0];
	s9 =	sadd.s32 $0x32, s6;
	s8 =	sand.u32 $0x61, s8;
	[dreg:$0x1e] =	wrdreg s13;
	[tilespmem:v16+s25+$0x0] =	vst.idx.msk $0xffff, v62  }
0x123: {  	v15 =	vld [tilespmem:s5+$0xFFFFFF30];
	s3 =	sand.u32 $0x7D, s16;
	s16 =	sadd.s32 $0x29, s6;
	[smem:$0x7EB] =	sst s18;
	[tilespmem:v23+s25+$0x0] =	vst.idx.msk $0xffff, v27  }
0x124: {  	v58 =	vor.u32 s0, v0;
	v19 =	vld [tilespmem:s5+$0xFFFFFF50];
	s22 =	sand.u32 $0x60, s17;
	s13 =	sand.u32 $0x75, s14;
	s0 =	sand.u32 $0x74, s23;
	[tilespmem:v25+s25+$0x0] =	vst.idx.msk $0xffff, v60  }
0x125: {  	s14 =	sadd.s32 $0x3C, s6;
	s23 =	sadd.s32 $0x3E, s6;
	[dreg:$0x6] =	wrdreg s3;
	v16 =	vld [tilespmem:s19+$0xFFFFFF40];
	[tilespmem:v13+s25+$0x0] =	vst.idx.msk $0xffff, v61  }
0x126: {  	s18 =	sadd.s32 $0x23, s6;
	[smem:$0x7EA] =	sst s16;
	s16 =	sadd.s32 $0x2F, s6;
	v23 =	vld [tilespmem:s5+$0x60];
	[tilespmem:v20+s25+$0x0] =	vst.idx.msk $0xffff, v26  }
0x127: {  	[dreg:$0x12] =	wrdreg s13;
	s3 =	sand.u32 $0x73, s20;
	s20 =	sand.u32 $0xC00, s4;
	v25 =	vld [tilespmem:s5+$0x10];
	[tilespmem:v10+s25+$0x0] =	vst.idx.msk $0xffff, v9  }
0x128: {  	v4 =	vmov v24;
	v24 =	vor.u32 s1, v0;
	s4 =	sand.u32 $0x71, s15;
	s15 =	sadd.s32 $0x2E, s6;
	s1 =	sadd.s32 $0x27, s6;
	v27 =	vor.u32 s2, v0;
	v13 =	vld [tilespmem:s19+$0x0];
	[tilespmem:v37+s25+$0x0] =	vst.idx.msk $0xffff, v15  }
0x129: {  	s13 =	sadd.s32 $0x25, s6;
	[dreg:$0x16] =	wrdreg s4;
	s4 =	sand.u32 $0x72, s9;
	v9 =	vld [tilespmem:s5+$0xFFFFFF90];
	[tilespmem:v17+s25+$0x0] =	vst.idx.msk $0xffff, v7  }
0x12a: {  	s11 =	sor.u32 s0, s20;
	s9 =	sadd.s32 $0x24, s6;
	s0 =	sand.u32 $0x7C, s14;
	v10 =	vld [tilespmem:s5+$0xFFFFFFA0];
	[tilespmem:v38+s25+$0x0] =	vst.idx.msk $0xffff, v59  }
0x12b: {  	s14 =	sadd.s32 $0x22, s6;
	s8 =	sor.u32 s8, s20;
	s2 =	sand.u32 $0x66, s21;
	v15 =	vld [tilespmem:s5+$0xFFFFFFD0];
	[tilespmem:v21+s25+$0x0] =	vst.idx.msk $0xffff, v23  }
0x12c: {  	s21 =	sand.u32 $0x7E, s23;
	s23 =	sand.u32 $0x70, s29;
	s29 =	sand.u32 $0x63, s18;
	v17 =	vld [tilespmem:s5+$0x80];
	[tilespmem:v14+s25+$0x0] =	vst.idx.msk $0xffff, v25  }
0x12d: {  	s18 =	sand.u32 $0x6A, s12;
	s5 =	sadd.s32 $0x28, s6;
	s6 =	sor.u32 s10, s20;
	v7 =	vld [tilespmem:s19+$0xF0];
	[tilespmem:v27+s25+$0x0] =	vst.idx.msk $0xffff, v63  }
0x12e: {  	s10 =	sand.u32 $0x62, s14;
	s14 =	sor.u32 s23, s20;
	s5 =	sand.u32 $0x68, s5;
	v14 =	vld [tilespmem:s19+$0xFFFFFF10];
	[tilespmem:v58+s25+$0x0] =	vst.idx.msk $0xffff, v9  }
0x12f: {  	s23 =	sor.u32 s2, s20;
	s10 =	sor.u32 s10, s20;
	s5 =	sor.u32 s5, s20;
	v23 =	vld [tilespmem:s19+$0xFFFFFF20];
	[tilespmem:v40+s25+$0x0] =	vst.idx.msk $0xffff, v10  }
.Ltmp1:
0x130: {  	v25 =	vor.u32 s10, v0;
	s10 =	sand.u32 $0x6F, s16;
	s16 =	sld [smem:$0x7EA];
	v10 =	vld [tilespmem:s19+$0xFFFFFFF0];
	[tilespmem:v18+s25+$0x0] =	vst.idx.msk $0xffff, v15;
	(pc) =	sbr.rel @p0 .LBB2_4-.Ltmp1, $4  }
0x131: {  	v21 =	vor.u32 s8, v0;
	s8 =	simm.s32 $0x9400;
	[tilespmem:v22+s25+$0x0] =	vst.idx.msk $0xffff, v17;
	v9 =	vld [tilespmem:s19+$0xE0];
	v22 =	vor.u32 s14, v0;
	s14 =	smov.u32 s3;
	s25 =	sld [smem:$0x7EB]  }
0x132: {  	v17 =	vld [tilespmem:s19+$0xC0];
	s3 =	sand.u32 $0x64, s9;
	s9 =	sand.u32 $0x65, s13;
	s13 =	smov.u32 s7  }
0x133: {  	v15 =	vld [tilespmem:s19+$0x20];
	[tilespmem:v12+s8+$0x0] =	vst.idx.msk $0xffff, v5;
	s2 =	sor.u32 s3, s20;
	s7 =	sand.u32 $0x69, s16;
	s16 =	sand.u32 $0x6B, s30  }
0x134: {  	v6 =	vmov v31;
	[tilespmem:v11+s8+$0x0] =	vst.idx.msk $0xffff, v19;
	v5 =	vld [tilespmem:s19+$0x30];
	s30 =	sor.u32 s9, s20;
	s9 =	rddreg [dreg:$0x1e];
	s3 =	sand.u32 $0x6C, s25  }
0x135: {  	_ =	sdelay $0x2  }
0x136: {  	s0 =	sor.u32 s0, s20  }
0x137: {  	[tilespmem:v24+s8+$0x0] =	vst.idx.msk $0xffff, v1;
	v11 =	vor.u32 s0, v0  }
0x138: {  	s12 =	sor.u32 s10, s20;
	[tilespmem:v8+s8+$0x0] =	vst.idx.msk $0xffff, v2  }
0x139: {  	s17 =	sor.u32 s4, s20;
	[tilespmem:v21+s8+$0x0] =	vst.idx.msk $0xffff, v14;
	v1 =	vor.u32 s12, v0  }
0x13a: {  	[tilespmem:v22+s8+$0x0] =	vst.idx.msk $0xffff, v13;
	v2 =	vor.u32 s17, v0  }
0x13b: {  	v29 =	vor.u32 s5, v0;
	[tilespmem:v25+s8+$0x0] =	vst.idx.msk $0xffff, v23  }
0x13c: {  	v12 =	vor.u32 s23, v0;
	s22 =	sor.u32 s22, s20;
	v30 =	vld [tilespmem:s19+$0xFFFFFF60];
	[tilespmem:v11+s8+$0x0] =	vst.idx.msk $0xffff, v17  }
0x13d: {  	v18 =	vld [tilespmem:s19+$0xFFFFFF00];
	v31 =	vor.u32 s22, v0;
	s23 =	rddreg [dreg:$0xe]  }
0x13e: {  	v32 =	vor.u32 s6, v0;
	v33 =	vld [tilespmem:s19+$0x70];
	[tilespmem:v1+s8+$0x0] =	vst.idx.msk $0xffff, v10;
	s0 =	sor.u32 s23, s20  }
0x13f: {  	s24 =	sor.u32 s21, s20;
	[tilespmem:v2+s8+$0x0] =	vst.idx.msk $0xffff, v15;
	v1 =	vor.u32 s0, v0  }
0x140: {  	v2 =	vor.u32 s24, v0;
	[tilespmem:v29+s8+$0x0] =	vst.idx.msk $0xffff, v6  }
0x141: {  	s25 =	sor.u32 s16, s20;
	[tilespmem:v12+s8+$0x0] =	vst.idx.msk $0xffff, v30  }
0x142: {  	s26 =	sor.u32 s29, s20;
	v35 =	vld [tilespmem:s19+$0xFFFFFFB0];
	v34 =	vor.u32 s25, v0;
	[tilespmem:v31+s8+$0x0] =	vst.idx.msk $0xffff, v18  }
0x143: {  	s29 =	sand.u32 $0x6E, s15;
	s5 =	sor.u32 s28, s20;
	v37 =	vld [tilespmem:s19+$0xFFFFFF30];
	v36 =	vor.u32 s26, v0;
	[tilespmem:v32+s8+$0x0] =	vst.idx.msk $0xffff, v33  }
0x144: {  	v38 =	vor.u32 s5, v0;
	s6 =	rddreg [dreg:$0x3];
	s0 =	sor.u32 s29, s20;
	[tilespmem:v1+s8+$0x0] =	vst.idx.msk $0xffff, v4  }
0x145: {  	v40 =	vld [tilespmem:s19+$0xFFFFFFE0];
	v39 =	vor.u32 s0, v0;
	s0 =	sor.u32 s6, s20;
	s10 =	rddreg [dreg:$0x9];
	[tilespmem:v2+s8+$0x0] =	vst.idx.msk $0xffff, v9  }
0x146: {  	v41 =	vld [tilespmem:s19+$0xB0];
	v1 =	vor.u32 s0, v0;
	s0 =	sor.u32 s10, s20;
	s12 =	rddreg [dreg:$0x6]  }
0x147: {  	v42 =	vld [tilespmem:s19+$0x90];
	[tilespmem:v34+s8+$0x0] =	vst.idx.msk $0xffff, v35;
	v2 =	vor.u32 s0, v0;
	s0 =	sor.u32 s12, s20  }
0x148: {  	s15 =	sor.u32 s7, s20;
	v44 =	vld [tilespmem:s19+$0xD0];
	[tilespmem:v36+s8+$0x0] =	vst.idx.msk $0xffff, v37;
	v43 =	vor.u32 s0, v0  }
0x149: {  	s16 =	sand.u32 $0x6D, s31;
	v46 =	vld [tilespmem:s19+$0xFFFFFF90];
	v45 =	vor.u32 s15, v0;
	s17 =	sor.u32 s18, s20;
	[tilespmem:v38+s8+$0x0] =	vst.idx.msk $0xffff, v7  }
0x14a: {  	v48 =	vld [tilespmem:s19+$0xFFFFFFA0];
	v47 =	vor.u32 s17, v0;
	[tilespmem:v39+s8+$0x0] =	vst.idx.msk $0xffff, v40;
	s0 =	sor.u32 s16, s20  }
0x14b: {  	v50 =	vld [tilespmem:s19+$0xFFFFFFD0];
	s18 =	sor.u32 s9, s20;
	v49 =	vor.u32 s0, v0;
	[tilespmem:v1+s8+$0x0] =	vst.idx.msk $0xffff, v41  }
0x14c: {  	v51 =	vld [tilespmem:s19+$0x80];
	s24 =	sor.u32 s3, s20;
	v1 =	vor.u32 s18, v0;
	[tilespmem:v2+s8+$0x0] =	vst.idx.msk $0xffff, v42  }
0x14d: {  	v58 =	vld [tilespmem:s19+$0xFFFFFFC0];
	s1 =	sand.u32 $0x67, s1;
	v57 =	vor.u32 s24, v0;
	s22 =	rddreg [dreg:$0x12];
	[tilespmem:v43+s8+$0x0] =	vst.idx.msk $0xffff, v44  }
0x14e: {  	v59 =	vor.u32 s11, v0;
	v60 =	vld [tilespmem:s19+$0x40];
	s26 =	sor.u32 s1, s20;
	s23 =	rddreg [dreg:$0x16];
	[tilespmem:v45+s8+$0x0] =	vst.idx.msk $0xffff, v46  }
0x14f: {  	s21 =	sor.u32 s13, s20;
	v62 =	vor.u32 s26, v0;
	[tilespmem:v47+s8+$0x0] =	vst.idx.msk $0xffff, v48  }
0x150: {  	v52 =	vld [tilespmem:s19+$0x60];
	v2 =	vor.u32 s21, v0;
	[tilespmem:v49+s8+$0x0] =	vst.idx.msk $0xffff, v50  }
0x151: {  	v63 =	vor.u32 s2, v0;
	[tilespmem:v1+s8+$0x0] =	vst.idx.msk $0xffff, v51  }
0x152: {  	v61 =	vld [tilespmem:s19+$0xFFFFFF50];
	s0 =	sor.u32 s22, s20;
	v1 =	vor.u32 s30, v0;
	[tilespmem:v57+s8+$0x0] =	vst.idx.msk $0xffff, v58  }
0x153: {  	v54 =	vld [tilespmem:s19+$0x50];
	[tilespmem:v59+s8+$0x0] =	vst.idx.msk $0xffff, v60;
	v53 =	vor.u32 s0, v0;
	s0 =	sor.u32 s23, s20  }
0x154: {  	v56 =	vld [tilespmem:s19+$0x10];
	s25 =	sor.u32 s14, s20;
	[tilespmem:v62+s8+$0x0] =	vst.idx.msk $0xffff, v3;
	v55 =	vor.u32 s0, v0  }
0x155: {  	[tilespmem:v2+s8+$0x0] =	vst.idx.msk $0xffff, v52;
	v2 =	vor.u32 s25, v0  }
0x156: {  	[tilespmem:v63+s8+$0x0] =	vst.idx.msk $0xffff, v16  }
0x157: {  	[tilespmem:v1+s8+$0x0] =	vst.idx.msk $0xffff, v61  }
0x158: {  	[tilespmem:v53+s8+$0x0] =	vst.idx.msk $0xffff, v54  }
0x159: {  	[tilespmem:v55+s8+$0x0] =	vst.idx.msk $0xffff, v56  }
0x15a: {  	[tilespmem:v2+s8+$0x0] =	vst.idx.msk $0xffff, v5  }
0x15b: {  	s29 =	sld [smem:$0x7FA];
	_ =	sdelay $0x1  }
0x15c: {  	s28 =	simm.s32 $0x0;
	s30 =	sld [smem:$0x7FC]  }
0x15d: {  	[hbm4b:s29+s28] =	stream.linear.scatter [tilespmem:s8], [sflag:$0x3], $0x1000, $0x38;
	[tilespmem:$0xB400] =	vst v63  }
0x15e: {  	s31 =	simm.s32 $0xA400;
	s0 =	simm.s32 $0x1  }
0x15f: {  	[hbm4b:s30+s28] =	stream.linear.scatter [tilespmem:s31], [sflag:$0x3], $0x1000, $0x38;
	[tilespmem:$0xB400] =	vst v63  }
.LBB2_6:
0x160: {  	[smem:$0x7E8] =	sst s0  }
0x161: {  	s2 =	simm.s32 $0x1;
	s1 =	sshllo.u32 s0, $0x1;
	s3 =	simm.s32 $0x80  }
0x162: {  	s20 =	simm.s32 $0x5400;
	s4 =	simm.s32 $0x5C00;
	s23 =	simm.s32 $0x6400  }
0x163: {  	s24 =	simm.s32 $0x6C00;
	s25 =	simm.s32 $0x2;
	s26 =	simm.s32 $0x0  }
0x164: {  	s5 =	simm.s32 $0x1A;
	s6 =	simm.s32 $0x18;
	_ =	swait.ge [sflag:s2], $0x800  }
0x165: {  	s7 =	simm.s32 $0x19;
	s8 =	simm.s32 $0x17;
	[sflag:s2] =	ssyncset.done $0x0  }
0x166: {  	s10 =	simm.s32 $0x14;
	s14 =	simm.s32 $0x11;
	[sflag:s2] =	ssyncadd.s32 $0xFFFFF800  }
0x167: {  	s15 =	simm.s32 $0x13;
	s16 =	simm.s32 $0x6;
	_ =	swait.ge [sflag:s2], $0x800  }
0x168: {  	s17 =	simm.s32 $0x12;
	s18 =	simm.s32 $0x1C;
	[sflag:s2] =	ssyncset.done $0x0  }
0x169: {  	s0 =	smul.u32 $0x12C7C, s1;
	s11 =	sand.u32 $0x7A, s5;
	[sflag:s2] =	ssyncadd.s32 $0xFFFFF800  }
0x16a: {  	s12 =	sand.u32 $0x79, s7;
	s13 =	sand.u32 $0x78, s6;
	_ =	swait.ge [sflag:s2], $0x800  }
0x16b: {  	s6 =	sand.u32 $0x77, s8;
	s10 =	sand.u32 $0x74, s10;
	[sflag:s2] =	ssyncset.done $0x0  }
0x16c: {  	s5 =	sand.u32 $0x73, s15;
	s15 =	simm.s32 $0x1F;
	[sflag:s2] =	ssyncadd.s32 $0xFFFFF800  }
0x16d: {  	s8 =	sand.u32 $0xC00, s26;
	s16 =	sand.u32 $0x66, s16;
	_ =	swait.ge [sflag:s2], $0x800  }
0x16e: {  	s18 =	sand.u32 $0x7C, s18;
	s26 =	sor.u32 s10, s8;
	s19 =	sld [smem:$0x7F3]  }
0x16f: {  	s28 =	sor.u32 s16, s8;
	s18 =	sor.u32 s18, s8;
	s5 =	sor.u32 s5, s8  }
0x170: {  	[sflag:s2] =	ssyncset.done $0x0;
	[smem:$0x7E4] =	sst s1;
	s1 =	sshll.u32 s1, $0x9  }
0x171: {  	[sflag:s2] =	ssyncadd.s32 $0xFFFFF800;
	s1 =	sand.u32 $0x3FFFFE00, s1;
	s0 =	sadd.s32 s19, s0  }
0x172: {  	[tilespmem:s20], [sflag:$0x1] =	stream.indirect.gather [hbm4b:s0+s3], $0x10, s1, s3, $0xb8;
	[tilespmem:$0xB400] =	vst v63  }
0x173: {  	s11 =	sor.u32 s11, s8;
	s21 =	sor.u32 $0x80, s1;
	s22 =	sor.u32 $0x100, s1  }
0x174: {  	[tilespmem:s4], [sflag:$0x1] =	stream.indirect.gather [hbm4b:s0+s3], $0x10, s21, s3, $0xb8;
	[tilespmem:$0xB400] =	vst v63  }
0x175: {  	s19 =	simm.s32 $0x1E;
	s20 =	simm.s32 $0x3;
	s21 =	simm.s32 $0x0  }
0x176: {  	s1 =	sor.u32 $0x180, s1;
	s20 =	sand.u32 $0x63, s20;
	s4 =	sand.u32 $0x60, s21  }
0x177: {  	[tilespmem:s23], [sflag:$0x1] =	stream.indirect.gather [hbm4b:s0+s3], $0x10, s22, s3, $0xb8;
	[tilespmem:$0xB400] =	vst v63  }
0x178: {  	s21 =	simm.s32 $0x4;
	s22 =	simm.s32 $0x1B;
	s23 =	simm.s32 $0x1D  }
0x179: {  	[tilespmem:s24], [sflag:$0x1] =	stream.indirect.gather [hbm4b:s0+s3], $0x10, s1, s3, $0xb8;
	[tilespmem:$0xB400] =	vst v63  }
0x17a: {  	s4 =	sor.u32 s4, s8;
	s2 =	sand.u32 $0x7B, s22;
	_ =	swait.ge [sflag:s25], $0x1000  }
0x17b: {  	s9 =	sand.u32 $0x7D, s23;
	s22 =	sand.u32 $0x71, s14;
	[sflag:s25] =	ssyncset.done $0x0  }
0x17c: {  	s23 =	sand.u32 $0x72, s17;
	s17 =	simm.s32 $0x8;
	[sflag:s25] =	ssyncadd.s32 $0xFFFFF000  }
0x17d: {  	s14 =	sand.u32 $0x7E, s19;
	s19 =	sand.u32 $0x7F, s15;
	_ =	swait.ge [sflag:s25], $0x1000  }
0x17e: {  	s15 =	simm.s32 $0xF;
	[sflag:s25] =	ssyncset.done $0x0;
	[smem:$0x7E5] =	sst s2  }
0x17f: {  	s1 =	simm.s32 $0x3500;
	[smem:$0x7E6] =	sst s26;
	[sflag:s25] =	ssyncadd.s32 $0xFFFFF000  }
0x180: {  	s24 =	simm.s32 $0x16;
	s3 =	simm.s32 $0x10;
	s16 =	sand.u32 $0x6F, s15;
	v4 =	vld [tilespmem:s1+$0xA0]  }
0x181: {  	s15 =	simm.s32 $0x9;
	s23 =	sor.u32 s23, s8;
	s7 =	sand.u32 $0x76, s24;
	v6 =	vld [tilespmem:s1+$0xFFFFFF80]  }
0x182: {  	s24 =	simm.s32 $0x1;
	s3 =	sand.u32 $0x70, s3;
	s25 =	simm.s32 $0x15;
	v1 =	vld [tilespmem:s1+$0xFFFFFF70]  }
0x183: {  	s31 =	sand.u32 $0x69, s15;
	s2 =	sand.u32 $0x75, s25;
	s25 =	simm.s32 $0x2;
	v5 =	vld [tilespmem:s1+$0x0]  }
0x184: {  	s0 =	sand.u32 $0x61, s24;
	v7 =	vld [tilespmem:s1+$0xFFFFFFF0];
	s10 =	sand.u32 $0x62, s25;
	s25 =	sor.u32 s3, s8  }
0x185: {  	v3 =	vld [tilespmem:s1+$0xF0];
	s3 =	sand.u32 $0x64, s21;
	s24 =	sor.u32 s10, s8;
	s10 =	simm.s32 $0xA  }
0x186: {  	s16 =	sor.u32 s16, s8;
	v8 =	vld [tilespmem:s1+$0xE0];
	s30 =	sand.u32 $0x6A, s10;
	s10 =	sor.u32 s3, s8  }
0x187: {  	v21 =	vor.u32 s23, v0;
	s15 =	simm.s32 $0x7400;
	s23 =	sor.u32 s20, s8;
	v9 =	vld [tilespmem:s1+$0xC0];
	[smem:$0x7E7] =	sst s10  }
0x188: {  	s26 =	sand.u32 $0x68, s17;
	s17 =	sor.u32 s6, s8;
	s6 =	sor.u32 s0, s8;
	v15 =	vor.u32 s25, v0;
	v10 =	vld [tilespmem:s1+$0x20]  }
0x189: {  	s20 =	sor.u32 s9, s8;
	s7 =	sor.u32 s7, s8;
	s0 =	simm.s32 $0x5;
	v13 =	vor.u32 s6, v0;
	v12 =	vld [tilespmem:s1+$0xFFFFFF10]  }
0x18a: {  	v19 =	vor.u32 s16, v0;
	s16 =	sor.u32 s13, s8;
	s13 =	sor.u32 s12, s8;
	s29 =	sand.u32 $0x65, s0;
	v16 =	vor.u32 s24, v0;
	v14 =	vld [tilespmem:s1+$0xFFFFFF20]  }
0x18b: {  	v17 =	vor.u32 s18, v0;
	s26 =	sor.u32 s26, s8;
	s0 =	simm.s32 $0xC;
	s29 =	sor.u32 s29, s8;
	v2 =	vld [tilespmem:s1+$0xFFFFFF40]  }
0x18c: {  	s6 =	sand.u32 $0x6C, s0;
	v22 =	vor.u32 s26, v0;
	s26 =	simm.s32 $0x7;
	s21 =	simm.s32 $0xB;
	v11 =	vld [tilespmem:s1+$0x30]  }
0x18d: {  	s2 =	sor.u32 s2, s8;
	s12 =	sor.u32 s6, s8;
	s6 =	sor.u32 s14, s8;
	v18 =	vld [tilespmem:s1+$0xFFFFFF60];
	[tilespmem:v15+s15+$0x0] =	vst.idx.msk $0xffff, v5  }
0x18e: {  	s9 =	sand.u32 $0x67, s26;
	s26 =	simm.s32 $0x3D;
	s3 =	sand.u32 $0x6B, s21;
	v20 =	vld [tilespmem:s1+$0x70];
	[tilespmem:v13+s15+$0x0] =	vst.idx.msk $0xffff, v12  }
0x18f: {  	s21 =	simm.s32 $0xE;
	s10 =	simm.s32 $0xD;
	v5 =	vld [tilespmem:s1+$0xFFFFFF50];
	s24 =	sld [smem:$0x7E5];
	[tilespmem:v16+s15+$0x0] =	vst.idx.msk $0xffff, v14  }
0x190: {  	s18 =	sor.u32 s30, s8;
	s3 =	sor.u32 s3, s8;
	s0 =	sand.u32 $0x6D, s10;
	v15 =	vor.u32 s28, v0;
	v13 =	vld [tilespmem:s1+$0xFFFFFF00];
	[tilespmem:v17+s15+$0x0] =	vst.idx.msk $0xffff, v9  }
0x191: {  	s25 =	sor.u32 s0, s8;
	s0 =	sor.u32 s22, s8;
	s22 =	sand.u32 $0x6E, s21;
	v12 =	vld [tilespmem:s1+$0x40];
	[tilespmem:v19+s15+$0x0] =	vst.idx.msk $0xffff, v7  }
0x192: {  	s10 =	sor.u32 s31, s8;
	s21 =	sor.u32 s9, s8;
	s22 =	sor.u32 s22, s8;
	v14 =	vld [tilespmem:s1+$0xFFFFFFB0];
	v16 =	vor.u32 s4, v0;
	[tilespmem:v21+s15+$0x0] =	vst.idx.msk $0xffff, v10  }
0x193: {  	s4 =	sor.u32 s19, s8;
	v9 =	vld [tilespmem:s1+$0xFFFFFF30];
	v17 =	vor.u32 s17, v0;
	[tilespmem:v22+s15+$0x0] =	vst.idx.msk $0xffff, v6;
	s24 =	sor.u32 s24, s8;
	s8 =	sand.u32 $0x7D, s26  }
0x194: {  	s19 =	simm.s32 $0x3A;
	v10 =	vld [tilespmem:s1+$0xFFFFFFE0];
	[dreg:$0x8] =	wrdreg s8  }
0x195: {  	v7 =	vor.u32 s11, v0;
	s19 =	sand.u32 $0x7A, s19;
	[tilespmem:v15+s15+$0x0] =	vst.idx.msk $0xffff, v18  }
0x196: {  	v19 =	vor.u32 s6, v0;
	v6 =	vld [tilespmem:s1+$0xB0];
	[dreg:$0xc] =	wrdreg s19  }
0x197: {  	v21 =	vor.u32 s3, v0;
	s26 =	simm.s32 $0x36;
	v15 =	vld [tilespmem:s1+$0x90];
	[tilespmem:v16+s15+$0x0] =	vst.idx.msk $0xffff, v13  }
0x198: {  	s8 =	simm.s32 $0x37;
	s3 =	sand.u32 $0x76, s26;
	v18 =	vor.u32 s23, v0;
	v13 =	vld [tilespmem:s1+$0xD0];
	[tilespmem:v17+s15+$0x0] =	vst.idx.msk $0xffff, v20  }
0x199: {  	s6 =	sand.u32 $0x77, s8;
	s8 =	simm.s32 $0x7400;
	v16 =	vor.u32 s4, v0;
	v17 =	vld [tilespmem:s1+$0xFFFFFF90];
	[dreg:$0x10] =	wrdreg s3  }
0x19a: {  	[tilespmem:v7+s8+$0x0] =	vst.idx.msk $0xffff, v4  }
0x19b: {  	v20 =	vor.u32 s22, v0;
	v7 =	vld [tilespmem:s1+$0xFFFFFFA0];
	[tilespmem:v19+s8+$0x0] =	vst.idx.msk $0xffff, v8  }
0x19c: {  	s19 =	simm.s32 $0x100;
	s22 =	simm.s32 $0x34;
	v4 =	vor.u32 s24, v0;
	v8 =	vld [tilespmem:s1+$0xFFFFFFD0];
	[tilespmem:v21+s8+$0x0] =	vst.idx.msk $0xffff, v14  }
0x19d: {  	s22 =	sand.u32 $0x74, s22;
	s24 =	sand.u32 $0xC00, s19;
	v19 =	vor.u32 s13, v0;
	v14 =	vld [tilespmem:s1+$0x80];
	s19 =	simm.s32 $0x26;
	[tilespmem:v18+s8+$0x0] =	vst.idx.msk $0xffff, v9  }
0x19e: {  	v21 =	vor.u32 s20, v0;
	v18 =	vld [tilespmem:s1+$0x60];
	s3 =	sand.u32 $0x66, s19;
	s19 =	sor.u32 s22, s24;
	[tilespmem:v16+s8+$0x0] =	vst.idx.msk $0xffff, v3  }
0x19f: {  	v22 =	vor.u32 s18, v0;
	v16 =	vld [tilespmem:s1+$0x50];
	[dreg:$0x15] =	wrdreg s19  }
0x1a0: {  	v23 =	vor.u32 s25, v0;
	[tilespmem:v20+s8+$0x0] =	vst.idx.msk $0xffff, v10  }
0x1a1: {  	v25 =	vor.u32 s16, v0;
	s16 =	simm.s32 $0x22;
	s17 =	simm.s32 $0x3B;
	v9 =	vor.u32 s10, v0;
	[tilespmem:v4+s8+$0x0] =	vst.idx.msk $0xffff, v6  }
0x1a2: {  	s9 =	simm.s32 $0x38;
	s11 =	simm.s32 $0x39;
	s14 =	sand.u32 $0x7B, s17;
	[tilespmem:v19+s8+$0x0] =	vst.idx.msk $0xffff, v15  }
0x1a3: {  	s17 =	sand.u32 $0x79, s11;
	s11 =	simm.s32 $0x35;
	s23 =	simm.s32 $0x33;
	[tilespmem:v21+s8+$0x0] =	vst.idx.msk $0xffff, v13  }
0x1a4: {  	s26 =	sand.u32 $0x75, s11;
	s11 =	sand.u32 $0x73, s23;
	s23 =	simm.s32 $0x32;
	v15 =	vor.u32 s7, v0;
	[tilespmem:v22+s8+$0x0] =	vst.idx.msk $0xffff, v7  }
0x1a5: {  	s9 =	sand.u32 $0x78, s9;
	s15 =	simm.s32 $0x31;
	s4 =	sand.u32 $0x72, s23;
	v19 =	vor.u32 s2, v0;
	[tilespmem:v23+s8+$0x0] =	vst.idx.msk $0xffff, v8  }
0x1a6: {  	s23 =	simm.s32 $0x28;
	s20 =	simm.s32 $0x3C;
	s22 =	simm.s32 $0x3E;
	v20 =	vld [tilespmem:s1+$0x10];
	v21 =	vor.u32 s0, v0;
	[tilespmem:v9+s8+$0x0] =	vst.idx.msk $0xffff, v17  }
0x1a7: {  	s25 =	sor.u32 s6, s24;
	s6 =	sand.u32 $0x62, s16;
	v24 =	vld [tilespmem:s1+$0xFFFFFFC0];
	v22 =	vor.u32 s12, v0;
	s16 =	sld [smem:$0x7E6]  }
0x1a8: {  	s18 =	sand.u32 $0x7C, s20;
	s10 =	simm.s32 $0x30;
	s20 =	simm.s32 $0x21;
	[tilespmem:v25+s8+$0x0] =	vst.idx.msk $0xffff, v14  }
0x1a9: {  	s28 =	sand.u32 $0x7E, s22;
	s22 =	simm.s32 $0x3700;
	s13 =	sand.u32 $0x70, s10;
	[tilespmem:v15+s8+$0x0] =	vst.idx.msk $0xffff, v18  }
0x1aa: {  	s19 =	simm.s32 $0x3F;
	s1 =	sand.u32 $0x68, s23;
	v4 =	vld [tilespmem:s22+$0xA0];
	s23 =	sand.u32 $0x61, s20;
	v26 =	vor.u32 s16, v0;
	[tilespmem:v19+s8+$0x0] =	vst.idx.msk $0xffff, v16  }
0x1ab: {  	v6 =	vld [tilespmem:s22+$0xFFFFFF80];
	s20 =	simm.s32 $0x2A;
	s10 =	sor.u32 s23, s24;
	s23 =	simm.s32 $0x25;
	[tilespmem:v21+s8+$0x0] =	vst.idx.msk $0xffff, v20  }
0x1ac: {  	v3 =	vld [tilespmem:s22+$0xFFFFFF70];
	s30 =	sand.u32 $0x6A, s20;
	s20 =	simm.s32 $0x29;
	s16 =	sand.u32 $0x65, s23;
	[tilespmem:v22+s8+$0x0] =	vst.idx.msk $0xffff, v24  }
0x1ad: {  	v13 =	vld [tilespmem:s22+$0x0];
	s12 =	sand.u32 $0x69, s20;
	s20 =	sor.u32 s16, s24;
	s16 =	sld [smem:$0x7E7]  }
0x1ae: {  	s31 =	sor.u32 s13, s24;
	s13 =	simm.s32 $0x24;
	s2 =	sand.u32 $0x7F, s19;
	v10 =	vld [tilespmem:s22+$0xFFFFFFF0]  }
0x1af: {  	s19 =	sor.u32 s6, s24;
	s7 =	sor.u32 s3, s24;
	s6 =	simm.s32 $0x23;
	v7 =	vld [tilespmem:s22+$0xF0];
	[tilespmem:v26+s8+$0x0] =	vst.idx.msk $0xffff, v12  }
0x1b0: {  	s3 =	sand.u32 $0x64, s13;
	s13 =	simm.s32 $0x2F;
	v23 =	vld [tilespmem:s22+$0xFFFFFF20];
	v25 =	vor.u32 s29, v0;
	v8 =	vor.u32 s16, v0;
	s16 =	sld [smem:$0x7E8]  }
0x1b1: {  	s15 =	sand.u32 $0x71, s15;
	s0 =	sand.u32 $0x63, s6;
	v9 =	vld [tilespmem:s22+$0xE0];
	s13 =	sand.u32 $0x6F, s13;
	v18 =	vor.u32 s5, v0  }
0x1b2: {  	v17 =	vld [tilespmem:s22+$0xC0];
	s6 =	sor.u32 s3, s24;
	s3 =	sor.u32 s1, s24;
	s1 =	simm.s32 $0x2C  }
0x1b3: {  	v14 =	vld [tilespmem:s22+$0xFFFFFF10];
	s29 =	simm.s32 $0x20;
	s5 =	sand.u32 $0x6C, s1;
	s1 =	sshll.u32 s16, $0x1  }
0x1b4: {  	s23 =	simm.s32 $0x2B;
	v16 =	vld [tilespmem:s22+$0x20];
	v22 =	vor.u32 s31, v0;
	s31 =	simm.s32 $0x3900;
	[smem:$0x7E9] =	sst s1  }
0x1b5: {  	v24 =	vor.u32 s21, v0;
	v21 =	vor.u32 s10, v0;
	s10 =	simm.s32 $0x2E;
	s21 =	simm.s32 $0x27;
	s23 =	sand.u32 $0x6B, s23;
	v15 =	vld [tilespmem:s22+$0xFFFFFF40];
	[tilespmem:v25+s8+$0x0] =	vst.idx.msk $0xffff, v5  }
0x1b6: {  	s16 =	sand.u32 $0x60, s29;
	s1 =	simm.s32 $0x200;
	v25 =	vor.u32 s19, v0;
	v5 =	vld [tilespmem:s22+$0x30];
	[tilespmem:v18+s8+$0x0] =	vst.idx.msk $0xffff, v11;
	s19 =	simm.s32 $0x2D  }
.LBB2_7:
0x1b7: {  	s16 =	sor.u32 s16, s24;
	s19 =	sand.u32 $0x6D, s19;
	v28 =	vor.u32 s25, v0;
	s25 =	sor.u32 s18, s24  }
0x1b8: {  	v26 =	vld [tilespmem:s22+$0xFFFFFF60];
	v27 =	vor.u32 s3, v0;
	s3 =	smov.u32 s29;
	s18 =	smov.u32 s22;
	s22 =	smov.u32 s31  }
0x1b9: {  	v30 =	vor.u32 s7, v0;
	s7 =	sor.u32 s12, s24;
	s13 =	sor.u32 s13, s24;
	s4 =	sor.u32 s4, s24  }
0x1ba: {  	s11 =	sor.u32 s11, s24;
	s10 =	sand.u32 $0x6E, s10;
	s17 =	sor.u32 s17, s24  }
0x1bb: {  	v11 =	vor.u32 s20, v0;
	s0 =	sor.u32 s0, s24;
	s20 =	sor.u32 s30, s24;
	s29 =	sadd.s32 $0x20, s29  }
0x1bc: {  	s2 =	sor.u32 s2, s24;
	s19 =	sor.u32 s19, s24;
	v19 =	vor.u32 s25, v0;
	s25 =	sor.u32 s15, s24  }
0x1bd: {  	v29 =	vor.u32 s16, v0;
	s15 =	rddreg [dreg:$0x10];
	s16 =	sor.u32 s9, s24;
	p0 =	slt.u32 s29, $0x1E0  }
0x1be: {  	v33 =	vor.u32 s13, v0;
	v37 =	vor.u32 s0, v0;
	s0 =	sor.u32 s5, s24;
	s13 =	rddreg [dreg:$0x15];
	v40 =	vor.u32 s20, v0;
	s20 =	sadd.s32 $0x38, s3  }
0x1bf: {  	v12 =	vor.u32 s11, v0;
	s30 =	sadd.s32 $0x2A, s3;
	s11 =	sadd.s32 $0x28, s3;
	s12 =	sor.u32 s26, s24  }
0x1c0: {  	[tilespmem:v24+s8+$0x0] =	vst.idx.msk $0xffff, v1;
	v18 =	vor.u32 s19, v0;
	s26 =	simm.s32 $0x7400;
	s19 =	rddreg [dreg:$0xc];
	v20 =	vor.u32 s13, v0;
	s13 =	sadd.s32 $0x23, s3  }
0x1c1: {  	[tilespmem:v8+s8+$0x0] =	vst.idx.msk $0xffff, v2;
	s30 =	sand.u32 $0x6A, s30;
	s9 =	sor.u32 s19, s24;
	s19 =	sadd.s32 $0x3D, s3  }
0x1c2: {  	v24 =	vld [tilespmem:s31+$0xA0];
	[tilespmem:v21+s8+$0x0] =	vst.idx.msk $0xffff, v14;
	v14 =	vor.u32 s25, v0;
	s8 =	sor.u32 s15, s24;
	v36 =	vor.u32 s9, v0;
	s25 =	rddreg [dreg:$0x8];
	s9 =	sor.u32 s14, s24  }
0x1c3: {  	v31 =	vld [tilespmem:s31+$0xFFFFFF80];
	[tilespmem:v22+s26+$0x0] =	vst.idx.msk $0xffff, v13;
	v22 =	vor.u32 s16, v0;
	s14 =	sor.u32 s28, s24;
	s15 =	sadd.s32 $0x3B, s3;
	s16 =	sand.u32 $0x67, s21  }
0x1c4: {  	v1 =	vmov v3;
	v3 =	vld [tilespmem:s31+$0xFFFFFF70];
	[tilespmem:v25+s26+$0x0] =	vst.idx.msk $0xffff, v23;
	v25 =	vor.u32 s17, v0;
	s17 =	sadd.s32 $0x3A, s3;
	s21 =	sadd.s32 $0x39, s3;
	s31 =	sadd.s32 $0x200, s31  }
0x1c5: {  	v32 =	vor.u32 s4, v0;
	v34 =	vld [tilespmem:s18+$0x70];
	v2 =	vmov v15;
	v15 =	vor.u32 s12, v0;
	s12 =	sadd.s32 $0x29, s3;
	s28 =	sadd.s32 $0x3E, s3;
	s4 =	sor.u32 s25, s24  }
0x1c6: {  	v35 =	vld [tilespmem:s18+$0xFFFFFF00];
	v21 =	vor.u32 s8, v0;
	s8 =	sor.u32 s10, s24;
	s10 =	sor.u32 s23, s24;
	[tilespmem:v27+s26+$0x0] =	vst.idx.msk $0xffff, v6;
	s23 =	sadd.s32 $0x36, s3  }
0x1c7: {  	v8 =	vor.u32 s6, v0;
	v57 =	vld [tilespmem:s18+$0xFFFFFFB0];
	v38 =	vor.u32 s9, v0;
	[tilespmem:v30+s26+$0x0] =	vst.idx.msk $0xffff, v26;
	s25 =	sadd.s32 $0x37, s3;
	s6 =	sand.u32 $0x7A, s17;
	s9 =	sadd.s32 $0x35, s3  }
0x1c8: {  	v59 =	vld [tilespmem:s18+$0xB0];
	s17 =	sadd.s32 $0x26, s3;
	s28 =	sand.u32 $0x7E, s28;
	s12 =	sand.u32 $0x69, s12;
	[tilespmem:v19+s26+$0x0] =	vst.idx.msk $0xffff, v17  }
0x1c9: {  	v60 =	vld [tilespmem:s18+$0x90];
	v13 =	vor.u32 s4, v0;
	v17 =	vor.u32 s2, v0;
	s2 =	smov.u32 s1;
	[tilespmem:v33+s26+$0x0] =	vst.idx.msk $0xffff, v10;
	s4 =	sand.u32 $0x7B, s15;
	[dreg:$0xc] =	wrdreg s6  }
0x1ca: {  	v62 =	vld [tilespmem:s18+$0x50];
	v10 =	vor.u32 s14, v0;
	[tilespmem:v32+s26+$0x0] =	vst.idx.msk $0xffff, v16;
	s14 =	sand.u32 $0x79, s21;
	s15 =	sadd.s32 $0x34, s3;
	s1 =	sadd.s32 $0x100, s1  }
0x1cb: {  	v58 =	vor.u32 s7, v0;
	v61 =	vld [tilespmem:s18+$0xD0];
	[tilespmem:v29+s26+$0x0] =	vst.idx.msk $0xffff, v35;
	s21 =	sadd.s32 $0x31, s3;
	s7 =	sand.u32 $0x77, s25;
	s6 =	sadd.s32 $0x2F, s3  }
0x1cc: {  	v26 =	vld [tilespmem:s18+$0x40];
	[tilespmem:v28+s26+$0x0] =	vst.idx.msk $0xffff, v34;
	s25 =	sand.u32 $0x75, s9;
	s9 =	sadd.s32 $0x3C, s3;
	[dreg:$0x1a] =	wrdreg s4  }
0x1cd: {  	v63 =	vld [tilespmem:s18+$0xFFFFFFC0];
	v39 =	vor.u32 s10, v0;
	s10 =	sadd.s32 $0x2E, s3;
	s4 =	sand.u32 $0x7D, s19;
	[dreg:$0x1c] =	wrdreg s14;
	[tilespmem:v36+s26+$0x0] =	vst.idx.msk $0xffff, v4  }
0x1ce: {  	v27 =	vld [tilespmem:s18+$0xFFFFFFE0];
	s19 =	sor.u32 s16, s24;
	s24 =	sadd.s32 $0x33, s3;
	[smem:$0x7E2] =	sst s25;
	[tilespmem:v25+s26+$0x0] =	vst.idx.msk $0xffff, v60  }
0x1cf: {  	v16 =	vld [tilespmem:s18+$0xFFFFFF30];
	s14 =	sand.u32 $0x78, s20;
	s16 =	sadd.s32 $0x2C, s3;
	[dreg:$0x8] =	wrdreg s4;
	[tilespmem:v15+s26+$0x0] =	vst.idx.msk $0xffff, v62  }
0x1d0: {  	v23 =	vor.u32 s8, v0;
	v19 =	vld [tilespmem:s18+$0xFFFFFF50];
	s8 =	sand.u32 $0x74, s15;
	s20 =	sadd.s32 $0x3F, s3;
	[dreg:$0x1d] =	wrdreg s14;
	[tilespmem:v38+s26+$0x0] =	vst.idx.msk $0xffff, v59  }
0x1d1: {  	s15 =	sand.u32 $0x71, s21;
	s21 =	sadd.s32 $0x27, s3;
	[smem:$0x7E3] =	sst s16;
	v25 =	vld [tilespmem:s18+$0x10];
	[tilespmem:v20+s26+$0x0] =	vst.idx.msk $0xffff, v26  }
0x1d2: {  	s4 =	sand.u32 $0x76, s23;
	s23 =	sadd.s32 $0x32, s3;
	s5 =	sand.u32 $0x73, s24;
	v15 =	vld [tilespmem:s22+$0xFFFFFF40];
	[tilespmem:v10+s26+$0x0] =	vst.idx.msk $0xffff, v9  }
0x1d3: {  	s24 =	sand.u32 $0xC00, s2;
	s2 =	sadd.s32 $0x30, s3;
	s14 =	sadd.s32 $0x2B, s3;
	v9 =	vld [tilespmem:s18+$0xFFFFFF90];
	[tilespmem:v39+s26+$0x0] =	vst.idx.msk $0xffff, v57  }
0x1d4: {  	v4 =	vmov v24;
	[dreg:$0x10] =	wrdreg s4;
	v24 =	vor.u32 s19, v0;
	s19 =	sadd.s32 $0x2D, s3;
	s4 =	sand.u32 $0x72, s23;
	[tilespmem:v37+s26+$0x0] =	vst.idx.msk $0xffff, v16;
	v10 =	vld [tilespmem:s18+$0xFFFFFFA0]  }
0x1d5: {  	s23 =	sor.u32 s8, s24;
	s8 =	sadd.s32 $0x21, s3;
	s2 =	sand.u32 $0x70, s2;
	v16 =	vld [tilespmem:s18+$0xFFFFFFD0];
	[tilespmem:v17+s26+$0x0] =	vst.idx.msk $0xffff, v7  }
0x1d6: {  	s25 =	sor.u32 s7, s24;
	[dreg:$0x15] =	wrdreg s23;
	s23 =	sadd.s32 $0x24, s3;
	[tilespmem:v23+s26+$0x0] =	vst.idx.msk $0xffff, v27;
	v17 =	vld [tilespmem:s18+$0x80]  }
0x1d7: {  	s8 =	sand.u32 $0x61, s8;
	v23 =	vld [tilespmem:s18+$0x60];
	v27 =	vor.u32 s0, v0;
	s0 =	sand.u32 $0x66, s17;
	[tilespmem:v13+s26+$0x0] =	vst.idx.msk $0xffff, v61;
	s17 =	sadd.s32 $0x25, s3  }
0x1d8: {  	v13 =	vld [tilespmem:s22+$0x0];
	s18 =	sand.u32 $0x7C, s9;
	s3 =	sadd.s32 $0x22, s3;
	s9 =	sand.u32 $0x68, s11;
	[tilespmem:v11+s26+$0x0] =	vst.idx.msk $0xffff, v19  }
0x1d9: {  	s11 =	sor.u32 s2, s24;
	s2 =	sand.u32 $0x7F, s20;
	s8 =	sor.u32 s8, s24;
	v7 =	vld [tilespmem:s22+$0xF0];
	[tilespmem:v14+s26+$0x0] =	vst.idx.msk $0xffff, v25  }
0x1da: {  	s3 =	sand.u32 $0x62, s3;
	s7 =	sor.u32 s0, s24;
	s0 =	sand.u32 $0x63, s13;
	v14 =	vld [tilespmem:s22+$0xFFFFFF10];
	[tilespmem:v58+s26+$0x0] =	vst.idx.msk $0xffff, v9  }
0x1db: {  	s20 =	sand.u32 $0x65, s17;
	s17 =	rddreg [dreg:$0x1c];
	s13 =	sand.u32 $0x6F, s6;
	[tilespmem:v40+s26+$0x0] =	vst.idx.msk $0xffff, v10;
	v10 =	vld [tilespmem:s22+$0xFFFFFFF0]  }
.Ltmp2:
0x1dc: {  	[tilespmem:v22+s26+$0x0] =	vst.idx.msk $0xffff, v17;
	v9 =	vld [tilespmem:s22+$0xE0];
	v22 =	vor.u32 s11, v0;
	s11 =	smov.u32 s5;
	s5 =	sand.u32 $0x64, s23;
	(pc) =	sbr.rel @p0 .LBB2_7-.Ltmp2, $4  }
0x1dd: {  	s3 =	sor.u32 s3, s24;
	[tilespmem:v18+s26+$0x0] =	vst.idx.msk $0xffff, v16;
	v17 =	vld [tilespmem:s22+$0xC0];
	s6 =	sor.u32 s5, s24;
	s5 =	sld [smem:$0x7E3]  }
0x1de: {  	v25 =	vor.u32 s3, v0;
	s3 =	sor.u32 s9, s24;
	s9 =	rddreg [dreg:$0x1d];
	[tilespmem:v21+s26+$0x0] =	vst.idx.msk $0xffff, v23;
	v16 =	vld [tilespmem:s22+$0x20];
	v21 =	vor.u32 s8, v0;
	s8 =	simm.s32 $0x7400  }
0x1df: {  	s16 =	sand.u32 $0x60, s29;
	v23 =	vld [tilespmem:s22+$0xFFFFFF20];
	s23 =	sand.u32 $0x6B, s14;
	s14 =	rddreg [dreg:$0x1a];
	[tilespmem:v12+s8+$0x0] =	vst.idx.msk $0xffff, v5  }
0x1e0: {  	v6 =	vmov v31;
	s20 =	sor.u32 s20, s24;
	[tilespmem:v27+s26+$0x0] =	vst.idx.msk $0xffff, v63;
	s26 =	sld [smem:$0x7E2];
	v5 =	vld [tilespmem:s22+$0x30];
	s5 =	sand.u32 $0x6C, s5  }
0x1e1: {  	_ =	sdelay $0x2  }
0x1e2: {  	s1 =	sor.u32 s18, s24  }
0x1e3: {  	[tilespmem:v24+s8+$0x0] =	vst.idx.msk $0xffff, v1;
	s18 =	sor.u32 s13, s24;
	v11 =	vor.u32 s1, v0  }
0x1e4: {  	s13 =	sor.u32 s4, s24;
	[tilespmem:v8+s8+$0x0] =	vst.idx.msk $0xffff, v2;
	v1 =	vor.u32 s18, v0  }
0x1e5: {  	[tilespmem:v21+s8+$0x0] =	vst.idx.msk $0xffff, v14;
	v2 =	vor.u32 s13, v0  }
0x1e6: {  	v8 =	vor.u32 s3, v0;
	[tilespmem:v22+s8+$0x0] =	vst.idx.msk $0xffff, v13  }
0x1e7: {  	v12 =	vor.u32 s7, v0;
	v13 =	vld [tilespmem:s22+$0xFFFFFF60];
	s18 =	sor.u32 s16, s24;
	[tilespmem:v25+s8+$0x0] =	vst.idx.msk $0xffff, v23  }
0x1e8: {  	v18 =	vld [tilespmem:s22+$0xFFFFFF00];
	v14 =	vor.u32 s18, v0;
	[tilespmem:v11+s8+$0x0] =	vst.idx.msk $0xffff, v17  }
0x1e9: {  	s4 =	sor.u32 s28, s24;
	v11 =	vor.u32 s25, v0;
	v17 =	vld [tilespmem:s22+$0x70];
	s3 =	rddreg [dreg:$0xc];
	[tilespmem:v1+s8+$0x0] =	vst.idx.msk $0xffff, v10  }
0x1ea: {  	[tilespmem:v2+s8+$0x0] =	vst.idx.msk $0xffff, v16;
	v2 =	vor.u32 s4, v0;
	s1 =	sor.u32 s3, s24  }
0x1eb: {  	s7 =	sor.u32 s23, s24;
	[tilespmem:v8+s8+$0x0] =	vst.idx.msk $0xffff, v6;
	v1 =	vor.u32 s1, v0  }
0x1ec: {  	s0 =	sor.u32 s0, s24;
	v6 =	vor.u32 s7, v0;
	v8 =	vld [tilespmem:s22+$0xFFFFFFB0];
	[tilespmem:v12+s8+$0x0] =	vst.idx.msk $0xffff, v13  }
0x1ed: {  	s10 =	sand.u32 $0x6E, s10;
	s13 =	sor.u32 s2, s24;
	v10 =	vor.u32 s0, v0;
	v12 =	vld [tilespmem:s22+$0xFFFFFF30];
	[tilespmem:v14+s8+$0x0] =	vst.idx.msk $0xffff, v18  }
0x1ee: {  	v13 =	vor.u32 s13, v0;
	s1 =	sor.u32 s10, s24;
	[tilespmem:v11+s8+$0x0] =	vst.idx.msk $0xffff, v17  }
0x1ef: {  	s16 =	sor.u32 s14, s24;
	v14 =	vld [tilespmem:s22+$0xFFFFFFE0];
	v11 =	vor.u32 s1, v0;
	[tilespmem:v2+s8+$0x0] =	vst.idx.msk $0xffff, v9  }
0x1f0: {  	s18 =	sor.u32 s17, s24;
	[tilespmem:v1+s8+$0x0] =	vst.idx.msk $0xffff, v4;
	v1 =	vor.u32 s16, v0;
	v4 =	vld [tilespmem:s22+$0xB0]  }
0x1f1: {  	s25 =	sor.u32 s12, s24;
	v2 =	vor.u32 s18, v0;
	v9 =	vld [tilespmem:s22+$0x90];
	s23 =	rddreg [dreg:$0x8];
	[tilespmem:v6+s8+$0x0] =	vst.idx.msk $0xffff, v8  }
0x1f2: {  	s3 =	sor.u32 s30, s24;
	[tilespmem:v10+s8+$0x0] =	vst.idx.msk $0xffff, v12;
	v10 =	vor.u32 s25, v0;
	v12 =	vld [tilespmem:s22+$0xFFFFFF90]  }
0x1f3: {  	s2 =	sand.u32 $0x6D, s19;
	[tilespmem:v13+s8+$0x0] =	vst.idx.msk $0xffff, v7;
	v7 =	vor.u32 s3, v0;
	v13 =	vld [tilespmem:s22+$0xFFFFFFA0];
	s0 =	sor.u32 s23, s24  }
0x1f4: {  	v8 =	vld [tilespmem:s22+$0xD0];
	[tilespmem:v11+s8+$0x0] =	vst.idx.msk $0xffff, v14;
	v6 =	vor.u32 s0, v0;
	s0 =	sor.u32 s2, s24  }
0x1f5: {  	s4 =	sor.u32 s9, s24;
	v14 =	vld [tilespmem:s22+$0xFFFFFFD0];
	v11 =	vor.u32 s0, v0;
	[tilespmem:v1+s8+$0x0] =	vst.idx.msk $0xffff, v4  }
0x1f6: {  	s10 =	sor.u32 s15, s24;
	v1 =	vor.u32 s4, v0;
	v4 =	vld [tilespmem:s22+$0x80];
	s7 =	rddreg [dreg:$0x10];
	[tilespmem:v2+s8+$0x0] =	vst.idx.msk $0xffff, v9  }
0x1f7: {  	[tilespmem:v10+s8+$0x0] =	vst.idx.msk $0xffff, v12;
	v10 =	vor.u32 s10, v0;
	v12 =	vld [tilespmem:s22+$0x10];
	s1 =	sor.u32 s7, s24  }
0x1f8: {  	s9 =	sor.u32 s26, s24;
	v9 =	vld [tilespmem:s22+$0x60];
	[tilespmem:v7+s8+$0x0] =	vst.idx.msk $0xffff, v13;
	v2 =	vor.u32 s1, v0  }
0x1f9: {  	s12 =	sor.u32 s5, s24;
	[tilespmem:v6+s8+$0x0] =	vst.idx.msk $0xffff, v8;
	v6 =	vor.u32 s9, v0;
	v8 =	vld [tilespmem:s22+$0x50]  }
0x1fa: {  	v7 =	vor.u32 s12, v0;
	v13 =	vld [tilespmem:s22+$0xFFFFFFC0];
	[tilespmem:v11+s8+$0x0] =	vst.idx.msk $0xffff, v14  }
0x1fb: {  	s13 =	rddreg [dreg:$0x15];
	[tilespmem:v1+s8+$0x0] =	vst.idx.msk $0xffff, v4;
	v1 =	vor.u32 s20, v0;
	v4 =	vld [tilespmem:s22+$0xFFFFFF50]  }
0x1fc: {  	s14 =	sor.u32 s11, s24;
	s15 =	sand.u32 $0x67, s21;
	v14 =	vld [tilespmem:s22+$0x40];
	v11 =	vor.u32 s13, v0;
	[tilespmem:v10+s8+$0x0] =	vst.idx.msk $0xffff, v12  }
0x1fd: {  	s16 =	sor.u32 s15, s24;
	[tilespmem:v2+s8+$0x0] =	vst.idx.msk $0xffff, v9;
	v2 =	vor.u32 s14, v0  }
0x1fe: {  	[tilespmem:v6+s8+$0x0] =	vst.idx.msk $0xffff, v8;
	v6 =	vor.u32 s16, v0  }
0x1ff: {  	[tilespmem:v7+s8+$0x0] =	vst.idx.msk $0xffff, v13;
	v8 =	vor.u32 s6, v0  }
0x200: {  	[tilespmem:v1+s8+$0x0] =	vst.idx.msk $0xffff, v4  }
0x201: {  	[tilespmem:v11+s8+$0x0] =	vst.idx.msk $0xffff, v14  }
0x202: {  	s17 =	sld [smem:$0x7E8];
	[tilespmem:v2+s8+$0x0] =	vst.idx.msk $0xffff, v5  }
0x203: {  	s19 =	sld [smem:$0x7F4];
	[tilespmem:v6+s8+$0x0] =	vst.idx.msk $0xffff, v3  }
0x204: {  	[tilespmem:v8+s8+$0x0] =	vst.idx.msk $0xffff, v15  }
0x205: {  	s22 =	sld [smem:$0x7F6]  }
0x206: {  	s18 =	sshll.u32 s17, $0x13  }
0x207: {  	s1 =	sor.u32 s19, s18  }
0x208: {  	s20 =	rddreg [dreg:$0x1];
	s1 =	sshrl.u32 s1, $0x3;
	s0 =	sor.u32 s22, s18  }
0x209: {  	s21 =	simm.s32 $0x0;
	s1 =	sadd.s32 s20, s1;
	s0 =	sshrl.u32 s0, $0x3  }
0x20a: {  	[hbm4b:s1+s21] =	stream.linear.scatter [tilespmem:s8], [sflag:$0x2], $0x1000, $0x38;
	[tilespmem:$0xB400] =	vst v63  }
0x20b: {  	s23 =	simm.s32 $0x8400;
	s24 =	simm.s32 $0x1;
	s0 =	sadd.s32 s20, s0  }
0x20c: {  	[hbm4b:s0+s21] =	stream.linear.scatter [tilespmem:s23], [sflag:$0x2], $0x1000, $0x38;
	[tilespmem:$0xB400] =	vst v63  }
0x20d: {  	_ =	swait.ge [sflag:s24], $0x800  }
0x20e: {  	[sflag:s24] =	ssyncset.done $0x0  }
0x20f: {  	[sflag:s24] =	ssyncadd.s32 $0xFFFFF800  }
0x210: {  	s31 =	simm.s32 $0xB;
	_ =	swait.ge [sflag:s24], $0x800  }
0x211: {  	s31 =	sand.u32 $0x6B, s31;
	[sflag:s24] =	ssyncset.done $0x0  }
0x212: {  	s26 =	simm.s32 $0x0;
	s30 =	simm.s32 $0x9;
	[sflag:s24] =	ssyncadd.s32 $0xFFFFF800  }
0x213: {  	s30 =	sand.u32 $0x69, s30;
	s15 =	simm.s32 $0x18;
	_ =	swait.ge [sflag:s24], $0x800  }
0x214: {  	s25 =	simm.s32 $0x3;
	s12 =	sand.u32 $0x78, s15;
	[sflag:s24] =	ssyncset.done $0x0  }
0x215: {  	s15 =	simm.s32 $0x1F;
	s13 =	simm.s32 $0x1A;
	[sflag:s24] =	ssyncadd.s32 $0xFFFFF800  }
0x216: {  	s15 =	sand.u32 $0x7F, s15;
	s9 =	sand.u32 $0x7A, s13;
	_ =	swait.ge [sflag:s24], $0x800  }
0x217: {  	s14 =	simm.s32 $0x1D;
	s16 =	simm.s32 $0x19;
	s0 =	sld [smem:$0x7E9]  }
0x218: {  	s10 =	sand.u32 $0x79, s16;
	p0 =	seq.s32 s17, $0xC;
	s17 =	simm.s32 $0x16  }
0x219: {  	s3 =	simm.s32 @!p0 $0x3400;
	s4 =	simm.s32 @!p0 $0x3C00;
	s7 =	sand.u32 $0x76, s17  }
0x21a: {  	s19 =	simm.s32 $0x15;
	s2 =	sld [smem:$0x7F3];
	s0 =	sadd.s32 @!p0 $0x2, s0  }
0x21b: {  	[sflag:s24] =	ssyncset.done $0x0;
	s1 =	sshll.u32 @!p0 s0, $0x9;
	s0 =	smul.u32 @!p0 $0x12C7C, s0  }
0x21c: {  	s18 =	simm.s32 $0x17;
	s22 =	simm.s32 $0x13;
	[sflag:s24] =	ssyncadd.s32 $0xFFFFF800  }
0x21d: {  	s1 =	sand.u32 @!p0 $0x3FFFFE00, s1;
	s0 =	sadd.s32 @!p0 s2, s0;
	s2 =	simm.s32 @!p0 $0x80  }
0x21e: {  	[tilespmem:s3], [sflag:$0x1] =	stream.indirect.gather @!p0 [hbm4b:s0+s2], $0x10, s1, s2, $0xb8;
	[tilespmem:$0xB400] =	vst v63  }
0x21f: {  	s6 =	sand.u32 $0x77, s18;
	s18 =	simm.s32 $0x1E;
	s3 =	sor.u32 @!p0 $0x80, s1  }
0x220: {  	[tilespmem:s4], [sflag:$0x1] =	stream.indirect.gather @!p0 [hbm4b:s0+s2], $0x10, s3, s2, $0xb8;
	[tilespmem:$0xB400] =	vst v63  }
0x221: {  	s5 =	sand.u32 $0x73, s22;
	s3 =	sor.u32 @!p0 $0x100, s1;
	s4 =	simm.s32 @!p0 $0x4400  }
0x222: {  	[tilespmem:s4], [sflag:$0x1] =	stream.indirect.gather @!p0 [hbm4b:s0+s2], $0x10, s3, s2, $0xb8;
	[tilespmem:$0xB400] =	vst v63  }
0x223: {  	s20 =	simm.s32 $0x14;
	s1 =	sor.u32 @!p0 $0x180, s1;
	s3 =	simm.s32 @!p0 $0x4C00  }
0x224: {  	[tilespmem:s3], [sflag:$0x1] =	stream.indirect.gather @!p0 [hbm4b:s0+s2], $0x10, s1, s2, $0xb8;
	[tilespmem:$0xB400] =	vst v63  }
0x225: {  	s8 =	sand.u32 $0x7D, s14;
	s13 =	sand.u32 $0x74, s20;
	_ =	swait.ge [sflag:s25], $0x1000  }
0x226: {  	s20 =	simm.s32 $0x10;
	s21 =	simm.s32 $0x11;
	[sflag:s25] =	ssyncset.done $0x0  }
0x227: {  	s23 =	simm.s32 $0x6;
	s3 =	simm.s32 $0x1B;
	[sflag:s25] =	ssyncadd.s32 $0xFFFFF000  }
0x228: {  	s0 =	sand.u32 $0xC00, s26;
	s2 =	sand.u32 $0x7B, s3;
	_ =	swait.ge [sflag:s25], $0x1000  }
0x229: {  	s13 =	sor.u32 s13, s0;
	[sflag:s25] =	ssyncset.done $0x0;
	[smem:$0x7E0] =	sst s2  }
0x22a: {  	s1 =	simm.s32 $0x5500;
	[smem:$0x7E1] =	sst s13;
	[sflag:s25] =	ssyncadd.s32 $0xFFFFF000  }
0x22b: {  	s20 =	sand.u32 $0x70, s20;
	s22 =	sand.u32 $0x71, s21;
	s24 =	simm.s32 $0x12;
	v4 =	vld [tilespmem:s1+$0xA0]  }
0x22c: {  	s21 =	simm.s32 $0x2;
	s16 =	sand.u32 $0x72, s24;
	s4 =	simm.s32 $0x0;
	v6 =	vld [tilespmem:s1+$0xFFFFFF80]  }
0x22d: {  	s11 =	sand.u32 $0x60, s4;
	s4 =	sand.u32 $0x75, s19;
	s19 =	simm.s32 $0x3;
	v1 =	vld [tilespmem:s1+$0xFFFFFF70]  }
0x22e: {  	s24 =	simm.s32 $0x4;
	s26 =	simm.s32 $0x8;
	s29 =	sand.u32 $0x63, s19;
	v5 =	vld [tilespmem:s1+$0x0]  }
0x22f: {  	s3 =	sand.u32 $0x66, s23;
	s23 =	simm.s32 $0xA;
	s14 =	sor.u32 s6, s0;
	v7 =	vld [tilespmem:s1+$0xFFFFFFF0]  }
0x230: {  	s20 =	sor.u32 s20, s0;
	s16 =	sor.u32 s16, s0;
	s25 =	simm.s32 $0x1C;
	v3 =	vld [tilespmem:s1+$0xF0]  }
0x231: {  	s5 =	sor.u32 s5, s0;
	s17 =	sand.u32 $0x7C, s25;
	s25 =	simm.s32 $0x1;
	v8 =	vld [tilespmem:s1+$0xE0]  }
0x232: {  	s7 =	sor.u32 s7, s0;
	s15 =	sor.u32 s15, s0;
	v9 =	vld [tilespmem:s1+$0xC0];
	s25 =	sand.u32 $0x61, s25  }
0x233: {  	s28 =	sor.u32 s3, s0;
	v15 =	vor.u32 s20, v0;
	s2 =	sand.u32 $0x62, s21;
	v10 =	vld [tilespmem:s1+$0x20];
	s25 =	sor.u32 s25, s0  }
0x234: {  	s23 =	sand.u32 $0x6A, s23;
	s6 =	sor.u32 s2, s0;
	s2 =	simm.s32 $0xF;
	v12 =	vld [tilespmem:s1+$0xFFFFFF10];
	v13 =	vor.u32 s25, v0  }
0x235: {  	s21 =	sand.u32 $0x64, s24;
	s24 =	sand.u32 $0x6F, s2;
	v14 =	vld [tilespmem:s1+$0xFFFFFF20];
	v16 =	vor.u32 s6, v0;
	s17 =	sor.u32 s17, s0  }
0x236: {  	s3 =	simm.s32 $0xC;
	v2 =	vld [tilespmem:s1+$0xFFFFFF40];
	s20 =	sor.u32 s24, s0;
	s24 =	simm.s32 $0xE;
	v17 =	vor.u32 s17, v0  }
0x237: {  	v21 =	vor.u32 s16, v0;
	s16 =	simm.s32 $0x7;
	v11 =	vld [tilespmem:s1+$0x30];
	v19 =	vor.u32 s20, v0;
	s17 =	sand.u32 $0x6E, s24;
	s24 =	simm.s32 $0x9400  }
0x238: {  	s13 =	sand.u32 $0x7E, s18;
	s18 =	sand.u32 $0x68, s26;
	s26 =	simm.s32 $0x5;
	v18 =	vld [tilespmem:s1+$0xFFFFFF60];
	[tilespmem:v15+s24+$0x0] =	vst.idx.msk $0xffff, v5  }
0x239: {  	s16 =	sand.u32 $0x67, s16;
	s19 =	sand.u32 $0x65, s26;
	s18 =	sor.u32 s18, s0;
	v20 =	vld [tilespmem:s1+$0x70];
	[tilespmem:v13+s24+$0x0] =	vst.idx.msk $0xffff, v12  }
0x23a: {  	s26 =	sor.u32 s21, s0;
	s21 =	sor.u32 s19, s0;
	v22 =	vor.u32 s18, v0;
	v5 =	vld [tilespmem:s1+$0xFFFFFF50];
	s18 =	sld [smem:$0x7E0];
	[tilespmem:v16+s24+$0x0] =	vst.idx.msk $0xffff, v14  }
0x23b: {  	s2 =	sor.u32 s11, s0;
	s19 =	simm.s32 $0xD;
	s20 =	sor.u32 s23, s0;
	v15 =	vor.u32 s28, v0;
	v13 =	vld [tilespmem:s1+$0xFFFFFF00];
	[tilespmem:v17+s24+$0x0] =	vst.idx.msk $0xffff, v9  }
0x23c: {  	s23 =	simm.s32 $0x3B;
	s25 =	sand.u32 $0x6C, s3;
	s3 =	sand.u32 $0x6D, s19;
	v12 =	vld [tilespmem:s1+$0x40];
	[tilespmem:v19+s24+$0x0] =	vst.idx.msk $0xffff, v7  }
0x23d: {  	s11 =	sor.u32 s30, s0;
	s30 =	sor.u32 s3, s0;
	v14 =	vld [tilespmem:s1+$0xFFFFFFB0];
	v16 =	vor.u32 s2, v0;
	v17 =	vor.u32 s14, v0;
	[tilespmem:v21+s24+$0x0] =	vst.idx.msk $0xffff, v10;
	s14 =	sand.u32 $0x7B, s23  }
0x23e: {  	s3 =	sor.u32 s4, s0;
	s4 =	sor.u32 s9, s0;
	v9 =	vld [tilespmem:s1+$0xFFFFFF30];
	[dreg:$0x4] =	wrdreg s14  }
0x23f: {  	s16 =	sor.u32 s16, s0;
	s13 =	sor.u32 s13, s0;
	v7 =	vor.u32 s4, v0;
	s4 =	simm.s32 $0x3A;
	v10 =	vld [tilespmem:s1+$0xFFFFFFE0];
	[tilespmem:v22+s24+$0x0] =	vst.idx.msk $0xffff, v6  }
0x240: {  	s6 =	sor.u32 s22, s0;
	s22 =	sor.u32 s8, s0;
	s4 =	sand.u32 $0x7A, s4;
	v6 =	vld [tilespmem:s1+$0xB0];
	[tilespmem:v15+s24+$0x0] =	vst.idx.msk $0xffff, v18  }
0x241: {  	s9 =	sor.u32 s29, s0;
	v19 =	vor.u32 s13, v0;
	s13 =	simm.s32 $0x39;
	v15 =	vld [tilespmem:s1+$0x90];
	[dreg:$0xf] =	wrdreg s4  }
0x242: {  	s19 =	sor.u32 s12, s0;
	s12 =	sor.u32 s10, s0;
	v18 =	vor.u32 s9, v0;
	s9 =	sand.u32 $0x79, s13;
	[tilespmem:v16+s24+$0x0] =	vst.idx.msk $0xffff, v13  }
0x243: {  	s8 =	sor.u32 s17, s0;
	s2 =	sor.u32 s31, s0;
	[dreg:$0xa] =	wrdreg s9  }
0x244: {  	s10 =	sor.u32 s25, s0;
	s23 =	simm.s32 $0x36;
	v21 =	vor.u32 s2, v0;
	[tilespmem:v17+s24+$0x0] =	vst.idx.msk $0xffff, v20;
	v20 =	vor.u32 s8, v0;
	s8 =	simm.s32 $0x9400  }
0x245: {  	s13 =	simm.s32 $0x35;
	s17 =	sor.u32 s18, s0;
	s0 =	sand.u32 $0x76, s23;
	v13 =	vld [tilespmem:s1+$0xD0];
	[tilespmem:v7+s8+$0x0] =	vst.idx.msk $0xffff, v4  }
0x246: {  	s23 =	sand.u32 $0x75, s13;
	v16 =	vor.u32 s15, v0;
	v17 =	vld [tilespmem:s1+$0xFFFFFF90];
	[dreg:$0x11] =	wrdreg s0  }
0x247: {  	v7 =	vld [tilespmem:s1+$0xFFFFFFA0];
	[dreg:$0x13] =	wrdreg s23  }
0x248: {  	s25 =	simm.s32 $0x3D;
	v25 =	vor.u32 s19, v0;
	s19 =	simm.s32 $0x22;
	[tilespmem:v19+s8+$0x0] =	vst.idx.msk $0xffff, v8  }
0x249: {  	s28 =	simm.s32 $0x27;
	s14 =	sand.u32 $0x7D, s25;
	s25 =	simm.s32 $0x37;
	v8 =	vld [tilespmem:s1+$0xFFFFFFD0];
	[tilespmem:v21+s8+$0x0] =	vst.idx.msk $0xffff, v14  }
0x24a: {  	s2 =	sand.u32 $0x77, s25;
	s25 =	simm.s32 $0x100;
	s13 =	simm.s32 $0x32;
	v4 =	vor.u32 s17, v0;
	v14 =	vld [tilespmem:s1+$0x80];
	[tilespmem:v18+s8+$0x0] =	vst.idx.msk $0xffff, v9  }
0x24b: {  	v22 =	vor.u32 s20, v0;
	s20 =	simm.s32 $0x25;
	s4 =	simm.s32 $0x31;
	s0 =	sand.u32 $0x72, s13;
	v18 =	vld [tilespmem:s1+$0x60];
	[tilespmem:v16+s8+$0x0] =	vst.idx.msk $0xffff, v3  }
0x24c: {  	s24 =	simm.s32 $0x33;
	s23 =	simm.s32 $0x3E;
	v19 =	vor.u32 s12, v0;
	v16 =	vld [tilespmem:s1+$0x50];
	[dreg:$0x19] =	wrdreg s0  }
0x24d: {  	s17 =	sand.u32 $0x73, s24;
	s24 =	sand.u32 $0xC00, s25;
	v21 =	vor.u32 s22, v0;
	s25 =	sand.u32 $0x7E, s23;
	[tilespmem:v20+s8+$0x0] =	vst.idx.msk $0xffff, v10  }
0x24e: {  	s18 =	simm.s32 $0x38;
	s15 =	sand.u32 $0x71, s4;
	v9 =	vor.u32 s11, v0;
	v20 =	vld [tilespmem:s1+$0x10];
	[dreg:$0x18] =	wrdreg s25  }
0x24f: {  	v23 =	vor.u32 s30, v0;
	s4 =	simm.s32 $0x30;
	s9 =	sand.u32 $0x78, s18;
	s18 =	simm.s32 $0x34;
	[tilespmem:v4+s8+$0x0] =	vst.idx.msk $0xffff, v6  }
0x250: {  	s18 =	sand.u32 $0x74, s18;
	s13 =	simm.s32 $0x28;
	s22 =	simm.s32 $0x3C;
	[tilespmem:v22+s8+$0x0] =	vst.idx.msk $0xffff, v7  }
0x251: {  	s29 =	sand.u32 $0x68, s13;
	s0 =	sand.u32 $0x7C, s22;
	s22 =	simm.s32 $0x5700;
	v24 =	vld [tilespmem:s1+$0xFFFFFFC0];
	[tilespmem:v19+s8+$0x0] =	vst.idx.msk $0xffff, v15  }
0x252: {  	s12 =	simm.s32 $0x26;
	s11 =	sor.u32 s18, s24;
	s18 =	sor.u32 s2, s24;
	v4 =	vld [tilespmem:s22+$0xA0];
	[tilespmem:v21+s8+$0x0] =	vst.idx.msk $0xffff, v13  }
0x253: {  	s23 =	sand.u32 $0x62, s19;
	s12 =	sand.u32 $0x66, s12;
	s25 =	simm.s32 $0x3F;
	v6 =	vld [tilespmem:s22+$0xFFFFFF80];
	v22 =	vor.u32 s10, v0;
	[tilespmem:v9+s8+$0x0] =	vst.idx.msk $0xffff, v17  }
0x254: {  	s1 =	sand.u32 $0x70, s4;
	v3 =	vld [tilespmem:s22+$0xFFFFFF70];
	s2 =	sand.u32 $0x7F, s25;
	s4 =	simm.s32 $0x21;
	v15 =	vor.u32 s7, v0;
	[tilespmem:v23+s8+$0x0] =	vst.idx.msk $0xffff, v8  }
0x255: {  	s25 =	sor.u32 s23, s24;
	v10 =	vld [tilespmem:s22+$0xFFFFFFF0];
	v19 =	vor.u32 s3, v0;
	s7 =	sor.u32 s12, s24;
	s12 =	sld [smem:$0x7E1]  }
0x256: {  	s10 =	simm.s32 $0x24;
	v7 =	vld [tilespmem:s22+$0xF0];
	s23 =	simm.s32 $0x2F;
	s1 =	sor.u32 s1, s24;
	v21 =	vor.u32 s6, v0  }
0x257: {  	v13 =	vld [tilespmem:s22+$0x0];
	s3 =	sand.u32 $0x61, s4;
	s6 =	simm.s32 $0x23;
	s13 =	sand.u32 $0x64, s10;
	[tilespmem:v25+s8+$0x0] =	vst.idx.msk $0xffff, v14;
	v25 =	vor.u32 s21, v0  }
0x258: {  	v9 =	vld [tilespmem:s22+$0xE0];
	s4 =	simm.s32 $0x2A;
	s10 =	simm.s32 $0x29;
	v8 =	vor.u32 s26, v0;
	s26 =	simm.s32 $0x20;
	v26 =	vor.u32 s12, v0;
	[tilespmem:v22+s8+$0x0] =	vst.idx.msk $0xffff, v24  }
0x259: {  	v17 =	vld [tilespmem:s22+$0xC0];
	s19 =	sor.u32 s3, s24;
	s31 =	sand.u32 $0x63, s6;
	s21 =	sand.u32 $0x65, s20;
	[tilespmem:v15+s8+$0x0] =	vst.idx.msk $0xffff, v18;
	v18 =	vor.u32 s5, v0  }
0x25a: {  	v23 =	vld [tilespmem:s22+$0xFFFFFF20];
	s30 =	sand.u32 $0x6A, s4;
	s6 =	sor.u32 s13, s24;
	s10 =	sand.u32 $0x69, s10;
	[tilespmem:v19+s8+$0x0] =	vst.idx.msk $0xffff, v16  }
0x25b: {  	s13 =	simm.s32 $0x2B;
	v14 =	vld [tilespmem:s22+$0xFFFFFF10];
	s3 =	sor.u32 s29, s24;
	s29 =	simm.s32 $0x5900;
	[tilespmem:v21+s8+$0x0] =	vst.idx.msk $0xffff, v20  }
0x25c: {  	s20 =	sor.u32 s21, s24;
	s21 =	simm.s32 $0x2C;
	s12 =	sand.u32 $0x6F, s23;
	v16 =	vld [tilespmem:s22+$0x20];
	[tilespmem:v25+s8+$0x0] =	vst.idx.msk $0xffff, v5  }
0x25d: {  	s23 =	sand.u32 $0x6B, s13;
	v24 =	vor.u32 s16, v0;
	v22 =	vor.u32 s1, v0;
	s1 =	simm.s32 $0x200;
	s16 =	sand.u32 $0x60, s26;
	v15 =	vld [tilespmem:s22+$0xFFFFFF40];
	[tilespmem:v26+s8+$0x0] =	vst.idx.msk $0xffff, v12  }
0x25e: {  	s5 =	sand.u32 $0x6C, s21;
	v21 =	vor.u32 s19, v0;
	s19 =	simm.s32 $0x2D;
	v25 =	vor.u32 s25, v0;
	v5 =	vld [tilespmem:s22+$0x30];
	s25 =	simm.s32 $0x2E;
	[tilespmem:v18+s8+$0x0] =	vst.idx.msk $0xffff, v11  }
.LBB2_9:
0x25f: {  	s16 =	sor.u32 s16, s24;
	s19 =	sand.u32 $0x6D, s19  }
0x260: {  	v27 =	vor.u32 s3, v0;
	v28 =	vor.u32 s18, v0;
	s13 =	sor.u32 s0, s24;
	s3 =	smov.u32 s26;
	s18 =	smov.u32 s22  }
0x261: {  	v26 =	vld [tilespmem:s22+$0xFFFFFF60];
	s22 =	smov.u32 s29;
	s0 =	sor.u32 s10, s24;
	s4 =	rddreg [dreg:$0x19]  }
0x262: {  	s12 =	sor.u32 s12, s24;
	v11 =	vor.u32 s20, v0;
	s17 =	sor.u32 s17, s24;
	s20 =	rddreg [dreg:$0x13]  }
0x263: {  	s21 =	rddreg [dreg:$0x11];
	s26 =	sadd.s32 $0x20, s26;
	s10 =	sor.u32 s19, s24  }
0x264: {  	v29 =	vor.u32 s16, v0;
	s16 =	sor.u32 s15, s24;
	s4 =	sor.u32 s4, s24;
	s19 =	sand.u32 $0x6E, s25  }
0x265: {  	v30 =	vor.u32 s7, v0;
	s7 =	sor.u32 s21, s24;
	s25 =	sor.u32 s9, s24;
	s21 =	simm.s32 $0x9400  }
0x266: {  	v33 =	vor.u32 s12, v0;
	s9 =	rddreg [dreg:$0xa];
	s12 =	sor.u32 s31, s24;
	s15 =	sor.u32 s30, s24  }
0x267: {  	v20 =	vor.u32 s11, v0;
	v19 =	vor.u32 s13, v0;
	p0 =	slt.u32 s26, $0x1E0;
	s11 =	sadd.s32 $0x36, s3;
	s13 =	sadd.s32 $0x37, s3  }
0x268: {  	[tilespmem:v24+s8+$0x0] =	vst.idx.msk $0xffff, v1;
	v24 =	vld [tilespmem:s29+$0xA0];
	s30 =	sadd.s32 $0x3F, s3;
	s31 =	sadd.s32 $0x30, s3;
	v18 =	vor.u32 s10, v0;
	s10 =	rddreg [dreg:$0xf]  }
0x269: {  	v31 =	vld [tilespmem:s29+$0xFFFFFF80];
	[tilespmem:v8+s8+$0x0] =	vst.idx.msk $0xffff, v2;
	v12 =	vor.u32 s17, v0;
	v32 =	vor.u32 s4, v0;
	s4 =	sor.u32 s20, s24;
	s17 =	sor.u32 s19, s24;
	s19 =	rddreg [dreg:$0x4]  }
0x26a: {  	v34 =	vld [tilespmem:s18+$0x70];
	s20 =	sor.u32 s23, s24;
	s23 =	sor.u32 s2, s24;
	s2 =	sor.u32 s5, s24;
	[tilespmem:v21+s8+$0x0] =	vst.idx.msk $0xffff, v14  }
0x26b: {  	v8 =	vor.u32 s6, v0;
	v35 =	vld [tilespmem:s18+$0xFFFFFF00];
	v40 =	vor.u32 s15, v0;
	s15 =	sadd.s32 $0x35, s3;
	s6 =	sor.u32 s19, s24;
	s19 =	sadd.s32 $0x3A, s3;
	[tilespmem:v22+s21+$0x0] =	vst.idx.msk $0xffff, v13  }
0x26c: {  	v57 =	vld [tilespmem:s18+$0xFFFFFFB0];
	v39 =	vor.u32 s20, v0;
	s20 =	sadd.s32 $0x3D, s3;
	s8 =	sor.u32 s9, s24;
	s9 =	sor.u32 s10, s24;
	[tilespmem:v25+s21+$0x0] =	vst.idx.msk $0xffff, v23  }
0x26d: {  	v14 =	vor.u32 s16, v0;
	v21 =	vor.u32 s7, v0;
	s16 =	sor.u32 s14, s24;
	v22 =	vor.u32 s25, v0;
	s25 =	rddreg [dreg:$0x18];
	s7 =	sadd.s32 $0x3B, s3;
	[tilespmem:v27+s21+$0x0] =	vst.idx.msk $0xffff, v6  }
0x26e: {  	v37 =	vor.u32 s12, v0;
	v1 =	vmov v3;
	v3 =	vld [tilespmem:s29+$0xFFFFFF70];
	s12 =	sand.u32 $0x7D, s20;
	s14 =	sand.u32 $0x7A, s19;
	s29 =	sadd.s32 $0x200, s29;
	[tilespmem:v30+s21+$0x0] =	vst.idx.msk $0xffff, v26  }
0x26f: {  	v59 =	vld [tilespmem:s18+$0xB0];
	v23 =	vor.u32 s17, v0;
	v38 =	vor.u32 s6, v0;
	s17 =	sadd.s32 $0x34, s3;
	s20 =	sadd.s32 $0x33, s3;
	s6 =	sadd.s32 $0x2F, s3;
	[tilespmem:v19+s21+$0x0] =	vst.idx.msk $0xffff, v17  }
0x270: {  	v2 =	vmovc v15;
	v15 =	vor.u32 s4, v0;
	v36 =	vor.u32 s9, v0;
	v25 =	vor.u32 s8, v0;
	s4 =	sor.u32 s25, s24;
	s9 =	smov.u32 s1;
	s8 =	sand.u32 $0x67, s28;
	[tilespmem:v33+s21+$0x0] =	vst.idx.msk $0xffff, v10  }
0x271: {  	v62 =	vld [tilespmem:s18+$0x50];
	s5 =	sand.u32 $0x7B, s7;
	s25 =	sadd.s32 $0x39, s3;
	[dreg:$0x1b] =	wrdreg s12;
	[tilespmem:v29+s21+$0x0] =	vst.idx.msk $0xffff, v35  }
0x272: {  	v60 =	vld [tilespmem:s18+$0x90];
	[dreg:$0xf] =	wrdreg s14;
	s1 =	sadd.s32 $0x100, s1;
	s7 =	sand.u32 $0x77, s13;
	[tilespmem:v28+s21+$0x0] =	vst.idx.msk $0xffff, v34  }
0x273: {  	v27 =	vld [tilespmem:s18+$0xFFFFFFE0];
	s12 =	sand.u32 $0x76, s11;
	s11 =	sadd.s32 $0x32, s3;
	s14 =	sand.u32 $0x75, s15;
	[tilespmem:v32+s21+$0x0] =	vst.idx.msk $0xffff, v16  }
0x274: {  	v58 =	vor.u32 s0, v0;
	v61 =	vld [tilespmem:s18+$0xD0];
	s0 =	sand.u32 $0x74, s17;
	s13 =	sadd.s32 $0x3C, s3;
	s28 =	sadd.s32 $0x27, s3;
	[tilespmem:v39+s21+$0x0] =	vst.idx.msk $0xffff, v57  }
0x275: {  	v63 =	vld [tilespmem:s18+$0xFFFFFFC0];
	v13 =	vor.u32 s16, v0;
	v17 =	vor.u32 s23, v0;
	[dreg:$0x4] =	wrdreg s5;
	s23 =	sadd.s32 $0x38, s3;
	s16 =	sand.u32 $0x79, s25;
	[tilespmem:v38+s21+$0x0] =	vst.idx.msk $0xffff, v59  }
0x276: {  	v26 =	vld [tilespmem:s18+$0x40];
	v10 =	vor.u32 s4, v0;
	s19 =	sor.u32 s8, s24;
	s5 =	sadd.s32 $0x31, s3;
	[dreg:$0x11] =	wrdreg s12;
	[tilespmem:v15+s21+$0x0] =	vst.idx.msk $0xffff, v62  }
0x277: {  	v19 =	vld [tilespmem:s18+$0xFFFFFF50];
	s24 =	sadd.s32 $0x2C, s3;
	s25 =	sadd.s32 $0x26, s3;
	[dreg:$0x13] =	wrdreg s14;
	[tilespmem:v36+s21+$0x0] =	vst.idx.msk $0xffff, v4  }
0x278: {  	s12 =	sadd.s32 $0x23, s3;
	s4 =	sand.u32 $0x73, s20;
	s14 =	sadd.s32 $0x2B, s3;
	v16 =	vld [tilespmem:s18+$0xFFFFFF30];
	[tilespmem:v23+s21+$0x0] =	vst.idx.msk $0xffff, v27  }
0x279: {  	s17 =	sand.u32 $0x72, s11;
	s8 =	sadd.s32 $0x24, s3;
	[dreg:$0xa] =	wrdreg s16;
	v23 =	vld [tilespmem:s18+$0x60];
	[tilespmem:v25+s21+$0x0] =	vst.idx.msk $0xffff, v60  }
0x27a: {  	s10 =	sand.u32 $0x78, s23;
	s23 =	sadd.s32 $0x29, s3;
	[smem:$0x7DF] =	sst s24;
	v25 =	vld [tilespmem:s18+$0x10];
	[tilespmem:v13+s21+$0x0] =	vst.idx.msk $0xffff, v61  }
0x27b: {  	s16 =	sand.u32 $0x60, s26;
	s24 =	sand.u32 $0xC00, s9;
	s5 =	sand.u32 $0x71, s5;
	[tilespmem:v10+s21+$0x0] =	vst.idx.msk $0xffff, v9;
	v9 =	vld [tilespmem:s18+$0xFFFFFF90]  }
0x27c: {  	s20 =	sand.u32 $0x66, s25;
	s25 =	sadd.s32 $0x2E, s3;
	s9 =	sadd.s32 $0x2A, s3;
	[tilespmem:v20+s21+$0x0] =	vst.idx.msk $0xffff, v26;
	v10 =	vld [tilespmem:s18+$0xFFFFFFA0]  }
0x27d: {  	s8 =	sand.u32 $0x64, s8;
	[smem:$0x7DE] =	sst s23;
	s23 =	sadd.s32 $0x3E, s3;
	[tilespmem:v17+s21+$0x0] =	vst.idx.msk $0xffff, v7;
	v17 =	vld [tilespmem:s18+$0x80]  }
0x27e: {  	v27 =	vor.u32 s2, v0;
	[tilespmem:v37+s21+$0x0] =	vst.idx.msk $0xffff, v16;
	v16 =	vld [tilespmem:s18+$0xFFFFFFD0];
	s18 =	sand.u32 $0x7E, s23;
	s23 =	sand.u32 $0x70, s31;
	s31 =	sand.u32 $0x63, s12  }
0x27f: {  	[tilespmem:v11+s21+$0x0] =	vst.idx.msk $0xffff, v19;
	s12 =	sand.u32 $0x6F, s6;
	s6 =	sor.u32 s8, s24;
	s8 =	simm.s32 $0x9400  }
0x280: {  	s15 =	sor.u32 s0, s24;
	s0 =	sand.u32 $0x7C, s13;
	s13 =	sadd.s32 $0x21, s3;
	[tilespmem:v12+s8+$0x0] =	vst.idx.msk $0xffff, v5  }
0x281: {  	[dreg:$0x19] =	wrdreg s17;
	s17 =	sadd.s32 $0x25, s3;
	s13 =	sand.u32 $0x61, s13;
	v15 =	vld [tilespmem:s22+$0xFFFFFF40];
	[tilespmem:v21+s21+$0x0] =	vst.idx.msk $0xffff, v23  }
0x282: {  	v4 =	vmov v24;
	v24 =	vor.u32 s19, v0;
	s19 =	sadd.s32 $0x2D, s3;
	s2 =	sadd.s32 $0x28, s3;
	v13 =	vld [tilespmem:s22+$0x0];
	s3 =	sadd.s32 $0x22, s3;
	[tilespmem:v14+s21+$0x0] =	vst.idx.msk $0xffff, v25  }
0x283: {  	s13 =	sor.u32 s13, s24;
	s11 =	sand.u32 $0x68, s2;
	s3 =	sand.u32 $0x62, s3;
	v7 =	vld [tilespmem:s22+$0xF0];
	[tilespmem:v27+s21+$0x0] =	vst.idx.msk $0xffff, v63  }
0x284: {  	s2 =	sand.u32 $0x7F, s30;
	s30 =	sand.u32 $0x6A, s9;
	s9 =	smov.u32 s10;
	v5 =	vld [tilespmem:s22+$0x30];
	[tilespmem:v58+s21+$0x0] =	vst.idx.msk $0xffff, v9  }
0x285: {  	s3 =	sor.u32 s3, s24;
	[dreg:$0x18] =	wrdreg s18;
	s18 =	sor.u32 s7, s24;
	v14 =	vld [tilespmem:s22+$0xFFFFFF10];
	[tilespmem:v40+s21+$0x0] =	vst.idx.msk $0xffff, v10  }
.Ltmp3:
0x286: {  	s7 =	sor.u32 s20, s24;
	s20 =	sld [smem:$0x7DE];
	v23 =	vld [tilespmem:s22+$0xFFFFFF20];
	[tilespmem:v22+s21+$0x0] =	vst.idx.msk $0xffff, v17;
	(pc) =	sbr.rel @p0 .LBB2_9-.Ltmp3, $4  }
0x287: {  	s23 =	sor.u32 s23, s24;
	v21 =	vor.u32 s13, v0;
	s13 =	sand.u32 $0x65, s17;
	v10 =	vld [tilespmem:s22+$0xFFFFFFF0];
	[tilespmem:v18+s21+$0x0] =	vst.idx.msk $0xffff, v16;
	s21 =	sld [smem:$0x7DF]  }
0x288: {  	v25 =	vor.u32 s3, v0;
	s17 =	smov.u32 s4;
	s3 =	sor.u32 s11, s24;
	s11 =	smov.u32 s15;
	v9 =	vld [tilespmem:s22+$0xE0]  }
0x289: {  	s15 =	smov.u32 s5;
	v17 =	vld [tilespmem:s22+$0xC0];
	v22 =	vor.u32 s23, v0;
	s10 =	sand.u32 $0x69, s20;
	s23 =	sand.u32 $0x6B, s14  }
0x28a: {  	v6 =	vmov v31;
	s14 =	rddreg [dreg:$0x1b];
	s20 =	sor.u32 s13, s24;
	v16 =	vld [tilespmem:s22+$0x20];
	s5 =	sand.u32 $0x6C, s21  }
0x28b: {  	_ =	sdelay $0x2  }
0x28c: {  	s0 =	sor.u32 s0, s24  }
0x28d: {  	[tilespmem:v24+s8+$0x0] =	vst.idx.msk $0xffff, v1;
	v11 =	vor.u32 s0, v0  }
0x28e: {  	s12 =	sor.u32 s12, s24;
	s13 =	rddreg [dreg:$0x19];
	[tilespmem:v8+s8+$0x0] =	vst.idx.msk $0xffff, v2  }
0x28f: {  	v1 =	vor.u32 s12, v0;
	[tilespmem:v21+s8+$0x0] =	vst.idx.msk $0xffff, v14;
	s0 =	sor.u32 s13, s24  }
0x290: {  	[tilespmem:v22+s8+$0x0] =	vst.idx.msk $0xffff, v13;
	v2 =	vor.u32 s0, v0  }
0x291: {  	v29 =	vor.u32 s3, v0;
	[tilespmem:v25+s8+$0x0] =	vst.idx.msk $0xffff, v23  }
0x292: {  	v12 =	vor.u32 s7, v0;
	s16 =	sor.u32 s16, s24;
	v30 =	vld [tilespmem:s22+$0xFFFFFF60];
	[tilespmem:v11+s8+$0x0] =	vst.idx.msk $0xffff, v17  }
0x293: {  	v18 =	vld [tilespmem:s22+$0xFFFFFF00];
	v32 =	vor.u32 s18, v0;
	v31 =	vor.u32 s16, v0;
	s18 =	rddreg [dreg:$0xf]  }
0x294: {  	v33 =	vld [tilespmem:s22+$0x70];
	[tilespmem:v1+s8+$0x0] =	vst.idx.msk $0xffff, v10;
	s0 =	sor.u32 s18, s24  }
0x295: {  	s21 =	rddreg [dreg:$0x18];
	[tilespmem:v2+s8+$0x0] =	vst.idx.msk $0xffff, v16;
	v1 =	vor.u32 s0, v0  }
0x296: {  	[tilespmem:v29+s8+$0x0] =	vst.idx.msk $0xffff, v6;
	s0 =	sor.u32 s21, s24  }
0x297: {  	s26 =	sor.u32 s23, s24;
	[tilespmem:v12+s8+$0x0] =	vst.idx.msk $0xffff, v30;
	v2 =	vor.u32 s0, v0  }
0x298: {  	s29 =	sor.u32 s31, s24;
	v35 =	vld [tilespmem:s22+$0xFFFFFFB0];
	v34 =	vor.u32 s26, v0;
	[tilespmem:v31+s8+$0x0] =	vst.idx.msk $0xffff, v18  }
0x299: {  	s31 =	sand.u32 $0x6E, s25;
	s1 =	sor.u32 s2, s24;
	v37 =	vld [tilespmem:s22+$0xFFFFFF30];
	v36 =	vor.u32 s29, v0;
	[tilespmem:v32+s8+$0x0] =	vst.idx.msk $0xffff, v33  }
0x29a: {  	v38 =	vor.u32 s1, v0;
	s2 =	rddreg [dreg:$0x4];
	s0 =	sor.u32 s31, s24;
	[tilespmem:v1+s8+$0x0] =	vst.idx.msk $0xffff, v4  }
0x29b: {  	v40 =	vld [tilespmem:s22+$0xFFFFFFE0];
	v39 =	vor.u32 s0, v0;
	s0 =	sor.u32 s2, s24;
	s3 =	rddreg [dreg:$0xa]  }
0x29c: {  	v41 =	vld [tilespmem:s22+$0xB0];
	v1 =	vor.u32 s0, v0;
	[tilespmem:v2+s8+$0x0] =	vst.idx.msk $0xffff, v9;
	s0 =	sor.u32 s3, s24  }
0x29d: {  	s4 =	sor.u32 s14, s24;
	v42 =	vld [tilespmem:s22+$0x90];
	[tilespmem:v34+s8+$0x0] =	vst.idx.msk $0xffff, v35;
	v2 =	vor.u32 s0, v0  }
0x29e: {  	s7 =	sor.u32 s10, s24;
	v44 =	vld [tilespmem:s22+$0xD0];
	v43 =	vor.u32 s4, v0;
	[tilespmem:v36+s8+$0x0] =	vst.idx.msk $0xffff, v37  }
0x29f: {  	s10 =	sand.u32 $0x6D, s19;
	v46 =	vld [tilespmem:s22+$0xFFFFFF90];
	v45 =	vor.u32 s7, v0;
	s12 =	sor.u32 s30, s24;
	[tilespmem:v38+s8+$0x0] =	vst.idx.msk $0xffff, v7  }
0x2a0: {  	v48 =	vld [tilespmem:s22+$0xFFFFFFA0];
	v47 =	vor.u32 s12, v0;
	[tilespmem:v39+s8+$0x0] =	vst.idx.msk $0xffff, v40;
	s0 =	sor.u32 s10, s24  }
0x2a1: {  	v50 =	vld [tilespmem:s22+$0xFFFFFFD0];
	s13 =	sor.u32 s9, s24;
	v49 =	vor.u32 s0, v0;
	[tilespmem:v1+s8+$0x0] =	vst.idx.msk $0xffff, v41  }
0x2a2: {  	v51 =	vld [tilespmem:s22+$0x80];
	s18 =	sor.u32 s15, s24;
	v1 =	vor.u32 s13, v0;
	s14 =	rddreg [dreg:$0x11];
	[tilespmem:v2+s8+$0x0] =	vst.idx.msk $0xffff, v42  }
0x2a3: {  	v56 =	vld [tilespmem:s22+$0x10];
	v55 =	vor.u32 s18, v0;
	s0 =	sor.u32 s14, s24;
	s16 =	rddreg [dreg:$0x13];
	[tilespmem:v43+s8+$0x0] =	vst.idx.msk $0xffff, v44  }
0x2a4: {  	v52 =	vld [tilespmem:s22+$0x60];
	s19 =	sor.u32 s5, s24;
	v2 =	vor.u32 s0, v0;
	[tilespmem:v45+s8+$0x0] =	vst.idx.msk $0xffff, v46  }
0x2a5: {  	v58 =	vld [tilespmem:s22+$0xFFFFFFC0];
	v57 =	vor.u32 s19, v0;
	[tilespmem:v47+s8+$0x0] =	vst.idx.msk $0xffff, v48  }
0x2a6: {  	v59 =	vor.u32 s11, v0;
	v60 =	vld [tilespmem:s22+$0x40];
	[tilespmem:v49+s8+$0x0] =	vst.idx.msk $0xffff, v50  }
0x2a7: {  	v61 =	vld [tilespmem:s22+$0xFFFFFF50];
	s0 =	sor.u32 s16, s24;
	[tilespmem:v1+s8+$0x0] =	vst.idx.msk $0xffff, v51;
	v1 =	vor.u32 s20, v0  }
0x2a8: {  	v54 =	vld [tilespmem:s22+$0x50];
	s22 =	sand.u32 $0x67, s28;
	s21 =	sor.u32 s17, s24;
	[tilespmem:v55+s8+$0x0] =	vst.idx.msk $0xffff, v56;
	v53 =	vor.u32 s0, v0  }
0x2a9: {  	s23 =	sor.u32 s22, s24;
	[tilespmem:v2+s8+$0x0] =	vst.idx.msk $0xffff, v52;
	v2 =	vor.u32 s21, v0  }
0x2aa: {  	v62 =	vor.u32 s23, v0;
	[tilespmem:v57+s8+$0x0] =	vst.idx.msk $0xffff, v58  }
0x2ab: {  	v63 =	vor.u32 s6, v0;
	[tilespmem:v59+s8+$0x0] =	vst.idx.msk $0xffff, v60  }
0x2ac: {  	[tilespmem:v1+s8+$0x0] =	vst.idx.msk $0xffff, v61  }
0x2ad: {  	[tilespmem:v53+s8+$0x0] =	vst.idx.msk $0xffff, v54  }
0x2ae: {  	s24 =	sld [smem:$0x7E4];
	[tilespmem:v2+s8+$0x0] =	vst.idx.msk $0xffff, v5  }
0x2af: {  	s25 =	sld [smem:$0x7F4];
	[tilespmem:v62+s8+$0x0] =	vst.idx.msk $0xffff, v3  }
0x2b0: {  	[tilespmem:v63+s8+$0x0] =	vst.idx.msk $0xffff, v15  }
0x2b1: {  	s29 =	sld [smem:$0x7F6]  }
0x2b2: {  	s0 =	sshll.u32 s24, $0x12  }
0x2b3: {  	s28 =	simm.s32 $0x0;
	s1 =	sor.u32 s25, s0  }
0x2b4: {  	s26 =	rddreg [dreg:$0x1];
	s1 =	sshrl.u32 s1, $0x3;
	s0 =	sor.u32 s29, s0  }
0x2b5: {  	s31 =	sld [smem:$0x7E8];
	s1 =	sadd.s32 s26, s1;
	s0 =	sshrl.u32 s0, $0x3  }
0x2b6: {  	[hbm4b:s1+s28] =	stream.linear.scatter [tilespmem:s8], [sflag:$0x3], $0x1000, $0x38;
	[tilespmem:$0xB400] =	vst v63  }
0x2b7: {  	s30 =	simm.s32 $0xA400;
	s0 =	sadd.s32 s26, s0  }
0x2b8: {  	[hbm4b:s0+s28] =	stream.linear.scatter [tilespmem:s30], [sflag:$0x3], $0x1000, $0x38;
	[tilespmem:$0xB400] =	vst v63  }
0x2b9: {  	s0 =	sadd.s32 $0x1, s31  }
0x2ba: {  	p0 =	sne.s32 s0, $0xD  }
.Ltmp4:
0x2bb: {  	_ = 	snop;
	(pc) =	sbr.rel @p0 .LBB2_6-.Ltmp4, $1  }
0x2bc: {  	_ =	sdelay $0x3  }
0x2bd: {  	s0 =	simm.s32 $0x2  }
0x2be: {  	_ =	swait.ge [sflag:s0], $0x1000  }
0x2bf: {  	[sflag:s0] =	ssyncset.done $0x0  }
0x2c0: {  	[sflag:s0] =	ssyncadd.s32 $0xFFFFF000  }
0x2c1: {  	_ =	swait.ge [sflag:s0], $0x1000  }
0x2c2: {  	[sflag:s0] =	ssyncset.done $0x0  }
0x2c3: {  	s1 =	simm.s32 $0x3;
	[sflag:s0] =	ssyncadd.s32 $0xFFFFF000  }
0x2c4: {  	_ =	swait.ge [sflag:s1], $0x1000  }
0x2c5: {  	[sflag:s1] =	ssyncset.done $0x0  }
0x2c6: {  	[sflag:s1] =	ssyncadd.s32 $0xFFFFF000  }
0x2c7: {  	_ =	swait.ge [sflag:s1], $0x1000  }
0x2c8: {  	s2 =	sld [smem:$0x7F0]  }
0x2c9: {  	s31 =	sld [smem:$0x7FD];
	_ =	sdelay $0x1  }
0x2ca: {  	s2 =	sadd.s32 $0x1, s2  }
0x2cb: {  	p0 =	sne.s32 s2, s31  }
.Ltmp5:
0x2cc: {  	_ = 	snop;
	(pc) =	sbr.rel @p0 .LBB2_1-.Ltmp5, $3  }
0x2cd: {  	_ =	sdelay $0x1  }
0x2ce: {  	[sflag:s1] =	ssyncset.done $0x0  }
0x2cf: {  	[sflag:s1] =	ssyncadd.s32 $0xFFFFF000  }
0x2d0: {  	_ =	sfence.sel $0x180000  }
0x2d1: {  	[bflag:$0x0] =	sbarrier.arrive $0xFFFF  }
0x2d2: {  	_ =	strace $0x9000004A  }
0x2d3: {  	s0 =	stileid.u32;
	[bflag:$0x2] =	sbarrier.arrive $0xFFFF  }
0x2d4: {  	p0 =	sne.s32 s0, $0x0;
	s0 =	rddreg [dreg:$0x2]  }
0x2d5: {  	s0 =	sadd.s32 @!p0 $0x100000, s0  }
0x2d6: {  	[sflag:s0] =	ssyncadd.tile.s32 @!p0 $0x1;
	_ =	shalt  }
.Lfunc_end2:
_tile_overlayer_lowered:
.L_overlay_start_2:
0x2d7: {  	(tag) =	ssettag $0x2  }
0x2d8: {  	s0 =	rddreg [dreg:$0x0];
	s2 =	stileid.u32  }
0x2d9: {  	s1 =	rddreg [dreg:$0x1];
	p0 =	sne.s32 s2, $0x0  }
0x2da: {  	s3 =	rddreg [dreg:$0x2];
	[bflag:$0x3] =	sbarrier.arrive $0xFFFF;
	s2 =	simm.s32 @!p0 $0x1C04  }
0x2db: {  	[timem:s3], [sflag:s2] =	dma.local @!p0 [hbm:s0], s1  }
0x2dc: {  	s0 =	simm.s32 @!p0 $0x4  }
0x2dd: {  	_ =	swait.ge @!p0 [sflag:s0], s1  }
0x2de: {  	s1 =	ssub.s32 @!p0 $0x0, s1;
	[sflag:s0] =	ssyncset.done @!p0 $0x0  }
0x2df: {  	[sflag:s0] =	ssyncadd.s32 @!p0 s1  }
0x2e0: {  	[bflag:$0x3] =	sbarrier.arrive $0xFFFF  }
0x2e1: {  	_ =	shalt  }

</sc_bundles>
